<compile_context>
chip_gen: v7x
topology: tpu7x:2x2x1
jax: 0.10.2.dev20260603
libtpu: 0.0.44.dev20260713+nightly
codegen_flags: <defaults>
</compile_context>

<pallas_src>
import jax
import jax.numpy as jnp
from jax import lax
from jax.experimental import pallas as pl
from jax.experimental.pallas import tpu as pltpu
from jax.experimental.pallas import tpu_sc as plsc

_BATCH = 16384
_FEAT = 1000000
_FIELD = 26
_K = 16
_NC = 2
_NS = 16
_NW = _NC * _NS
_ROWS_W = _BATCH // _NW
_CH = 128
_NCH = _ROWS_W // _CH
_ICH = _CH * _FIELD

_TBLK = 8192
_W = _TBLK // 8
_NBLK = -(-_FEAT // _TBLK)
_FEATP = _NBLK * _TBLK


def _pk_body(src_ref, dst_ref):
    x8 = jnp.concatenate(
        [src_ref[:, u * _W:(u + 1) * _W] for u in range(8)], axis=0)
    eye = jnp.eye(128, dtype=jnp.float32)
    dst_ref[...] = jax.lax.dot_general(
        x8, eye, (((0,), (0,)), ((), ())),
        preferred_element_type=jnp.float32)


def _repack_fm(fm_t):
    out = pl.pallas_call(
        _pk_body,
        grid=(_NBLK,),
        in_specs=[pl.BlockSpec((_K, _TBLK), lambda i: (0, i))],
        out_specs=pl.BlockSpec((_W, 128), lambda i: (i, 0)),
        out_shape=jax.ShapeDtypeStruct((_FEATP * _K // 128, 128),
                                       jnp.float32),
    )(fm_t)
    return out.reshape(_FEATP, _K)


def _fm_body(idx_hbm, fv_hbm, lw_hbm, bias_hbm, fm_hbm, out_hbm,
             idx_v, idx2_v, fv_v, rows_v, lin_v, z_v, bias_v, gsem, lsem):
    wid = lax.axis_index("s") * _NC + lax.axis_index("c")
    base = wid * _ROWS_W

    pltpu.sync_copy(bias_hbm, bias_v)
    bias_vec = bias_v[:]
    iota = lax.iota(jnp.int32, _K)
    ksplat = [jnp.full((_K,), k, jnp.int32) for k in range(_K)]

    def chunk_body(c, carry):
        rbase = base + c * _CH

        pltpu.sync_copy(idx_hbm.at[:, pl.ds(rbase, _CH)], idx_v)
        pltpu.sync_copy(fv_hbm.at[:, pl.ds(rbase, _CH)], fv_v)

        def xform(f, carry2):
            for g in range(_CH // _K):
                t = idx_v[f, pl.ds(g * _K, _K)]
                rp = ((t & ~(_TBLK - 1))
                      | ((t & (_W - 1)) << 3)
                      | ((t >> 10) & 7))
                idx2_v[f, pl.ds(g * _K, _K)] = rp
            return carry2

        lax.fori_loop(0, _FIELD, xform, 0)

        def fire(f, carry2):
            pltpu.async_copy(lw_hbm.at[idx_v.at[f]],
                             lin_v.at[pl.ds(f * _CH, _CH)], lsem)
            pltpu.async_copy(fm_hbm.at[idx2_v.at[f]],
                             rows_v.at[pl.ds(f * _CH, _CH)], gsem)
            return carry2

        lax.fori_loop(0, _FIELD, fire, 0)
        pltpu.make_async_copy(fm_hbm.at[pl.ds(0, _ICH)], rows_v,
                              gsem).wait()
        pltpu.make_async_copy(lw_hbm.at[pl.ds(0, _ICH)], lin_v,
                              lsem).wait()

        def blk_body(blk, carry2):
            r0 = blk * _K
            rids = r0 + iota
            zero = jnp.zeros((_K,), jnp.float32)
            s = [zero] * _K
            q = [zero] * 4
            lin = zero
            for f in range(_FIELD):
                off = f * _CH
                fvv = fv_v[f, pl.ds(r0, _K)]
                lv = lin_v[pl.ds(off + r0, _K)]
                lin = lin + lv * fvv
                ridx = rids + off
                for k in range(_K):
                    xg = plsc.load_gather(rows_v, [ridx, ksplat[k]])
                    xv = xg * fvv
                    s[k] = s[k] + xv
                    q[k % 4] = q[k % 4] + xv * xv
            p = [s[k] * s[k] for k in range(_K)]
            while len(p) > 1:
                p = [p[i] + p[i + 1] for i in range(0, len(p), 2)]
            z = 0.5 * (p[0] - (q[0] + q[1] + q[2] + q[3])) + lin + bias_vec
            z = 1.0 / (1.0 + jnp.exp(-z))
            z_v[pl.ds(r0, _K)] = z
            return carry2

        lax.fori_loop(0, _CH // _K, blk_body, 0)
        pltpu.sync_copy(z_v, out_hbm.at[pl.ds(rbase, _CH)])
        return carry

    lax.fori_loop(0, _NCH, chunk_body, 0)


@jax.jit
def _fm_sc(idx_t, fv_t, lw_flat, bias16, fm_pk):
    mesh = plsc.VectorSubcoreMesh(core_axis_name="c", subcore_axis_name="s",
                                  num_cores=_NC, num_subcores=_NS)
    f = pl.kernel(
        _fm_body,
        out_type=jax.ShapeDtypeStruct((_BATCH,), jnp.float32),
        mesh=mesh,
        compiler_params=pltpu.CompilerParams(needs_layout_passes=False,
                                             use_tc_tiling_on_sc=False),
        scratch_types=[
            pltpu.VMEM((_FIELD, _CH), jnp.int32),
            pltpu.VMEM((_FIELD, _CH), jnp.int32),
            pltpu.VMEM((_FIELD, _CH), jnp.float32),
            pltpu.VMEM((_ICH, _K), jnp.float32),
            pltpu.VMEM((_ICH,), jnp.float32),
            pltpu.VMEM((_CH,), jnp.float32),
            pltpu.VMEM((_K,), jnp.float32),
            pltpu.SemaphoreType.DMA,
            pltpu.SemaphoreType.DMA,
        ],
    )
    return f(idx_t, fv_t, lw_flat, bias16, fm_pk)


@jax.jit
def _fm_full(feat_index, feat_value, linear_weight, linear_bias, fm_weight):
    idx_t = feat_index.T
    fv_t = feat_value.T
    lw_flat = linear_weight.T.reshape(_FEAT)
    bias16 = jnp.broadcast_to(linear_bias.reshape(()), (_K,))
    fm_pk = _repack_fm(fm_weight.T)
    out = _fm_sc(idx_t, fv_t, lw_flat, bias16, fm_pk)
    return out.reshape(_BATCH, 1)


def kernel(feat_index, feat_value, linear_weight, linear_bias, fm_weight):
    return _fm_full(feat_index, feat_value, linear_weight, linear_bias,
                    fm_weight)

# --- scband reference (transcript-rebuilt; emitter-appended) ---
"""Pipeline reference for scband-fm-74311524155457 (READ-ONLY COPY).

The authoritative reference and input builder live on the scoring server;
editing this copy changes nothing except your own understanding.
"""

import jax, jax.numpy as jnp
import numpy as np

FEATURE_SIZE = 1000000
FIELD_SIZE = 26
EMBED_DIM = 16
BATCH = 16384


def setup_inputs(seed: int = 0) -> dict:
    key = jax.random.key(seed)
    k1, k2, k3, k4 = jax.random.split(key, 4)
    feat_index = jax.random.randint(k1, (BATCH, FIELD_SIZE), 0, FEATURE_SIZE, dtype=jnp.int32)
    feat_value = jax.random.uniform(k2, (BATCH, FIELD_SIZE), dtype=jnp.float32)
    linear_weight = jax.random.normal(k3, (FEATURE_SIZE, 1), dtype=jnp.float32) * 0.1
    linear_bias = jnp.zeros((1, 1), dtype=jnp.float32)
    fm_weight = jax.random.normal(k4, (FEATURE_SIZE, EMBED_DIM), dtype=jnp.float32) * 0.1
    return {
        "feat_index": feat_index,
        "feat_value": feat_value,
        "linear_weight": linear_weight,
        "linear_bias": linear_bias,
        "fm_weight": fm_weight,
    }


def reference(feat_index, feat_value, linear_weight, linear_bias, fm_weight):
    # first-order (linear) term
    embeddings = jnp.take(linear_weight, feat_index, axis=0)  # [B, F, 1]
    fv = jnp.reshape(feat_value, (-1, FIELD_SIZE, 1))         # [B, F, 1]
    embeddings = embeddings * fv
    embeddings = jnp.sum(embeddings, axis=1)                  # [B, 1]
    y_first_order = embeddings + linear_bias                  # [B, 1]
    # second-order (FM) term
    fm_embeddings = jnp.take(fm_weight, feat_index, axis=0)   # [B, F, K]
    xv = fm_embeddings * fv                                   # [B, F, K]
    sum_square = jnp.square(jnp.sum(xv, axis=1))              # [B, K]
    square_sum = jnp.sum(jnp.square(xv), axis=1)              # [B, K]
    fm_result = 0.5 * (sum_square - square_sum)               # [B, K]
    y_second_order = jnp.sum(fm_result, axis=1, keepdims=True)  # [B, 1]
    out = y_first_order + y_second_order
    out = jax.nn.sigmoid(out)
    return out

if __name__ == "__main__":
    import jax
    _d = setup_inputs()
    print(jax.jit(kernel)(*tuple(_d.values())))

</pallas_src>

<mosaic_0001>
#map = affine_map<(d0, d1) -> (0, 0)>
#map1 = affine_map<(d0, d1) -> (0)>
module attributes {stable_mosaic.version = 14 : i64} {
  func.func @_fm_body(%arg0: i32, %arg1: i32, %arg2: memref<26x16384xi32, #tpu.memory_space<hbm>>, %arg3: memref<26x16384xf32, #tpu.memory_space<hbm>>, %arg4: memref<1000000xf32, #tpu.memory_space<hbm>>, %arg5: memref<16xf32, #tpu.memory_space<hbm>>, %arg6: memref<1007616x16xf32, #tpu.memory_space<hbm>>, %arg7: memref<16384xf32, #tpu.memory_space<hbm>>, %arg8: memref<26x128xi32, #tpu.memory_space<vmem>>, %arg9: memref<26x128xi32, #tpu.memory_space<vmem>>, %arg10: memref<26x128xf32, #tpu.memory_space<vmem>>, %arg11: memref<3328x16xf32, #tpu.memory_space<vmem>>, %arg12: memref<3328xf32, #tpu.memory_space<vmem>>, %arg13: memref<128xf32, #tpu.memory_space<vmem>>, %arg14: memref<16xf32, #tpu.memory_space<vmem>>, %arg15: memref<!tpu.dma_semaphore, #tpu.memory_space<semaphore_mem>>, %arg16: memref<!tpu.dma_semaphore, #tpu.memory_space<semaphore_mem>>) attributes {dimension_semantics = [#tpu.dimension_semantics<core_parallel>, #tpu.dimension_semantics<subcore_parallel>], iteration_bounds = array<i64: 2, 16>, scalar_prefetch = 0 : i64, scratch_operands = 9 : i64, tpu.core_type = #tpu.core_type<sc_vector_subcore>, window_params = [{transform_indices = #map}, {transform_indices = #map}, {transform_indices = #map1}, {transform_indices = #map1}, {transform_indices = #map}, {transform_indices = #map1}]} {
    %mul3A = arith.constant 2 : i32
    %mul3A_0 = arith.muli %arg1, %mul3A : i32
    %add3A = arith.addi %mul3A_0, %arg0 : i32
    %mul3A_1 = arith.constant 512 : i32
    %mul3A_2 = arith.muli %add3A, %mul3A_1 : i32
    "tpu.region"() ({
      %run_scoped3A = tpu.sem_alloc : memref<!tpu.dma_semaphore, #tpu.memory_space<semaphore_mem>>
      tpu.enqueue_dma source(%arg5 : memref<16xf32, #tpu.memory_space<hbm>>) target(%arg14 : memref<16xf32, #tpu.memory_space<vmem>>) target_semaphore(%run_scoped3A : memref<!tpu.dma_semaphore, #tpu.memory_space<semaphore_mem>>)
      tpu.wait_dma2 semaphore(%run_scoped3A : memref<!tpu.dma_semaphore, #tpu.memory_space<semaphore_mem>>) src(%arg5 : memref<16xf32, #tpu.memory_space<hbm>>) dst(%arg14 : memref<16xf32, #tpu.memory_space<vmem>>)
      tpu.yield
    }) : () -> ()
    %get3A = arith.constant 0 : index
    %get3A_3 = tpu.vector_load %arg14[%get3A] {strides = array<i32>} : memref<16xf32, #tpu.memory_space<vmem>>, vector<16xf32>,
    %iota3A = tpu.iota {dimensions = array<i32: 0>} : vector<16xi32>
    %broadcast_in_dim3A = arith.constant 0 : i32
    %broadcast_in_dim3A_4 = vector.broadcast %broadcast_in_dim3A : i32 to vector<16xi32>
    %broadcast_in_dim3A_5 = arith.constant 1 : i32
    %broadcast_in_dim3A_6 = vector.broadcast %broadcast_in_dim3A_5 : i32 to vector<16xi32>
    %broadcast_in_dim3A_7 = arith.constant 2 : i32
    %broadcast_in_dim3A_8 = vector.broadcast %broadcast_in_dim3A_7 : i32 to vector<16xi32>
    %broadcast_in_dim3A_9 = arith.constant 3 : i32
    %broadcast_in_dim3A_10 = vector.broadcast %broadcast_in_dim3A_9 : i32 to vector<16xi32>
    %broadcast_in_dim3A_11 = arith.constant 4 : i32
    %broadcast_in_dim3A_12 = vector.broadcast %broadcast_in_dim3A_11 : i32 to vector<16xi32>
    %broadcast_in_dim3A_13 = arith.constant 5 : i32
    %broadcast_in_dim3A_14 = vector.broadcast %broadcast_in_dim3A_13 : i32 to vector<16xi32>
    %broadcast_in_dim3A_15 = arith.constant 6 : i32
    %broadcast_in_dim3A_16 = vector.broadcast %broadcast_in_dim3A_15 : i32 to vector<16xi32>
    %broadcast_in_dim3A_17 = arith.constant 7 : i32
    %broadcast_in_dim3A_18 = vector.broadcast %broadcast_in_dim3A_17 : i32 to vector<16xi32>
    %broadcast_in_dim3A_19 = arith.constant 8 : i32
    %broadcast_in_dim3A_20 = vector.broadcast %broadcast_in_dim3A_19 : i32 to vector<16xi32>
    %broadcast_in_dim3A_21 = arith.constant 9 : i32
    %broadcast_in_dim3A_22 = vector.broadcast %broadcast_in_dim3A_21 : i32 to vector<16xi32>
    %broadcast_in_dim3A_23 = arith.constant 10 : i32
    %broadcast_in_dim3A_24 = vector.broadcast %broadcast_in_dim3A_23 : i32 to vector<16xi32>
    %broadcast_in_dim3A_25 = arith.constant 11 : i32
    %broadcast_in_dim3A_26 = vector.broadcast %broadcast_in_dim3A_25 : i32 to vector<16xi32>
    %broadcast_in_dim3A_27 = arith.constant 12 : i32
    %broadcast_in_dim3A_28 = vector.broadcast %broadcast_in_dim3A_27 : i32 to vector<16xi32>
    %broadcast_in_dim3A_29 = arith.constant 13 : i32
    %broadcast_in_dim3A_30 = vector.broadcast %broadcast_in_dim3A_29 : i32 to vector<16xi32>
    %broadcast_in_dim3A_31 = arith.constant 14 : i32
    %broadcast_in_dim3A_32 = vector.broadcast %broadcast_in_dim3A_31 : i32 to vector<16xi32>
    %broadcast_in_dim3A_33 = arith.constant 15 : i32
    %broadcast_in_dim3A_34 = vector.broadcast %broadcast_in_dim3A_33 : i32 to vector<16xi32>
    %scan3A = arith.constant 0 : i32
    %scan3A_35 = arith.constant 0 : i32
    %scan3A_36 = arith.constant 4 : i32
    %scan3A_37 = arith.addi %scan3A_35, %scan3A_36 : i32
    %scan3A_38 = arith.constant 1 : i32
    scf.for %scan3A_40 = %scan3A_35 to %scan3A_37 step %scan3A_38  : i32 {
      %mul3A_41 = arith.constant 128 : i32
      %mul3A_42 = arith.muli %scan3A_40, %mul3A_41 : i32
      %add3A_43 = arith.addi %mul3A_2, %mul3A_42 : i32
      "tpu.region"() ({
        %run_scoped3A = tpu.sem_alloc : memref<!tpu.dma_semaphore, #tpu.memory_space<semaphore_mem>>
        %dma_start3A = arith.constant 0 : i32
        %dma_start3A_71 = tpu.memref_slice %arg2[%dma_start3A, %add3A_43] : memref<26x16384xi32, #tpu.memory_space<hbm>> -> memref<26x128xi32, #tpu.memory_space<hbm>>
        %dma_start3A_72 = arith.constant 0 : i32
        %dma_start3A_73 = tpu.memref_slice %arg2[%dma_start3A_72, %add3A_43] : memref<26x16384xi32, #tpu.memory_space<hbm>> -> memref<26x128xi32, #tpu.memory_space<hbm>>
        tpu.enqueue_dma source(%dma_start3A_73 : memref<26x128xi32, #tpu.memory_space<hbm>>) target(%arg8 : memref<26x128xi32, #tpu.memory_space<vmem>>) target_semaphore(%run_scoped3A : memref<!tpu.dma_semaphore, #tpu.memory_space<semaphore_mem>>)
        %dma_wait3A_74 = arith.constant 0 : i32
        %dma_wait3A_75 = tpu.memref_slice %arg2[%dma_wait3A_74, %add3A_43] : memref<26x16384xi32, #tpu.memory_space<hbm>> -> memref<26x128xi32, #tpu.memory_space<hbm>>
        %dma_wait3A_76 = arith.constant 0 : i32
        %dma_wait3A_77 = tpu.memref_slice %arg2[%dma_wait3A_76, %add3A_43] : memref<26x16384xi32, #tpu.memory_space<hbm>> -> memref<26x128xi32, #tpu.memory_space<hbm>>
        tpu.wait_dma2 semaphore(%run_scoped3A : memref<!tpu.dma_semaphore, #tpu.memory_space<semaphore_mem>>) src(%dma_wait3A_77 : memref<26x128xi32, #tpu.memory_space<hbm>>) dst(%arg8 : memref<26x128xi32, #tpu.memory_space<vmem>>)
        tpu.yield
      }) : () -> ()
      "tpu.region"() ({
        %run_scoped3A = tpu.sem_alloc : memref<!tpu.dma_semaphore, #tpu.memory_space<semaphore_mem>>
        %dma_start3A = arith.constant 0 : i32
        %dma_start3A_71 = tpu.memref_slice %arg3[%dma_start3A, %add3A_43] : memref<26x16384xf32, #tpu.memory_space<hbm>> -> memref<26x128xf32, #tpu.memory_space<hbm>>
        %dma_start3A_72 = arith.constant 0 : i32
        %dma_start3A_73 = tpu.memref_slice %arg3[%dma_start3A_72, %add3A_43] : memref<26x16384xf32, #tpu.memory_space<hbm>> -> memref<26x128xf32, #tpu.memory_space<hbm>>
        tpu.enqueue_dma source(%dma_start3A_73 : memref<26x128xf32, #tpu.memory_space<hbm>>) target(%arg10 : memref<26x128xf32, #tpu.memory_space<vmem>>) target_semaphore(%run_scoped3A : memref<!tpu.dma_semaphore, #tpu.memory_space<semaphore_mem>>)
        %dma_wait3A_74 = arith.constant 0 : i32
        %dma_wait3A_75 = tpu.memref_slice %arg3[%dma_wait3A_74, %add3A_43] : memref<26x16384xf32, #tpu.memory_space<hbm>> -> memref<26x128xf32, #tpu.memory_space<hbm>>
        %dma_wait3A_76 = arith.constant 0 : i32
        %dma_wait3A_77 = tpu.memref_slice %arg3[%dma_wait3A_76, %add3A_43] : memref<26x16384xf32, #tpu.memory_space<hbm>> -> memref<26x128xf32, #tpu.memory_space<hbm>>
        tpu.wait_dma2 semaphore(%run_scoped3A : memref<!tpu.dma_semaphore, #tpu.memory_space<semaphore_mem>>) src(%dma_wait3A_77 : memref<26x128xf32, #tpu.memory_space<hbm>>) dst(%arg10 : memref<26x128xf32, #tpu.memory_space<vmem>>)
        tpu.yield
      }) : () -> ()
      %scan3A_44 = arith.constant 0 : i32
      %scan3A_45 = arith.constant 0 : i32
      %scan3A_46 = arith.constant 26 : i32
      %scan3A_47 = arith.addi %scan3A_45, %scan3A_46 : i32
      %scan3A_48 = arith.constant 1 : i32
      scf.for %scan3A_71 = %scan3A_45 to %scan3A_47 step %scan3A_48  : i32 {
        %get3A_72 = arith.index_cast %scan3A_71 : i32 to index
        %get3A_73 = arith.constant 0 : index
        %get3A_74 = tpu.vector_load %arg8[%get3A_72, %get3A_73] {strides = array<i32>} : memref<26x128xi32, #tpu.memory_space<vmem>>, vector<16xi32>,
        %and3A = arith.constant -8192 : i32
        %and3A_75 = vector.broadcast %and3A : i32 to vector<16xi32>
        %and3A_76 = arith.andi %get3A_74, %and3A_75 : vector<16xi32>
        %and3A_77 = arith.constant 1023 : i32
        %and3A_78 = vector.broadcast %and3A_77 : i32 to vector<16xi32>
        %and3A_79 = arith.andi %get3A_74, %and3A_78 : vector<16xi32>
        %shift_left3A = arith.constant 3 : i32
        %shift_left3A_80 = vector.broadcast %shift_left3A : i32 to vector<16xi32>
        %shift_left3A_81 = arith.shli %and3A_79, %shift_left3A_80 : vector<16xi32>
        %or3A = arith.ori %and3A_76, %shift_left3A_81 : vector<16xi32>
        %shift_right_arithmetic3A = arith.constant 10 : i32
        %shift_right_arithmetic3A_82 = vector.broadcast %shift_right_arithmetic3A : i32 to vector<16xi32>
        %shift_right_arithmetic3A_83 = arith.shrsi %get3A_74, %shift_right_arithmetic3A_82 : vector<16xi32>
        %and3A_84 = arith.constant 7 : i32
        %and3A_85 = vector.broadcast %and3A_84 : i32 to vector<16xi32>
        %and3A_86 = arith.andi %shift_right_arithmetic3A_83, %and3A_85 : vector<16xi32>
        %or3A_87 = arith.ori %or3A, %and3A_86 : vector<16xi32>
        %swap3A = arith.index_cast %scan3A_71 : i32 to index
        %swap3A_88 = arith.constant 0 : index
        %swap3A_89 = tpu.vector_load %arg9[%swap3A, %swap3A_88] {strides = array<i32>} : memref<26x128xi32, #tpu.memory_space<vmem>>, vector<16xi32>,
        tpu.vector_store %arg9[%swap3A, %swap3A_88], %or3A_87 {strides = array<i32>} : memref<26x128xi32, #tpu.memory_space<vmem>>, vector<16xi32>,
        %get3A_90 = arith.index_cast %scan3A_71 : i32 to index
        %get3A_91 = arith.constant 16 : index
        %get3A_92 = tpu.vector_load %arg8[%get3A_90, %get3A_91] {strides = array<i32>} : memref<26x128xi32, #tpu.memory_space<vmem>>, vector<16xi32>,
        %and3A_93 = arith.constant -8192 : i32
        %and3A_94 = vector.broadcast %and3A_93 : i32 to vector<16xi32>
        %and3A_95 = arith.andi %get3A_92, %and3A_94 : vector<16xi32>
        %and3A_96 = arith.constant 1023 : i32
        %and3A_97 = vector.broadcast %and3A_96 : i32 to vector<16xi32>
        %and3A_98 = arith.andi %get3A_92, %and3A_97 : vector<16xi32>
        %shift_left3A_99 = arith.constant 3 : i32
        %shift_left3A_100 = vector.broadcast %shift_left3A_99 : i32 to vector<16xi32>
        %shift_left3A_101 = arith.shli %and3A_98, %shift_left3A_100 : vector<16xi32>
        %or3A_102 = arith.ori %and3A_95, %shift_left3A_101 : vector<16xi32>
        %shift_right_arithmetic3A_103 = arith.constant 10 : i32
        %shift_right_arithmetic3A_104 = vector.broadcast %shift_right_arithmetic3A_103 : i32 to vector<16xi32>
        %shift_right_arithmetic3A_105 = arith.shrsi %get3A_92, %shift_right_arithmetic3A_104 : vector<16xi32>
        %and3A_106 = arith.constant 7 : i32
        %and3A_107 = vector.broadcast %and3A_106 : i32 to vector<16xi32>
        %and3A_108 = arith.andi %shift_right_arithmetic3A_105, %and3A_107 : vector<16xi32>
        %or3A_109 = arith.ori %or3A_102, %and3A_108 : vector<16xi32>
        %swap3A_110 = arith.index_cast %scan3A_71 : i32 to index
        %swap3A_111 = arith.constant 16 : index
        %swap3A_112 = tpu.vector_load %arg9[%swap3A_110, %swap3A_111] {strides = array<i32>} : memref<26x128xi32, #tpu.memory_space<vmem>>, vector<16xi32>,
        tpu.vector_store %arg9[%swap3A_110, %swap3A_111], %or3A_109 {strides = array<i32>} : memref<26x128xi32, #tpu.memory_space<vmem>>, vector<16xi32>,
        %get3A_113 = arith.index_cast %scan3A_71 : i32 to index
        %get3A_114 = arith.constant 32 : index
        %get3A_115 = tpu.vector_load %arg8[%get3A_113, %get3A_114] {strides = array<i32>} : memref<26x128xi32, #tpu.memory_space<vmem>>, vector<16xi32>,
        %and3A_116 = arith.constant -8192 : i32
        %and3A_117 = vector.broadcast %and3A_116 : i32 to vector<16xi32>
        %and3A_118 = arith.andi %get3A_115, %and3A_117 : vector<16xi32>
        %and3A_119 = arith.constant 1023 : i32
        %and3A_120 = vector.broadcast %and3A_119 : i32 to vector<16xi32>
        %and3A_121 = arith.andi %get3A_115, %and3A_120 : vector<16xi32>
        %shift_left3A_122 = arith.constant 3 : i32
        %shift_left3A_123 = vector.broadcast %shift_left3A_122 : i32 to vector<16xi32>
        %shift_left3A_124 = arith.shli %and3A_121, %shift_left3A_123 : vector<16xi32>
        %or3A_125 = arith.ori %and3A_118, %shift_left3A_124 : vector<16xi32>
        %shift_right_arithmetic3A_126 = arith.constant 10 : i32
        %shift_right_arithmetic3A_127 = vector.broadcast %shift_right_arithmetic3A_126 : i32 to vector<16xi32>
        %shift_right_arithmetic3A_128 = arith.shrsi %get3A_115, %shift_right_arithmetic3A_127 : vector<16xi32>
        %and3A_129 = arith.constant 7 : i32
        %and3A_130 = vector.broadcast %and3A_129 : i32 to vector<16xi32>
        %and3A_131 = arith.andi %shift_right_arithmetic3A_128, %and3A_130 : vector<16xi32>
        %or3A_132 = arith.ori %or3A_125, %and3A_131 : vector<16xi32>
        %swap3A_133 = arith.index_cast %scan3A_71 : i32 to index
        %swap3A_134 = arith.constant 32 : index
        %swap3A_135 = tpu.vector_load %arg9[%swap3A_133, %swap3A_134] {strides = array<i32>} : memref<26x128xi32, #tpu.memory_space<vmem>>, vector<16xi32>,
        tpu.vector_store %arg9[%swap3A_133, %swap3A_134], %or3A_132 {strides = array<i32>} : memref<26x128xi32, #tpu.memory_space<vmem>>, vector<16xi32>,
        %get3A_136 = arith.index_cast %scan3A_71 : i32 to index
        %get3A_137 = arith.constant 48 : index
        %get3A_138 = tpu.vector_load %arg8[%get3A_136, %get3A_137] {strides = array<i32>} : memref<26x128xi32, #tpu.memory_space<vmem>>, vector<16xi32>,
        %and3A_139 = arith.constant -8192 : i32
        %and3A_140 = vector.broadcast %and3A_139 : i32 to vector<16xi32>
        %and3A_141 = arith.andi %get3A_138, %and3A_140 : vector<16xi32>
        %and3A_142 = arith.constant 1023 : i32
        %and3A_143 = vector.broadcast %and3A_142 : i32 to vector<16xi32>
        %and3A_144 = arith.andi %get3A_138, %and3A_143 : vector<16xi32>
        %shift_left3A_145 = arith.constant 3 : i32
        %shift_left3A_146 = vector.broadcast %shift_left3A_145 : i32 to vector<16xi32>
        %shift_left3A_147 = arith.shli %and3A_144, %shift_left3A_146 : vector<16xi32>
        %or3A_148 = arith.ori %and3A_141, %shift_left3A_147 : vector<16xi32>
        %shift_right_arithmetic3A_149 = arith.constant 10 : i32
        %shift_right_arithmetic3A_150 = vector.broadcast %shift_right_arithmetic3A_149 : i32 to vector<16xi32>
        %shift_right_arithmetic3A_151 = arith.shrsi %get3A_138, %shift_right_arithmetic3A_150 : vector<16xi32>
        %and3A_152 = arith.constant 7 : i32
        %and3A_153 = vector.broadcast %and3A_152 : i32 to vector<16xi32>
        %and3A_154 = arith.andi %shift_right_arithmetic3A_151, %and3A_153 : vector<16xi32>
        %or3A_155 = arith.ori %or3A_148, %and3A_154 : vector<16xi32>
        %swap3A_156 = arith.index_cast %scan3A_71 : i32 to index
        %swap3A_157 = arith.constant 48 : index
        %swap3A_158 = tpu.vector_load %arg9[%swap3A_156, %swap3A_157] {strides = array<i32>} : memref<26x128xi32, #tpu.memory_space<vmem>>, vector<16xi32>,
        tpu.vector_store %arg9[%swap3A_156, %swap3A_157], %or3A_155 {strides = array<i32>} : memref<26x128xi32, #tpu.memory_space<vmem>>, vector<16xi32>,
        %get3A_159 = arith.index_cast %scan3A_71 : i32 to index
        %get3A_160 = arith.constant 64 : index
        %get3A_161 = tpu.vector_load %arg8[%get3A_159, %get3A_160] {strides = array<i32>} : memref<26x128xi32, #tpu.memory_space<vmem>>, vector<16xi32>,
        %and3A_162 = arith.constant -8192 : i32
        %and3A_163 = vector.broadcast %and3A_162 : i32 to vector<16xi32>
        %and3A_164 = arith.andi %get3A_161, %and3A_163 : vector<16xi32>
        %and3A_165 = arith.constant 1023 : i32
        %and3A_166 = vector.broadcast %and3A_165 : i32 to vector<16xi32>
        %and3A_167 = arith.andi %get3A_161, %and3A_166 : vector<16xi32>
        %shift_left3A_168 = arith.constant 3 : i32
        %shift_left3A_169 = vector.broadcast %shift_left3A_168 : i32 to vector<16xi32>
        %shift_left3A_170 = arith.shli %and3A_167, %shift_left3A_169 : vector<16xi32>
        %or3A_171 = arith.ori %and3A_164, %shift_left3A_170 : vector<16xi32>
        %shift_right_arithmetic3A_172 = arith.constant 10 : i32
        %shift_right_arithmetic3A_173 = vector.broadcast %shift_right_arithmetic3A_172 : i32 to vector<16xi32>
        %shift_right_arithmetic3A_174 = arith.shrsi %get3A_161, %shift_right_arithmetic3A_173 : vector<16xi32>
        %and3A_175 = arith.constant 7 : i32
        %and3A_176 = vector.broadcast %and3A_175 : i32 to vector<16xi32>
        %and3A_177 = arith.andi %shift_right_arithmetic3A_174, %and3A_176 : vector<16xi32>
        %or3A_178 = arith.ori %or3A_171, %and3A_177 : vector<16xi32>
        %swap3A_179 = arith.index_cast %scan3A_71 : i32 to index
        %swap3A_180 = arith.constant 64 : index
        %swap3A_181 = tpu.vector_load %arg9[%swap3A_179, %swap3A_180] {strides = array<i32>} : memref<26x128xi32, #tpu.memory_space<vmem>>, vector<16xi32>,
        tpu.vector_store %arg9[%swap3A_179, %swap3A_180], %or3A_178 {strides = array<i32>} : memref<26x128xi32, #tpu.memory_space<vmem>>, vector<16xi32>,
        %get3A_182 = arith.index_cast %scan3A_71 : i32 to index
        %get3A_183 = arith.constant 80 : index
        %get3A_184 = tpu.vector_load %arg8[%get3A_182, %get3A_183] {strides = array<i32>} : memref<26x128xi32, #tpu.memory_space<vmem>>, vector<16xi32>,
        %and3A_185 = arith.constant -8192 : i32
        %and3A_186 = vector.broadcast %and3A_185 : i32 to vector<16xi32>
        %and3A_187 = arith.andi %get3A_184, %and3A_186 : vector<16xi32>
        %and3A_188 = arith.constant 1023 : i32
        %and3A_189 = vector.broadcast %and3A_188 : i32 to vector<16xi32>
        %and3A_190 = arith.andi %get3A_184, %and3A_189 : vector<16xi32>
        %shift_left3A_191 = arith.constant 3 : i32
        %shift_left3A_192 = vector.broadcast %shift_left3A_191 : i32 to vector<16xi32>
        %shift_left3A_193 = arith.shli %and3A_190, %shift_left3A_192 : vector<16xi32>
        %or3A_194 = arith.ori %and3A_187, %shift_left3A_193 : vector<16xi32>
        %shift_right_arithmetic3A_195 = arith.constant 10 : i32
        %shift_right_arithmetic3A_196 = vector.broadcast %shift_right_arithmetic3A_195 : i32 to vector<16xi32>
        %shift_right_arithmetic3A_197 = arith.shrsi %get3A_184, %shift_right_arithmetic3A_196 : vector<16xi32>
        %and3A_198 = arith.constant 7 : i32
        %and3A_199 = vector.broadcast %and3A_198 : i32 to vector<16xi32>
        %and3A_200 = arith.andi %shift_right_arithmetic3A_197, %and3A_199 : vector<16xi32>
        %or3A_201 = arith.ori %or3A_194, %and3A_200 : vector<16xi32>
        %swap3A_202 = arith.index_cast %scan3A_71 : i32 to index
        %swap3A_203 = arith.constant 80 : index
        %swap3A_204 = tpu.vector_load %arg9[%swap3A_202, %swap3A_203] {strides = array<i32>} : memref<26x128xi32, #tpu.memory_space<vmem>>, vector<16xi32>,
        tpu.vector_store %arg9[%swap3A_202, %swap3A_203], %or3A_201 {strides = array<i32>} : memref<26x128xi32, #tpu.memory_space<vmem>>, vector<16xi32>,
        %get3A_205 = arith.index_cast %scan3A_71 : i32 to index
        %get3A_206 = arith.constant 96 : index
        %get3A_207 = tpu.vector_load %arg8[%get3A_205, %get3A_206] {strides = array<i32>} : memref<26x128xi32, #tpu.memory_space<vmem>>, vector<16xi32>,
        %and3A_208 = arith.constant -8192 : i32
        %and3A_209 = vector.broadcast %and3A_208 : i32 to vector<16xi32>
        %and3A_210 = arith.andi %get3A_207, %and3A_209 : vector<16xi32>
        %and3A_211 = arith.constant 1023 : i32
        %and3A_212 = vector.broadcast %and3A_211 : i32 to vector<16xi32>
        %and3A_213 = arith.andi %get3A_207, %and3A_212 : vector<16xi32>
        %shift_left3A_214 = arith.constant 3 : i32
        %shift_left3A_215 = vector.broadcast %shift_left3A_214 : i32 to vector<16xi32>
        %shift_left3A_216 = arith.shli %and3A_213, %shift_left3A_215 : vector<16xi32>
        %or3A_217 = arith.ori %and3A_210, %shift_left3A_216 : vector<16xi32>
        %shift_right_arithmetic3A_218 = arith.constant 10 : i32
        %shift_right_arithmetic3A_219 = vector.broadcast %shift_right_arithmetic3A_218 : i32 to vector<16xi32>
        %shift_right_arithmetic3A_220 = arith.shrsi %get3A_207, %shift_right_arithmetic3A_219 : vector<16xi32>
        %and3A_221 = arith.constant 7 : i32
        %and3A_222 = vector.broadcast %and3A_221 : i32 to vector<16xi32>
        %and3A_223 = arith.andi %shift_right_arithmetic3A_220, %and3A_222 : vector<16xi32>
        %or3A_224 = arith.ori %or3A_217, %and3A_223 : vector<16xi32>
        %swap3A_225 = arith.index_cast %scan3A_71 : i32 to index
        %swap3A_226 = arith.constant 96 : index
        %swap3A_227 = tpu.vector_load %arg9[%swap3A_225, %swap3A_226] {strides = array<i32>} : memref<26x128xi32, #tpu.memory_space<vmem>>, vector<16xi32>,
        tpu.vector_store %arg9[%swap3A_225, %swap3A_226], %or3A_224 {strides = array<i32>} : memref<26x128xi32, #tpu.memory_space<vmem>>, vector<16xi32>,
        %get3A_228 = arith.index_cast %scan3A_71 : i32 to index
        %get3A_229 = arith.constant 112 : index
        %get3A_230 = tpu.vector_load %arg8[%get3A_228, %get3A_229] {strides = array<i32>} : memref<26x128xi32, #tpu.memory_space<vmem>>, vector<16xi32>,
        %and3A_231 = arith.constant -8192 : i32
        %and3A_232 = vector.broadcast %and3A_231 : i32 to vector<16xi32>
        %and3A_233 = arith.andi %get3A_230, %and3A_232 : vector<16xi32>
        %and3A_234 = arith.constant 1023 : i32
        %and3A_235 = vector.broadcast %and3A_234 : i32 to vector<16xi32>
        %and3A_236 = arith.andi %get3A_230, %and3A_235 : vector<16xi32>
        %shift_left3A_237 = arith.constant 3 : i32
        %shift_left3A_238 = vector.broadcast %shift_left3A_237 : i32 to vector<16xi32>
        %shift_left3A_239 = arith.shli %and3A_236, %shift_left3A_238 : vector<16xi32>
        %or3A_240 = arith.ori %and3A_233, %shift_left3A_239 : vector<16xi32>
        %shift_right_arithmetic3A_241 = arith.constant 10 : i32
        %shift_right_arithmetic3A_242 = vector.broadcast %shift_right_arithmetic3A_241 : i32 to vector<16xi32>
        %shift_right_arithmetic3A_243 = arith.shrsi %get3A_230, %shift_right_arithmetic3A_242 : vector<16xi32>
        %and3A_244 = arith.constant 7 : i32
        %and3A_245 = vector.broadcast %and3A_244 : i32 to vector<16xi32>
        %and3A_246 = arith.andi %shift_right_arithmetic3A_243, %and3A_245 : vector<16xi32>
        %or3A_247 = arith.ori %or3A_240, %and3A_246 : vector<16xi32>
        %swap3A_248 = arith.index_cast %scan3A_71 : i32 to index
        %swap3A_249 = arith.constant 112 : index
        %swap3A_250 = tpu.vector_load %arg9[%swap3A_248, %swap3A_249] {strides = array<i32>} : memref<26x128xi32, #tpu.memory_space<vmem>>, vector<16xi32>,
        tpu.vector_store %arg9[%swap3A_248, %swap3A_249], %or3A_247 {strides = array<i32>} : memref<26x128xi32, #tpu.memory_space<vmem>>, vector<16xi32>,
      }
      %scan3A_49 = arith.constant 26 : i32
      %scan3A_50 = arith.constant 0 : i32
      %scan3A_51 = arith.constant 0 : i32
      %scan3A_52 = arith.constant 26 : i32
      %scan3A_53 = arith.addi %scan3A_51, %scan3A_52 : i32
      %scan3A_54 = arith.constant 1 : i32
      scf.for %scan3A_71 = %scan3A_51 to %scan3A_53 step %scan3A_54  : i32 {
        %mul3A_72 = arith.constant 128 : i32
        %mul3A_73 = arith.muli %scan3A_71, %mul3A_72 : i32
        %dma_start3A = tpu.memref_slice %arg12[%mul3A_73] : memref<3328xf32, #tpu.memory_space<vmem>> -> memref<128xf32, #tpu.memory_space<vmem>>
        %dma_start3A_74 = arith.constant 0 : i32
        %dma_start3A_75 = tpu.memref_slice %arg8[%scan3A_71, %dma_start3A_74] : memref<26x128xi32, #tpu.memory_space<vmem>> -> memref<1x128xi32, #tpu.memory_space<vmem>>
        %dma_start3A_76 = tpu.memref_squeeze %dma_start3A_75 : memref<1x128xi32, #tpu.memory_space<vmem>> -> memref<128xi32, #tpu.memory_space<vmem>>
        %dma_start3A_77 = arith.constant 0 : i32
        %dma_start3A_78 = tpu.memref_slice %arg4[%dma_start3A_77] : memref<1000000xf32, #tpu.memory_space<hbm>> -> memref<1000000xf32, #tpu.memory_space<hbm>>
        tpu.enqueue_indirect_dma source(%dma_start3A_78 : memref<1000000xf32, #tpu.memory_space<hbm>>) target(%dma_start3A : memref<128xf32, #tpu.memory_space<vmem>>) offsets(%dma_start3A_76 : memref<128xi32, #tpu.memory_space<vmem>>) semaphore(%arg16 : memref<!tpu.dma_semaphore, #tpu.memory_space<semaphore_mem>>)
        %mul3A_79 = arith.constant 128 : i32
        %mul3A_80 = arith.muli %scan3A_71, %mul3A_79 : i32
        %dma_start3A_81 = arith.constant 0 : i32
        %dma_start3A_82 = tpu.memref_slice %arg11[%mul3A_80, %dma_start3A_81] : memref<3328x16xf32, #tpu.memory_space<vmem>> -> memref<128x16xf32, #tpu.memory_space<vmem>>
        %dma_start3A_83 = arith.constant 0 : i32
        %dma_start3A_84 = tpu.memref_slice %arg9[%scan3A_71, %dma_start3A_83] : memref<26x128xi32, #tpu.memory_space<vmem>> -> memref<1x128xi32, #tpu.memory_space<vmem>>
        %dma_start3A_85 = tpu.memref_squeeze %dma_start3A_84 : memref<1x128xi32, #tpu.memory_space<vmem>> -> memref<128xi32, #tpu.memory_space<vmem>>
        %dma_start3A_86 = arith.constant 0 : i32
        %dma_start3A_87 = arith.constant 0 : i32
        %dma_start3A_88 = tpu.memref_slice %arg6[%dma_start3A_86, %dma_start3A_87] : memref<1007616x16xf32, #tpu.memory_space<hbm>> -> memref<1007616x16xf32, #tpu.memory_space<hbm>>
        tpu.enqueue_indirect_dma source(%dma_start3A_88 : memref<1007616x16xf32, #tpu.memory_space<hbm>>) target(%dma_start3A_82 : memref<128x16xf32, #tpu.memory_space<vmem>>) offsets(%dma_start3A_85 : memref<128xi32, #tpu.memory_space<vmem>>) semaphore(%arg15 : memref<!tpu.dma_semaphore, #tpu.memory_space<semaphore_mem>>)
      }
      %scan3A_55 = arith.constant 26 : i32
      %dma_wait3A = arith.constant 0 : i32
      %dma_wait3A_56 = arith.constant 0 : i32
      %dma_wait3A_57 = tpu.memref_slice %arg6[%dma_wait3A, %dma_wait3A_56] : memref<1007616x16xf32, #tpu.memory_space<hbm>> -> memref<3328x16xf32, #tpu.memory_space<hbm>>
      %dma_wait3A_58 = arith.constant 0 : i32
      %dma_wait3A_59 = arith.constant 0 : i32
      %dma_wait3A_60 = tpu.memref_slice %arg6[%dma_wait3A_58, %dma_wait3A_59] : memref<1007616x16xf32, #tpu.memory_space<hbm>> -> memref<3328x16xf32, #tpu.memory_space<hbm>>
      tpu.wait_dma2 semaphore(%arg15 : memref<!tpu.dma_semaphore, #tpu.memory_space<semaphore_mem>>) src(%dma_wait3A_60 : memref<3328x16xf32, #tpu.memory_space<hbm>>) dst(%arg11 : memref<3328x16xf32, #tpu.memory_space<vmem>>)
      %dma_wait3A_61 = arith.constant 0 : i32
      %dma_wait3A_62 = tpu.memref_slice %arg4[%dma_wait3A_61] : memref<1000000xf32, #tpu.memory_space<hbm>> -> memref<3328xf32, #tpu.memory_space<hbm>>
      %dma_wait3A_63 = arith.constant 0 : i32
      %dma_wait3A_64 = tpu.memref_slice %arg4[%dma_wait3A_63] : memref<1000000xf32, #tpu.memory_space<hbm>> -> memref<3328xf32, #tpu.memory_space<hbm>>
      tpu.wait_dma2 semaphore(%arg16 : memref<!tpu.dma_semaphore, #tpu.memory_space<semaphore_mem>>) src(%dma_wait3A_64 : memref<3328xf32, #tpu.memory_space<hbm>>) dst(%arg12 : memref<3328xf32, #tpu.memory_space<vmem>>)
      %scan3A_65 = arith.constant 0 : i32
      %scan3A_66 = arith.constant 0 : i32
      %scan3A_67 = arith.constant 8 : i32
      %scan3A_68 = arith.addi %scan3A_66, %scan3A_67 : i32
      %scan3A_69 = arith.constant 1 : i32
      scf.for %scan3A_71 = %scan3A_66 to %scan3A_68 step %scan3A_69  : i32 {
        %mul3A_72 = arith.constant 16 : i32
        %mul3A_73 = arith.muli %scan3A_71, %mul3A_72 : i32
        %add3A_74 = vector.broadcast %mul3A_73 : i32 to vector<16xi32>
        %add3A_75 = arith.addi %add3A_74, %iota3A : vector<16xi32>
        %broadcast_in_dim3A_76 = arith.constant 0.000000e+00 : f32
        %broadcast_in_dim3A_77 = vector.broadcast %broadcast_in_dim3A_76 : f32 to vector<16xf32>
        %get3A_78 = arith.constant 0 : i32
        %get3A_79 = arith.index_cast %get3A_78 : i32 to index
        %get3A_80 = arith.index_cast %mul3A_73 : i32 to index
        %get3A_81 = tpu.vector_load %arg10[%get3A_79, %get3A_80] {strides = array<i32>} : memref<26x128xf32, #tpu.memory_space<vmem>>, vector<16xf32>,
        %add3A_82 = arith.constant 0 : i32
        %add3A_83 = arith.addi %add3A_82, %mul3A_73 : i32
        %get3A_84 = arith.index_cast %add3A_83 : i32 to index
        %get3A_85 = tpu.vector_load %arg12[%get3A_84] {strides = array<i32>} : memref<3328xf32, #tpu.memory_space<vmem>>, vector<16xf32>,
        %mul3A_86 = arith.mulf %get3A_85, %get3A_81 : vector<16xf32>
        %add3A_87 = arith.addf %broadcast_in_dim3A_77, %mul3A_86 : vector<16xf32>
        %add3A_88 = arith.constant 0 : i32
        %add3A_89 = vector.broadcast %add3A_88 : i32 to vector<16xi32>
        %add3A_90 = arith.addi %add3A_75, %add3A_89 : vector<16xi32>
        %gather3A = tpu.vector_load_idx %arg11[%add3A_90, %broadcast_in_dim3A_4] : memref<3328x16xf32, #tpu.memory_space<vmem>>[vector<16xi32>, vector<16xi32>], vector<16xf32>,
        %mul3A_91 = arith.mulf %gather3A, %get3A_81 : vector<16xf32>
        %add3A_92 = arith.addf %broadcast_in_dim3A_77, %mul3A_91 : vector<16xf32>
        %mul3A_93 = arith.mulf %mul3A_91, %mul3A_91 : vector<16xf32>
        %add3A_94 = arith.addf %broadcast_in_dim3A_77, %mul3A_93 : vector<16xf32>
        %gather3A_95 = tpu.vector_load_idx %arg11[%add3A_90, %broadcast_in_dim3A_6] : memref<3328x16xf32, #tpu.memory_space<vmem>>[vector<16xi32>, vector<16xi32>], vector<16xf32>,
        %mul3A_96 = arith.mulf %gather3A_95, %get3A_81 : vector<16xf32>
        %add3A_97 = arith.addf %broadcast_in_dim3A_77, %mul3A_96 : vector<16xf32>
        %mul3A_98 = arith.mulf %mul3A_96, %mul3A_96 : vector<16xf32>
        %add3A_99 = arith.addf %broadcast_in_dim3A_77, %mul3A_98 : vector<16xf32>
        %gather3A_100 = tpu.vector_load_idx %arg11[%add3A_90, %broadcast_in_dim3A_8] : memref<3328x16xf32, #tpu.memory_space<vmem>>[vector<16xi32>, vector<16xi32>], vector<16xf32>,
        %mul3A_101 = arith.mulf %gather3A_100, %get3A_81 : vector<16xf32>
        %add3A_102 = arith.addf %broadcast_in_dim3A_77, %mul3A_101 : vector<16xf32>
        %mul3A_103 = arith.mulf %mul3A_101, %mul3A_101 : vector<16xf32>
        %add3A_104 = arith.addf %broadcast_in_dim3A_77, %mul3A_103 : vector<16xf32>
        %gather3A_105 = tpu.vector_load_idx %arg11[%add3A_90, %broadcast_in_dim3A_10] : memref<3328x16xf32, #tpu.memory_space<vmem>>[vector<16xi32>, vector<16xi32>], vector<16xf32>,
        %mul3A_106 = arith.mulf %gather3A_105, %get3A_81 : vector<16xf32>
        %add3A_107 = arith.addf %broadcast_in_dim3A_77, %mul3A_106 : vector<16xf32>
        %mul3A_108 = arith.mulf %mul3A_106, %mul3A_106 : vector<16xf32>
        %add3A_109 = arith.addf %broadcast_in_dim3A_77, %mul3A_108 : vector<16xf32>
        %gather3A_110 = tpu.vector_load_idx %arg11[%add3A_90, %broadcast_in_dim3A_12] : memref<3328x16xf32, #tpu.memory_space<vmem>>[vector<16xi32>, vector<16xi32>], vector<16xf32>,
        %mul3A_111 = arith.mulf %gather3A_110, %get3A_81 : vector<16xf32>
        %add3A_112 = arith.addf %broadcast_in_dim3A_77, %mul3A_111 : vector<16xf32>
        %mul3A_113 = arith.mulf %mul3A_111, %mul3A_111 : vector<16xf32>
        %add3A_114 = arith.addf %add3A_94, %mul3A_113 : vector<16xf32>
        %gather3A_115 = tpu.vector_load_idx %arg11[%add3A_90, %broadcast_in_dim3A_14] : memref<3328x16xf32, #tpu.memory_space<vmem>>[vector<16xi32>, vector<16xi32>], vector<16xf32>,
        %mul3A_116 = arith.mulf %gather3A_115, %get3A_81 : vector<16xf32>
        %add3A_117 = arith.addf %broadcast_in_dim3A_77, %mul3A_116 : vector<16xf32>
        %mul3A_118 = arith.mulf %mul3A_116, %mul3A_116 : vector<16xf32>
        %add3A_119 = arith.addf %add3A_99, %mul3A_118 : vector<16xf32>
        %gather3A_120 = tpu.vector_load_idx %arg11[%add3A_90, %broadcast_in_dim3A_16] : memref<3328x16xf32, #tpu.memory_space<vmem>>[vector<16xi32>, vector<16xi32>], vector<16xf32>,
        %mul3A_121 = arith.mulf %gather3A_120, %get3A_81 : vector<16xf32>
        %add3A_122 = arith.addf %broadcast_in_dim3A_77, %mul3A_121 : vector<16xf32>
        %mul3A_123 = arith.mulf %mul3A_121, %mul3A_121 : vector<16xf32>
        %add3A_124 = arith.addf %add3A_104, %mul3A_123 : vector<16xf32>
        %gather3A_125 = tpu.vector_load_idx %arg11[%add3A_90, %broadcast_in_dim3A_18] : memref<3328x16xf32, #tpu.memory_space<vmem>>[vector<16xi32>, vector<16xi32>], vector<16xf32>,
        %mul3A_126 = arith.mulf %gather3A_125, %get3A_81 : vector<16xf32>
        %add3A_127 = arith.addf %broadcast_in_dim3A_77, %mul3A_126 : vector<16xf32>
        %mul3A_128 = arith.mulf %mul3A_126, %mul3A_126 : vector<16xf32>
        %add3A_129 = arith.addf %add3A_109, %mul3A_128 : vector<16xf32>
        %gather3A_130 = tpu.vector_load_idx %arg11[%add3A_90, %broadcast_in_dim3A_20] : memref<3328x16xf32, #tpu.memory_space<vmem>>[vector<16xi32>, vector<16xi32>], vector<16xf32>,
        %mul3A_131 = arith.mulf %gather3A_130, %get3A_81 : vector<16xf32>
        %add3A_132 = arith.addf %broadcast_in_dim3A_77, %mul3A_131 : vector<16xf32>
        %mul3A_133 = arith.mulf %mul3A_131, %mul3A_131 : vector<16xf32>
        %add3A_134 = arith.addf %add3A_114, %mul3A_133 : vector<16xf32>
        %gather3A_135 = tpu.vector_load_idx %arg11[%add3A_90, %broadcast_in_dim3A_22] : memref<3328x16xf32, #tpu.memory_space<vmem>>[vector<16xi32>, vector<16xi32>], vector<16xf32>,
        %mul3A_136 = arith.mulf %gather3A_135, %get3A_81 : vector<16xf32>
        %add3A_137 = arith.addf %broadcast_in_dim3A_77, %mul3A_136 : vector<16xf32>
        %mul3A_138 = arith.mulf %mul3A_136, %mul3A_136 : vector<16xf32>
        %add3A_139 = arith.addf %add3A_119, %mul3A_138 : vector<16xf32>
        %gather3A_140 = tpu.vector_load_idx %arg11[%add3A_90, %broadcast_in_dim3A_24] : memref<3328x16xf32, #tpu.memory_space<vmem>>[vector<16xi32>, vector<16xi32>], vector<16xf32>,
        %mul3A_141 = arith.mulf %gather3A_140, %get3A_81 : vector<16xf32>
        %add3A_142 = arith.addf %broadcast_in_dim3A_77, %mul3A_141 : vector<16xf32>
        %mul3A_143 = arith.mulf %mul3A_141, %mul3A_141 : vector<16xf32>
        %add3A_144 = arith.addf %add3A_124, %mul3A_143 : vector<16xf32>
        %gather3A_145 = tpu.vector_load_idx %arg11[%add3A_90, %broadcast_in_dim3A_26] : memref<3328x16xf32, #tpu.memory_space<vmem>>[vector<16xi32>, vector<16xi32>], vector<16xf32>,
        %mul3A_146 = arith.mulf %gather3A_145, %get3A_81 : vector<16xf32>
        %add3A_147 = arith.addf %broadcast_in_dim3A_77, %mul3A_146 : vector<16xf32>
        %mul3A_148 = arith.mulf %mul3A_146, %mul3A_146 : vector<16xf32>
        %add3A_149 = arith.addf %add3A_129, %mul3A_148 : vector<16xf32>
        %gather3A_150 = tpu.vector_load_idx %arg11[%add3A_90, %broadcast_in_dim3A_28] : memref<3328x16xf32, #tpu.memory_space<vmem>>[vector<16xi32>, vector<16xi32>], vector<16xf32>,
        %mul3A_151 = arith.mulf %gather3A_150, %get3A_81 : vector<16xf32>
        %add3A_152 = arith.addf %broadcast_in_dim3A_77, %mul3A_151 : vector<16xf32>
        %mul3A_153 = arith.mulf %mul3A_151, %mul3A_151 : vector<16xf32>
        %add3A_154 = arith.addf %add3A_134, %mul3A_153 : vector<16xf32>
        %gather3A_155 = tpu.vector_load_idx %arg11[%add3A_90, %broadcast_in_dim3A_30] : memref<3328x16xf32, #tpu.memory_space<vmem>>[vector<16xi32>, vector<16xi32>], vector<16xf32>,
        %mul3A_156 = arith.mulf %gather3A_155, %get3A_81 : vector<16xf32>
        %add3A_157 = arith.addf %broadcast_in_dim3A_77, %mul3A_156 : vector<16xf32>
        %mul3A_158 = arith.mulf %mul3A_156, %mul3A_156 : vector<16xf32>
        %add3A_159 = arith.addf %add3A_139, %mul3A_158 : vector<16xf32>
        %gather3A_160 = tpu.vector_load_idx %arg11[%add3A_90, %broadcast_in_dim3A_32] : memref<3328x16xf32, #tpu.memory_space<vmem>>[vector<16xi32>, vector<16xi32>], vector<16xf32>,
        %mul3A_161 = arith.mulf %gather3A_160, %get3A_81 : vector<16xf32>
        %add3A_162 = arith.addf %broadcast_in_dim3A_77, %mul3A_161 : vector<16xf32>
        %mul3A_163 = arith.mulf %mul3A_161, %mul3A_161 : vector<16xf32>
        %add3A_164 = arith.addf %add3A_144, %mul3A_163 : vector<16xf32>
        %gather3A_165 = tpu.vector_load_idx %arg11[%add3A_90, %broadcast_in_dim3A_34] : memref<3328x16xf32, #tpu.memory_space<vmem>>[vector<16xi32>, vector<16xi32>], vector<16xf32>,
        %mul3A_166 = arith.mulf %gather3A_165, %get3A_81 : vector<16xf32>
        %add3A_167 = arith.addf %broadcast_in_dim3A_77, %mul3A_166 : vector<16xf32>
        %mul3A_168 = arith.mulf %mul3A_166, %mul3A_166 : vector<16xf32>
        %add3A_169 = arith.addf %add3A_149, %mul3A_168 : vector<16xf32>
        %get3A_170 = arith.constant 1 : i32
        %get3A_171 = arith.index_cast %get3A_170 : i32 to index
        %get3A_172 = arith.index_cast %mul3A_73 : i32 to index
        %get3A_173 = tpu.vector_load %arg10[%get3A_171, %get3A_172] {strides = array<i32>} : memref<26x128xf32, #tpu.memory_space<vmem>>, vector<16xf32>,
        %add3A_174 = arith.constant 128 : i32
        %add3A_175 = arith.addi %add3A_174, %mul3A_73 : i32
        %get3A_176 = arith.index_cast %add3A_175 : i32 to index
        %get3A_177 = tpu.vector_load %arg12[%get3A_176] {strides = array<i32>} : memref<3328xf32, #tpu.memory_space<vmem>>, vector<16xf32>,
        %mul3A_178 = arith.mulf %get3A_177, %get3A_173 : vector<16xf32>
        %add3A_179 = arith.addf %add3A_87, %mul3A_178 : vector<16xf32>
        %add3A_180 = arith.constant 128 : i32
        %add3A_181 = vector.broadcast %add3A_180 : i32 to vector<16xi32>
        %add3A_182 = arith.addi %add3A_75, %add3A_181 : vector<16xi32>
        %gather3A_183 = tpu.vector_load_idx %arg11[%add3A_182, %broadcast_in_dim3A_4] : memref<3328x16xf32, #tpu.memory_space<vmem>>[vector<16xi32>, vector<16xi32>], vector<16xf32>,
        %mul3A_184 = arith.mulf %gather3A_183, %get3A_173 : vector<16xf32>
        %add3A_185 = arith.addf %add3A_92, %mul3A_184 : vector<16xf32>
        %mul3A_186 = arith.mulf %mul3A_184, %mul3A_184 : vector<16xf32>
        %add3A_187 = arith.addf %add3A_154, %mul3A_186 : vector<16xf32>
        %gather3A_188 = tpu.vector_load_idx %arg11[%add3A_182, %broadcast_in_dim3A_6] : memref<3328x16xf32, #tpu.memory_space<vmem>>[vector<16xi32>, vector<16xi32>], vector<16xf32>,
        %mul3A_189 = arith.mulf %gather3A_188, %get3A_173 : vector<16xf32>
        %add3A_190 = arith.addf %add3A_97, %mul3A_189 : vector<16xf32>
        %mul3A_191 = arith.mulf %mul3A_189, %mul3A_189 : vector<16xf32>
        %add3A_192 = arith.addf %add3A_159, %mul3A_191 : vector<16xf32>
        %gather3A_193 = tpu.vector_load_idx %arg11[%add3A_182, %broadcast_in_dim3A_8] : memref<3328x16xf32, #tpu.memory_space<vmem>>[vector<16xi32>, vector<16xi32>], vector<16xf32>,
        %mul3A_194 = arith.mulf %gather3A_193, %get3A_173 : vector<16xf32>
        %add3A_195 = arith.addf %add3A_102, %mul3A_194 : vector<16xf32>
        %mul3A_196 = arith.mulf %mul3A_194, %mul3A_194 : vector<16xf32>
        %add3A_197 = arith.addf %add3A_164, %mul3A_196 : vector<16xf32>
        %gather3A_198 = tpu.vector_load_idx %arg11[%add3A_182, %broadcast_in_dim3A_10] : memref<3328x16xf32, #tpu.memory_space<vmem>>[vector<16xi32>, vector<16xi32>], vector<16xf32>,
        %mul3A_199 = arith.mulf %gather3A_198, %get3A_173 : vector<16xf32>
        %add3A_200 = arith.addf %add3A_107, %mul3A_199 : vector<16xf32>
        %mul3A_201 = arith.mulf %mul3A_199, %mul3A_199 : vector<16xf32>
        %add3A_202 = arith.addf %add3A_169, %mul3A_201 : vector<16xf32>
        %gather3A_203 = tpu.vector_load_idx %arg11[%add3A_182, %broadcast_in_dim3A_12] : memref<3328x16xf32, #tpu.memory_space<vmem>>[vector<16xi32>, vector<16xi32>], vector<16xf32>,
        %mul3A_204 = arith.mulf %gather3A_203, %get3A_173 : vector<16xf32>
        %add3A_205 = arith.addf %add3A_112, %mul3A_204 : vector<16xf32>
        %mul3A_206 = arith.mulf %mul3A_204, %mul3A_204 : vector<16xf32>
        %add3A_207 = arith.addf %add3A_187, %mul3A_206 : vector<16xf32>
        %gather3A_208 = tpu.vector_load_idx %arg11[%add3A_182, %broadcast_in_dim3A_14] : memref<3328x16xf32, #tpu.memory_space<vmem>>[vector<16xi32>, vector<16xi32>], vector<16xf32>,
        %mul3A_209 = arith.mulf %gather3A_208, %get3A_173 : vector<16xf32>
        %add3A_210 = arith.addf %add3A_117, %mul3A_209 : vector<16xf32>
        %mul3A_211 = arith.mulf %mul3A_209, %mul3A_209 : vector<16xf32>
        %add3A_212 = arith.addf %add3A_192, %mul3A_211 : vector<16xf32>
        %gather3A_213 = tpu.vector_load_idx %arg11[%add3A_182, %broadcast_in_dim3A_16] : memref<3328x16xf32, #tpu.memory_space<vmem>>[vector<16xi32>, vector<16xi32>], vector<16xf32>,
        %mul3A_214 = arith.mulf %gather3A_213, %get3A_173 : vector<16xf32>
        %add3A_215 = arith.addf %add3A_122, %mul3A_214 : vector<16xf32>
        %mul3A_216 = arith.mulf %mul3A_214, %mul3A_214 : vector<16xf32>
        %add3A_217 = arith.addf %add3A_197, %mul3A_216 : vector<16xf32>
        %gather3A_218 = tpu.vector_load_idx %arg11[%add3A_182, %broadcast_in_dim3A_18] : memref<3328x16xf32, #tpu.memory_space<vmem>>[vector<16xi32>, vector<16xi32>], vector<16xf32>,
        %mul3A_219 = arith.mulf %gather3A_218, %get3A_173 : vector<16xf32>
        %add3A_220 = arith.addf %add3A_127, %mul3A_219 : vector<16xf32>
        %mul3A_221 = arith.mulf %mul3A_219, %mul3A_219 : vector<16xf32>
        %add3A_222 = arith.addf %add3A_202, %mul3A_221 : vector<16xf32>
        %gather3A_223 = tpu.vector_load_idx %arg11[%add3A_182, %broadcast_in_dim3A_20] : memref<3328x16xf32, #tpu.memory_space<vmem>>[vector<16xi32>, vector<16xi32>], vector<16xf32>,
        %mul3A_224 = arith.mulf %gather3A_223, %get3A_173 : vector<16xf32>
        %add3A_225 = arith.addf %add3A_132, %mul3A_224 : vector<16xf32>
        %mul3A_226 = arith.mulf %mul3A_224, %mul3A_224 : vector<16xf32>
        %add3A_227 = arith.addf %add3A_207, %mul3A_226 : vector<16xf32>
        %gather3A_228 = tpu.vector_load_idx %arg11[%add3A_182, %broadcast_in_dim3A_22] : memref<3328x16xf32, #tpu.memory_space<vmem>>[vector<16xi32>, vector<16xi32>], vector<16xf32>,
        %mul3A_229 = arith.mulf %gather3A_228, %get3A_173 : vector<16xf32>
        %add3A_230 = arith.addf %add3A_137, %mul3A_229 : vector<16xf32>
        %mul3A_231 = arith.mulf %mul3A_229, %mul3A_229 : vector<16xf32>
        %add3A_232 = arith.addf %add3A_212, %mul3A_231 : vector<16xf32>
        %gather3A_233 = tpu.vector_load_idx %arg11[%add3A_182, %broadcast_in_dim3A_24] : memref<3328x16xf32, #tpu.memory_space<vmem>>[vector<16xi32>, vector<16xi32>], vector<16xf32>,
        %mul3A_234 = arith.mulf %gather3A_233, %get3A_173 : vector<16xf32>
        %add3A_235 = arith.addf %add3A_142, %mul3A_234 : vector<16xf32>
        %mul3A_236 = arith.mulf %mul3A_234, %mul3A_234 : vector<16xf32>
        %add3A_237 = arith.addf %add3A_217, %mul3A_236 : vector<16xf32>
        %gather3A_238 = tpu.vector_load_idx %arg11[%add3A_182, %broadcast_in_dim3A_26] : memref<3328x16xf32, #tpu.memory_space<vmem>>[vector<16xi32>, vector<16xi32>], vector<16xf32>,
        %mul3A_239 = arith.mulf %gather3A_238, %get3A_173 : vector<16xf32>
        %add3A_240 = arith.addf %add3A_147, %mul3A_239 : vector<16xf32>
        %mul3A_241 = arith.mulf %mul3A_239, %mul3A_239 : vector<16xf32>
        %add3A_242 = arith.addf %add3A_222, %mul3A_241 : vector<16xf32>
        %gather3A_243 = tpu.vector_load_idx %arg11[%add3A_182, %broadcast_in_dim3A_28] : memref<3328x16xf32, #tpu.memory_space<vmem>>[vector<16xi32>, vector<16xi32>], vector<16xf32>,
        %mul3A_244 = arith.mulf %gather3A_243, %get3A_173 : vector<16xf32>
        %add3A_245 = arith.addf %add3A_152, %mul3A_244 : vector<16xf32>
        %mul3A_246 = arith.mulf %mul3A_244, %mul3A_244 : vector<16xf32>
        %add3A_247 = arith.addf %add3A_227, %mul3A_246 : vector<16xf32>
        %gather3A_248 = tpu.vector_load_idx %arg11[%add3A_182, %broadcast_in_dim3A_30] : memref<3328x16xf32, #tpu.memory_space<vmem>>[vector<16xi32>, vector<16xi32>], vector<16xf32>,
        %mul3A_249 = arith.mulf %gather3A_248, %get3A_173 : vector<16xf32>
        %add3A_250 = arith.addf %add3A_157, %mul3A_249 : vector<16xf32>
        %mul3A_251 = arith.mulf %mul3A_249, %mul3A_249 : vector<16xf32>
        %add3A_252 = arith.addf %add3A_232, %mul3A_251 : vector<16xf32>
        %gather3A_253 = tpu.vector_load_idx %arg11[%add3A_182, %broadcast_in_dim3A_32] : memref<3328x16xf32, #tpu.memory_space<vmem>>[vector<16xi32>, vector<16xi32>], vector<16xf32>,
        %mul3A_254 = arith.mulf %gather3A_253, %get3A_173 : vector<16xf32>
        %add3A_255 = arith.addf %add3A_162, %mul3A_254 : vector<16xf32>
        %mul3A_256 = arith.mulf %mul3A_254, %mul3A_254 : vector<16xf32>
        %add3A_257 = arith.addf %add3A_237, %mul3A_256 : vector<16xf32>
        %gather3A_258 = tpu.vector_load_idx %arg11[%add3A_182, %broadcast_in_dim3A_34] : memref<3328x16xf32, #tpu.memory_space<vmem>>[vector<16xi32>, vector<16xi32>], vector<16xf32>,
        %mul3A_259 = arith.mulf %gather3A_258, %get3A_173 : vector<16xf32>
        %add3A_260 = arith.addf %add3A_167, %mul3A_259 : vector<16xf32>
        %mul3A_261 = arith.mulf %mul3A_259, %mul3A_259 : vector<16xf32>
        %add3A_262 = arith.addf %add3A_242, %mul3A_261 : vector<16xf32>
        %get3A_263 = arith.constant 2 : i32
        %get3A_264 = arith.index_cast %get3A_263 : i32 to index
        %get3A_265 = arith.index_cast %mul3A_73 : i32 to index
        %get3A_266 = tpu.vector_load %arg10[%get3A_264, %get3A_265] {strides = array<i32>} : memref<26x128xf32, #tpu.memory_space<vmem>>, vector<16xf32>,
        %add3A_267 = arith.constant 256 : i32
        %add3A_268 = arith.addi %add3A_267, %mul3A_73 : i32
        %get3A_269 = arith.index_cast %add3A_268 : i32 to index
        %get3A_270 = tpu.vector_load %arg12[%get3A_269] {strides = array<i32>} : memref<3328xf32, #tpu.memory_space<vmem>>, vector<16xf32>,
        %mul3A_271 = arith.mulf %get3A_270, %get3A_266 : vector<16xf32>
        %add3A_272 = arith.addf %add3A_179, %mul3A_271 : vector<16xf32>
        %add3A_273 = arith.constant 256 : i32
        %add3A_274 = vector.broadcast %add3A_273 : i32 to vector<16xi32>
        %add3A_275 = arith.addi %add3A_75, %add3A_274 : vector<16xi32>
        %gather3A_276 = tpu.vector_load_idx %arg11[%add3A_275, %broadcast_in_dim3A_4] : memref<3328x16xf32, #tpu.memory_space<vmem>>[vector<16xi32>, vector<16xi32>], vector<16xf32>,
        %mul3A_277 = arith.mulf %gather3A_276, %get3A_266 : vector<16xf32>
        %add3A_278 = arith.addf %add3A_185, %mul3A_277 : vector<16xf32>
        %mul3A_279 = arith.mulf %mul3A_277, %mul3A_277 : vector<16xf32>
        %add3A_280 = arith.addf %add3A_247, %mul3A_279 : vector<16xf32>
        %gather3A_281 = tpu.vector_load_idx %arg11[%add3A_275, %broadcast_in_dim3A_6] : memref<3328x16xf32, #tpu.memory_space<vmem>>[vector<16xi32>, vector<16xi32>], vector<16xf32>,
        %mul3A_282 = arith.mulf %gather3A_281, %get3A_266 : vector<16xf32>
        %add3A_283 = arith.addf %add3A_190, %mul3A_282 : vector<16xf32>
        %mul3A_284 = arith.mulf %mul3A_282, %mul3A_282 : vector<16xf32>
        %add3A_285 = arith.addf %add3A_252, %mul3A_284 : vector<16xf32>
        %gather3A_286 = tpu.vector_load_idx %arg11[%add3A_275, %broadcast_in_dim3A_8] : memref<3328x16xf32, #tpu.memory_space<vmem>>[vector<16xi32>, vector<16xi32>], vector<16xf32>,
        %mul3A_287 = arith.mulf %gather3A_286, %get3A_266 : vector<16xf32>
        %add3A_288 = arith.addf %add3A_195, %mul3A_287 : vector<16xf32>
        %mul3A_289 = arith.mulf %mul3A_287, %mul3A_287 : vector<16xf32>
        %add3A_290 = arith.addf %add3A_257, %mul3A_289 : vector<16xf32>
        %gather3A_291 = tpu.vector_load_idx %arg11[%add3A_275, %broadcast_in_dim3A_10] : memref<3328x16xf32, #tpu.memory_space<vmem>>[vector<16xi32>, vector<16xi32>], vector<16xf32>,
        %mul3A_292 = arith.mulf %gather3A_291, %get3A_266 : vector<16xf32>
        %add3A_293 = arith.addf %add3A_200, %mul3A_292 : vector<16xf32>
        %mul3A_294 = arith.mulf %mul3A_292, %mul3A_292 : vector<16xf32>
        %add3A_295 = arith.addf %add3A_262, %mul3A_294 : vector<16xf32>
        %gather3A_296 = tpu.vector_load_idx %arg11[%add3A_275, %broadcast_in_dim3A_12] : memref<3328x16xf32, #tpu.memory_space<vmem>>[vector<16xi32>, vector<16xi32>], vector<16xf32>,
        %mul3A_297 = arith.mulf %gather3A_296, %get3A_266 : vector<16xf32>
        %add3A_298 = arith.addf %add3A_205, %mul3A_297 : vector<16xf32>
        %mul3A_299 = arith.mulf %mul3A_297, %mul3A_297 : vector<16xf32>
        %add3A_300 = arith.addf %add3A_280, %mul3A_299 : vector<16xf32>
        %gather3A_301 = tpu.vector_load_idx %arg11[%add3A_275, %broadcast_in_dim3A_14] : memref<3328x16xf32, #tpu.memory_space<vmem>>[vector<16xi32>, vector<16xi32>], vector<16xf32>,
        %mul3A_302 = arith.mulf %gather3A_301, %get3A_266 : vector<16xf32>
        %add3A_303 = arith.addf %add3A_210, %mul3A_302 : vector<16xf32>
        %mul3A_304 = arith.mulf %mul3A_302, %mul3A_302 : vector<16xf32>
        %add3A_305 = arith.addf %add3A_285, %mul3A_304 : vector<16xf32>
        %gather3A_306 = tpu.vector_load_idx %arg11[%add3A_275, %broadcast_in_dim3A_16] : memref<3328x16xf32, #tpu.memory_space<vmem>>[vector<16xi32>, vector<16xi32>], vector<16xf32>,
        %mul3A_307 = arith.mulf %gather3A_306, %get3A_266 : vector<16xf32>
        %add3A_308 = arith.addf %add3A_215, %mul3A_307 : vector<16xf32>
        %mul3A_309 = arith.mulf %mul3A_307, %mul3A_307 : vector<16xf32>
        %add3A_310 = arith.addf %add3A_290, %mul3A_309 : vector<16xf32>
        %gather3A_311 = tpu.vector_load_idx %arg11[%add3A_275, %broadcast_in_dim3A_18] : memref<3328x16xf32, #tpu.memory_space<vmem>>[vector<16xi32>, vector<16xi32>], vector<16xf32>,
        %mul3A_312 = arith.mulf %gather3A_311, %get3A_266 : vector<16xf32>
        %add3A_313 = arith.addf %add3A_220, %mul3A_312 : vector<16xf32>
        %mul3A_314 = arith.mulf %mul3A_312, %mul3A_312 : vector<16xf32>
        %add3A_315 = arith.addf %add3A_295, %mul3A_314 : vector<16xf32>
        %gather3A_316 = tpu.vector_load_idx %arg11[%add3A_275, %broadcast_in_dim3A_20] : memref<3328x16xf32, #tpu.memory_space<vmem>>[vector<16xi32>, vector<16xi32>], vector<16xf32>,
        %mul3A_317 = arith.mulf %gather3A_316, %get3A_266 : vector<16xf32>
        %add3A_318 = arith.addf %add3A_225, %mul3A_317 : vector<16xf32>
        %mul3A_319 = arith.mulf %mul3A_317, %mul3A_317 : vector<16xf32>
        %add3A_320 = arith.addf %add3A_300, %mul3A_319 : vector<16xf32>
        %gather3A_321 = tpu.vector_load_idx %arg11[%add3A_275, %broadcast_in_dim3A_22] : memref<3328x16xf32, #tpu.memory_space<vmem>>[vector<16xi32>, vector<16xi32>], vector<16xf32>,
        %mul3A_322 = arith.mulf %gather3A_321, %get3A_266 : vector<16xf32>
        %add3A_323 = arith.addf %add3A_230, %mul3A_322 : vector<16xf32>
        %mul3A_324 = arith.mulf %mul3A_322, %mul3A_322 : vector<16xf32>
        %add3A_325 = arith.addf %add3A_305, %mul3A_324 : vector<16xf32>
        %gather3A_326 = tpu.vector_load_idx %arg11[%add3A_275, %broadcast_in_dim3A_24] : memref<3328x16xf32, #tpu.memory_space<vmem>>[vector<16xi32>, vector<16xi32>], vector<16xf32>,
        %mul3A_327 = arith.mulf %gather3A_326, %get3A_266 : vector<16xf32>
        %add3A_328 = arith.addf %add3A_235, %mul3A_327 : vector<16xf32>
        %mul3A_329 = arith.mulf %mul3A_327, %mul3A_327 : vector<16xf32>
        %add3A_330 = arith.addf %add3A_310, %mul3A_329 : vector<16xf32>
        %gather3A_331 = tpu.vector_load_idx %arg11[%add3A_275, %broadcast_in_dim3A_26] : memref<3328x16xf32, #tpu.memory_space<vmem>>[vector<16xi32>, vector<16xi32>], vector<16xf32>,
        %mul3A_332 = arith.mulf %gather3A_331, %get3A_266 : vector<16xf32>
        %add3A_333 = arith.addf %add3A_240, %mul3A_332 : vector<16xf32>
        %mul3A_334 = arith.mulf %mul3A_332, %mul3A_332 : vector<16xf32>
        %add3A_335 = arith.addf %add3A_315, %mul3A_334 : vector<16xf32>
        %gather3A_336 = tpu.vector_load_idx %arg11[%add3A_275, %broadcast_in_dim3A_28] : memref<3328x16xf32, #tpu.memory_space<vmem>>[vector<16xi32>, vector<16xi32>], vector<16xf32>,
        %mul3A_337 = arith.mulf %gather3A_336, %get3A_266 : vector<16xf32>
        %add3A_338 = arith.addf %add3A_245, %mul3A_337 : vector<16xf32>
        %mul3A_339 = arith.mulf %mul3A_337, %mul3A_337 : vector<16xf32>
        %add3A_340 = arith.addf %add3A_320, %mul3A_339 : vector<16xf32>
        %gather3A_341 = tpu.vector_load_idx %arg11[%add3A_275, %broadcast_in_dim3A_30] : memref<3328x16xf32, #tpu.memory_space<vmem>>[vector<16xi32>, vector<16xi32>], vector<16xf32>,
        %mul3A_342 = arith.mulf %gather3A_341, %get3A_266 : vector<16xf32>
        %add3A_343 = arith.addf %add3A_250, %mul3A_342 : vector<16xf32>
        %mul3A_344 = arith.mulf %mul3A_342, %mul3A_342 : vector<16xf32>
        %add3A_345 = arith.addf %add3A_325, %mul3A_344 : vector<16xf32>
        %gather3A_346 = tpu.vector_load_idx %arg11[%add3A_275, %broadcast_in_dim3A_32] : memref<3328x16xf32, #tpu.memory_space<vmem>>[vector<16xi32>, vector<16xi32>], vector<16xf32>,
        %mul3A_347 = arith.mulf %gather3A_346, %get3A_266 : vector<16xf32>
        %add3A_348 = arith.addf %add3A_255, %mul3A_347 : vector<16xf32>
        %mul3A_349 = arith.mulf %mul3A_347, %mul3A_347 : vector<16xf32>
        %add3A_350 = arith.addf %add3A_330, %mul3A_349 : vector<16xf32>
        %gather3A_351 = tpu.vector_load_idx %arg11[%add3A_275, %broadcast_in_dim3A_34] : memref<3328x16xf32, #tpu.memory_space<vmem>>[vector<16xi32>, vector<16xi32>], vector<16xf32>,
        %mul3A_352 = arith.mulf %gather3A_351, %get3A_266 : vector<16xf32>
        %add3A_353 = arith.addf %add3A_260, %mul3A_352 : vector<16xf32>
        %mul3A_354 = arith.mulf %mul3A_352, %mul3A_352 : vector<16xf32>
        %add3A_355 = arith.addf %add3A_335, %mul3A_354 : vector<16xf32>
        %get3A_356 = arith.constant 3 : i32
        %get3A_357 = arith.index_cast %get3A_356 : i32 to index
        %get3A_358 = arith.index_cast %mul3A_73 : i32 to index
        %get3A_359 = tpu.vector_load %arg10[%get3A_357, %get3A_358] {strides = array<i32>} : memref<26x128xf32, #tpu.memory_space<vmem>>, vector<16xf32>,
        %add3A_360 = arith.constant 384 : i32
        %add3A_361 = arith.addi %add3A_360, %mul3A_73 : i32
        %get3A_362 = arith.index_cast %add3A_361 : i32 to index
        %get3A_363 = tpu.vector_load %arg12[%get3A_362] {strides = array<i32>} : memref<3328xf32, #tpu.memory_space<vmem>>, vector<16xf32>,
        %mul3A_364 = arith.mulf %get3A_363, %get3A_359 : vector<16xf32>
        %add3A_365 = arith.addf %add3A_272, %mul3A_364 : vector<16xf32>
        %add3A_366 = arith.constant 384 : i32
        %add3A_367 = vector.broadcast %add3A_366 : i32 to vector<16xi32>
        %add3A_368 = arith.addi %add3A_75, %add3A_367 : vector<16xi32>
        %gather3A_369 = tpu.vector_load_idx %arg11[%add3A_368, %broadcast_in_dim3A_4] : memref<3328x16xf32, #tpu.memory_space<vmem>>[vector<16xi32>, vector<16xi32>], vector<16xf32>,
        %mul3A_370 = arith.mulf %gather3A_369, %get3A_359 : vector<16xf32>
        %add3A_371 = arith.addf %add3A_278, %mul3A_370 : vector<16xf32>
        %mul3A_372 = arith.mulf %mul3A_370, %mul3A_370 : vector<16xf32>
        %add3A_373 = arith.addf %add3A_340, %mul3A_372 : vector<16xf32>
        %gather3A_374 = tpu.vector_load_idx %arg11[%add3A_368, %broadcast_in_dim3A_6] : memref<3328x16xf32, #tpu.memory_space<vmem>>[vector<16xi32>, vector<16xi32>], vector<16xf32>,
        %mul3A_375 = arith.mulf %gather3A_374, %get3A_359 : vector<16xf32>
        %add3A_376 = arith.addf %add3A_283, %mul3A_375 : vector<16xf32>
        %mul3A_377 = arith.mulf %mul3A_375, %mul3A_375 : vector<16xf32>
        %add3A_378 = arith.addf %add3A_345, %mul3A_377 : vector<16xf32>
        %gather3A_379 = tpu.vector_load_idx %arg11[%add3A_368, %broadcast_in_dim3A_8] : memref<3328x16xf32, #tpu.memory_space<vmem>>[vector<16xi32>, vector<16xi32>], vector<16xf32>,
        %mul3A_380 = arith.mulf %gather3A_379, %get3A_359 : vector<16xf32>
        %add3A_381 = arith.addf %add3A_288, %mul3A_380 : vector<16xf32>
        %mul3A_382 = arith.mulf %mul3A_380, %mul3A_380 : vector<16xf32>
        %add3A_383 = arith.addf %add3A_350, %mul3A_382 : vector<16xf32>
        %gather3A_384 = tpu.vector_load_idx %arg11[%add3A_368, %broadcast_in_dim3A_10] : memref<3328x16xf32, #tpu.memory_space<vmem>>[vector<16xi32>, vector<16xi32>], vector<16xf32>,
        %mul3A_385 = arith.mulf %gather3A_384, %get3A_359 : vector<16xf32>
        %add3A_386 = arith.addf %add3A_293, %mul3A_385 : vector<16xf32>
        %mul3A_387 = arith.mulf %mul3A_385, %mul3A_385 : vector<16xf32>
        %add3A_388 = arith.addf %add3A_355, %mul3A_387 : vector<16xf32>
        %gather3A_389 = tpu.vector_load_idx %arg11[%add3A_368, %broadcast_in_dim3A_12] : memref<3328x16xf32, #tpu.memory_space<vmem>>[vector<16xi32>, vector<16xi32>], vector<16xf32>,
        %mul3A_390 = arith.mulf %gather3A_389, %get3A_359 : vector<16xf32>
        %add3A_391 = arith.addf %add3A_298, %mul3A_390 : vector<16xf32>
        %mul3A_392 = arith.mulf %mul3A_390, %mul3A_390 : vector<16xf32>
        %add3A_393 = arith.addf %add3A_373, %mul3A_392 : vector<16xf32>
        %gather3A_394 = tpu.vector_load_idx %arg11[%add3A_368, %broadcast_in_dim3A_14] : memref<3328x16xf32, #tpu.memory_space<vmem>>[vector<16xi32>, vector<16xi32>], vector<16xf32>,
        %mul3A_395 = arith.mulf %gather3A_394, %get3A_359 : vector<16xf32>
        %add3A_396 = arith.addf %add3A_303, %mul3A_395 : vector<16xf32>
        %mul3A_397 = arith.mulf %mul3A_395, %mul3A_395 : vector<16xf32>
        %add3A_398 = arith.addf %add3A_378, %mul3A_397 : vector<16xf32>
        %gather3A_399 = tpu.vector_load_idx %arg11[%add3A_368, %broadcast_in_dim3A_16] : memref<3328x16xf32, #tpu.memory_space<vmem>>[vector<16xi32>, vector<16xi32>], vector<16xf32>,
        %mul3A_400 = arith.mulf %gather3A_399, %get3A_359 : vector<16xf32>
        %add3A_401 = arith.addf %add3A_308, %mul3A_400 : vector<16xf32>
        %mul3A_402 = arith.mulf %mul3A_400, %mul3A_400 : vector<16xf32>
        %add3A_403 = arith.addf %add3A_383, %mul3A_402 : vector<16xf32>
        %gather3A_404 = tpu.vector_load_idx %arg11[%add3A_368, %broadcast_in_dim3A_18] : memref<3328x16xf32, #tpu.memory_space<vmem>>[vector<16xi32>, vector<16xi32>], vector<16xf32>,
        %mul3A_405 = arith.mulf %gather3A_404, %get3A_359 : vector<16xf32>
        %add3A_406 = arith.addf %add3A_313, %mul3A_405 : vector<16xf32>
        %mul3A_407 = arith.mulf %mul3A_405, %mul3A_405 : vector<16xf32>
        %add3A_408 = arith.addf %add3A_388, %mul3A_407 : vector<16xf32>
        %gather3A_409 = tpu.vector_load_idx %arg11[%add3A_368, %broadcast_in_dim3A_20] : memref<3328x16xf32, #tpu.memory_space<vmem>>[vector<16xi32>, vector<16xi32>], vector<16xf32>,
        %mul3A_410 = arith.mulf %gather3A_409, %get3A_359 : vector<16xf32>
        %add3A_411 = arith.addf %add3A_318, %mul3A_410 : vector<16xf32>
        %mul3A_412 = arith.mulf %mul3A_410, %mul3A_410 : vector<16xf32>
        %add3A_413 = arith.addf %add3A_393, %mul3A_412 : vector<16xf32>
        %gather3A_414 = tpu.vector_load_idx %arg11[%add3A_368, %broadcast_in_dim3A_22] : memref<3328x16xf32, #tpu.memory_space<vmem>>[vector<16xi32>, vector<16xi32>], vector<16xf32>,
        %mul3A_415 = arith.mulf %gather3A_414, %get3A_359 : vector<16xf32>
        %add3A_416 = arith.addf %add3A_323, %mul3A_415 : vector<16xf32>
        %mul3A_417 = arith.mulf %mul3A_415, %mul3A_415 : vector<16xf32>
        %add3A_418 = arith.addf %add3A_398, %mul3A_417 : vector<16xf32>
        %gather3A_419 = tpu.vector_load_idx %arg11[%add3A_368, %broadcast_in_dim3A_24] : memref<3328x16xf32, #tpu.memory_space<vmem>>[vector<16xi32>, vector<16xi32>], vector<16xf32>,
        %mul3A_420 = arith.mulf %gather3A_419, %get3A_359 : vector<16xf32>
        %add3A_421 = arith.addf %add3A_328, %mul3A_420 : vector<16xf32>
        %mul3A_422 = arith.mulf %mul3A_420, %mul3A_420 : vector<16xf32>
        %add3A_423 = arith.addf %add3A_403, %mul3A_422 : vector<16xf32>
        %gather3A_424 = tpu.vector_load_idx %arg11[%add3A_368, %broadcast_in_dim3A_26] : memref<3328x16xf32, #tpu.memory_space<vmem>>[vector<16xi32>, vector<16xi32>], vector<16xf32>,
        %mul3A_425 = arith.mulf %gather3A_424, %get3A_359 : vector<16xf32>
        %add3A_426 = arith.addf %add3A_333, %mul3A_425 : vector<16xf32>
        %mul3A_427 = arith.mulf %mul3A_425, %mul3A_425 : vector<16xf32>
        %add3A_428 = arith.addf %add3A_408, %mul3A_427 : vector<16xf32>
        %gather3A_429 = tpu.vector_load_idx %arg11[%add3A_368, %broadcast_in_dim3A_28] : memref<3328x16xf32, #tpu.memory_space<vmem>>[vector<16xi32>, vector<16xi32>], vector<16xf32>,
        %mul3A_430 = arith.mulf %gather3A_429, %get3A_359 : vector<16xf32>
        %add3A_431 = arith.addf %add3A_338, %mul3A_430 : vector<16xf32>
        %mul3A_432 = arith.mulf %mul3A_430, %mul3A_430 : vector<16xf32>
        %add3A_433 = arith.addf %add3A_413, %mul3A_432 : vector<16xf32>
        %gather3A_434 = tpu.vector_load_idx %arg11[%add3A_368, %broadcast_in_dim3A_30] : memref<3328x16xf32, #tpu.memory_space<vmem>>[vector<16xi32>, vector<16xi32>], vector<16xf32>,
        %mul3A_435 = arith.mulf %gather3A_434, %get3A_359 : vector<16xf32>
        %add3A_436 = arith.addf %add3A_343, %mul3A_435 : vector<16xf32>
        %mul3A_437 = arith.mulf %mul3A_435, %mul3A_435 : vector<16xf32>
        %add3A_438 = arith.addf %add3A_418, %mul3A_437 : vector<16xf32>
        %gather3A_439 = tpu.vector_load_idx %arg11[%add3A_368, %broadcast_in_dim3A_32] : memref<3328x16xf32, #tpu.memory_space<vmem>>[vector<16xi32>, vector<16xi32>], vector<16xf32>,
        %mul3A_440 = arith.mulf %gather3A_439, %get3A_359 : vector<16xf32>
        %add3A_441 = arith.addf %add3A_348, %mul3A_440 : vector<16xf32>
        %mul3A_442 = arith.mulf %mul3A_440, %mul3A_440 : vector<16xf32>
        %add3A_443 = arith.addf %add3A_423, %mul3A_442 : vector<16xf32>
        %gather3A_444 = tpu.vector_load_idx %arg11[%add3A_368, %broadcast_in_dim3A_34] : memref<3328x16xf32, #tpu.memory_space<vmem>>[vector<16xi32>, vector<16xi32>], vector<16xf32>,
        %mul3A_445 = arith.mulf %gather3A_444, %get3A_359 : vector<16xf32>
        %add3A_446 = arith.addf %add3A_353, %mul3A_445 : vector<16xf32>
        %mul3A_447 = arith.mulf %mul3A_445, %mul3A_445 : vector<16xf32>
        %add3A_448 = arith.addf %add3A_428, %mul3A_447 : vector<16xf32>
        %get3A_449 = arith.constant 4 : i32
        %get3A_450 = arith.index_cast %get3A_449 : i32 to index
        %get3A_451 = arith.index_cast %mul3A_73 : i32 to index
        %get3A_452 = tpu.vector_load %arg10[%get3A_450, %get3A_451] {strides = array<i32>} : memref<26x128xf32, #tpu.memory_space<vmem>>, vector<16xf32>,
        %add3A_453 = arith.constant 512 : i32
        %add3A_454 = arith.addi %add3A_453, %mul3A_73 : i32
        %get3A_455 = arith.index_cast %add3A_454 : i32 to index
        %get3A_456 = tpu.vector_load %arg12[%get3A_455] {strides = array<i32>} : memref<3328xf32, #tpu.memory_space<vmem>>, vector<16xf32>,
        %mul3A_457 = arith.mulf %get3A_456, %get3A_452 : vector<16xf32>
        %add3A_458 = arith.addf %add3A_365, %mul3A_457 : vector<16xf32>
        %add3A_459 = arith.constant 512 : i32
        %add3A_460 = vector.broadcast %add3A_459 : i32 to vector<16xi32>
        %add3A_461 = arith.addi %add3A_75, %add3A_460 : vector<16xi32>
        %gather3A_462 = tpu.vector_load_idx %arg11[%add3A_461, %broadcast_in_dim3A_4] : memref<3328x16xf32, #tpu.memory_space<vmem>>[vector<16xi32>, vector<16xi32>], vector<16xf32>,
        %mul3A_463 = arith.mulf %gather3A_462, %get3A_452 : vector<16xf32>
        %add3A_464 = arith.addf %add3A_371, %mul3A_463 : vector<16xf32>
        %mul3A_465 = arith.mulf %mul3A_463, %mul3A_463 : vector<16xf32>
        %add3A_466 = arith.addf %add3A_433, %mul3A_465 : vector<16xf32>
        %gather3A_467 = tpu.vector_load_idx %arg11[%add3A_461, %broadcast_in_dim3A_6] : memref<3328x16xf32, #tpu.memory_space<vmem>>[vector<16xi32>, vector<16xi32>], vector<16xf32>,
        %mul3A_468 = arith.mulf %gather3A_467, %get3A_452 : vector<16xf32>
        %add3A_469 = arith.addf %add3A_376, %mul3A_468 : vector<16xf32>
        %mul3A_470 = arith.mulf %mul3A_468, %mul3A_468 : vector<16xf32>
        %add3A_471 = arith.addf %add3A_438, %mul3A_470 : vector<16xf32>
        %gather3A_472 = tpu.vector_load_idx %arg11[%add3A_461, %broadcast_in_dim3A_8] : memref<3328x16xf32, #tpu.memory_space<vmem>>[vector<16xi32>, vector<16xi32>], vector<16xf32>,
        %mul3A_473 = arith.mulf %gather3A_472, %get3A_452 : vector<16xf32>
        %add3A_474 = arith.addf %add3A_381, %mul3A_473 : vector<16xf32>
        %mul3A_475 = arith.mulf %mul3A_473, %mul3A_473 : vector<16xf32>
        %add3A_476 = arith.addf %add3A_443, %mul3A_475 : vector<16xf32>
        %gather3A_477 = tpu.vector_load_idx %arg11[%add3A_461, %broadcast_in_dim3A_10] : memref<3328x16xf32, #tpu.memory_space<vmem>>[vector<16xi32>, vector<16xi32>], vector<16xf32>,
        %mul3A_478 = arith.mulf %gather3A_477, %get3A_452 : vector<16xf32>
        %add3A_479 = arith.addf %add3A_386, %mul3A_478 : vector<16xf32>
        %mul3A_480 = arith.mulf %mul3A_478, %mul3A_478 : vector<16xf32>
        %add3A_481 = arith.addf %add3A_448, %mul3A_480 : vector<16xf32>
        %gather3A_482 = tpu.vector_load_idx %arg11[%add3A_461, %broadcast_in_dim3A_12] : memref<3328x16xf32, #tpu.memory_space<vmem>>[vector<16xi32>, vector<16xi32>], vector<16xf32>,
        %mul3A_483 = arith.mulf %gather3A_482, %get3A_452 : vector<16xf32>
        %add3A_484 = arith.addf %add3A_391, %mul3A_483 : vector<16xf32>
        %mul3A_485 = arith.mulf %mul3A_483, %mul3A_483 : vector<16xf32>
        %add3A_486 = arith.addf %add3A_466, %mul3A_485 : vector<16xf32>
        %gather3A_487 = tpu.vector_load_idx %arg11[%add3A_461, %broadcast_in_dim3A_14] : memref<3328x16xf32, #tpu.memory_space<vmem>>[vector<16xi32>, vector<16xi32>], vector<16xf32>,
        %mul3A_488 = arith.mulf %gather3A_487, %get3A_452 : vector<16xf32>
        %add3A_489 = arith.addf %add3A_396, %mul3A_488 : vector<16xf32>
        %mul3A_490 = arith.mulf %mul3A_488, %mul3A_488 : vector<16xf32>
        %add3A_491 = arith.addf %add3A_471, %mul3A_490 : vector<16xf32>
        %gather3A_492 = tpu.vector_load_idx %arg11[%add3A_461, %broadcast_in_dim3A_16] : memref<3328x16xf32, #tpu.memory_space<vmem>>[vector<16xi32>, vector<16xi32>], vector<16xf32>,
        %mul3A_493 = arith.mulf %gather3A_492, %get3A_452 : vector<16xf32>
        %add3A_494 = arith.addf %add3A_401, %mul3A_493 : vector<16xf32>
        %mul3A_495 = arith.mulf %mul3A_493, %mul3A_493 : vector<16xf32>
        %add3A_496 = arith.addf %add3A_476, %mul3A_495 : vector<16xf32>
        %gather3A_497 = tpu.vector_load_idx %arg11[%add3A_461, %broadcast_in_dim3A_18] : memref<3328x16xf32, #tpu.memory_space<vmem>>[vector<16xi32>, vector<16xi32>], vector<16xf32>,
        %mul3A_498 = arith.mulf %gather3A_497, %get3A_452 : vector<16xf32>
        %add3A_499 = arith.addf %add3A_406, %mul3A_498 : vector<16xf32>
        %mul3A_500 = arith.mulf %mul3A_498, %mul3A_498 : vector<16xf32>
        %add3A_501 = arith.addf %add3A_481, %mul3A_500 : vector<16xf32>
        %gather3A_502 = tpu.vector_load_idx %arg11[%add3A_461, %broadcast_in_dim3A_20] : memref<3328x16xf32, #tpu.memory_space<vmem>>[vector<16xi32>, vector<16xi32>], vector<16xf32>,
        %mul3A_503 = arith.mulf %gather3A_502, %get3A_452 : vector<16xf32>
        %add3A_504 = arith.addf %add3A_411, %mul3A_503 : vector<16xf32>
        %mul3A_505 = arith.mulf %mul3A_503, %mul3A_503 : vector<16xf32>
        %add3A_506 = arith.addf %add3A_486, %mul3A_505 : vector<16xf32>
        %gather3A_507 = tpu.vector_load_idx %arg11[%add3A_461, %broadcast_in_dim3A_22] : memref<3328x16xf32, #tpu.memory_space<vmem>>[vector<16xi32>, vector<16xi32>], vector<16xf32>,
        %mul3A_508 = arith.mulf %gather3A_507, %get3A_452 : vector<16xf32>
        %add3A_509 = arith.addf %add3A_416, %mul3A_508 : vector<16xf32>
        %mul3A_510 = arith.mulf %mul3A_508, %mul3A_508 : vector<16xf32>
        %add3A_511 = arith.addf %add3A_491, %mul3A_510 : vector<16xf32>
        %gather3A_512 = tpu.vector_load_idx %arg11[%add3A_461, %broadcast_in_dim3A_24] : memref<3328x16xf32, #tpu.memory_space<vmem>>[vector<16xi32>, vector<16xi32>], vector<16xf32>,
        %mul3A_513 = arith.mulf %gather3A_512, %get3A_452 : vector<16xf32>
        %add3A_514 = arith.addf %add3A_421, %mul3A_513 : vector<16xf32>
        %mul3A_515 = arith.mulf %mul3A_513, %mul3A_513 : vector<16xf32>
        %add3A_516 = arith.addf %add3A_496, %mul3A_515 : vector<16xf32>
        %gather3A_517 = tpu.vector_load_idx %arg11[%add3A_461, %broadcast_in_dim3A_26] : memref<3328x16xf32, #tpu.memory_space<vmem>>[vector<16xi32>, vector<16xi32>], vector<16xf32>,
        %mul3A_518 = arith.mulf %gather3A_517, %get3A_452 : vector<16xf32>
        %add3A_519 = arith.addf %add3A_426, %mul3A_518 : vector<16xf32>
        %mul3A_520 = arith.mulf %mul3A_518, %mul3A_518 : vector<16xf32>
        %add3A_521 = arith.addf %add3A_501, %mul3A_520 : vector<16xf32>
        %gather3A_522 = tpu.vector_load_idx %arg11[%add3A_461, %broadcast_in_dim3A_28] : memref<3328x16xf32, #tpu.memory_space<vmem>>[vector<16xi32>, vector<16xi32>], vector<16xf32>,
        %mul3A_523 = arith.mulf %gather3A_522, %get3A_452 : vector<16xf32>
        %add3A_524 = arith.addf %add3A_431, %mul3A_523 : vector<16xf32>
        %mul3A_525 = arith.mulf %mul3A_523, %mul3A_523 : vector<16xf32>
        %add3A_526 = arith.addf %add3A_506, %mul3A_525 : vector<16xf32>
        %gather3A_527 = tpu.vector_load_idx %arg11[%add3A_461, %broadcast_in_dim3A_30] : memref<3328x16xf32, #tpu.memory_space<vmem>>[vector<16xi32>, vector<16xi32>], vector<16xf32>,
        %mul3A_528 = arith.mulf %gather3A_527, %get3A_452 : vector<16xf32>
        %add3A_529 = arith.addf %add3A_436, %mul3A_528 : vector<16xf32>
        %mul3A_530 = arith.mulf %mul3A_528, %mul3A_528 : vector<16xf32>
        %add3A_531 = arith.addf %add3A_511, %mul3A_530 : vector<16xf32>
        %gather3A_532 = tpu.vector_load_idx %arg11[%add3A_461, %broadcast_in_dim3A_32] : memref<3328x16xf32, #tpu.memory_space<vmem>>[vector<16xi32>, vector<16xi32>], vector<16xf32>,
        %mul3A_533 = arith.mulf %gather3A_532, %get3A_452 : vector<16xf32>
        %add3A_534 = arith.addf %add3A_441, %mul3A_533 : vector<16xf32>
        %mul3A_535 = arith.mulf %mul3A_533, %mul3A_533 : vector<16xf32>
        %add3A_536 = arith.addf %add3A_516, %mul3A_535 : vector<16xf32>
        %gather3A_537 = tpu.vector_load_idx %arg11[%add3A_461, %broadcast_in_dim3A_34] : memref<3328x16xf32, #tpu.memory_space<vmem>>[vector<16xi32>, vector<16xi32>], vector<16xf32>,
        %mul3A_538 = arith.mulf %gather3A_537, %get3A_452 : vector<16xf32>
        %add3A_539 = arith.addf %add3A_446, %mul3A_538 : vector<16xf32>
        %mul3A_540 = arith.mulf %mul3A_538, %mul3A_538 : vector<16xf32>
        %add3A_541 = arith.addf %add3A_521, %mul3A_540 : vector<16xf32>
        %get3A_542 = arith.constant 5 : i32
        %get3A_543 = arith.index_cast %get3A_542 : i32 to index
        %get3A_544 = arith.index_cast %mul3A_73 : i32 to index
        %get3A_545 = tpu.vector_load %arg10[%get3A_543, %get3A_544] {strides = array<i32>} : memref<26x128xf32, #tpu.memory_space<vmem>>, vector<16xf32>,
        %add3A_546 = arith.constant 640 : i32
        %add3A_547 = arith.addi %add3A_546, %mul3A_73 : i32
        %get3A_548 = arith.index_cast %add3A_547 : i32 to index
        %get3A_549 = tpu.vector_load %arg12[%get3A_548] {strides = array<i32>} : memref<3328xf32, #tpu.memory_space<vmem>>, vector<16xf32>,
        %mul3A_550 = arith.mulf %get3A_549, %get3A_545 : vector<16xf32>
        %add3A_551 = arith.addf %add3A_458, %mul3A_550 : vector<16xf32>
        %add3A_552 = arith.constant 640 : i32
        %add3A_553 = vector.broadcast %add3A_552 : i32 to vector<16xi32>
        %add3A_554 = arith.addi %add3A_75, %add3A_553 : vector<16xi32>
        %gather3A_555 = tpu.vector_load_idx %arg11[%add3A_554, %broadcast_in_dim3A_4] : memref<3328x16xf32, #tpu.memory_space<vmem>>[vector<16xi32>, vector<16xi32>], vector<16xf32>,
        %mul3A_556 = arith.mulf %gather3A_555, %get3A_545 : vector<16xf32>
        %add3A_557 = arith.addf %add3A_464, %mul3A_556 : vector<16xf32>
        %mul3A_558 = arith.mulf %mul3A_556, %mul3A_556 : vector<16xf32>
        %add3A_559 = arith.addf %add3A_526, %mul3A_558 : vector<16xf32>
        %gather3A_560 = tpu.vector_load_idx %arg11[%add3A_554, %broadcast_in_dim3A_6] : memref<3328x16xf32, #tpu.memory_space<vmem>>[vector<16xi32>, vector<16xi32>], vector<16xf32>,
        %mul3A_561 = arith.mulf %gather3A_560, %get3A_545 : vector<16xf32>
        %add3A_562 = arith.addf %add3A_469, %mul3A_561 : vector<16xf32>
        %mul3A_563 = arith.mulf %mul3A_561, %mul3A_561 : vector<16xf32>
        %add3A_564 = arith.addf %add3A_531, %mul3A_563 : vector<16xf32>
        %gather3A_565 = tpu.vector_load_idx %arg11[%add3A_554, %broadcast_in_dim3A_8] : memref<3328x16xf32, #tpu.memory_space<vmem>>[vector<16xi32>, vector<16xi32>], vector<16xf32>,
        %mul3A_566 = arith.mulf %gather3A_565, %get3A_545 : vector<16xf32>
        %add3A_567 = arith.addf %add3A_474, %mul3A_566 : vector<16xf32>
        %mul3A_568 = arith.mulf %mul3A_566, %mul3A_566 : vector<16xf32>
        %add3A_569 = arith.addf %add3A_536, %mul3A_568 : vector<16xf32>
        %gather3A_570 = tpu.vector_load_idx %arg11[%add3A_554, %broadcast_in_dim3A_10] : memref<3328x16xf32, #tpu.memory_space<vmem>>[vector<16xi32>, vector<16xi32>], vector<16xf32>,
        %mul3A_571 = arith.mulf %gather3A_570, %get3A_545 : vector<16xf32>
        %add3A_572 = arith.addf %add3A_479, %mul3A_571 : vector<16xf32>
        %mul3A_573 = arith.mulf %mul3A_571, %mul3A_571 : vector<16xf32>
        %add3A_574 = arith.addf %add3A_541, %mul3A_573 : vector<16xf32>
        %gather3A_575 = tpu.vector_load_idx %arg11[%add3A_554, %broadcast_in_dim3A_12] : memref<3328x16xf32, #tpu.memory_space<vmem>>[vector<16xi32>, vector<16xi32>], vector<16xf32>,
        %mul3A_576 = arith.mulf %gather3A_575, %get3A_545 : vector<16xf32>
        %add3A_577 = arith.addf %add3A_484, %mul3A_576 : vector<16xf32>
        %mul3A_578 = arith.mulf %mul3A_576, %mul3A_576 : vector<16xf32>
        %add3A_579 = arith.addf %add3A_559, %mul3A_578 : vector<16xf32>
        %gather3A_580 = tpu.vector_load_idx %arg11[%add3A_554, %broadcast_in_dim3A_14] : memref<3328x16xf32, #tpu.memory_space<vmem>>[vector<16xi32>, vector<16xi32>], vector<16xf32>,
        %mul3A_581 = arith.mulf %gather3A_580, %get3A_545 : vector<16xf32>
        %add3A_582 = arith.addf %add3A_489, %mul3A_581 : vector<16xf32>
        %mul3A_583 = arith.mulf %mul3A_581, %mul3A_581 : vector<16xf32>
        %add3A_584 = arith.addf %add3A_564, %mul3A_583 : vector<16xf32>
        %gather3A_585 = tpu.vector_load_idx %arg11[%add3A_554, %broadcast_in_dim3A_16] : memref<3328x16xf32, #tpu.memory_space<vmem>>[vector<16xi32>, vector<16xi32>], vector<16xf32>,
        %mul3A_586 = arith.mulf %gather3A_585, %get3A_545 : vector<16xf32>
        %add3A_587 = arith.addf %add3A_494, %mul3A_586 : vector<16xf32>
        %mul3A_588 = arith.mulf %mul3A_586, %mul3A_586 : vector<16xf32>
        %add3A_589 = arith.addf %add3A_569, %mul3A_588 : vector<16xf32>
        %gather3A_590 = tpu.vector_load_idx %arg11[%add3A_554, %broadcast_in_dim3A_18] : memref<3328x16xf32, #tpu.memory_space<vmem>>[vector<16xi32>, vector<16xi32>], vector<16xf32>,
        %mul3A_591 = arith.mulf %gather3A_590, %get3A_545 : vector<16xf32>
        %add3A_592 = arith.addf %add3A_499, %mul3A_591 : vector<16xf32>
        %mul3A_593 = arith.mulf %mul3A_591, %mul3A_591 : vector<16xf32>
        %add3A_594 = arith.addf %add3A_574, %mul3A_593 : vector<16xf32>
        %gather3A_595 = tpu.vector_load_idx %arg11[%add3A_554, %broadcast_in_dim3A_20] : memref<3328x16xf32, #tpu.memory_space<vmem>>[vector<16xi32>, vector<16xi32>], vector<16xf32>,
        %mul3A_596 = arith.mulf %gather3A_595, %get3A_545 : vector<16xf32>
        %add3A_597 = arith.addf %add3A_504, %mul3A_596 : vector<16xf32>
        %mul3A_598 = arith.mulf %mul3A_596, %mul3A_596 : vector<16xf32>
        %add3A_599 = arith.addf %add3A_579, %mul3A_598 : vector<16xf32>
        %gather3A_600 = tpu.vector_load_idx %arg11[%add3A_554, %broadcast_in_dim3A_22] : memref<3328x16xf32, #tpu.memory_space<vmem>>[vector<16xi32>, vector<16xi32>], vector<16xf32>,
        %mul3A_601 = arith.mulf %gather3A_600, %get3A_545 : vector<16xf32>
        %add3A_602 = arith.addf %add3A_509, %mul3A_601 : vector<16xf32>
        %mul3A_603 = arith.mulf %mul3A_601, %mul3A_601 : vector<16xf32>
        %add3A_604 = arith.addf %add3A_584, %mul3A_603 : vector<16xf32>
        %gather3A_605 = tpu.vector_load_idx %arg11[%add3A_554, %broadcast_in_dim3A_24] : memref<3328x16xf32, #tpu.memory_space<vmem>>[vector<16xi32>, vector<16xi32>], vector<16xf32>,
        %mul3A_606 = arith.mulf %gather3A_605, %get3A_545 : vector<16xf32>
        %add3A_607 = arith.addf %add3A_514, %mul3A_606 : vector<16xf32>
        %mul3A_608 = arith.mulf %mul3A_606, %mul3A_606 : vector<16xf32>
        %add3A_609 = arith.addf %add3A_589, %mul3A_608 : vector<16xf32>
        %gather3A_610 = tpu.vector_load_idx %arg11[%add3A_554, %broadcast_in_dim3A_26] : memref<3328x16xf32, #tpu.memory_space<vmem>>[vector<16xi32>, vector<16xi32>], vector<16xf32>,
        %mul3A_611 = arith.mulf %gather3A_610, %get3A_545 : vector<16xf32>
        %add3A_612 = arith.addf %add3A_519, %mul3A_611 : vector<16xf32>
        %mul3A_613 = arith.mulf %mul3A_611, %mul3A_611 : vector<16xf32>
        %add3A_614 = arith.addf %add3A_594, %mul3A_613 : vector<16xf32>
        %gather3A_615 = tpu.vector_load_idx %arg11[%add3A_554, %broadcast_in_dim3A_28] : memref<3328x16xf32, #tpu.memory_space<vmem>>[vector<16xi32>, vector<16xi32>], vector<16xf32>,
        %mul3A_616 = arith.mulf %gather3A_615, %get3A_545 : vector<16xf32>
        %add3A_617 = arith.addf %add3A_524, %mul3A_616 : vector<16xf32>
        %mul3A_618 = arith.mulf %mul3A_616, %mul3A_616 : vector<16xf32>
        %add3A_619 = arith.addf %add3A_599, %mul3A_618 : vector<16xf32>
        %gather3A_620 = tpu.vector_load_idx %arg11[%add3A_554, %broadcast_in_dim3A_30] : memref<3328x16xf32, #tpu.memory_space<vmem>>[vector<16xi32>, vector<16xi32>], vector<16xf32>,
        %mul3A_621 = arith.mulf %gather3A_620, %get3A_545 : vector<16xf32>
        %add3A_622 = arith.addf %add3A_529, %mul3A_621 : vector<16xf32>
        %mul3A_623 = arith.mulf %mul3A_621, %mul3A_621 : vector<16xf32>
        %add3A_624 = arith.addf %add3A_604, %mul3A_623 : vector<16xf32>
        %gather3A_625 = tpu.vector_load_idx %arg11[%add3A_554, %broadcast_in_dim3A_32] : memref<3328x16xf32, #tpu.memory_space<vmem>>[vector<16xi32>, vector<16xi32>], vector<16xf32>,
        %mul3A_626 = arith.mulf %gather3A_625, %get3A_545 : vector<16xf32>
        %add3A_627 = arith.addf %add3A_534, %mul3A_626 : vector<16xf32>
        %mul3A_628 = arith.mulf %mul3A_626, %mul3A_626 : vector<16xf32>
        %add3A_629 = arith.addf %add3A_609, %mul3A_628 : vector<16xf32>
        %gather3A_630 = tpu.vector_load_idx %arg11[%add3A_554, %broadcast_in_dim3A_34] : memref<3328x16xf32, #tpu.memory_space<vmem>>[vector<16xi32>, vector<16xi32>], vector<16xf32>,
        %mul3A_631 = arith.mulf %gather3A_630, %get3A_545 : vector<16xf32>
        %add3A_632 = arith.addf %add3A_539, %mul3A_631 : vector<16xf32>
        %mul3A_633 = arith.mulf %mul3A_631, %mul3A_631 : vector<16xf32>
        %add3A_634 = arith.addf %add3A_614, %mul3A_633 : vector<16xf32>
        %get3A_635 = arith.constant 6 : i32
        %get3A_636 = arith.index_cast %get3A_635 : i32 to index
        %get3A_637 = arith.index_cast %mul3A_73 : i32 to index
        %get3A_638 = tpu.vector_load %arg10[%get3A_636, %get3A_637] {strides = array<i32>} : memref<26x128xf32, #tpu.memory_space<vmem>>, vector<16xf32>,
        %add3A_639 = arith.constant 768 : i32
        %add3A_640 = arith.addi %add3A_639, %mul3A_73 : i32
        %get3A_641 = arith.index_cast %add3A_640 : i32 to index
        %get3A_642 = tpu.vector_load %arg12[%get3A_641] {strides = array<i32>} : memref<3328xf32, #tpu.memory_space<vmem>>, vector<16xf32>,
        %mul3A_643 = arith.mulf %get3A_642, %get3A_638 : vector<16xf32>
        %add3A_644 = arith.addf %add3A_551, %mul3A_643 : vector<16xf32>
        %add3A_645 = arith.constant 768 : i32
        %add3A_646 = vector.broadcast %add3A_645 : i32 to vector<16xi32>
        %add3A_647 = arith.addi %add3A_75, %add3A_646 : vector<16xi32>
        %gather3A_648 = tpu.vector_load_idx %arg11[%add3A_647, %broadcast_in_dim3A_4] : memref<3328x16xf32, #tpu.memory_space<vmem>>[vector<16xi32>, vector<16xi32>], vector<16xf32>,
        %mul3A_649 = arith.mulf %gather3A_648, %get3A_638 : vector<16xf32>
        %add3A_650 = arith.addf %add3A_557, %mul3A_649 : vector<16xf32>
        %mul3A_651 = arith.mulf %mul3A_649, %mul3A_649 : vector<16xf32>
        %add3A_652 = arith.addf %add3A_619, %mul3A_651 : vector<16xf32>
        %gather3A_653 = tpu.vector_load_idx %arg11[%add3A_647, %broadcast_in_dim3A_6] : memref<3328x16xf32, #tpu.memory_space<vmem>>[vector<16xi32>, vector<16xi32>], vector<16xf32>,
        %mul3A_654 = arith.mulf %gather3A_653, %get3A_638 : vector<16xf32>
        %add3A_655 = arith.addf %add3A_562, %mul3A_654 : vector<16xf32>
        %mul3A_656 = arith.mulf %mul3A_654, %mul3A_654 : vector<16xf32>
        %add3A_657 = arith.addf %add3A_624, %mul3A_656 : vector<16xf32>
        %gather3A_658 = tpu.vector_load_idx %arg11[%add3A_647, %broadcast_in_dim3A_8] : memref<3328x16xf32, #tpu.memory_space<vmem>>[vector<16xi32>, vector<16xi32>], vector<16xf32>,
        %mul3A_659 = arith.mulf %gather3A_658, %get3A_638 : vector<16xf32>
        %add3A_660 = arith.addf %add3A_567, %mul3A_659 : vector<16xf32>
        %mul3A_661 = arith.mulf %mul3A_659, %mul3A_659 : vector<16xf32>
        %add3A_662 = arith.addf %add3A_629, %mul3A_661 : vector<16xf32>
        %gather3A_663 = tpu.vector_load_idx %arg11[%add3A_647, %broadcast_in_dim3A_10] : memref<3328x16xf32, #tpu.memory_space<vmem>>[vector<16xi32>, vector<16xi32>], vector<16xf32>,
        %mul3A_664 = arith.mulf %gather3A_663, %get3A_638 : vector<16xf32>
        %add3A_665 = arith.addf %add3A_572, %mul3A_664 : vector<16xf32>
        %mul3A_666 = arith.mulf %mul3A_664, %mul3A_664 : vector<16xf32>
        %add3A_667 = arith.addf %add3A_634, %mul3A_666 : vector<16xf32>
        %gather3A_668 = tpu.vector_load_idx %arg11[%add3A_647, %broadcast_in_dim3A_12] : memref<3328x16xf32, #tpu.memory_space<vmem>>[vector<16xi32>, vector<16xi32>], vector<16xf32>,
        %mul3A_669 = arith.mulf %gather3A_668, %get3A_638 : vector<16xf32>
        %add3A_670 = arith.addf %add3A_577, %mul3A_669 : vector<16xf32>
        %mul3A_671 = arith.mulf %mul3A_669, %mul3A_669 : vector<16xf32>
        %add3A_672 = arith.addf %add3A_652, %mul3A_671 : vector<16xf32>
        %gather3A_673 = tpu.vector_load_idx %arg11[%add3A_647, %broadcast_in_dim3A_14] : memref<3328x16xf32, #tpu.memory_space<vmem>>[vector<16xi32>, vector<16xi32>], vector<16xf32>,
        %mul3A_674 = arith.mulf %gather3A_673, %get3A_638 : vector<16xf32>
        %add3A_675 = arith.addf %add3A_582, %mul3A_674 : vector<16xf32>
        %mul3A_676 = arith.mulf %mul3A_674, %mul3A_674 : vector<16xf32>
        %add3A_677 = arith.addf %add3A_657, %mul3A_676 : vector<16xf32>
        %gather3A_678 = tpu.vector_load_idx %arg11[%add3A_647, %broadcast_in_dim3A_16] : memref<3328x16xf32, #tpu.memory_space<vmem>>[vector<16xi32>, vector<16xi32>], vector<16xf32>,
        %mul3A_679 = arith.mulf %gather3A_678, %get3A_638 : vector<16xf32>
        %add3A_680 = arith.addf %add3A_587, %mul3A_679 : vector<16xf32>
        %mul3A_681 = arith.mulf %mul3A_679, %mul3A_679 : vector<16xf32>
        %add3A_682 = arith.addf %add3A_662, %mul3A_681 : vector<16xf32>
        %gather3A_683 = tpu.vector_load_idx %arg11[%add3A_647, %broadcast_in_dim3A_18] : memref<3328x16xf32, #tpu.memory_space<vmem>>[vector<16xi32>, vector<16xi32>], vector<16xf32>,
        %mul3A_684 = arith.mulf %gather3A_683, %get3A_638 : vector<16xf32>
        %add3A_685 = arith.addf %add3A_592, %mul3A_684 : vector<16xf32>
        %mul3A_686 = arith.mulf %mul3A_684, %mul3A_684 : vector<16xf32>
        %add3A_687 = arith.addf %add3A_667, %mul3A_686 : vector<16xf32>
        %gather3A_688 = tpu.vector_load_idx %arg11[%add3A_647, %broadcast_in_dim3A_20] : memref<3328x16xf32, #tpu.memory_space<vmem>>[vector<16xi32>, vector<16xi32>], vector<16xf32>,
        %mul3A_689 = arith.mulf %gather3A_688, %get3A_638 : vector<16xf32>
        %add3A_690 = arith.addf %add3A_597, %mul3A_689 : vector<16xf32>
        %mul3A_691 = arith.mulf %mul3A_689, %mul3A_689 : vector<16xf32>
        %add3A_692 = arith.addf %add3A_672, %mul3A_691 : vector<16xf32>
        %gather3A_693 = tpu.vector_load_idx %arg11[%add3A_647, %broadcast_in_dim3A_22] : memref<3328x16xf32, #tpu.memory_space<vmem>>[vector<16xi32>, vector<16xi32>], vector<16xf32>,
        %mul3A_694 = arith.mulf %gather3A_693, %get3A_638 : vector<16xf32>
        %add3A_695 = arith.addf %add3A_602, %mul3A_694 : vector<16xf32>
        %mul3A_696 = arith.mulf %mul3A_694, %mul3A_694 : vector<16xf32>
        %add3A_697 = arith.addf %add3A_677, %mul3A_696 : vector<16xf32>
        %gather3A_698 = tpu.vector_load_idx %arg11[%add3A_647, %broadcast_in_dim3A_24] : memref<3328x16xf32, #tpu.memory_space<vmem>>[vector<16xi32>, vector<16xi32>], vector<16xf32>,
        %mul3A_699 = arith.mulf %gather3A_698, %get3A_638 : vector<16xf32>
        %add3A_700 = arith.addf %add3A_607, %mul3A_699 : vector<16xf32>
        %mul3A_701 = arith.mulf %mul3A_699, %mul3A_699 : vector<16xf32>
        %add3A_702 = arith.addf %add3A_682, %mul3A_701 : vector<16xf32>
        %gather3A_703 = tpu.vector_load_idx %arg11[%add3A_647, %broadcast_in_dim3A_26] : memref<3328x16xf32, #tpu.memory_space<vmem>>[vector<16xi32>, vector<16xi32>], vector<16xf32>,
        %mul3A_704 = arith.mulf %gather3A_703, %get3A_638 : vector<16xf32>
        %add3A_705 = arith.addf %add3A_612, %mul3A_704 : vector<16xf32>
        %mul3A_706 = arith.mulf %mul3A_704, %mul3A_704 : vector<16xf32>
        %add3A_707 = arith.addf %add3A_687, %mul3A_706 : vector<16xf32>
        %gather3A_708 = tpu.vector_load_idx %arg11[%add3A_647, %broadcast_in_dim3A_28] : memref<3328x16xf32, #tpu.memory_space<vmem>>[vector<16xi32>, vector<16xi32>], vector<16xf32>,
        %mul3A_709 = arith.mulf %gather3A_708, %get3A_638 : vector<16xf32>
        %add3A_710 = arith.addf %add3A_617, %mul3A_709 : vector<16xf32>
        %mul3A_711 = arith.mulf %mul3A_709, %mul3A_709 : vector<16xf32>
        %add3A_712 = arith.addf %add3A_692, %mul3A_711 : vector<16xf32>
        %gather3A_713 = tpu.vector_load_idx %arg11[%add3A_647, %broadcast_in_dim3A_30] : memref<3328x16xf32, #tpu.memory_space<vmem>>[vector<16xi32>, vector<16xi32>], vector<16xf32>,
        %mul3A_714 = arith.mulf %gather3A_713, %get3A_638 : vector<16xf32>
        %add3A_715 = arith.addf %add3A_622, %mul3A_714 : vector<16xf32>
        %mul3A_716 = arith.mulf %mul3A_714, %mul3A_714 : vector<16xf32>
        %add3A_717 = arith.addf %add3A_697, %mul3A_716 : vector<16xf32>
        %gather3A_718 = tpu.vector_load_idx %arg11[%add3A_647, %broadcast_in_dim3A_32] : memref<3328x16xf32, #tpu.memory_space<vmem>>[vector<16xi32>, vector<16xi32>], vector<16xf32>,
        %mul3A_719 = arith.mulf %gather3A_718, %get3A_638 : vector<16xf32>
        %add3A_720 = arith.addf %add3A_627, %mul3A_719 : vector<16xf32>
        %mul3A_721 = arith.mulf %mul3A_719, %mul3A_719 : vector<16xf32>
        %add3A_722 = arith.addf %add3A_702, %mul3A_721 : vector<16xf32>
        %gather3A_723 = tpu.vector_load_idx %arg11[%add3A_647, %broadcast_in_dim3A_34] : memref<3328x16xf32, #tpu.memory_space<vmem>>[vector<16xi32>, vector<16xi32>], vector<16xf32>,
        %mul3A_724 = arith.mulf %gather3A_723, %get3A_638 : vector<16xf32>
        %add3A_725 = arith.addf %add3A_632, %mul3A_724 : vector<16xf32>
        %mul3A_726 = arith.mulf %mul3A_724, %mul3A_724 : vector<16xf32>
        %add3A_727 = arith.addf %add3A_707, %mul3A_726 : vector<16xf32>
        %get3A_728 = arith.constant 7 : i32
        %get3A_729 = arith.index_cast %get3A_728 : i32 to index
        %get3A_730 = arith.index_cast %mul3A_73 : i32 to index
        %get3A_731 = tpu.vector_load %arg10[%get3A_729, %get3A_730] {strides = array<i32>} : memref<26x128xf32, #tpu.memory_space<vmem>>, vector<16xf32>,
        %add3A_732 = arith.constant 896 : i32
        %add3A_733 = arith.addi %add3A_732, %mul3A_73 : i32
        %get3A_734 = arith.index_cast %add3A_733 : i32 to index
        %get3A_735 = tpu.vector_load %arg12[%get3A_734] {strides = array<i32>} : memref<3328xf32, #tpu.memory_space<vmem>>, vector<16xf32>,
        %mul3A_736 = arith.mulf %get3A_735, %get3A_731 : vector<16xf32>
        %add3A_737 = arith.addf %add3A_644, %mul3A_736 : vector<16xf32>
        %add3A_738 = arith.constant 896 : i32
        %add3A_739 = vector.broadcast %add3A_738 : i32 to vector<16xi32>
        %add3A_740 = arith.addi %add3A_75, %add3A_739 : vector<16xi32>
        %gather3A_741 = tpu.vector_load_idx %arg11[%add3A_740, %broadcast_in_dim3A_4] : memref<3328x16xf32, #tpu.memory_space<vmem>>[vector<16xi32>, vector<16xi32>], vector<16xf32>,
        %mul3A_742 = arith.mulf %gather3A_741, %get3A_731 : vector<16xf32>
        %add3A_743 = arith.addf %add3A_650, %mul3A_742 : vector<16xf32>
        %mul3A_744 = arith.mulf %mul3A_742, %mul3A_742 : vector<16xf32>
        %add3A_745 = arith.addf %add3A_712, %mul3A_744 : vector<16xf32>
        %gather3A_746 = tpu.vector_load_idx %arg11[%add3A_740, %broadcast_in_dim3A_6] : memref<3328x16xf32, #tpu.memory_space<vmem>>[vector<16xi32>, vector<16xi32>], vector<16xf32>,
        %mul3A_747 = arith.mulf %gather3A_746, %get3A_731 : vector<16xf32>
        %add3A_748 = arith.addf %add3A_655, %mul3A_747 : vector<16xf32>
        %mul3A_749 = arith.mulf %mul3A_747, %mul3A_747 : vector<16xf32>
        %add3A_750 = arith.addf %add3A_717, %mul3A_749 : vector<16xf32>
        %gather3A_751 = tpu.vector_load_idx %arg11[%add3A_740, %broadcast_in_dim3A_8] : memref<3328x16xf32, #tpu.memory_space<vmem>>[vector<16xi32>, vector<16xi32>], vector<16xf32>,
        %mul3A_752 = arith.mulf %gather3A_751, %get3A_731 : vector<16xf32>
        %add3A_753 = arith.addf %add3A_660, %mul3A_752 : vector<16xf32>
        %mul3A_754 = arith.mulf %mul3A_752, %mul3A_752 : vector<16xf32>
        %add3A_755 = arith.addf %add3A_722, %mul3A_754 : vector<16xf32>
        %gather3A_756 = tpu.vector_load_idx %arg11[%add3A_740, %broadcast_in_dim3A_10] : memref<3328x16xf32, #tpu.memory_space<vmem>>[vector<16xi32>, vector<16xi32>], vector<16xf32>,
        %mul3A_757 = arith.mulf %gather3A_756, %get3A_731 : vector<16xf32>
        %add3A_758 = arith.addf %add3A_665, %mul3A_757 : vector<16xf32>
        %mul3A_759 = arith.mulf %mul3A_757, %mul3A_757 : vector<16xf32>
        %add3A_760 = arith.addf %add3A_727, %mul3A_759 : vector<16xf32>
        %gather3A_761 = tpu.vector_load_idx %arg11[%add3A_740, %broadcast_in_dim3A_12] : memref<3328x16xf32, #tpu.memory_space<vmem>>[vector<16xi32>, vector<16xi32>], vector<16xf32>,
        %mul3A_762 = arith.mulf %gather3A_761, %get3A_731 : vector<16xf32>
        %add3A_763 = arith.addf %add3A_670, %mul3A_762 : vector<16xf32>
        %mul3A_764 = arith.mulf %mul3A_762, %mul3A_762 : vector<16xf32>
        %add3A_765 = arith.addf %add3A_745, %mul3A_764 : vector<16xf32>
        %gather3A_766 = tpu.vector_load_idx %arg11[%add3A_740, %broadcast_in_dim3A_14] : memref<3328x16xf32, #tpu.memory_space<vmem>>[vector<16xi32>, vector<16xi32>], vector<16xf32>,
        %mul3A_767 = arith.mulf %gather3A_766, %get3A_731 : vector<16xf32>
        %add3A_768 = arith.addf %add3A_675, %mul3A_767 : vector<16xf32>
        %mul3A_769 = arith.mulf %mul3A_767, %mul3A_767 : vector<16xf32>
        %add3A_770 = arith.addf %add3A_750, %mul3A_769 : vector<16xf32>
        %gather3A_771 = tpu.vector_load_idx %arg11[%add3A_740, %broadcast_in_dim3A_16] : memref<3328x16xf32, #tpu.memory_space<vmem>>[vector<16xi32>, vector<16xi32>], vector<16xf32>,
        %mul3A_772 = arith.mulf %gather3A_771, %get3A_731 : vector<16xf32>
        %add3A_773 = arith.addf %add3A_680, %mul3A_772 : vector<16xf32>
        %mul3A_774 = arith.mulf %mul3A_772, %mul3A_772 : vector<16xf32>
        %add3A_775 = arith.addf %add3A_755, %mul3A_774 : vector<16xf32>
        %gather3A_776 = tpu.vector_load_idx %arg11[%add3A_740, %broadcast_in_dim3A_18] : memref<3328x16xf32, #tpu.memory_space<vmem>>[vector<16xi32>, vector<16xi32>], vector<16xf32>,
        %mul3A_777 = arith.mulf %gather3A_776, %get3A_731 : vector<16xf32>
        %add3A_778 = arith.addf %add3A_685, %mul3A_777 : vector<16xf32>
        %mul3A_779 = arith.mulf %mul3A_777, %mul3A_777 : vector<16xf32>
        %add3A_780 = arith.addf %add3A_760, %mul3A_779 : vector<16xf32>
        %gather3A_781 = tpu.vector_load_idx %arg11[%add3A_740, %broadcast_in_dim3A_20] : memref<3328x16xf32, #tpu.memory_space<vmem>>[vector<16xi32>, vector<16xi32>], vector<16xf32>,
        %mul3A_782 = arith.mulf %gather3A_781, %get3A_731 : vector<16xf32>
        %add3A_783 = arith.addf %add3A_690, %mul3A_782 : vector<16xf32>
        %mul3A_784 = arith.mulf %mul3A_782, %mul3A_782 : vector<16xf32>
        %add3A_785 = arith.addf %add3A_765, %mul3A_784 : vector<16xf32>
        %gather3A_786 = tpu.vector_load_idx %arg11[%add3A_740, %broadcast_in_dim3A_22] : memref<3328x16xf32, #tpu.memory_space<vmem>>[vector<16xi32>, vector<16xi32>], vector<16xf32>,
        %mul3A_787 = arith.mulf %gather3A_786, %get3A_731 : vector<16xf32>
        %add3A_788 = arith.addf %add3A_695, %mul3A_787 : vector<16xf32>
        %mul3A_789 = arith.mulf %mul3A_787, %mul3A_787 : vector<16xf32>
        %add3A_790 = arith.addf %add3A_770, %mul3A_789 : vector<16xf32>
        %gather3A_791 = tpu.vector_load_idx %arg11[%add3A_740, %broadcast_in_dim3A_24] : memref<3328x16xf32, #tpu.memory_space<vmem>>[vector<16xi32>, vector<16xi32>], vector<16xf32>,
        %mul3A_792 = arith.mulf %gather3A_791, %get3A_731 : vector<16xf32>
        %add3A_793 = arith.addf %add3A_700, %mul3A_792 : vector<16xf32>
        %mul3A_794 = arith.mulf %mul3A_792, %mul3A_792 : vector<16xf32>
        %add3A_795 = arith.addf %add3A_775, %mul3A_794 : vector<16xf32>
        %gather3A_796 = tpu.vector_load_idx %arg11[%add3A_740, %broadcast_in_dim3A_26] : memref<3328x16xf32, #tpu.memory_space<vmem>>[vector<16xi32>, vector<16xi32>], vector<16xf32>,
        %mul3A_797 = arith.mulf %gather3A_796, %get3A_731 : vector<16xf32>
        %add3A_798 = arith.addf %add3A_705, %mul3A_797 : vector<16xf32>
        %mul3A_799 = arith.mulf %mul3A_797, %mul3A_797 : vector<16xf32>
        %add3A_800 = arith.addf %add3A_780, %mul3A_799 : vector<16xf32>
        %gather3A_801 = tpu.vector_load_idx %arg11[%add3A_740, %broadcast_in_dim3A_28] : memref<3328x16xf32, #tpu.memory_space<vmem>>[vector<16xi32>, vector<16xi32>], vector<16xf32>,
        %mul3A_802 = arith.mulf %gather3A_801, %get3A_731 : vector<16xf32>
        %add3A_803 = arith.addf %add3A_710, %mul3A_802 : vector<16xf32>
        %mul3A_804 = arith.mulf %mul3A_802, %mul3A_802 : vector<16xf32>
        %add3A_805 = arith.addf %add3A_785, %mul3A_804 : vector<16xf32>
        %gather3A_806 = tpu.vector_load_idx %arg11[%add3A_740, %broadcast_in_dim3A_30] : memref<3328x16xf32, #tpu.memory_space<vmem>>[vector<16xi32>, vector<16xi32>], vector<16xf32>,
        %mul3A_807 = arith.mulf %gather3A_806, %get3A_731 : vector<16xf32>
        %add3A_808 = arith.addf %add3A_715, %mul3A_807 : vector<16xf32>
        %mul3A_809 = arith.mulf %mul3A_807, %mul3A_807 : vector<16xf32>
        %add3A_810 = arith.addf %add3A_790, %mul3A_809 : vector<16xf32>
        %gather3A_811 = tpu.vector_load_idx %arg11[%add3A_740, %broadcast_in_dim3A_32] : memref<3328x16xf32, #tpu.memory_space<vmem>>[vector<16xi32>, vector<16xi32>], vector<16xf32>,
        %mul3A_812 = arith.mulf %gather3A_811, %get3A_731 : vector<16xf32>
        %add3A_813 = arith.addf %add3A_720, %mul3A_812 : vector<16xf32>
        %mul3A_814 = arith.mulf %mul3A_812, %mul3A_812 : vector<16xf32>
        %add3A_815 = arith.addf %add3A_795, %mul3A_814 : vector<16xf32>
        %gather3A_816 = tpu.vector_load_idx %arg11[%add3A_740, %broadcast_in_dim3A_34] : memref<3328x16xf32, #tpu.memory_space<vmem>>[vector<16xi32>, vector<16xi32>], vector<16xf32>,
        %mul3A_817 = arith.mulf %gather3A_816, %get3A_731 : vector<16xf32>
        %add3A_818 = arith.addf %add3A_725, %mul3A_817 : vector<16xf32>
        %mul3A_819 = arith.mulf %mul3A_817, %mul3A_817 : vector<16xf32>
        %add3A_820 = arith.addf %add3A_800, %mul3A_819 : vector<16xf32>
        %get3A_821 = arith.constant 8 : i32
        %get3A_822 = arith.index_cast %get3A_821 : i32 to index
        %get3A_823 = arith.index_cast %mul3A_73 : i32 to index
        %get3A_824 = tpu.vector_load %arg10[%get3A_822, %get3A_823] {strides = array<i32>} : memref<26x128xf32, #tpu.memory_space<vmem>>, vector<16xf32>,
        %add3A_825 = arith.constant 1024 : i32
        %add3A_826 = arith.addi %add3A_825, %mul3A_73 : i32
        %get3A_827 = arith.index_cast %add3A_826 : i32 to index
        %get3A_828 = tpu.vector_load %arg12[%get3A_827] {strides = array<i32>} : memref<3328xf32, #tpu.memory_space<vmem>>, vector<16xf32>,
        %mul3A_829 = arith.mulf %get3A_828, %get3A_824 : vector<16xf32>
        %add3A_830 = arith.addf %add3A_737, %mul3A_829 : vector<16xf32>
        %add3A_831 = arith.constant 1024 : i32
        %add3A_832 = vector.broadcast %add3A_831 : i32 to vector<16xi32>
        %add3A_833 = arith.addi %add3A_75, %add3A_832 : vector<16xi32>
        %gather3A_834 = tpu.vector_load_idx %arg11[%add3A_833, %broadcast_in_dim3A_4] : memref<3328x16xf32, #tpu.memory_space<vmem>>[vector<16xi32>, vector<16xi32>], vector<16xf32>,
        %mul3A_835 = arith.mulf %gather3A_834, %get3A_824 : vector<16xf32>
        %add3A_836 = arith.addf %add3A_743, %mul3A_835 : vector<16xf32>
        %mul3A_837 = arith.mulf %mul3A_835, %mul3A_835 : vector<16xf32>
        %add3A_838 = arith.addf %add3A_805, %mul3A_837 : vector<16xf32>
        %gather3A_839 = tpu.vector_load_idx %arg11[%add3A_833, %broadcast_in_dim3A_6] : memref<3328x16xf32, #tpu.memory_space<vmem>>[vector<16xi32>, vector<16xi32>], vector<16xf32>,
        %mul3A_840 = arith.mulf %gather3A_839, %get3A_824 : vector<16xf32>
        %add3A_841 = arith.addf %add3A_748, %mul3A_840 : vector<16xf32>
        %mul3A_842 = arith.mulf %mul3A_840, %mul3A_840 : vector<16xf32>
        %add3A_843 = arith.addf %add3A_810, %mul3A_842 : vector<16xf32>
        %gather3A_844 = tpu.vector_load_idx %arg11[%add3A_833, %broadcast_in_dim3A_8] : memref<3328x16xf32, #tpu.memory_space<vmem>>[vector<16xi32>, vector<16xi32>], vector<16xf32>,
        %mul3A_845 = arith.mulf %gather3A_844, %get3A_824 : vector<16xf32>
        %add3A_846 = arith.addf %add3A_753, %mul3A_845 : vector<16xf32>
        %mul3A_847 = arith.mulf %mul3A_845, %mul3A_845 : vector<16xf32>
        %add3A_848 = arith.addf %add3A_815, %mul3A_847 : vector<16xf32>
        %gather3A_849 = tpu.vector_load_idx %arg11[%add3A_833, %broadcast_in_dim3A_10] : memref<3328x16xf32, #tpu.memory_space<vmem>>[vector<16xi32>, vector<16xi32>], vector<16xf32>,
        %mul3A_850 = arith.mulf %gather3A_849, %get3A_824 : vector<16xf32>
        %add3A_851 = arith.addf %add3A_758, %mul3A_850 : vector<16xf32>
        %mul3A_852 = arith.mulf %mul3A_850, %mul3A_850 : vector<16xf32>
        %add3A_853 = arith.addf %add3A_820, %mul3A_852 : vector<16xf32>
        %gather3A_854 = tpu.vector_load_idx %arg11[%add3A_833, %broadcast_in_dim3A_12] : memref<3328x16xf32, #tpu.memory_space<vmem>>[vector<16xi32>, vector<16xi32>], vector<16xf32>,
        %mul3A_855 = arith.mulf %gather3A_854, %get3A_824 : vector<16xf32>
        %add3A_856 = arith.addf %add3A_763, %mul3A_855 : vector<16xf32>
        %mul3A_857 = arith.mulf %mul3A_855, %mul3A_855 : vector<16xf32>
        %add3A_858 = arith.addf %add3A_838, %mul3A_857 : vector<16xf32>
        %gather3A_859 = tpu.vector_load_idx %arg11[%add3A_833, %broadcast_in_dim3A_14] : memref<3328x16xf32, #tpu.memory_space<vmem>>[vector<16xi32>, vector<16xi32>], vector<16xf32>,
        %mul3A_860 = arith.mulf %gather3A_859, %get3A_824 : vector<16xf32>
        %add3A_861 = arith.addf %add3A_768, %mul3A_860 : vector<16xf32>
        %mul3A_862 = arith.mulf %mul3A_860, %mul3A_860 : vector<16xf32>
        %add3A_863 = arith.addf %add3A_843, %mul3A_862 : vector<16xf32>
        %gather3A_864 = tpu.vector_load_idx %arg11[%add3A_833, %broadcast_in_dim3A_16] : memref<3328x16xf32, #tpu.memory_space<vmem>>[vector<16xi32>, vector<16xi32>], vector<16xf32>,
        %mul3A_865 = arith.mulf %gather3A_864, %get3A_824 : vector<16xf32>
        %add3A_866 = arith.addf %add3A_773, %mul3A_865 : vector<16xf32>
        %mul3A_867 = arith.mulf %mul3A_865, %mul3A_865 : vector<16xf32>
        %add3A_868 = arith.addf %add3A_848, %mul3A_867 : vector<16xf32>
        %gather3A_869 = tpu.vector_load_idx %arg11[%add3A_833, %broadcast_in_dim3A_18] : memref<3328x16xf32, #tpu.memory_space<vmem>>[vector<16xi32>, vector<16xi32>], vector<16xf32>,
        %mul3A_870 = arith.mulf %gather3A_869, %get3A_824 : vector<16xf32>
        %add3A_871 = arith.addf %add3A_778, %mul3A_870 : vector<16xf32>
        %mul3A_872 = arith.mulf %mul3A_870, %mul3A_870 : vector<16xf32>
        %add3A_873 = arith.addf %add3A_853, %mul3A_872 : vector<16xf32>
        %gather3A_874 = tpu.vector_load_idx %arg11[%add3A_833, %broadcast_in_dim3A_20] : memref<3328x16xf32, #tpu.memory_space<vmem>>[vector<16xi32>, vector<16xi32>], vector<16xf32>,
        %mul3A_875 = arith.mulf %gather3A_874, %get3A_824 : vector<16xf32>
        %add3A_876 = arith.addf %add3A_783, %mul3A_875 : vector<16xf32>
        %mul3A_877 = arith.mulf %mul3A_875, %mul3A_875 : vector<16xf32>
        %add3A_878 = arith.addf %add3A_858, %mul3A_877 : vector<16xf32>
        %gather3A_879 = tpu.vector_load_idx %arg11[%add3A_833, %broadcast_in_dim3A_22] : memref<3328x16xf32, #tpu.memory_space<vmem>>[vector<16xi32>, vector<16xi32>], vector<16xf32>,
        %mul3A_880 = arith.mulf %gather3A_879, %get3A_824 : vector<16xf32>
        %add3A_881 = arith.addf %add3A_788, %mul3A_880 : vector<16xf32>
        %mul3A_882 = arith.mulf %mul3A_880, %mul3A_880 : vector<16xf32>
        %add3A_883 = arith.addf %add3A_863, %mul3A_882 : vector<16xf32>
        %gather3A_884 = tpu.vector_load_idx %arg11[%add3A_833, %broadcast_in_dim3A_24] : memref<3328x16xf32, #tpu.memory_space<vmem>>[vector<16xi32>, vector<16xi32>], vector<16xf32>,
        %mul3A_885 = arith.mulf %gather3A_884, %get3A_824 : vector<16xf32>
        %add3A_886 = arith.addf %add3A_793, %mul3A_885 : vector<16xf32>
        %mul3A_887 = arith.mulf %mul3A_885, %mul3A_885 : vector<16xf32>
        %add3A_888 = arith.addf %add3A_868, %mul3A_887 : vector<16xf32>
        %gather3A_889 = tpu.vector_load_idx %arg11[%add3A_833, %broadcast_in_dim3A_26] : memref<3328x16xf32, #tpu.memory_space<vmem>>[vector<16xi32>, vector<16xi32>], vector<16xf32>,
        %mul3A_890 = arith.mulf %gather3A_889, %get3A_824 : vector<16xf32>
        %add3A_891 = arith.addf %add3A_798, %mul3A_890 : vector<16xf32>
        %mul3A_892 = arith.mulf %mul3A_890, %mul3A_890 : vector<16xf32>
        %add3A_893 = arith.addf %add3A_873, %mul3A_892 : vector<16xf32>
        %gather3A_894 = tpu.vector_load_idx %arg11[%add3A_833, %broadcast_in_dim3A_28] : memref<3328x16xf32, #tpu.memory_space<vmem>>[vector<16xi32>, vector<16xi32>], vector<16xf32>,
        %mul3A_895 = arith.mulf %gather3A_894, %get3A_824 : vector<16xf32>
        %add3A_896 = arith.addf %add3A_803, %mul3A_895 : vector<16xf32>
        %mul3A_897 = arith.mulf %mul3A_895, %mul3A_895 : vector<16xf32>
        %add3A_898 = arith.addf %add3A_878, %mul3A_897 : vector<16xf32>
        %gather3A_899 = tpu.vector_load_idx %arg11[%add3A_833, %broadcast_in_dim3A_30] : memref<3328x16xf32, #tpu.memory_space<vmem>>[vector<16xi32>, vector<16xi32>], vector<16xf32>,
        %mul3A_900 = arith.mulf %gather3A_899, %get3A_824 : vector<16xf32>
        %add3A_901 = arith.addf %add3A_808, %mul3A_900 : vector<16xf32>
        %mul3A_902 = arith.mulf %mul3A_900, %mul3A_900 : vector<16xf32>
        %add3A_903 = arith.addf %add3A_883, %mul3A_902 : vector<16xf32>
        %gather3A_904 = tpu.vector_load_idx %arg11[%add3A_833, %broadcast_in_dim3A_32] : memref<3328x16xf32, #tpu.memory_space<vmem>>[vector<16xi32>, vector<16xi32>], vector<16xf32>,
        %mul3A_905 = arith.mulf %gather3A_904, %get3A_824 : vector<16xf32>
        %add3A_906 = arith.addf %add3A_813, %mul3A_905 : vector<16xf32>
        %mul3A_907 = arith.mulf %mul3A_905, %mul3A_905 : vector<16xf32>
        %add3A_908 = arith.addf %add3A_888, %mul3A_907 : vector<16xf32>
        %gather3A_909 = tpu.vector_load_idx %arg11[%add3A_833, %broadcast_in_dim3A_34] : memref<3328x16xf32, #tpu.memory_space<vmem>>[vector<16xi32>, vector<16xi32>], vector<16xf32>,
        %mul3A_910 = arith.mulf %gather3A_909, %get3A_824 : vector<16xf32>
        %add3A_911 = arith.addf %add3A_818, %mul3A_910 : vector<16xf32>
        %mul3A_912 = arith.mulf %mul3A_910, %mul3A_910 : vector<16xf32>
        %add3A_913 = arith.addf %add3A_893, %mul3A_912 : vector<16xf32>
        %get3A_914 = arith.constant 9 : i32
        %get3A_915 = arith.index_cast %get3A_914 : i32 to index
        %get3A_916 = arith.index_cast %mul3A_73 : i32 to index
        %get3A_917 = tpu.vector_load %arg10[%get3A_915, %get3A_916] {strides = array<i32>} : memref<26x128xf32, #tpu.memory_space<vmem>>, vector<16xf32>,
        %add3A_918 = arith.constant 1152 : i32
        %add3A_919 = arith.addi %add3A_918, %mul3A_73 : i32
        %get3A_920 = arith.index_cast %add3A_919 : i32 to index
        %get3A_921 = tpu.vector_load %arg12[%get3A_920] {strides = array<i32>} : memref<3328xf32, #tpu.memory_space<vmem>>, vector<16xf32>,
        %mul3A_922 = arith.mulf %get3A_921, %get3A_917 : vector<16xf32>
        %add3A_923 = arith.addf %add3A_830, %mul3A_922 : vector<16xf32>
        %add3A_924 = arith.constant 1152 : i32
        %add3A_925 = vector.broadcast %add3A_924 : i32 to vector<16xi32>
        %add3A_926 = arith.addi %add3A_75, %add3A_925 : vector<16xi32>
        %gather3A_927 = tpu.vector_load_idx %arg11[%add3A_926, %broadcast_in_dim3A_4] : memref<3328x16xf32, #tpu.memory_space<vmem>>[vector<16xi32>, vector<16xi32>], vector<16xf32>,
        %mul3A_928 = arith.mulf %gather3A_927, %get3A_917 : vector<16xf32>
        %add3A_929 = arith.addf %add3A_836, %mul3A_928 : vector<16xf32>
        %mul3A_930 = arith.mulf %mul3A_928, %mul3A_928 : vector<16xf32>
        %add3A_931 = arith.addf %add3A_898, %mul3A_930 : vector<16xf32>
        %gather3A_932 = tpu.vector_load_idx %arg11[%add3A_926, %broadcast_in_dim3A_6] : memref<3328x16xf32, #tpu.memory_space<vmem>>[vector<16xi32>, vector<16xi32>], vector<16xf32>,
        %mul3A_933 = arith.mulf %gather3A_932, %get3A_917 : vector<16xf32>
        %add3A_934 = arith.addf %add3A_841, %mul3A_933 : vector<16xf32>
        %mul3A_935 = arith.mulf %mul3A_933, %mul3A_933 : vector<16xf32>
        %add3A_936 = arith.addf %add3A_903, %mul3A_935 : vector<16xf32>
        %gather3A_937 = tpu.vector_load_idx %arg11[%add3A_926, %broadcast_in_dim3A_8] : memref<3328x16xf32, #tpu.memory_space<vmem>>[vector<16xi32>, vector<16xi32>], vector<16xf32>,
        %mul3A_938 = arith.mulf %gather3A_937, %get3A_917 : vector<16xf32>
        %add3A_939 = arith.addf %add3A_846, %mul3A_938 : vector<16xf32>
        %mul3A_940 = arith.mulf %mul3A_938, %mul3A_938 : vector<16xf32>
        %add3A_941 = arith.addf %add3A_908, %mul3A_940 : vector<16xf32>
        %gather3A_942 = tpu.vector_load_idx %arg11[%add3A_926, %broadcast_in_dim3A_10] : memref<3328x16xf32, #tpu.memory_space<vmem>>[vector<16xi32>, vector<16xi32>], vector<16xf32>,
        %mul3A_943 = arith.mulf %gather3A_942, %get3A_917 : vector<16xf32>
        %add3A_944 = arith.addf %add3A_851, %mul3A_943 : vector<16xf32>
        %mul3A_945 = arith.mulf %mul3A_943, %mul3A_943 : vector<16xf32>
        %add3A_946 = arith.addf %add3A_913, %mul3A_945 : vector<16xf32>
        %gather3A_947 = tpu.vector_load_idx %arg11[%add3A_926, %broadcast_in_dim3A_12] : memref<3328x16xf32, #tpu.memory_space<vmem>>[vector<16xi32>, vector<16xi32>], vector<16xf32>,
        %mul3A_948 = arith.mulf %gather3A_947, %get3A_917 : vector<16xf32>
        %add3A_949 = arith.addf %add3A_856, %mul3A_948 : vector<16xf32>
        %mul3A_950 = arith.mulf %mul3A_948, %mul3A_948 : vector<16xf32>
        %add3A_951 = arith.addf %add3A_931, %mul3A_950 : vector<16xf32>
        %gather3A_952 = tpu.vector_load_idx %arg11[%add3A_926, %broadcast_in_dim3A_14] : memref<3328x16xf32, #tpu.memory_space<vmem>>[vector<16xi32>, vector<16xi32>], vector<16xf32>,
        %mul3A_953 = arith.mulf %gather3A_952, %get3A_917 : vector<16xf32>
        %add3A_954 = arith.addf %add3A_861, %mul3A_953 : vector<16xf32>
        %mul3A_955 = arith.mulf %mul3A_953, %mul3A_953 : vector<16xf32>
        %add3A_956 = arith.addf %add3A_936, %mul3A_955 : vector<16xf32>
        %gather3A_957 = tpu.vector_load_idx %arg11[%add3A_926, %broadcast_in_dim3A_16] : memref<3328x16xf32, #tpu.memory_space<vmem>>[vector<16xi32>, vector<16xi32>], vector<16xf32>,
        %mul3A_958 = arith.mulf %gather3A_957, %get3A_917 : vector<16xf32>
        %add3A_959 = arith.addf %add3A_866, %mul3A_958 : vector<16xf32>
        %mul3A_960 = arith.mulf %mul3A_958, %mul3A_958 : vector<16xf32>
        %add3A_961 = arith.addf %add3A_941, %mul3A_960 : vector<16xf32>
        %gather3A_962 = tpu.vector_load_idx %arg11[%add3A_926, %broadcast_in_dim3A_18] : memref<3328x16xf32, #tpu.memory_space<vmem>>[vector<16xi32>, vector<16xi32>], vector<16xf32>,
        %mul3A_963 = arith.mulf %gather3A_962, %get3A_917 : vector<16xf32>
        %add3A_964 = arith.addf %add3A_871, %mul3A_963 : vector<16xf32>
        %mul3A_965 = arith.mulf %mul3A_963, %mul3A_963 : vector<16xf32>
        %add3A_966 = arith.addf %add3A_946, %mul3A_965 : vector<16xf32>
        %gather3A_967 = tpu.vector_load_idx %arg11[%add3A_926, %broadcast_in_dim3A_20] : memref<3328x16xf32, #tpu.memory_space<vmem>>[vector<16xi32>, vector<16xi32>], vector<16xf32>,
        %mul3A_968 = arith.mulf %gather3A_967, %get3A_917 : vector<16xf32>
        %add3A_969 = arith.addf %add3A_876, %mul3A_968 : vector<16xf32>
        %mul3A_970 = arith.mulf %mul3A_968, %mul3A_968 : vector<16xf32>
        %add3A_971 = arith.addf %add3A_951, %mul3A_970 : vector<16xf32>
        %gather3A_972 = tpu.vector_load_idx %arg11[%add3A_926, %broadcast_in_dim3A_22] : memref<3328x16xf32, #tpu.memory_space<vmem>>[vector<16xi32>, vector<16xi32>], vector<16xf32>,
        %mul3A_973 = arith.mulf %gather3A_972, %get3A_917 : vector<16xf32>
        %add3A_974 = arith.addf %add3A_881, %mul3A_973 : vector<16xf32>
        %mul3A_975 = arith.mulf %mul3A_973, %mul3A_973 : vector<16xf32>
        %add3A_976 = arith.addf %add3A_956, %mul3A_975 : vector<16xf32>
        %gather3A_977 = tpu.vector_load_idx %arg11[%add3A_926, %broadcast_in_dim3A_24] : memref<3328x16xf32, #tpu.memory_space<vmem>>[vector<16xi32>, vector<16xi32>], vector<16xf32>,
        %mul3A_978 = arith.mulf %gather3A_977, %get3A_917 : vector<16xf32>
        %add3A_979 = arith.addf %add3A_886, %mul3A_978 : vector<16xf32>
        %mul3A_980 = arith.mulf %mul3A_978, %mul3A_978 : vector<16xf32>
        %add3A_981 = arith.addf %add3A_961, %mul3A_980 : vector<16xf32>
        %gather3A_982 = tpu.vector_load_idx %arg11[%add3A_926, %broadcast_in_dim3A_26] : memref<3328x16xf32, #tpu.memory_space<vmem>>[vector<16xi32>, vector<16xi32>], vector<16xf32>,
        %mul3A_983 = arith.mulf %gather3A_982, %get3A_917 : vector<16xf32>
        %add3A_984 = arith.addf %add3A_891, %mul3A_983 : vector<16xf32>
        %mul3A_985 = arith.mulf %mul3A_983, %mul3A_983 : vector<16xf32>
        %add3A_986 = arith.addf %add3A_966, %mul3A_985 : vector<16xf32>
        %gather3A_987 = tpu.vector_load_idx %arg11[%add3A_926, %broadcast_in_dim3A_28] : memref<3328x16xf32, #tpu.memory_space<vmem>>[vector<16xi32>, vector<16xi32>], vector<16xf32>,
        %mul3A_988 = arith.mulf %gather3A_987, %get3A_917 : vector<16xf32>
        %add3A_989 = arith.addf %add3A_896, %mul3A_988 : vector<16xf32>
        %mul3A_990 = arith.mulf %mul3A_988, %mul3A_988 : vector<16xf32>
        %add3A_991 = arith.addf %add3A_971, %mul3A_990 : vector<16xf32>
        %gather3A_992 = tpu.vector_load_idx %arg11[%add3A_926, %broadcast_in_dim3A_30] : memref<3328x16xf32, #tpu.memory_space<vmem>>[vector<16xi32>, vector<16xi32>], vector<16xf32>,
        %mul3A_993 = arith.mulf %gather3A_992, %get3A_917 : vector<16xf32>
        %add3A_994 = arith.addf %add3A_901, %mul3A_993 : vector<16xf32>
        %mul3A_995 = arith.mulf %mul3A_993, %mul3A_993 : vector<16xf32>
        %add3A_996 = arith.addf %add3A_976, %mul3A_995 : vector<16xf32>
        %gather3A_997 = tpu.vector_load_idx %arg11[%add3A_926, %broadcast_in_dim3A_32] : memref<3328x16xf32, #tpu.memory_space<vmem>>[vector<16xi32>, vector<16xi32>], vector<16xf32>,
        %mul3A_998 = arith.mulf %gather3A_997, %get3A_917 : vector<16xf32>
        %add3A_999 = arith.addf %add3A_906, %mul3A_998 : vector<16xf32>
        %mul3A_1000 = arith.mulf %mul3A_998, %mul3A_998 : vector<16xf32>
        %add3A_1001 = arith.addf %add3A_981, %mul3A_1000 : vector<16xf32>
        %gather3A_1002 = tpu.vector_load_idx %arg11[%add3A_926, %broadcast_in_dim3A_34] : memref<3328x16xf32, #tpu.memory_space<vmem>>[vector<16xi32>, vector<16xi32>], vector<16xf32>,
        %mul3A_1003 = arith.mulf %gather3A_1002, %get3A_917 : vector<16xf32>
        %add3A_1004 = arith.addf %add3A_911, %mul3A_1003 : vector<16xf32>
        %mul3A_1005 = arith.mulf %mul3A_1003, %mul3A_1003 : vector<16xf32>
        %add3A_1006 = arith.addf %add3A_986, %mul3A_1005 : vector<16xf32>
        %get3A_1007 = arith.constant 10 : i32
        %get3A_1008 = arith.index_cast %get3A_1007 : i32 to index
        %get3A_1009 = arith.index_cast %mul3A_73 : i32 to index
        %get3A_1010 = tpu.vector_load %arg10[%get3A_1008, %get3A_1009] {strides = array<i32>} : memref<26x128xf32, #tpu.memory_space<vmem>>, vector<16xf32>,
        %add3A_1011 = arith.constant 1280 : i32
        %add3A_1012 = arith.addi %add3A_1011, %mul3A_73 : i32
        %get3A_1013 = arith.index_cast %add3A_1012 : i32 to index
        %get3A_1014 = tpu.vector_load %arg12[%get3A_1013] {strides = array<i32>} : memref<3328xf32, #tpu.memory_space<vmem>>, vector<16xf32>,
        %mul3A_1015 = arith.mulf %get3A_1014, %get3A_1010 : vector<16xf32>
        %add3A_1016 = arith.addf %add3A_923, %mul3A_1015 : vector<16xf32>
        %add3A_1017 = arith.constant 1280 : i32
        %add3A_1018 = vector.broadcast %add3A_1017 : i32 to vector<16xi32>
        %add3A_1019 = arith.addi %add3A_75, %add3A_1018 : vector<16xi32>
        %gather3A_1020 = tpu.vector_load_idx %arg11[%add3A_1019, %broadcast_in_dim3A_4] : memref<3328x16xf32, #tpu.memory_space<vmem>>[vector<16xi32>, vector<16xi32>], vector<16xf32>,
        %mul3A_1021 = arith.mulf %gather3A_1020, %get3A_1010 : vector<16xf32>
        %add3A_1022 = arith.addf %add3A_929, %mul3A_1021 : vector<16xf32>
        %mul3A_1023 = arith.mulf %mul3A_1021, %mul3A_1021 : vector<16xf32>
        %add3A_1024 = arith.addf %add3A_991, %mul3A_1023 : vector<16xf32>
        %gather3A_1025 = tpu.vector_load_idx %arg11[%add3A_1019, %broadcast_in_dim3A_6] : memref<3328x16xf32, #tpu.memory_space<vmem>>[vector<16xi32>, vector<16xi32>], vector<16xf32>,
        %mul3A_1026 = arith.mulf %gather3A_1025, %get3A_1010 : vector<16xf32>
        %add3A_1027 = arith.addf %add3A_934, %mul3A_1026 : vector<16xf32>
        %mul3A_1028 = arith.mulf %mul3A_1026, %mul3A_1026 : vector<16xf32>
        %add3A_1029 = arith.addf %add3A_996, %mul3A_1028 : vector<16xf32>
        %gather3A_1030 = tpu.vector_load_idx %arg11[%add3A_1019, %broadcast_in_dim3A_8] : memref<3328x16xf32, #tpu.memory_space<vmem>>[vector<16xi32>, vector<16xi32>], vector<16xf32>,
        %mul3A_1031 = arith.mulf %gather3A_1030, %get3A_1010 : vector<16xf32>
        %add3A_1032 = arith.addf %add3A_939, %mul3A_1031 : vector<16xf32>
        %mul3A_1033 = arith.mulf %mul3A_1031, %mul3A_1031 : vector<16xf32>
        %add3A_1034 = arith.addf %add3A_1001, %mul3A_1033 : vector<16xf32>
        %gather3A_1035 = tpu.vector_load_idx %arg11[%add3A_1019, %broadcast_in_dim3A_10] : memref<3328x16xf32, #tpu.memory_space<vmem>>[vector<16xi32>, vector<16xi32>], vector<16xf32>,
        %mul3A_1036 = arith.mulf %gather3A_1035, %get3A_1010 : vector<16xf32>
        %add3A_1037 = arith.addf %add3A_944, %mul3A_1036 : vector<16xf32>
        %mul3A_1038 = arith.mulf %mul3A_1036, %mul3A_1036 : vector<16xf32>
        %add3A_1039 = arith.addf %add3A_1006, %mul3A_1038 : vector<16xf32>
        %gather3A_1040 = tpu.vector_load_idx %arg11[%add3A_1019, %broadcast_in_dim3A_12] : memref<3328x16xf32, #tpu.memory_space<vmem>>[vector<16xi32>, vector<16xi32>], vector<16xf32>,
        %mul3A_1041 = arith.mulf %gather3A_1040, %get3A_1010 : vector<16xf32>
        %add3A_1042 = arith.addf %add3A_949, %mul3A_1041 : vector<16xf32>
        %mul3A_1043 = arith.mulf %mul3A_1041, %mul3A_1041 : vector<16xf32>
        %add3A_1044 = arith.addf %add3A_1024, %mul3A_1043 : vector<16xf32>
        %gather3A_1045 = tpu.vector_load_idx %arg11[%add3A_1019, %broadcast_in_dim3A_14] : memref<3328x16xf32, #tpu.memory_space<vmem>>[vector<16xi32>, vector<16xi32>], vector<16xf32>,
        %mul3A_1046 = arith.mulf %gather3A_1045, %get3A_1010 : vector<16xf32>
        %add3A_1047 = arith.addf %add3A_954, %mul3A_1046 : vector<16xf32>
        %mul3A_1048 = arith.mulf %mul3A_1046, %mul3A_1046 : vector<16xf32>
        %add3A_1049 = arith.addf %add3A_1029, %mul3A_1048 : vector<16xf32>
        %gather3A_1050 = tpu.vector_load_idx %arg11[%add3A_1019, %broadcast_in_dim3A_16] : memref<3328x16xf32, #tpu.memory_space<vmem>>[vector<16xi32>, vector<16xi32>], vector<16xf32>,
        %mul3A_1051 = arith.mulf %gather3A_1050, %get3A_1010 : vector<16xf32>
        %add3A_1052 = arith.addf %add3A_959, %mul3A_1051 : vector<16xf32>
        %mul3A_1053 = arith.mulf %mul3A_1051, %mul3A_1051 : vector<16xf32>
        %add3A_1054 = arith.addf %add3A_1034, %mul3A_1053 : vector<16xf32>
        %gather3A_1055 = tpu.vector_load_idx %arg11[%add3A_1019, %broadcast_in_dim3A_18] : memref<3328x16xf32, #tpu.memory_space<vmem>>[vector<16xi32>, vector<16xi32>], vector<16xf32>,
        %mul3A_1056 = arith.mulf %gather3A_1055, %get3A_1010 : vector<16xf32>
        %add3A_1057 = arith.addf %add3A_964, %mul3A_1056 : vector<16xf32>
        %mul3A_1058 = arith.mulf %mul3A_1056, %mul3A_1056 : vector<16xf32>
        %add3A_1059 = arith.addf %add3A_1039, %mul3A_1058 : vector<16xf32>
        %gather3A_1060 = tpu.vector_load_idx %arg11[%add3A_1019, %broadcast_in_dim3A_20] : memref<3328x16xf32, #tpu.memory_space<vmem>>[vector<16xi32>, vector<16xi32>], vector<16xf32>,
        %mul3A_1061 = arith.mulf %gather3A_1060, %get3A_1010 : vector<16xf32>
        %add3A_1062 = arith.addf %add3A_969, %mul3A_1061 : vector<16xf32>
        %mul3A_1063 = arith.mulf %mul3A_1061, %mul3A_1061 : vector<16xf32>
        %add3A_1064 = arith.addf %add3A_1044, %mul3A_1063 : vector<16xf32>
        %gather3A_1065 = tpu.vector_load_idx %arg11[%add3A_1019, %broadcast_in_dim3A_22] : memref<3328x16xf32, #tpu.memory_space<vmem>>[vector<16xi32>, vector<16xi32>], vector<16xf32>,
        %mul3A_1066 = arith.mulf %gather3A_1065, %get3A_1010 : vector<16xf32>
        %add3A_1067 = arith.addf %add3A_974, %mul3A_1066 : vector<16xf32>
        %mul3A_1068 = arith.mulf %mul3A_1066, %mul3A_1066 : vector<16xf32>
        %add3A_1069 = arith.addf %add3A_1049, %mul3A_1068 : vector<16xf32>
        %gather3A_1070 = tpu.vector_load_idx %arg11[%add3A_1019, %broadcast_in_dim3A_24] : memref<3328x16xf32, #tpu.memory_space<vmem>>[vector<16xi32>, vector<16xi32>], vector<16xf32>,
        %mul3A_1071 = arith.mulf %gather3A_1070, %get3A_1010 : vector<16xf32>
        %add3A_1072 = arith.addf %add3A_979, %mul3A_1071 : vector<16xf32>
        %mul3A_1073 = arith.mulf %mul3A_1071, %mul3A_1071 : vector<16xf32>
        %add3A_1074 = arith.addf %add3A_1054, %mul3A_1073 : vector<16xf32>
        %gather3A_1075 = tpu.vector_load_idx %arg11[%add3A_1019, %broadcast_in_dim3A_26] : memref<3328x16xf32, #tpu.memory_space<vmem>>[vector<16xi32>, vector<16xi32>], vector<16xf32>,
        %mul3A_1076 = arith.mulf %gather3A_1075, %get3A_1010 : vector<16xf32>
        %add3A_1077 = arith.addf %add3A_984, %mul3A_1076 : vector<16xf32>
        %mul3A_1078 = arith.mulf %mul3A_1076, %mul3A_1076 : vector<16xf32>
        %add3A_1079 = arith.addf %add3A_1059, %mul3A_1078 : vector<16xf32>
        %gather3A_1080 = tpu.vector_load_idx %arg11[%add3A_1019, %broadcast_in_dim3A_28] : memref<3328x16xf32, #tpu.memory_space<vmem>>[vector<16xi32>, vector<16xi32>], vector<16xf32>,
        %mul3A_1081 = arith.mulf %gather3A_1080, %get3A_1010 : vector<16xf32>
        %add3A_1082 = arith.addf %add3A_989, %mul3A_1081 : vector<16xf32>
        %mul3A_1083 = arith.mulf %mul3A_1081, %mul3A_1081 : vector<16xf32>
        %add3A_1084 = arith.addf %add3A_1064, %mul3A_1083 : vector<16xf32>
        %gather3A_1085 = tpu.vector_load_idx %arg11[%add3A_1019, %broadcast_in_dim3A_30] : memref<3328x16xf32, #tpu.memory_space<vmem>>[vector<16xi32>, vector<16xi32>], vector<16xf32>,
        %mul3A_1086 = arith.mulf %gather3A_1085, %get3A_1010 : vector<16xf32>
        %add3A_1087 = arith.addf %add3A_994, %mul3A_1086 : vector<16xf32>
        %mul3A_1088 = arith.mulf %mul3A_1086, %mul3A_1086 : vector<16xf32>
        %add3A_1089 = arith.addf %add3A_1069, %mul3A_1088 : vector<16xf32>
        %gather3A_1090 = tpu.vector_load_idx %arg11[%add3A_1019, %broadcast_in_dim3A_32] : memref<3328x16xf32, #tpu.memory_space<vmem>>[vector<16xi32>, vector<16xi32>], vector<16xf32>,
        %mul3A_1091 = arith.mulf %gather3A_1090, %get3A_1010 : vector<16xf32>
        %add3A_1092 = arith.addf %add3A_999, %mul3A_1091 : vector<16xf32>
        %mul3A_1093 = arith.mulf %mul3A_1091, %mul3A_1091 : vector<16xf32>
        %add3A_1094 = arith.addf %add3A_1074, %mul3A_1093 : vector<16xf32>
        %gather3A_1095 = tpu.vector_load_idx %arg11[%add3A_1019, %broadcast_in_dim3A_34] : memref<3328x16xf32, #tpu.memory_space<vmem>>[vector<16xi32>, vector<16xi32>], vector<16xf32>,
        %mul3A_1096 = arith.mulf %gather3A_1095, %get3A_1010 : vector<16xf32>
        %add3A_1097 = arith.addf %add3A_1004, %mul3A_1096 : vector<16xf32>
        %mul3A_1098 = arith.mulf %mul3A_1096, %mul3A_1096 : vector<16xf32>
        %add3A_1099 = arith.addf %add3A_1079, %mul3A_1098 : vector<16xf32>
        %get3A_1100 = arith.constant 11 : i32
        %get3A_1101 = arith.index_cast %get3A_1100 : i32 to index
        %get3A_1102 = arith.index_cast %mul3A_73 : i32 to index
        %get3A_1103 = tpu.vector_load %arg10[%get3A_1101, %get3A_1102] {strides = array<i32>} : memref<26x128xf32, #tpu.memory_space<vmem>>, vector<16xf32>,
        %add3A_1104 = arith.constant 1408 : i32
        %add3A_1105 = arith.addi %add3A_1104, %mul3A_73 : i32
        %get3A_1106 = arith.index_cast %add3A_1105 : i32 to index
        %get3A_1107 = tpu.vector_load %arg12[%get3A_1106] {strides = array<i32>} : memref<3328xf32, #tpu.memory_space<vmem>>, vector<16xf32>,
        %mul3A_1108 = arith.mulf %get3A_1107, %get3A_1103 : vector<16xf32>
        %add3A_1109 = arith.addf %add3A_1016, %mul3A_1108 : vector<16xf32>
        %add3A_1110 = arith.constant 1408 : i32
        %add3A_1111 = vector.broadcast %add3A_1110 : i32 to vector<16xi32>
        %add3A_1112 = arith.addi %add3A_75, %add3A_1111 : vector<16xi32>
        %gather3A_1113 = tpu.vector_load_idx %arg11[%add3A_1112, %broadcast_in_dim3A_4] : memref<3328x16xf32, #tpu.memory_space<vmem>>[vector<16xi32>, vector<16xi32>], vector<16xf32>,
        %mul3A_1114 = arith.mulf %gather3A_1113, %get3A_1103 : vector<16xf32>
        %add3A_1115 = arith.addf %add3A_1022, %mul3A_1114 : vector<16xf32>
        %mul3A_1116 = arith.mulf %mul3A_1114, %mul3A_1114 : vector<16xf32>
        %add3A_1117 = arith.addf %add3A_1084, %mul3A_1116 : vector<16xf32>
        %gather3A_1118 = tpu.vector_load_idx %arg11[%add3A_1112, %broadcast_in_dim3A_6] : memref<3328x16xf32, #tpu.memory_space<vmem>>[vector<16xi32>, vector<16xi32>], vector<16xf32>,
        %mul3A_1119 = arith.mulf %gather3A_1118, %get3A_1103 : vector<16xf32>
        %add3A_1120 = arith.addf %add3A_1027, %mul3A_1119 : vector<16xf32>
        %mul3A_1121 = arith.mulf %mul3A_1119, %mul3A_1119 : vector<16xf32>
        %add3A_1122 = arith.addf %add3A_1089, %mul3A_1121 : vector<16xf32>
        %gather3A_1123 = tpu.vector_load_idx %arg11[%add3A_1112, %broadcast_in_dim3A_8] : memref<3328x16xf32, #tpu.memory_space<vmem>>[vector<16xi32>, vector<16xi32>], vector<16xf32>,
        %mul3A_1124 = arith.mulf %gather3A_1123, %get3A_1103 : vector<16xf32>
        %add3A_1125 = arith.addf %add3A_1032, %mul3A_1124 : vector<16xf32>
        %mul3A_1126 = arith.mulf %mul3A_1124, %mul3A_1124 : vector<16xf32>
        %add3A_1127 = arith.addf %add3A_1094, %mul3A_1126 : vector<16xf32>
        %gather3A_1128 = tpu.vector_load_idx %arg11[%add3A_1112, %broadcast_in_dim3A_10] : memref<3328x16xf32, #tpu.memory_space<vmem>>[vector<16xi32>, vector<16xi32>], vector<16xf32>,
        %mul3A_1129 = arith.mulf %gather3A_1128, %get3A_1103 : vector<16xf32>
        %add3A_1130 = arith.addf %add3A_1037, %mul3A_1129 : vector<16xf32>
        %mul3A_1131 = arith.mulf %mul3A_1129, %mul3A_1129 : vector<16xf32>
        %add3A_1132 = arith.addf %add3A_1099, %mul3A_1131 : vector<16xf32>
        %gather3A_1133 = tpu.vector_load_idx %arg11[%add3A_1112, %broadcast_in_dim3A_12] : memref<3328x16xf32, #tpu.memory_space<vmem>>[vector<16xi32>, vector<16xi32>], vector<16xf32>,
        %mul3A_1134 = arith.mulf %gather3A_1133, %get3A_1103 : vector<16xf32>
        %add3A_1135 = arith.addf %add3A_1042, %mul3A_1134 : vector<16xf32>
        %mul3A_1136 = arith.mulf %mul3A_1134, %mul3A_1134 : vector<16xf32>
        %add3A_1137 = arith.addf %add3A_1117, %mul3A_1136 : vector<16xf32>
        %gather3A_1138 = tpu.vector_load_idx %arg11[%add3A_1112, %broadcast_in_dim3A_14] : memref<3328x16xf32, #tpu.memory_space<vmem>>[vector<16xi32>, vector<16xi32>], vector<16xf32>,
        %mul3A_1139 = arith.mulf %gather3A_1138, %get3A_1103 : vector<16xf32>
        %add3A_1140 = arith.addf %add3A_1047, %mul3A_1139 : vector<16xf32>
        %mul3A_1141 = arith.mulf %mul3A_1139, %mul3A_1139 : vector<16xf32>
        %add3A_1142 = arith.addf %add3A_1122, %mul3A_1141 : vector<16xf32>
        %gather3A_1143 = tpu.vector_load_idx %arg11[%add3A_1112, %broadcast_in_dim3A_16] : memref<3328x16xf32, #tpu.memory_space<vmem>>[vector<16xi32>, vector<16xi32>], vector<16xf32>,
        %mul3A_1144 = arith.mulf %gather3A_1143, %get3A_1103 : vector<16xf32>
        %add3A_1145 = arith.addf %add3A_1052, %mul3A_1144 : vector<16xf32>
        %mul3A_1146 = arith.mulf %mul3A_1144, %mul3A_1144 : vector<16xf32>
        %add3A_1147 = arith.addf %add3A_1127, %mul3A_1146 : vector<16xf32>
        %gather3A_1148 = tpu.vector_load_idx %arg11[%add3A_1112, %broadcast_in_dim3A_18] : memref<3328x16xf32, #tpu.memory_space<vmem>>[vector<16xi32>, vector<16xi32>], vector<16xf32>,
        %mul3A_1149 = arith.mulf %gather3A_1148, %get3A_1103 : vector<16xf32>
        %add3A_1150 = arith.addf %add3A_1057, %mul3A_1149 : vector<16xf32>
        %mul3A_1151 = arith.mulf %mul3A_1149, %mul3A_1149 : vector<16xf32>
        %add3A_1152 = arith.addf %add3A_1132, %mul3A_1151 : vector<16xf32>
        %gather3A_1153 = tpu.vector_load_idx %arg11[%add3A_1112, %broadcast_in_dim3A_20] : memref<3328x16xf32, #tpu.memory_space<vmem>>[vector<16xi32>, vector<16xi32>], vector<16xf32>,
        %mul3A_1154 = arith.mulf %gather3A_1153, %get3A_1103 : vector<16xf32>
        %add3A_1155 = arith.addf %add3A_1062, %mul3A_1154 : vector<16xf32>
        %mul3A_1156 = arith.mulf %mul3A_1154, %mul3A_1154 : vector<16xf32>
        %add3A_1157 = arith.addf %add3A_1137, %mul3A_1156 : vector<16xf32>
        %gather3A_1158 = tpu.vector_load_idx %arg11[%add3A_1112, %broadcast_in_dim3A_22] : memref<3328x16xf32, #tpu.memory_space<vmem>>[vector<16xi32>, vector<16xi32>], vector<16xf32>,
        %mul3A_1159 = arith.mulf %gather3A_1158, %get3A_1103 : vector<16xf32>
        %add3A_1160 = arith.addf %add3A_1067, %mul3A_1159 : vector<16xf32>
        %mul3A_1161 = arith.mulf %mul3A_1159, %mul3A_1159 : vector<16xf32>
        %add3A_1162 = arith.addf %add3A_1142, %mul3A_1161 : vector<16xf32>
        %gather3A_1163 = tpu.vector_load_idx %arg11[%add3A_1112, %broadcast_in_dim3A_24] : memref<3328x16xf32, #tpu.memory_space<vmem>>[vector<16xi32>, vector<16xi32>], vector<16xf32>,
        %mul3A_1164 = arith.mulf %gather3A_1163, %get3A_1103 : vector<16xf32>
        %add3A_1165 = arith.addf %add3A_1072, %mul3A_1164 : vector<16xf32>
        %mul3A_1166 = arith.mulf %mul3A_1164, %mul3A_1164 : vector<16xf32>
        %add3A_1167 = arith.addf %add3A_1147, %mul3A_1166 : vector<16xf32>
        %gather3A_1168 = tpu.vector_load_idx %arg11[%add3A_1112, %broadcast_in_dim3A_26] : memref<3328x16xf32, #tpu.memory_space<vmem>>[vector<16xi32>, vector<16xi32>], vector<16xf32>,
        %mul3A_1169 = arith.mulf %gather3A_1168, %get3A_1103 : vector<16xf32>
        %add3A_1170 = arith.addf %add3A_1077, %mul3A_1169 : vector<16xf32>
        %mul3A_1171 = arith.mulf %mul3A_1169, %mul3A_1169 : vector<16xf32>
        %add3A_1172 = arith.addf %add3A_1152, %mul3A_1171 : vector<16xf32>
        %gather3A_1173 = tpu.vector_load_idx %arg11[%add3A_1112, %broadcast_in_dim3A_28] : memref<3328x16xf32, #tpu.memory_space<vmem>>[vector<16xi32>, vector<16xi32>], vector<16xf32>,
        %mul3A_1174 = arith.mulf %gather3A_1173, %get3A_1103 : vector<16xf32>
        %add3A_1175 = arith.addf %add3A_1082, %mul3A_1174 : vector<16xf32>
        %mul3A_1176 = arith.mulf %mul3A_1174, %mul3A_1174 : vector<16xf32>
        %add3A_1177 = arith.addf %add3A_1157, %mul3A_1176 : vector<16xf32>
        %gather3A_1178 = tpu.vector_load_idx %arg11[%add3A_1112, %broadcast_in_dim3A_30] : memref<3328x16xf32, #tpu.memory_space<vmem>>[vector<16xi32>, vector<16xi32>], vector<16xf32>,
        %mul3A_1179 = arith.mulf %gather3A_1178, %get3A_1103 : vector<16xf32>
        %add3A_1180 = arith.addf %add3A_1087, %mul3A_1179 : vector<16xf32>
        %mul3A_1181 = arith.mulf %mul3A_1179, %mul3A_1179 : vector<16xf32>
        %add3A_1182 = arith.addf %add3A_1162, %mul3A_1181 : vector<16xf32>
        %gather3A_1183 = tpu.vector_load_idx %arg11[%add3A_1112, %broadcast_in_dim3A_32] : memref<3328x16xf32, #tpu.memory_space<vmem>>[vector<16xi32>, vector<16xi32>], vector<16xf32>,
        %mul3A_1184 = arith.mulf %gather3A_1183, %get3A_1103 : vector<16xf32>
        %add3A_1185 = arith.addf %add3A_1092, %mul3A_1184 : vector<16xf32>
        %mul3A_1186 = arith.mulf %mul3A_1184, %mul3A_1184 : vector<16xf32>
        %add3A_1187 = arith.addf %add3A_1167, %mul3A_1186 : vector<16xf32>
        %gather3A_1188 = tpu.vector_load_idx %arg11[%add3A_1112, %broadcast_in_dim3A_34] : memref<3328x16xf32, #tpu.memory_space<vmem>>[vector<16xi32>, vector<16xi32>], vector<16xf32>,
        %mul3A_1189 = arith.mulf %gather3A_1188, %get3A_1103 : vector<16xf32>
        %add3A_1190 = arith.addf %add3A_1097, %mul3A_1189 : vector<16xf32>
        %mul3A_1191 = arith.mulf %mul3A_1189, %mul3A_1189 : vector<16xf32>
        %add3A_1192 = arith.addf %add3A_1172, %mul3A_1191 : vector<16xf32>
        %get3A_1193 = arith.constant 12 : i32
        %get3A_1194 = arith.index_cast %get3A_1193 : i32 to index
        %get3A_1195 = arith.index_cast %mul3A_73 : i32 to index
        %get3A_1196 = tpu.vector_load %arg10[%get3A_1194, %get3A_1195] {strides = array<i32>} : memref<26x128xf32, #tpu.memory_space<vmem>>, vector<16xf32>,
        %add3A_1197 = arith.constant 1536 : i32
        %add3A_1198 = arith.addi %add3A_1197, %mul3A_73 : i32
        %get3A_1199 = arith.index_cast %add3A_1198 : i32 to index
        %get3A_1200 = tpu.vector_load %arg12[%get3A_1199] {strides = array<i32>} : memref<3328xf32, #tpu.memory_space<vmem>>, vector<16xf32>,
        %mul3A_1201 = arith.mulf %get3A_1200, %get3A_1196 : vector<16xf32>
        %add3A_1202 = arith.addf %add3A_1109, %mul3A_1201 : vector<16xf32>
        %add3A_1203 = arith.constant 1536 : i32
        %add3A_1204 = vector.broadcast %add3A_1203 : i32 to vector<16xi32>
        %add3A_1205 = arith.addi %add3A_75, %add3A_1204 : vector<16xi32>
        %gather3A_1206 = tpu.vector_load_idx %arg11[%add3A_1205, %broadcast_in_dim3A_4] : memref<3328x16xf32, #tpu.memory_space<vmem>>[vector<16xi32>, vector<16xi32>], vector<16xf32>,
        %mul3A_1207 = arith.mulf %gather3A_1206, %get3A_1196 : vector<16xf32>
        %add3A_1208 = arith.addf %add3A_1115, %mul3A_1207 : vector<16xf32>
        %mul3A_1209 = arith.mulf %mul3A_1207, %mul3A_1207 : vector<16xf32>
        %add3A_1210 = arith.addf %add3A_1177, %mul3A_1209 : vector<16xf32>
        %gather3A_1211 = tpu.vector_load_idx %arg11[%add3A_1205, %broadcast_in_dim3A_6] : memref<3328x16xf32, #tpu.memory_space<vmem>>[vector<16xi32>, vector<16xi32>], vector<16xf32>,
        %mul3A_1212 = arith.mulf %gather3A_1211, %get3A_1196 : vector<16xf32>
        %add3A_1213 = arith.addf %add3A_1120, %mul3A_1212 : vector<16xf32>
        %mul3A_1214 = arith.mulf %mul3A_1212, %mul3A_1212 : vector<16xf32>
        %add3A_1215 = arith.addf %add3A_1182, %mul3A_1214 : vector<16xf32>
        %gather3A_1216 = tpu.vector_load_idx %arg11[%add3A_1205, %broadcast_in_dim3A_8] : memref<3328x16xf32, #tpu.memory_space<vmem>>[vector<16xi32>, vector<16xi32>], vector<16xf32>,
        %mul3A_1217 = arith.mulf %gather3A_1216, %get3A_1196 : vector<16xf32>
        %add3A_1218 = arith.addf %add3A_1125, %mul3A_1217 : vector<16xf32>
        %mul3A_1219 = arith.mulf %mul3A_1217, %mul3A_1217 : vector<16xf32>
        %add3A_1220 = arith.addf %add3A_1187, %mul3A_1219 : vector<16xf32>
        %gather3A_1221 = tpu.vector_load_idx %arg11[%add3A_1205, %broadcast_in_dim3A_10] : memref<3328x16xf32, #tpu.memory_space<vmem>>[vector<16xi32>, vector<16xi32>], vector<16xf32>,
        %mul3A_1222 = arith.mulf %gather3A_1221, %get3A_1196 : vector<16xf32>
        %add3A_1223 = arith.addf %add3A_1130, %mul3A_1222 : vector<16xf32>
        %mul3A_1224 = arith.mulf %mul3A_1222, %mul3A_1222 : vector<16xf32>
        %add3A_1225 = arith.addf %add3A_1192, %mul3A_1224 : vector<16xf32>
        %gather3A_1226 = tpu.vector_load_idx %arg11[%add3A_1205, %broadcast_in_dim3A_12] : memref<3328x16xf32, #tpu.memory_space<vmem>>[vector<16xi32>, vector<16xi32>], vector<16xf32>,
        %mul3A_1227 = arith.mulf %gather3A_1226, %get3A_1196 : vector<16xf32>
        %add3A_1228 = arith.addf %add3A_1135, %mul3A_1227 : vector<16xf32>
        %mul3A_1229 = arith.mulf %mul3A_1227, %mul3A_1227 : vector<16xf32>
        %add3A_1230 = arith.addf %add3A_1210, %mul3A_1229 : vector<16xf32>
        %gather3A_1231 = tpu.vector_load_idx %arg11[%add3A_1205, %broadcast_in_dim3A_14] : memref<3328x16xf32, #tpu.memory_space<vmem>>[vector<16xi32>, vector<16xi32>], vector<16xf32>,
        %mul3A_1232 = arith.mulf %gather3A_1231, %get3A_1196 : vector<16xf32>
        %add3A_1233 = arith.addf %add3A_1140, %mul3A_1232 : vector<16xf32>
        %mul3A_1234 = arith.mulf %mul3A_1232, %mul3A_1232 : vector<16xf32>
        %add3A_1235 = arith.addf %add3A_1215, %mul3A_1234 : vector<16xf32>
        %gather3A_1236 = tpu.vector_load_idx %arg11[%add3A_1205, %broadcast_in_dim3A_16] : memref<3328x16xf32, #tpu.memory_space<vmem>>[vector<16xi32>, vector<16xi32>], vector<16xf32>,
        %mul3A_1237 = arith.mulf %gather3A_1236, %get3A_1196 : vector<16xf32>
        %add3A_1238 = arith.addf %add3A_1145, %mul3A_1237 : vector<16xf32>
        %mul3A_1239 = arith.mulf %mul3A_1237, %mul3A_1237 : vector<16xf32>
        %add3A_1240 = arith.addf %add3A_1220, %mul3A_1239 : vector<16xf32>
        %gather3A_1241 = tpu.vector_load_idx %arg11[%add3A_1205, %broadcast_in_dim3A_18] : memref<3328x16xf32, #tpu.memory_space<vmem>>[vector<16xi32>, vector<16xi32>], vector<16xf32>,
        %mul3A_1242 = arith.mulf %gather3A_1241, %get3A_1196 : vector<16xf32>
        %add3A_1243 = arith.addf %add3A_1150, %mul3A_1242 : vector<16xf32>
        %mul3A_1244 = arith.mulf %mul3A_1242, %mul3A_1242 : vector<16xf32>
        %add3A_1245 = arith.addf %add3A_1225, %mul3A_1244 : vector<16xf32>
        %gather3A_1246 = tpu.vector_load_idx %arg11[%add3A_1205, %broadcast_in_dim3A_20] : memref<3328x16xf32, #tpu.memory_space<vmem>>[vector<16xi32>, vector<16xi32>], vector<16xf32>,
        %mul3A_1247 = arith.mulf %gather3A_1246, %get3A_1196 : vector<16xf32>
        %add3A_1248 = arith.addf %add3A_1155, %mul3A_1247 : vector<16xf32>
        %mul3A_1249 = arith.mulf %mul3A_1247, %mul3A_1247 : vector<16xf32>
        %add3A_1250 = arith.addf %add3A_1230, %mul3A_1249 : vector<16xf32>
        %gather3A_1251 = tpu.vector_load_idx %arg11[%add3A_1205, %broadcast_in_dim3A_22] : memref<3328x16xf32, #tpu.memory_space<vmem>>[vector<16xi32>, vector<16xi32>], vector<16xf32>,
        %mul3A_1252 = arith.mulf %gather3A_1251, %get3A_1196 : vector<16xf32>
        %add3A_1253 = arith.addf %add3A_1160, %mul3A_1252 : vector<16xf32>
        %mul3A_1254 = arith.mulf %mul3A_1252, %mul3A_1252 : vector<16xf32>
        %add3A_1255 = arith.addf %add3A_1235, %mul3A_1254 : vector<16xf32>
        %gather3A_1256 = tpu.vector_load_idx %arg11[%add3A_1205, %broadcast_in_dim3A_24] : memref<3328x16xf32, #tpu.memory_space<vmem>>[vector<16xi32>, vector<16xi32>], vector<16xf32>,
        %mul3A_1257 = arith.mulf %gather3A_1256, %get3A_1196 : vector<16xf32>
        %add3A_1258 = arith.addf %add3A_1165, %mul3A_1257 : vector<16xf32>
        %mul3A_1259 = arith.mulf %mul3A_1257, %mul3A_1257 : vector<16xf32>
        %add3A_1260 = arith.addf %add3A_1240, %mul3A_1259 : vector<16xf32>
        %gather3A_1261 = tpu.vector_load_idx %arg11[%add3A_1205, %broadcast_in_dim3A_26] : memref<3328x16xf32, #tpu.memory_space<vmem>>[vector<16xi32>, vector<16xi32>], vector<16xf32>,
        %mul3A_1262 = arith.mulf %gather3A_1261, %get3A_1196 : vector<16xf32>
        %add3A_1263 = arith.addf %add3A_1170, %mul3A_1262 : vector<16xf32>
        %mul3A_1264 = arith.mulf %mul3A_1262, %mul3A_1262 : vector<16xf32>
        %add3A_1265 = arith.addf %add3A_1245, %mul3A_1264 : vector<16xf32>
        %gather3A_1266 = tpu.vector_load_idx %arg11[%add3A_1205, %broadcast_in_dim3A_28] : memref<3328x16xf32, #tpu.memory_space<vmem>>[vector<16xi32>, vector<16xi32>], vector<16xf32>,
        %mul3A_1267 = arith.mulf %gather3A_1266, %get3A_1196 : vector<16xf32>
        %add3A_1268 = arith.addf %add3A_1175, %mul3A_1267 : vector<16xf32>
        %mul3A_1269 = arith.mulf %mul3A_1267, %mul3A_1267 : vector<16xf32>
        %add3A_1270 = arith.addf %add3A_1250, %mul3A_1269 : vector<16xf32>
        %gather3A_1271 = tpu.vector_load_idx %arg11[%add3A_1205, %broadcast_in_dim3A_30] : memref<3328x16xf32, #tpu.memory_space<vmem>>[vector<16xi32>, vector<16xi32>], vector<16xf32>,
        %mul3A_1272 = arith.mulf %gather3A_1271, %get3A_1196 : vector<16xf32>
        %add3A_1273 = arith.addf %add3A_1180, %mul3A_1272 : vector<16xf32>
        %mul3A_1274 = arith.mulf %mul3A_1272, %mul3A_1272 : vector<16xf32>
        %add3A_1275 = arith.addf %add3A_1255, %mul3A_1274 : vector<16xf32>
        %gather3A_1276 = tpu.vector_load_idx %arg11[%add3A_1205, %broadcast_in_dim3A_32] : memref<3328x16xf32, #tpu.memory_space<vmem>>[vector<16xi32>, vector<16xi32>], vector<16xf32>,
        %mul3A_1277 = arith.mulf %gather3A_1276, %get3A_1196 : vector<16xf32>
        %add3A_1278 = arith.addf %add3A_1185, %mul3A_1277 : vector<16xf32>
        %mul3A_1279 = arith.mulf %mul3A_1277, %mul3A_1277 : vector<16xf32>
        %add3A_1280 = arith.addf %add3A_1260, %mul3A_1279 : vector<16xf32>
        %gather3A_1281 = tpu.vector_load_idx %arg11[%add3A_1205, %broadcast_in_dim3A_34] : memref<3328x16xf32, #tpu.memory_space<vmem>>[vector<16xi32>, vector<16xi32>], vector<16xf32>,
        %mul3A_1282 = arith.mulf %gather3A_1281, %get3A_1196 : vector<16xf32>
        %add3A_1283 = arith.addf %add3A_1190, %mul3A_1282 : vector<16xf32>
        %mul3A_1284 = arith.mulf %mul3A_1282, %mul3A_1282 : vector<16xf32>
        %add3A_1285 = arith.addf %add3A_1265, %mul3A_1284 : vector<16xf32>
        %get3A_1286 = arith.constant 13 : i32
        %get3A_1287 = arith.index_cast %get3A_1286 : i32 to index
        %get3A_1288 = arith.index_cast %mul3A_73 : i32 to index
        %get3A_1289 = tpu.vector_load %arg10[%get3A_1287, %get3A_1288] {strides = array<i32>} : memref<26x128xf32, #tpu.memory_space<vmem>>, vector<16xf32>,
        %add3A_1290 = arith.constant 1664 : i32
        %add3A_1291 = arith.addi %add3A_1290, %mul3A_73 : i32
        %get3A_1292 = arith.index_cast %add3A_1291 : i32 to index
        %get3A_1293 = tpu.vector_load %arg12[%get3A_1292] {strides = array<i32>} : memref<3328xf32, #tpu.memory_space<vmem>>, vector<16xf32>,
        %mul3A_1294 = arith.mulf %get3A_1293, %get3A_1289 : vector<16xf32>
        %add3A_1295 = arith.addf %add3A_1202, %mul3A_1294 : vector<16xf32>
        %add3A_1296 = arith.constant 1664 : i32
        %add3A_1297 = vector.broadcast %add3A_1296 : i32 to vector<16xi32>
        %add3A_1298 = arith.addi %add3A_75, %add3A_1297 : vector<16xi32>
        %gather3A_1299 = tpu.vector_load_idx %arg11[%add3A_1298, %broadcast_in_dim3A_4] : memref<3328x16xf32, #tpu.memory_space<vmem>>[vector<16xi32>, vector<16xi32>], vector<16xf32>,
        %mul3A_1300 = arith.mulf %gather3A_1299, %get3A_1289 : vector<16xf32>
        %add3A_1301 = arith.addf %add3A_1208, %mul3A_1300 : vector<16xf32>
        %mul3A_1302 = arith.mulf %mul3A_1300, %mul3A_1300 : vector<16xf32>
        %add3A_1303 = arith.addf %add3A_1270, %mul3A_1302 : vector<16xf32>
        %gather3A_1304 = tpu.vector_load_idx %arg11[%add3A_1298, %broadcast_in_dim3A_6] : memref<3328x16xf32, #tpu.memory_space<vmem>>[vector<16xi32>, vector<16xi32>], vector<16xf32>,
        %mul3A_1305 = arith.mulf %gather3A_1304, %get3A_1289 : vector<16xf32>
        %add3A_1306 = arith.addf %add3A_1213, %mul3A_1305 : vector<16xf32>
        %mul3A_1307 = arith.mulf %mul3A_1305, %mul3A_1305 : vector<16xf32>
        %add3A_1308 = arith.addf %add3A_1275, %mul3A_1307 : vector<16xf32>
        %gather3A_1309 = tpu.vector_load_idx %arg11[%add3A_1298, %broadcast_in_dim3A_8] : memref<3328x16xf32, #tpu.memory_space<vmem>>[vector<16xi32>, vector<16xi32>], vector<16xf32>,
        %mul3A_1310 = arith.mulf %gather3A_1309, %get3A_1289 : vector<16xf32>
        %add3A_1311 = arith.addf %add3A_1218, %mul3A_1310 : vector<16xf32>
        %mul3A_1312 = arith.mulf %mul3A_1310, %mul3A_1310 : vector<16xf32>
        %add3A_1313 = arith.addf %add3A_1280, %mul3A_1312 : vector<16xf32>
        %gather3A_1314 = tpu.vector_load_idx %arg11[%add3A_1298, %broadcast_in_dim3A_10] : memref<3328x16xf32, #tpu.memory_space<vmem>>[vector<16xi32>, vector<16xi32>], vector<16xf32>,
        %mul3A_1315 = arith.mulf %gather3A_1314, %get3A_1289 : vector<16xf32>
        %add3A_1316 = arith.addf %add3A_1223, %mul3A_1315 : vector<16xf32>
        %mul3A_1317 = arith.mulf %mul3A_1315, %mul3A_1315 : vector<16xf32>
        %add3A_1318 = arith.addf %add3A_1285, %mul3A_1317 : vector<16xf32>
        %gather3A_1319 = tpu.vector_load_idx %arg11[%add3A_1298, %broadcast_in_dim3A_12] : memref<3328x16xf32, #tpu.memory_space<vmem>>[vector<16xi32>, vector<16xi32>], vector<16xf32>,
        %mul3A_1320 = arith.mulf %gather3A_1319, %get3A_1289 : vector<16xf32>
        %add3A_1321 = arith.addf %add3A_1228, %mul3A_1320 : vector<16xf32>
        %mul3A_1322 = arith.mulf %mul3A_1320, %mul3A_1320 : vector<16xf32>
        %add3A_1323 = arith.addf %add3A_1303, %mul3A_1322 : vector<16xf32>
        %gather3A_1324 = tpu.vector_load_idx %arg11[%add3A_1298, %broadcast_in_dim3A_14] : memref<3328x16xf32, #tpu.memory_space<vmem>>[vector<16xi32>, vector<16xi32>], vector<16xf32>,
        %mul3A_1325 = arith.mulf %gather3A_1324, %get3A_1289 : vector<16xf32>
        %add3A_1326 = arith.addf %add3A_1233, %mul3A_1325 : vector<16xf32>
        %mul3A_1327 = arith.mulf %mul3A_1325, %mul3A_1325 : vector<16xf32>
        %add3A_1328 = arith.addf %add3A_1308, %mul3A_1327 : vector<16xf32>
        %gather3A_1329 = tpu.vector_load_idx %arg11[%add3A_1298, %broadcast_in_dim3A_16] : memref<3328x16xf32, #tpu.memory_space<vmem>>[vector<16xi32>, vector<16xi32>], vector<16xf32>,
        %mul3A_1330 = arith.mulf %gather3A_1329, %get3A_1289 : vector<16xf32>
        %add3A_1331 = arith.addf %add3A_1238, %mul3A_1330 : vector<16xf32>
        %mul3A_1332 = arith.mulf %mul3A_1330, %mul3A_1330 : vector<16xf32>
        %add3A_1333 = arith.addf %add3A_1313, %mul3A_1332 : vector<16xf32>
        %gather3A_1334 = tpu.vector_load_idx %arg11[%add3A_1298, %broadcast_in_dim3A_18] : memref<3328x16xf32, #tpu.memory_space<vmem>>[vector<16xi32>, vector<16xi32>], vector<16xf32>,
        %mul3A_1335 = arith.mulf %gather3A_1334, %get3A_1289 : vector<16xf32>
        %add3A_1336 = arith.addf %add3A_1243, %mul3A_1335 : vector<16xf32>
        %mul3A_1337 = arith.mulf %mul3A_1335, %mul3A_1335 : vector<16xf32>
        %add3A_1338 = arith.addf %add3A_1318, %mul3A_1337 : vector<16xf32>
        %gather3A_1339 = tpu.vector_load_idx %arg11[%add3A_1298, %broadcast_in_dim3A_20] : memref<3328x16xf32, #tpu.memory_space<vmem>>[vector<16xi32>, vector<16xi32>], vector<16xf32>,
        %mul3A_1340 = arith.mulf %gather3A_1339, %get3A_1289 : vector<16xf32>
        %add3A_1341 = arith.addf %add3A_1248, %mul3A_1340 : vector<16xf32>
        %mul3A_1342 = arith.mulf %mul3A_1340, %mul3A_1340 : vector<16xf32>
        %add3A_1343 = arith.addf %add3A_1323, %mul3A_1342 : vector<16xf32>
        %gather3A_1344 = tpu.vector_load_idx %arg11[%add3A_1298, %broadcast_in_dim3A_22] : memref<3328x16xf32, #tpu.memory_space<vmem>>[vector<16xi32>, vector<16xi32>], vector<16xf32>,
        %mul3A_1345 = arith.mulf %gather3A_1344, %get3A_1289 : vector<16xf32>
        %add3A_1346 = arith.addf %add3A_1253, %mul3A_1345 : vector<16xf32>
        %mul3A_1347 = arith.mulf %mul3A_1345, %mul3A_1345 : vector<16xf32>
        %add3A_1348 = arith.addf %add3A_1328, %mul3A_1347 : vector<16xf32>
        %gather3A_1349 = tpu.vector_load_idx %arg11[%add3A_1298, %broadcast_in_dim3A_24] : memref<3328x16xf32, #tpu.memory_space<vmem>>[vector<16xi32>, vector<16xi32>], vector<16xf32>,
        %mul3A_1350 = arith.mulf %gather3A_1349, %get3A_1289 : vector<16xf32>
        %add3A_1351 = arith.addf %add3A_1258, %mul3A_1350 : vector<16xf32>
        %mul3A_1352 = arith.mulf %mul3A_1350, %mul3A_1350 : vector<16xf32>
        %add3A_1353 = arith.addf %add3A_1333, %mul3A_1352 : vector<16xf32>
        %gather3A_1354 = tpu.vector_load_idx %arg11[%add3A_1298, %broadcast_in_dim3A_26] : memref<3328x16xf32, #tpu.memory_space<vmem>>[vector<16xi32>, vector<16xi32>], vector<16xf32>,
        %mul3A_1355 = arith.mulf %gather3A_1354, %get3A_1289 : vector<16xf32>
        %add3A_1356 = arith.addf %add3A_1263, %mul3A_1355 : vector<16xf32>
        %mul3A_1357 = arith.mulf %mul3A_1355, %mul3A_1355 : vector<16xf32>
        %add3A_1358 = arith.addf %add3A_1338, %mul3A_1357 : vector<16xf32>
        %gather3A_1359 = tpu.vector_load_idx %arg11[%add3A_1298, %broadcast_in_dim3A_28] : memref<3328x16xf32, #tpu.memory_space<vmem>>[vector<16xi32>, vector<16xi32>], vector<16xf32>,
        %mul3A_1360 = arith.mulf %gather3A_1359, %get3A_1289 : vector<16xf32>
        %add3A_1361 = arith.addf %add3A_1268, %mul3A_1360 : vector<16xf32>
        %mul3A_1362 = arith.mulf %mul3A_1360, %mul3A_1360 : vector<16xf32>
        %add3A_1363 = arith.addf %add3A_1343, %mul3A_1362 : vector<16xf32>
        %gather3A_1364 = tpu.vector_load_idx %arg11[%add3A_1298, %broadcast_in_dim3A_30] : memref<3328x16xf32, #tpu.memory_space<vmem>>[vector<16xi32>, vector<16xi32>], vector<16xf32>,
        %mul3A_1365 = arith.mulf %gather3A_1364, %get3A_1289 : vector<16xf32>
        %add3A_1366 = arith.addf %add3A_1273, %mul3A_1365 : vector<16xf32>
        %mul3A_1367 = arith.mulf %mul3A_1365, %mul3A_1365 : vector<16xf32>
        %add3A_1368 = arith.addf %add3A_1348, %mul3A_1367 : vector<16xf32>
        %gather3A_1369 = tpu.vector_load_idx %arg11[%add3A_1298, %broadcast_in_dim3A_32] : memref<3328x16xf32, #tpu.memory_space<vmem>>[vector<16xi32>, vector<16xi32>], vector<16xf32>,
        %mul3A_1370 = arith.mulf %gather3A_1369, %get3A_1289 : vector<16xf32>
        %add3A_1371 = arith.addf %add3A_1278, %mul3A_1370 : vector<16xf32>
        %mul3A_1372 = arith.mulf %mul3A_1370, %mul3A_1370 : vector<16xf32>
        %add3A_1373 = arith.addf %add3A_1353, %mul3A_1372 : vector<16xf32>
        %gather3A_1374 = tpu.vector_load_idx %arg11[%add3A_1298, %broadcast_in_dim3A_34] : memref<3328x16xf32, #tpu.memory_space<vmem>>[vector<16xi32>, vector<16xi32>], vector<16xf32>,
        %mul3A_1375 = arith.mulf %gather3A_1374, %get3A_1289 : vector<16xf32>
        %add3A_1376 = arith.addf %add3A_1283, %mul3A_1375 : vector<16xf32>
        %mul3A_1377 = arith.mulf %mul3A_1375, %mul3A_1375 : vector<16xf32>
        %add3A_1378 = arith.addf %add3A_1358, %mul3A_1377 : vector<16xf32>
        %get3A_1379 = arith.constant 14 : i32
        %get3A_1380 = arith.index_cast %get3A_1379 : i32 to index
        %get3A_1381 = arith.index_cast %mul3A_73 : i32 to index
        %get3A_1382 = tpu.vector_load %arg10[%get3A_1380, %get3A_1381] {strides = array<i32>} : memref<26x128xf32, #tpu.memory_space<vmem>>, vector<16xf32>,
        %add3A_1383 = arith.constant 1792 : i32
        %add3A_1384 = arith.addi %add3A_1383, %mul3A_73 : i32
        %get3A_1385 = arith.index_cast %add3A_1384 : i32 to index
        %get3A_1386 = tpu.vector_load %arg12[%get3A_1385] {strides = array<i32>} : memref<3328xf32, #tpu.memory_space<vmem>>, vector<16xf32>,
        %mul3A_1387 = arith.mulf %get3A_1386, %get3A_1382 : vector<16xf32>
        %add3A_1388 = arith.addf %add3A_1295, %mul3A_1387 : vector<16xf32>
        %add3A_1389 = arith.constant 1792 : i32
        %add3A_1390 = vector.broadcast %add3A_1389 : i32 to vector<16xi32>
        %add3A_1391 = arith.addi %add3A_75, %add3A_1390 : vector<16xi32>
        %gather3A_1392 = tpu.vector_load_idx %arg11[%add3A_1391, %broadcast_in_dim3A_4] : memref<3328x16xf32, #tpu.memory_space<vmem>>[vector<16xi32>, vector<16xi32>], vector<16xf32>,
        %mul3A_1393 = arith.mulf %gather3A_1392, %get3A_1382 : vector<16xf32>
        %add3A_1394 = arith.addf %add3A_1301, %mul3A_1393 : vector<16xf32>
        %mul3A_1395 = arith.mulf %mul3A_1393, %mul3A_1393 : vector<16xf32>
        %add3A_1396 = arith.addf %add3A_1363, %mul3A_1395 : vector<16xf32>
        %gather3A_1397 = tpu.vector_load_idx %arg11[%add3A_1391, %broadcast_in_dim3A_6] : memref<3328x16xf32, #tpu.memory_space<vmem>>[vector<16xi32>, vector<16xi32>], vector<16xf32>,
        %mul3A_1398 = arith.mulf %gather3A_1397, %get3A_1382 : vector<16xf32>
        %add3A_1399 = arith.addf %add3A_1306, %mul3A_1398 : vector<16xf32>
        %mul3A_1400 = arith.mulf %mul3A_1398, %mul3A_1398 : vector<16xf32>
        %add3A_1401 = arith.addf %add3A_1368, %mul3A_1400 : vector<16xf32>
        %gather3A_1402 = tpu.vector_load_idx %arg11[%add3A_1391, %broadcast_in_dim3A_8] : memref<3328x16xf32, #tpu.memory_space<vmem>>[vector<16xi32>, vector<16xi32>], vector<16xf32>,
        %mul3A_1403 = arith.mulf %gather3A_1402, %get3A_1382 : vector<16xf32>
        %add3A_1404 = arith.addf %add3A_1311, %mul3A_1403 : vector<16xf32>
        %mul3A_1405 = arith.mulf %mul3A_1403, %mul3A_1403 : vector<16xf32>
        %add3A_1406 = arith.addf %add3A_1373, %mul3A_1405 : vector<16xf32>
        %gather3A_1407 = tpu.vector_load_idx %arg11[%add3A_1391, %broadcast_in_dim3A_10] : memref<3328x16xf32, #tpu.memory_space<vmem>>[vector<16xi32>, vector<16xi32>], vector<16xf32>,
        %mul3A_1408 = arith.mulf %gather3A_1407, %get3A_1382 : vector<16xf32>
        %add3A_1409 = arith.addf %add3A_1316, %mul3A_1408 : vector<16xf32>
        %mul3A_1410 = arith.mulf %mul3A_1408, %mul3A_1408 : vector<16xf32>
        %add3A_1411 = arith.addf %add3A_1378, %mul3A_1410 : vector<16xf32>
        %gather3A_1412 = tpu.vector_load_idx %arg11[%add3A_1391, %broadcast_in_dim3A_12] : memref<3328x16xf32, #tpu.memory_space<vmem>>[vector<16xi32>, vector<16xi32>], vector<16xf32>,
        %mul3A_1413 = arith.mulf %gather3A_1412, %get3A_1382 : vector<16xf32>
        %add3A_1414 = arith.addf %add3A_1321, %mul3A_1413 : vector<16xf32>
        %mul3A_1415 = arith.mulf %mul3A_1413, %mul3A_1413 : vector<16xf32>
        %add3A_1416 = arith.addf %add3A_1396, %mul3A_1415 : vector<16xf32>
        %gather3A_1417 = tpu.vector_load_idx %arg11[%add3A_1391, %broadcast_in_dim3A_14] : memref<3328x16xf32, #tpu.memory_space<vmem>>[vector<16xi32>, vector<16xi32>], vector<16xf32>,
        %mul3A_1418 = arith.mulf %gather3A_1417, %get3A_1382 : vector<16xf32>
        %add3A_1419 = arith.addf %add3A_1326, %mul3A_1418 : vector<16xf32>
        %mul3A_1420 = arith.mulf %mul3A_1418, %mul3A_1418 : vector<16xf32>
        %add3A_1421 = arith.addf %add3A_1401, %mul3A_1420 : vector<16xf32>
        %gather3A_1422 = tpu.vector_load_idx %arg11[%add3A_1391, %broadcast_in_dim3A_16] : memref<3328x16xf32, #tpu.memory_space<vmem>>[vector<16xi32>, vector<16xi32>], vector<16xf32>,
        %mul3A_1423 = arith.mulf %gather3A_1422, %get3A_1382 : vector<16xf32>
        %add3A_1424 = arith.addf %add3A_1331, %mul3A_1423 : vector<16xf32>
        %mul3A_1425 = arith.mulf %mul3A_1423, %mul3A_1423 : vector<16xf32>
        %add3A_1426 = arith.addf %add3A_1406, %mul3A_1425 : vector<16xf32>
        %gather3A_1427 = tpu.vector_load_idx %arg11[%add3A_1391, %broadcast_in_dim3A_18] : memref<3328x16xf32, #tpu.memory_space<vmem>>[vector<16xi32>, vector<16xi32>], vector<16xf32>,
        %mul3A_1428 = arith.mulf %gather3A_1427, %get3A_1382 : vector<16xf32>
        %add3A_1429 = arith.addf %add3A_1336, %mul3A_1428 : vector<16xf32>
        %mul3A_1430 = arith.mulf %mul3A_1428, %mul3A_1428 : vector<16xf32>
        %add3A_1431 = arith.addf %add3A_1411, %mul3A_1430 : vector<16xf32>
        %gather3A_1432 = tpu.vector_load_idx %arg11[%add3A_1391, %broadcast_in_dim3A_20] : memref<3328x16xf32, #tpu.memory_space<vmem>>[vector<16xi32>, vector<16xi32>], vector<16xf32>,
        %mul3A_1433 = arith.mulf %gather3A_1432, %get3A_1382 : vector<16xf32>
        %add3A_1434 = arith.addf %add3A_1341, %mul3A_1433 : vector<16xf32>
        %mul3A_1435 = arith.mulf %mul3A_1433, %mul3A_1433 : vector<16xf32>
        %add3A_1436 = arith.addf %add3A_1416, %mul3A_1435 : vector<16xf32>
        %gather3A_1437 = tpu.vector_load_idx %arg11[%add3A_1391, %broadcast_in_dim3A_22] : memref<3328x16xf32, #tpu.memory_space<vmem>>[vector<16xi32>, vector<16xi32>], vector<16xf32>,
        %mul3A_1438 = arith.mulf %gather3A_1437, %get3A_1382 : vector<16xf32>
        %add3A_1439 = arith.addf %add3A_1346, %mul3A_1438 : vector<16xf32>
        %mul3A_1440 = arith.mulf %mul3A_1438, %mul3A_1438 : vector<16xf32>
        %add3A_1441 = arith.addf %add3A_1421, %mul3A_1440 : vector<16xf32>
        %gather3A_1442 = tpu.vector_load_idx %arg11[%add3A_1391, %broadcast_in_dim3A_24] : memref<3328x16xf32, #tpu.memory_space<vmem>>[vector<16xi32>, vector<16xi32>], vector<16xf32>,
        %mul3A_1443 = arith.mulf %gather3A_1442, %get3A_1382 : vector<16xf32>
        %add3A_1444 = arith.addf %add3A_1351, %mul3A_1443 : vector<16xf32>
        %mul3A_1445 = arith.mulf %mul3A_1443, %mul3A_1443 : vector<16xf32>
        %add3A_1446 = arith.addf %add3A_1426, %mul3A_1445 : vector<16xf32>
        %gather3A_1447 = tpu.vector_load_idx %arg11[%add3A_1391, %broadcast_in_dim3A_26] : memref<3328x16xf32, #tpu.memory_space<vmem>>[vector<16xi32>, vector<16xi32>], vector<16xf32>,
        %mul3A_1448 = arith.mulf %gather3A_1447, %get3A_1382 : vector<16xf32>
        %add3A_1449 = arith.addf %add3A_1356, %mul3A_1448 : vector<16xf32>
        %mul3A_1450 = arith.mulf %mul3A_1448, %mul3A_1448 : vector<16xf32>
        %add3A_1451 = arith.addf %add3A_1431, %mul3A_1450 : vector<16xf32>
        %gather3A_1452 = tpu.vector_load_idx %arg11[%add3A_1391, %broadcast_in_dim3A_28] : memref<3328x16xf32, #tpu.memory_space<vmem>>[vector<16xi32>, vector<16xi32>], vector<16xf32>,
        %mul3A_1453 = arith.mulf %gather3A_1452, %get3A_1382 : vector<16xf32>
        %add3A_1454 = arith.addf %add3A_1361, %mul3A_1453 : vector<16xf32>
        %mul3A_1455 = arith.mulf %mul3A_1453, %mul3A_1453 : vector<16xf32>
        %add3A_1456 = arith.addf %add3A_1436, %mul3A_1455 : vector<16xf32>
        %gather3A_1457 = tpu.vector_load_idx %arg11[%add3A_1391, %broadcast_in_dim3A_30] : memref<3328x16xf32, #tpu.memory_space<vmem>>[vector<16xi32>, vector<16xi32>], vector<16xf32>,
        %mul3A_1458 = arith.mulf %gather3A_1457, %get3A_1382 : vector<16xf32>
        %add3A_1459 = arith.addf %add3A_1366, %mul3A_1458 : vector<16xf32>
        %mul3A_1460 = arith.mulf %mul3A_1458, %mul3A_1458 : vector<16xf32>
        %add3A_1461 = arith.addf %add3A_1441, %mul3A_1460 : vector<16xf32>
        %gather3A_1462 = tpu.vector_load_idx %arg11[%add3A_1391, %broadcast_in_dim3A_32] : memref<3328x16xf32, #tpu.memory_space<vmem>>[vector<16xi32>, vector<16xi32>], vector<16xf32>,
        %mul3A_1463 = arith.mulf %gather3A_1462, %get3A_1382 : vector<16xf32>
        %add3A_1464 = arith.addf %add3A_1371, %mul3A_1463 : vector<16xf32>
        %mul3A_1465 = arith.mulf %mul3A_1463, %mul3A_1463 : vector<16xf32>
        %add3A_1466 = arith.addf %add3A_1446, %mul3A_1465 : vector<16xf32>
        %gather3A_1467 = tpu.vector_load_idx %arg11[%add3A_1391, %broadcast_in_dim3A_34] : memref<3328x16xf32, #tpu.memory_space<vmem>>[vector<16xi32>, vector<16xi32>], vector<16xf32>,
        %mul3A_1468 = arith.mulf %gather3A_1467, %get3A_1382 : vector<16xf32>
        %add3A_1469 = arith.addf %add3A_1376, %mul3A_1468 : vector<16xf32>
        %mul3A_1470 = arith.mulf %mul3A_1468, %mul3A_1468 : vector<16xf32>
        %add3A_1471 = arith.addf %add3A_1451, %mul3A_1470 : vector<16xf32>
        %get3A_1472 = arith.constant 15 : i32
        %get3A_1473 = arith.index_cast %get3A_1472 : i32 to index
        %get3A_1474 = arith.index_cast %mul3A_73 : i32 to index
        %get3A_1475 = tpu.vector_load %arg10[%get3A_1473, %get3A_1474] {strides = array<i32>} : memref<26x128xf32, #tpu.memory_space<vmem>>, vector<16xf32>,
        %add3A_1476 = arith.constant 1920 : i32
        %add3A_1477 = arith.addi %add3A_1476, %mul3A_73 : i32
        %get3A_1478 = arith.index_cast %add3A_1477 : i32 to index
        %get3A_1479 = tpu.vector_load %arg12[%get3A_1478] {strides = array<i32>} : memref<3328xf32, #tpu.memory_space<vmem>>, vector<16xf32>,
        %mul3A_1480 = arith.mulf %get3A_1479, %get3A_1475 : vector<16xf32>
        %add3A_1481 = arith.addf %add3A_1388, %mul3A_1480 : vector<16xf32>
        %add3A_1482 = arith.constant 1920 : i32
        %add3A_1483 = vector.broadcast %add3A_1482 : i32 to vector<16xi32>
        %add3A_1484 = arith.addi %add3A_75, %add3A_1483 : vector<16xi32>
        %gather3A_1485 = tpu.vector_load_idx %arg11[%add3A_1484, %broadcast_in_dim3A_4] : memref<3328x16xf32, #tpu.memory_space<vmem>>[vector<16xi32>, vector<16xi32>], vector<16xf32>,
        %mul3A_1486 = arith.mulf %gather3A_1485, %get3A_1475 : vector<16xf32>
        %add3A_1487 = arith.addf %add3A_1394, %mul3A_1486 : vector<16xf32>
        %mul3A_1488 = arith.mulf %mul3A_1486, %mul3A_1486 : vector<16xf32>
        %add3A_1489 = arith.addf %add3A_1456, %mul3A_1488 : vector<16xf32>
        %gather3A_1490 = tpu.vector_load_idx %arg11[%add3A_1484, %broadcast_in_dim3A_6] : memref<3328x16xf32, #tpu.memory_space<vmem>>[vector<16xi32>, vector<16xi32>], vector<16xf32>,
        %mul3A_1491 = arith.mulf %gather3A_1490, %get3A_1475 : vector<16xf32>
        %add3A_1492 = arith.addf %add3A_1399, %mul3A_1491 : vector<16xf32>
        %mul3A_1493 = arith.mulf %mul3A_1491, %mul3A_1491 : vector<16xf32>
        %add3A_1494 = arith.addf %add3A_1461, %mul3A_1493 : vector<16xf32>
        %gather3A_1495 = tpu.vector_load_idx %arg11[%add3A_1484, %broadcast_in_dim3A_8] : memref<3328x16xf32, #tpu.memory_space<vmem>>[vector<16xi32>, vector<16xi32>], vector<16xf32>,
        %mul3A_1496 = arith.mulf %gather3A_1495, %get3A_1475 : vector<16xf32>
        %add3A_1497 = arith.addf %add3A_1404, %mul3A_1496 : vector<16xf32>
        %mul3A_1498 = arith.mulf %mul3A_1496, %mul3A_1496 : vector<16xf32>
        %add3A_1499 = arith.addf %add3A_1466, %mul3A_1498 : vector<16xf32>
        %gather3A_1500 = tpu.vector_load_idx %arg11[%add3A_1484, %broadcast_in_dim3A_10] : memref<3328x16xf32, #tpu.memory_space<vmem>>[vector<16xi32>, vector<16xi32>], vector<16xf32>,
        %mul3A_1501 = arith.mulf %gather3A_1500, %get3A_1475 : vector<16xf32>
        %add3A_1502 = arith.addf %add3A_1409, %mul3A_1501 : vector<16xf32>
        %mul3A_1503 = arith.mulf %mul3A_1501, %mul3A_1501 : vector<16xf32>
        %add3A_1504 = arith.addf %add3A_1471, %mul3A_1503 : vector<16xf32>
        %gather3A_1505 = tpu.vector_load_idx %arg11[%add3A_1484, %broadcast_in_dim3A_12] : memref<3328x16xf32, #tpu.memory_space<vmem>>[vector<16xi32>, vector<16xi32>], vector<16xf32>,
        %mul3A_1506 = arith.mulf %gather3A_1505, %get3A_1475 : vector<16xf32>
        %add3A_1507 = arith.addf %add3A_1414, %mul3A_1506 : vector<16xf32>
        %mul3A_1508 = arith.mulf %mul3A_1506, %mul3A_1506 : vector<16xf32>
        %add3A_1509 = arith.addf %add3A_1489, %mul3A_1508 : vector<16xf32>
        %gather3A_1510 = tpu.vector_load_idx %arg11[%add3A_1484, %broadcast_in_dim3A_14] : memref<3328x16xf32, #tpu.memory_space<vmem>>[vector<16xi32>, vector<16xi32>], vector<16xf32>,
        %mul3A_1511 = arith.mulf %gather3A_1510, %get3A_1475 : vector<16xf32>
        %add3A_1512 = arith.addf %add3A_1419, %mul3A_1511 : vector<16xf32>
        %mul3A_1513 = arith.mulf %mul3A_1511, %mul3A_1511 : vector<16xf32>
        %add3A_1514 = arith.addf %add3A_1494, %mul3A_1513 : vector<16xf32>
        %gather3A_1515 = tpu.vector_load_idx %arg11[%add3A_1484, %broadcast_in_dim3A_16] : memref<3328x16xf32, #tpu.memory_space<vmem>>[vector<16xi32>, vector<16xi32>], vector<16xf32>,
        %mul3A_1516 = arith.mulf %gather3A_1515, %get3A_1475 : vector<16xf32>
        %add3A_1517 = arith.addf %add3A_1424, %mul3A_1516 : vector<16xf32>
        %mul3A_1518 = arith.mulf %mul3A_1516, %mul3A_1516 : vector<16xf32>
        %add3A_1519 = arith.addf %add3A_1499, %mul3A_1518 : vector<16xf32>
        %gather3A_1520 = tpu.vector_load_idx %arg11[%add3A_1484, %broadcast_in_dim3A_18] : memref<3328x16xf32, #tpu.memory_space<vmem>>[vector<16xi32>, vector<16xi32>], vector<16xf32>,
        %mul3A_1521 = arith.mulf %gather3A_1520, %get3A_1475 : vector<16xf32>
        %add3A_1522 = arith.addf %add3A_1429, %mul3A_1521 : vector<16xf32>
        %mul3A_1523 = arith.mulf %mul3A_1521, %mul3A_1521 : vector<16xf32>
        %add3A_1524 = arith.addf %add3A_1504, %mul3A_1523 : vector<16xf32>
        %gather3A_1525 = tpu.vector_load_idx %arg11[%add3A_1484, %broadcast_in_dim3A_20] : memref<3328x16xf32, #tpu.memory_space<vmem>>[vector<16xi32>, vector<16xi32>], vector<16xf32>,
        %mul3A_1526 = arith.mulf %gather3A_1525, %get3A_1475 : vector<16xf32>
        %add3A_1527 = arith.addf %add3A_1434, %mul3A_1526 : vector<16xf32>
        %mul3A_1528 = arith.mulf %mul3A_1526, %mul3A_1526 : vector<16xf32>
        %add3A_1529 = arith.addf %add3A_1509, %mul3A_1528 : vector<16xf32>
        %gather3A_1530 = tpu.vector_load_idx %arg11[%add3A_1484, %broadcast_in_dim3A_22] : memref<3328x16xf32, #tpu.memory_space<vmem>>[vector<16xi32>, vector<16xi32>], vector<16xf32>,
        %mul3A_1531 = arith.mulf %gather3A_1530, %get3A_1475 : vector<16xf32>
        %add3A_1532 = arith.addf %add3A_1439, %mul3A_1531 : vector<16xf32>
        %mul3A_1533 = arith.mulf %mul3A_1531, %mul3A_1531 : vector<16xf32>
        %add3A_1534 = arith.addf %add3A_1514, %mul3A_1533 : vector<16xf32>
        %gather3A_1535 = tpu.vector_load_idx %arg11[%add3A_1484, %broadcast_in_dim3A_24] : memref<3328x16xf32, #tpu.memory_space<vmem>>[vector<16xi32>, vector<16xi32>], vector<16xf32>,
        %mul3A_1536 = arith.mulf %gather3A_1535, %get3A_1475 : vector<16xf32>
        %add3A_1537 = arith.addf %add3A_1444, %mul3A_1536 : vector<16xf32>
        %mul3A_1538 = arith.mulf %mul3A_1536, %mul3A_1536 : vector<16xf32>
        %add3A_1539 = arith.addf %add3A_1519, %mul3A_1538 : vector<16xf32>
        %gather3A_1540 = tpu.vector_load_idx %arg11[%add3A_1484, %broadcast_in_dim3A_26] : memref<3328x16xf32, #tpu.memory_space<vmem>>[vector<16xi32>, vector<16xi32>], vector<16xf32>,
        %mul3A_1541 = arith.mulf %gather3A_1540, %get3A_1475 : vector<16xf32>
        %add3A_1542 = arith.addf %add3A_1449, %mul3A_1541 : vector<16xf32>
        %mul3A_1543 = arith.mulf %mul3A_1541, %mul3A_1541 : vector<16xf32>
        %add3A_1544 = arith.addf %add3A_1524, %mul3A_1543 : vector<16xf32>
        %gather3A_1545 = tpu.vector_load_idx %arg11[%add3A_1484, %broadcast_in_dim3A_28] : memref<3328x16xf32, #tpu.memory_space<vmem>>[vector<16xi32>, vector<16xi32>], vector<16xf32>,
        %mul3A_1546 = arith.mulf %gather3A_1545, %get3A_1475 : vector<16xf32>
        %add3A_1547 = arith.addf %add3A_1454, %mul3A_1546 : vector<16xf32>
        %mul3A_1548 = arith.mulf %mul3A_1546, %mul3A_1546 : vector<16xf32>
        %add3A_1549 = arith.addf %add3A_1529, %mul3A_1548 : vector<16xf32>
        %gather3A_1550 = tpu.vector_load_idx %arg11[%add3A_1484, %broadcast_in_dim3A_30] : memref<3328x16xf32, #tpu.memory_space<vmem>>[vector<16xi32>, vector<16xi32>], vector<16xf32>,
        %mul3A_1551 = arith.mulf %gather3A_1550, %get3A_1475 : vector<16xf32>
        %add3A_1552 = arith.addf %add3A_1459, %mul3A_1551 : vector<16xf32>
        %mul3A_1553 = arith.mulf %mul3A_1551, %mul3A_1551 : vector<16xf32>
        %add3A_1554 = arith.addf %add3A_1534, %mul3A_1553 : vector<16xf32>
        %gather3A_1555 = tpu.vector_load_idx %arg11[%add3A_1484, %broadcast_in_dim3A_32] : memref<3328x16xf32, #tpu.memory_space<vmem>>[vector<16xi32>, vector<16xi32>], vector<16xf32>,
        %mul3A_1556 = arith.mulf %gather3A_1555, %get3A_1475 : vector<16xf32>
        %add3A_1557 = arith.addf %add3A_1464, %mul3A_1556 : vector<16xf32>
        %mul3A_1558 = arith.mulf %mul3A_1556, %mul3A_1556 : vector<16xf32>
        %add3A_1559 = arith.addf %add3A_1539, %mul3A_1558 : vector<16xf32>
        %gather3A_1560 = tpu.vector_load_idx %arg11[%add3A_1484, %broadcast_in_dim3A_34] : memref<3328x16xf32, #tpu.memory_space<vmem>>[vector<16xi32>, vector<16xi32>], vector<16xf32>,
        %mul3A_1561 = arith.mulf %gather3A_1560, %get3A_1475 : vector<16xf32>
        %add3A_1562 = arith.addf %add3A_1469, %mul3A_1561 : vector<16xf32>
        %mul3A_1563 = arith.mulf %mul3A_1561, %mul3A_1561 : vector<16xf32>
        %add3A_1564 = arith.addf %add3A_1544, %mul3A_1563 : vector<16xf32>
        %get3A_1565 = arith.constant 16 : i32
        %get3A_1566 = arith.index_cast %get3A_1565 : i32 to index
        %get3A_1567 = arith.index_cast %mul3A_73 : i32 to index
        %get3A_1568 = tpu.vector_load %arg10[%get3A_1566, %get3A_1567] {strides = array<i32>} : memref<26x128xf32, #tpu.memory_space<vmem>>, vector<16xf32>,
        %add3A_1569 = arith.constant 2048 : i32
        %add3A_1570 = arith.addi %add3A_1569, %mul3A_73 : i32
        %get3A_1571 = arith.index_cast %add3A_1570 : i32 to index
        %get3A_1572 = tpu.vector_load %arg12[%get3A_1571] {strides = array<i32>} : memref<3328xf32, #tpu.memory_space<vmem>>, vector<16xf32>,
        %mul3A_1573 = arith.mulf %get3A_1572, %get3A_1568 : vector<16xf32>
        %add3A_1574 = arith.addf %add3A_1481, %mul3A_1573 : vector<16xf32>
        %add3A_1575 = arith.constant 2048 : i32
        %add3A_1576 = vector.broadcast %add3A_1575 : i32 to vector<16xi32>
        %add3A_1577 = arith.addi %add3A_75, %add3A_1576 : vector<16xi32>
        %gather3A_1578 = tpu.vector_load_idx %arg11[%add3A_1577, %broadcast_in_dim3A_4] : memref<3328x16xf32, #tpu.memory_space<vmem>>[vector<16xi32>, vector<16xi32>], vector<16xf32>,
        %mul3A_1579 = arith.mulf %gather3A_1578, %get3A_1568 : vector<16xf32>
        %add3A_1580 = arith.addf %add3A_1487, %mul3A_1579 : vector<16xf32>
        %mul3A_1581 = arith.mulf %mul3A_1579, %mul3A_1579 : vector<16xf32>
        %add3A_1582 = arith.addf %add3A_1549, %mul3A_1581 : vector<16xf32>
        %gather3A_1583 = tpu.vector_load_idx %arg11[%add3A_1577, %broadcast_in_dim3A_6] : memref<3328x16xf32, #tpu.memory_space<vmem>>[vector<16xi32>, vector<16xi32>], vector<16xf32>,
        %mul3A_1584 = arith.mulf %gather3A_1583, %get3A_1568 : vector<16xf32>
        %add3A_1585 = arith.addf %add3A_1492, %mul3A_1584 : vector<16xf32>
        %mul3A_1586 = arith.mulf %mul3A_1584, %mul3A_1584 : vector<16xf32>
        %add3A_1587 = arith.addf %add3A_1554, %mul3A_1586 : vector<16xf32>
        %gather3A_1588 = tpu.vector_load_idx %arg11[%add3A_1577, %broadcast_in_dim3A_8] : memref<3328x16xf32, #tpu.memory_space<vmem>>[vector<16xi32>, vector<16xi32>], vector<16xf32>,
        %mul3A_1589 = arith.mulf %gather3A_1588, %get3A_1568 : vector<16xf32>
        %add3A_1590 = arith.addf %add3A_1497, %mul3A_1589 : vector<16xf32>
        %mul3A_1591 = arith.mulf %mul3A_1589, %mul3A_1589 : vector<16xf32>
        %add3A_1592 = arith.addf %add3A_1559, %mul3A_1591 : vector<16xf32>
        %gather3A_1593 = tpu.vector_load_idx %arg11[%add3A_1577, %broadcast_in_dim3A_10] : memref<3328x16xf32, #tpu.memory_space<vmem>>[vector<16xi32>, vector<16xi32>], vector<16xf32>,
        %mul3A_1594 = arith.mulf %gather3A_1593, %get3A_1568 : vector<16xf32>
        %add3A_1595 = arith.addf %add3A_1502, %mul3A_1594 : vector<16xf32>
        %mul3A_1596 = arith.mulf %mul3A_1594, %mul3A_1594 : vector<16xf32>
        %add3A_1597 = arith.addf %add3A_1564, %mul3A_1596 : vector<16xf32>
        %gather3A_1598 = tpu.vector_load_idx %arg11[%add3A_1577, %broadcast_in_dim3A_12] : memref<3328x16xf32, #tpu.memory_space<vmem>>[vector<16xi32>, vector<16xi32>], vector<16xf32>,
        %mul3A_1599 = arith.mulf %gather3A_1598, %get3A_1568 : vector<16xf32>
        %add3A_1600 = arith.addf %add3A_1507, %mul3A_1599 : vector<16xf32>
        %mul3A_1601 = arith.mulf %mul3A_1599, %mul3A_1599 : vector<16xf32>
        %add3A_1602 = arith.addf %add3A_1582, %mul3A_1601 : vector<16xf32>
        %gather3A_1603 = tpu.vector_load_idx %arg11[%add3A_1577, %broadcast_in_dim3A_14] : memref<3328x16xf32, #tpu.memory_space<vmem>>[vector<16xi32>, vector<16xi32>], vector<16xf32>,
        %mul3A_1604 = arith.mulf %gather3A_1603, %get3A_1568 : vector<16xf32>
        %add3A_1605 = arith.addf %add3A_1512, %mul3A_1604 : vector<16xf32>
        %mul3A_1606 = arith.mulf %mul3A_1604, %mul3A_1604 : vector<16xf32>
        %add3A_1607 = arith.addf %add3A_1587, %mul3A_1606 : vector<16xf32>
        %gather3A_1608 = tpu.vector_load_idx %arg11[%add3A_1577, %broadcast_in_dim3A_16] : memref<3328x16xf32, #tpu.memory_space<vmem>>[vector<16xi32>, vector<16xi32>], vector<16xf32>,
        %mul3A_1609 = arith.mulf %gather3A_1608, %get3A_1568 : vector<16xf32>
        %add3A_1610 = arith.addf %add3A_1517, %mul3A_1609 : vector<16xf32>
        %mul3A_1611 = arith.mulf %mul3A_1609, %mul3A_1609 : vector<16xf32>
        %add3A_1612 = arith.addf %add3A_1592, %mul3A_1611 : vector<16xf32>
        %gather3A_1613 = tpu.vector_load_idx %arg11[%add3A_1577, %broadcast_in_dim3A_18] : memref<3328x16xf32, #tpu.memory_space<vmem>>[vector<16xi32>, vector<16xi32>], vector<16xf32>,
        %mul3A_1614 = arith.mulf %gather3A_1613, %get3A_1568 : vector<16xf32>
        %add3A_1615 = arith.addf %add3A_1522, %mul3A_1614 : vector<16xf32>
        %mul3A_1616 = arith.mulf %mul3A_1614, %mul3A_1614 : vector<16xf32>
        %add3A_1617 = arith.addf %add3A_1597, %mul3A_1616 : vector<16xf32>
        %gather3A_1618 = tpu.vector_load_idx %arg11[%add3A_1577, %broadcast_in_dim3A_20] : memref<3328x16xf32, #tpu.memory_space<vmem>>[vector<16xi32>, vector<16xi32>], vector<16xf32>,
        %mul3A_1619 = arith.mulf %gather3A_1618, %get3A_1568 : vector<16xf32>
        %add3A_1620 = arith.addf %add3A_1527, %mul3A_1619 : vector<16xf32>
        %mul3A_1621 = arith.mulf %mul3A_1619, %mul3A_1619 : vector<16xf32>
        %add3A_1622 = arith.addf %add3A_1602, %mul3A_1621 : vector<16xf32>
        %gather3A_1623 = tpu.vector_load_idx %arg11[%add3A_1577, %broadcast_in_dim3A_22] : memref<3328x16xf32, #tpu.memory_space<vmem>>[vector<16xi32>, vector<16xi32>], vector<16xf32>,
        %mul3A_1624 = arith.mulf %gather3A_1623, %get3A_1568 : vector<16xf32>
        %add3A_1625 = arith.addf %add3A_1532, %mul3A_1624 : vector<16xf32>
        %mul3A_1626 = arith.mulf %mul3A_1624, %mul3A_1624 : vector<16xf32>
        %add3A_1627 = arith.addf %add3A_1607, %mul3A_1626 : vector<16xf32>
        %gather3A_1628 = tpu.vector_load_idx %arg11[%add3A_1577, %broadcast_in_dim3A_24] : memref<3328x16xf32, #tpu.memory_space<vmem>>[vector<16xi32>, vector<16xi32>], vector<16xf32>,
        %mul3A_1629 = arith.mulf %gather3A_1628, %get3A_1568 : vector<16xf32>
        %add3A_1630 = arith.addf %add3A_1537, %mul3A_1629 : vector<16xf32>
        %mul3A_1631 = arith.mulf %mul3A_1629, %mul3A_1629 : vector<16xf32>
        %add3A_1632 = arith.addf %add3A_1612, %mul3A_1631 : vector<16xf32>
        %gather3A_1633 = tpu.vector_load_idx %arg11[%add3A_1577, %broadcast_in_dim3A_26] : memref<3328x16xf32, #tpu.memory_space<vmem>>[vector<16xi32>, vector<16xi32>], vector<16xf32>,
        %mul3A_1634 = arith.mulf %gather3A_1633, %get3A_1568 : vector<16xf32>
        %add3A_1635 = arith.addf %add3A_1542, %mul3A_1634 : vector<16xf32>
        %mul3A_1636 = arith.mulf %mul3A_1634, %mul3A_1634 : vector<16xf32>
        %add3A_1637 = arith.addf %add3A_1617, %mul3A_1636 : vector<16xf32>
        %gather3A_1638 = tpu.vector_load_idx %arg11[%add3A_1577, %broadcast_in_dim3A_28] : memref<3328x16xf32, #tpu.memory_space<vmem>>[vector<16xi32>, vector<16xi32>], vector<16xf32>,
        %mul3A_1639 = arith.mulf %gather3A_1638, %get3A_1568 : vector<16xf32>
        %add3A_1640 = arith.addf %add3A_1547, %mul3A_1639 : vector<16xf32>
        %mul3A_1641 = arith.mulf %mul3A_1639, %mul3A_1639 : vector<16xf32>
        %add3A_1642 = arith.addf %add3A_1622, %mul3A_1641 : vector<16xf32>
        %gather3A_1643 = tpu.vector_load_idx %arg11[%add3A_1577, %broadcast_in_dim3A_30] : memref<3328x16xf32, #tpu.memory_space<vmem>>[vector<16xi32>, vector<16xi32>], vector<16xf32>,
        %mul3A_1644 = arith.mulf %gather3A_1643, %get3A_1568 : vector<16xf32>
        %add3A_1645 = arith.addf %add3A_1552, %mul3A_1644 : vector<16xf32>
        %mul3A_1646 = arith.mulf %mul3A_1644, %mul3A_1644 : vector<16xf32>
        %add3A_1647 = arith.addf %add3A_1627, %mul3A_1646 : vector<16xf32>
        %gather3A_1648 = tpu.vector_load_idx %arg11[%add3A_1577, %broadcast_in_dim3A_32] : memref<3328x16xf32, #tpu.memory_space<vmem>>[vector<16xi32>, vector<16xi32>], vector<16xf32>,
        %mul3A_1649 = arith.mulf %gather3A_1648, %get3A_1568 : vector<16xf32>
        %add3A_1650 = arith.addf %add3A_1557, %mul3A_1649 : vector<16xf32>
        %mul3A_1651 = arith.mulf %mul3A_1649, %mul3A_1649 : vector<16xf32>
        %add3A_1652 = arith.addf %add3A_1632, %mul3A_1651 : vector<16xf32>
        %gather3A_1653 = tpu.vector_load_idx %arg11[%add3A_1577, %broadcast_in_dim3A_34] : memref<3328x16xf32, #tpu.memory_space<vmem>>[vector<16xi32>, vector<16xi32>], vector<16xf32>,
        %mul3A_1654 = arith.mulf %gather3A_1653, %get3A_1568 : vector<16xf32>
        %add3A_1655 = arith.addf %add3A_1562, %mul3A_1654 : vector<16xf32>
        %mul3A_1656 = arith.mulf %mul3A_1654, %mul3A_1654 : vector<16xf32>
        %add3A_1657 = arith.addf %add3A_1637, %mul3A_1656 : vector<16xf32>
        %get3A_1658 = arith.constant 17 : i32
        %get3A_1659 = arith.index_cast %get3A_1658 : i32 to index
        %get3A_1660 = arith.index_cast %mul3A_73 : i32 to index
        %get3A_1661 = tpu.vector_load %arg10[%get3A_1659, %get3A_1660] {strides = array<i32>} : memref<26x128xf32, #tpu.memory_space<vmem>>, vector<16xf32>,
        %add3A_1662 = arith.constant 2176 : i32
        %add3A_1663 = arith.addi %add3A_1662, %mul3A_73 : i32
        %get3A_1664 = arith.index_cast %add3A_1663 : i32 to index
        %get3A_1665 = tpu.vector_load %arg12[%get3A_1664] {strides = array<i32>} : memref<3328xf32, #tpu.memory_space<vmem>>, vector<16xf32>,
        %mul3A_1666 = arith.mulf %get3A_1665, %get3A_1661 : vector<16xf32>
        %add3A_1667 = arith.addf %add3A_1574, %mul3A_1666 : vector<16xf32>
        %add3A_1668 = arith.constant 2176 : i32
        %add3A_1669 = vector.broadcast %add3A_1668 : i32 to vector<16xi32>
        %add3A_1670 = arith.addi %add3A_75, %add3A_1669 : vector<16xi32>
        %gather3A_1671 = tpu.vector_load_idx %arg11[%add3A_1670, %broadcast_in_dim3A_4] : memref<3328x16xf32, #tpu.memory_space<vmem>>[vector<16xi32>, vector<16xi32>], vector<16xf32>,
        %mul3A_1672 = arith.mulf %gather3A_1671, %get3A_1661 : vector<16xf32>
        %add3A_1673 = arith.addf %add3A_1580, %mul3A_1672 : vector<16xf32>
        %mul3A_1674 = arith.mulf %mul3A_1672, %mul3A_1672 : vector<16xf32>
        %add3A_1675 = arith.addf %add3A_1642, %mul3A_1674 : vector<16xf32>
        %gather3A_1676 = tpu.vector_load_idx %arg11[%add3A_1670, %broadcast_in_dim3A_6] : memref<3328x16xf32, #tpu.memory_space<vmem>>[vector<16xi32>, vector<16xi32>], vector<16xf32>,
        %mul3A_1677 = arith.mulf %gather3A_1676, %get3A_1661 : vector<16xf32>
        %add3A_1678 = arith.addf %add3A_1585, %mul3A_1677 : vector<16xf32>
        %mul3A_1679 = arith.mulf %mul3A_1677, %mul3A_1677 : vector<16xf32>
        %add3A_1680 = arith.addf %add3A_1647, %mul3A_1679 : vector<16xf32>
        %gather3A_1681 = tpu.vector_load_idx %arg11[%add3A_1670, %broadcast_in_dim3A_8] : memref<3328x16xf32, #tpu.memory_space<vmem>>[vector<16xi32>, vector<16xi32>], vector<16xf32>,
        %mul3A_1682 = arith.mulf %gather3A_1681, %get3A_1661 : vector<16xf32>
        %add3A_1683 = arith.addf %add3A_1590, %mul3A_1682 : vector<16xf32>
        %mul3A_1684 = arith.mulf %mul3A_1682, %mul3A_1682 : vector<16xf32>
        %add3A_1685 = arith.addf %add3A_1652, %mul3A_1684 : vector<16xf32>
        %gather3A_1686 = tpu.vector_load_idx %arg11[%add3A_1670, %broadcast_in_dim3A_10] : memref<3328x16xf32, #tpu.memory_space<vmem>>[vector<16xi32>, vector<16xi32>], vector<16xf32>,
        %mul3A_1687 = arith.mulf %gather3A_1686, %get3A_1661 : vector<16xf32>
        %add3A_1688 = arith.addf %add3A_1595, %mul3A_1687 : vector<16xf32>
        %mul3A_1689 = arith.mulf %mul3A_1687, %mul3A_1687 : vector<16xf32>
        %add3A_1690 = arith.addf %add3A_1657, %mul3A_1689 : vector<16xf32>
        %gather3A_1691 = tpu.vector_load_idx %arg11[%add3A_1670, %broadcast_in_dim3A_12] : memref<3328x16xf32, #tpu.memory_space<vmem>>[vector<16xi32>, vector<16xi32>], vector<16xf32>,
        %mul3A_1692 = arith.mulf %gather3A_1691, %get3A_1661 : vector<16xf32>
        %add3A_1693 = arith.addf %add3A_1600, %mul3A_1692 : vector<16xf32>
        %mul3A_1694 = arith.mulf %mul3A_1692, %mul3A_1692 : vector<16xf32>
        %add3A_1695 = arith.addf %add3A_1675, %mul3A_1694 : vector<16xf32>
        %gather3A_1696 = tpu.vector_load_idx %arg11[%add3A_1670, %broadcast_in_dim3A_14] : memref<3328x16xf32, #tpu.memory_space<vmem>>[vector<16xi32>, vector<16xi32>], vector<16xf32>,
        %mul3A_1697 = arith.mulf %gather3A_1696, %get3A_1661 : vector<16xf32>
        %add3A_1698 = arith.addf %add3A_1605, %mul3A_1697 : vector<16xf32>
        %mul3A_1699 = arith.mulf %mul3A_1697, %mul3A_1697 : vector<16xf32>
        %add3A_1700 = arith.addf %add3A_1680, %mul3A_1699 : vector<16xf32>
        %gather3A_1701 = tpu.vector_load_idx %arg11[%add3A_1670, %broadcast_in_dim3A_16] : memref<3328x16xf32, #tpu.memory_space<vmem>>[vector<16xi32>, vector<16xi32>], vector<16xf32>,
        %mul3A_1702 = arith.mulf %gather3A_1701, %get3A_1661 : vector<16xf32>
        %add3A_1703 = arith.addf %add3A_1610, %mul3A_1702 : vector<16xf32>
        %mul3A_1704 = arith.mulf %mul3A_1702, %mul3A_1702 : vector<16xf32>
        %add3A_1705 = arith.addf %add3A_1685, %mul3A_1704 : vector<16xf32>
        %gather3A_1706 = tpu.vector_load_idx %arg11[%add3A_1670, %broadcast_in_dim3A_18] : memref<3328x16xf32, #tpu.memory_space<vmem>>[vector<16xi32>, vector<16xi32>], vector<16xf32>,
        %mul3A_1707 = arith.mulf %gather3A_1706, %get3A_1661 : vector<16xf32>
        %add3A_1708 = arith.addf %add3A_1615, %mul3A_1707 : vector<16xf32>
        %mul3A_1709 = arith.mulf %mul3A_1707, %mul3A_1707 : vector<16xf32>
        %add3A_1710 = arith.addf %add3A_1690, %mul3A_1709 : vector<16xf32>
        %gather3A_1711 = tpu.vector_load_idx %arg11[%add3A_1670, %broadcast_in_dim3A_20] : memref<3328x16xf32, #tpu.memory_space<vmem>>[vector<16xi32>, vector<16xi32>], vector<16xf32>,
        %mul3A_1712 = arith.mulf %gather3A_1711, %get3A_1661 : vector<16xf32>
        %add3A_1713 = arith.addf %add3A_1620, %mul3A_1712 : vector<16xf32>
        %mul3A_1714 = arith.mulf %mul3A_1712, %mul3A_1712 : vector<16xf32>
        %add3A_1715 = arith.addf %add3A_1695, %mul3A_1714 : vector<16xf32>
        %gather3A_1716 = tpu.vector_load_idx %arg11[%add3A_1670, %broadcast_in_dim3A_22] : memref<3328x16xf32, #tpu.memory_space<vmem>>[vector<16xi32>, vector<16xi32>], vector<16xf32>,
        %mul3A_1717 = arith.mulf %gather3A_1716, %get3A_1661 : vector<16xf32>
        %add3A_1718 = arith.addf %add3A_1625, %mul3A_1717 : vector<16xf32>
        %mul3A_1719 = arith.mulf %mul3A_1717, %mul3A_1717 : vector<16xf32>
        %add3A_1720 = arith.addf %add3A_1700, %mul3A_1719 : vector<16xf32>
        %gather3A_1721 = tpu.vector_load_idx %arg11[%add3A_1670, %broadcast_in_dim3A_24] : memref<3328x16xf32, #tpu.memory_space<vmem>>[vector<16xi32>, vector<16xi32>], vector<16xf32>,
        %mul3A_1722 = arith.mulf %gather3A_1721, %get3A_1661 : vector<16xf32>
        %add3A_1723 = arith.addf %add3A_1630, %mul3A_1722 : vector<16xf32>
        %mul3A_1724 = arith.mulf %mul3A_1722, %mul3A_1722 : vector<16xf32>
        %add3A_1725 = arith.addf %add3A_1705, %mul3A_1724 : vector<16xf32>
        %gather3A_1726 = tpu.vector_load_idx %arg11[%add3A_1670, %broadcast_in_dim3A_26] : memref<3328x16xf32, #tpu.memory_space<vmem>>[vector<16xi32>, vector<16xi32>], vector<16xf32>,
        %mul3A_1727 = arith.mulf %gather3A_1726, %get3A_1661 : vector<16xf32>
        %add3A_1728 = arith.addf %add3A_1635, %mul3A_1727 : vector<16xf32>
        %mul3A_1729 = arith.mulf %mul3A_1727, %mul3A_1727 : vector<16xf32>
        %add3A_1730 = arith.addf %add3A_1710, %mul3A_1729 : vector<16xf32>
        %gather3A_1731 = tpu.vector_load_idx %arg11[%add3A_1670, %broadcast_in_dim3A_28] : memref<3328x16xf32, #tpu.memory_space<vmem>>[vector<16xi32>, vector<16xi32>], vector<16xf32>,
        %mul3A_1732 = arith.mulf %gather3A_1731, %get3A_1661 : vector<16xf32>
        %add3A_1733 = arith.addf %add3A_1640, %mul3A_1732 : vector<16xf32>
        %mul3A_1734 = arith.mulf %mul3A_1732, %mul3A_1732 : vector<16xf32>
        %add3A_1735 = arith.addf %add3A_1715, %mul3A_1734 : vector<16xf32>
        %gather3A_1736 = tpu.vector_load_idx %arg11[%add3A_1670, %broadcast_in_dim3A_30] : memref<3328x16xf32, #tpu.memory_space<vmem>>[vector<16xi32>, vector<16xi32>], vector<16xf32>,
        %mul3A_1737 = arith.mulf %gather3A_1736, %get3A_1661 : vector<16xf32>
        %add3A_1738 = arith.addf %add3A_1645, %mul3A_1737 : vector<16xf32>
        %mul3A_1739 = arith.mulf %mul3A_1737, %mul3A_1737 : vector<16xf32>
        %add3A_1740 = arith.addf %add3A_1720, %mul3A_1739 : vector<16xf32>
        %gather3A_1741 = tpu.vector_load_idx %arg11[%add3A_1670, %broadcast_in_dim3A_32] : memref<3328x16xf32, #tpu.memory_space<vmem>>[vector<16xi32>, vector<16xi32>], vector<16xf32>,
        %mul3A_1742 = arith.mulf %gather3A_1741, %get3A_1661 : vector<16xf32>
        %add3A_1743 = arith.addf %add3A_1650, %mul3A_1742 : vector<16xf32>
        %mul3A_1744 = arith.mulf %mul3A_1742, %mul3A_1742 : vector<16xf32>
        %add3A_1745 = arith.addf %add3A_1725, %mul3A_1744 : vector<16xf32>
        %gather3A_1746 = tpu.vector_load_idx %arg11[%add3A_1670, %broadcast_in_dim3A_34] : memref<3328x16xf32, #tpu.memory_space<vmem>>[vector<16xi32>, vector<16xi32>], vector<16xf32>,
        %mul3A_1747 = arith.mulf %gather3A_1746, %get3A_1661 : vector<16xf32>
        %add3A_1748 = arith.addf %add3A_1655, %mul3A_1747 : vector<16xf32>
        %mul3A_1749 = arith.mulf %mul3A_1747, %mul3A_1747 : vector<16xf32>
        %add3A_1750 = arith.addf %add3A_1730, %mul3A_1749 : vector<16xf32>
        %get3A_1751 = arith.constant 18 : i32
        %get3A_1752 = arith.index_cast %get3A_1751 : i32 to index
        %get3A_1753 = arith.index_cast %mul3A_73 : i32 to index
        %get3A_1754 = tpu.vector_load %arg10[%get3A_1752, %get3A_1753] {strides = array<i32>} : memref<26x128xf32, #tpu.memory_space<vmem>>, vector<16xf32>,
        %add3A_1755 = arith.constant 2304 : i32
        %add3A_1756 = arith.addi %add3A_1755, %mul3A_73 : i32
        %get3A_1757 = arith.index_cast %add3A_1756 : i32 to index
        %get3A_1758 = tpu.vector_load %arg12[%get3A_1757] {strides = array<i32>} : memref<3328xf32, #tpu.memory_space<vmem>>, vector<16xf32>,
        %mul3A_1759 = arith.mulf %get3A_1758, %get3A_1754 : vector<16xf32>
        %add3A_1760 = arith.addf %add3A_1667, %mul3A_1759 : vector<16xf32>
        %add3A_1761 = arith.constant 2304 : i32
        %add3A_1762 = vector.broadcast %add3A_1761 : i32 to vector<16xi32>
        %add3A_1763 = arith.addi %add3A_75, %add3A_1762 : vector<16xi32>
        %gather3A_1764 = tpu.vector_load_idx %arg11[%add3A_1763, %broadcast_in_dim3A_4] : memref<3328x16xf32, #tpu.memory_space<vmem>>[vector<16xi32>, vector<16xi32>], vector<16xf32>,
        %mul3A_1765 = arith.mulf %gather3A_1764, %get3A_1754 : vector<16xf32>
        %add3A_1766 = arith.addf %add3A_1673, %mul3A_1765 : vector<16xf32>
        %mul3A_1767 = arith.mulf %mul3A_1765, %mul3A_1765 : vector<16xf32>
        %add3A_1768 = arith.addf %add3A_1735, %mul3A_1767 : vector<16xf32>
        %gather3A_1769 = tpu.vector_load_idx %arg11[%add3A_1763, %broadcast_in_dim3A_6] : memref<3328x16xf32, #tpu.memory_space<vmem>>[vector<16xi32>, vector<16xi32>], vector<16xf32>,
        %mul3A_1770 = arith.mulf %gather3A_1769, %get3A_1754 : vector<16xf32>
        %add3A_1771 = arith.addf %add3A_1678, %mul3A_1770 : vector<16xf32>
        %mul3A_1772 = arith.mulf %mul3A_1770, %mul3A_1770 : vector<16xf32>
        %add3A_1773 = arith.addf %add3A_1740, %mul3A_1772 : vector<16xf32>
        %gather3A_1774 = tpu.vector_load_idx %arg11[%add3A_1763, %broadcast_in_dim3A_8] : memref<3328x16xf32, #tpu.memory_space<vmem>>[vector<16xi32>, vector<16xi32>], vector<16xf32>,
        %mul3A_1775 = arith.mulf %gather3A_1774, %get3A_1754 : vector<16xf32>
        %add3A_1776 = arith.addf %add3A_1683, %mul3A_1775 : vector<16xf32>
        %mul3A_1777 = arith.mulf %mul3A_1775, %mul3A_1775 : vector<16xf32>
        %add3A_1778 = arith.addf %add3A_1745, %mul3A_1777 : vector<16xf32>
        %gather3A_1779 = tpu.vector_load_idx %arg11[%add3A_1763, %broadcast_in_dim3A_10] : memref<3328x16xf32, #tpu.memory_space<vmem>>[vector<16xi32>, vector<16xi32>], vector<16xf32>,
        %mul3A_1780 = arith.mulf %gather3A_1779, %get3A_1754 : vector<16xf32>
        %add3A_1781 = arith.addf %add3A_1688, %mul3A_1780 : vector<16xf32>
        %mul3A_1782 = arith.mulf %mul3A_1780, %mul3A_1780 : vector<16xf32>
        %add3A_1783 = arith.addf %add3A_1750, %mul3A_1782 : vector<16xf32>
        %gather3A_1784 = tpu.vector_load_idx %arg11[%add3A_1763, %broadcast_in_dim3A_12] : memref<3328x16xf32, #tpu.memory_space<vmem>>[vector<16xi32>, vector<16xi32>], vector<16xf32>,
        %mul3A_1785 = arith.mulf %gather3A_1784, %get3A_1754 : vector<16xf32>
        %add3A_1786 = arith.addf %add3A_1693, %mul3A_1785 : vector<16xf32>
        %mul3A_1787 = arith.mulf %mul3A_1785, %mul3A_1785 : vector<16xf32>
        %add3A_1788 = arith.addf %add3A_1768, %mul3A_1787 : vector<16xf32>
        %gather3A_1789 = tpu.vector_load_idx %arg11[%add3A_1763, %broadcast_in_dim3A_14] : memref<3328x16xf32, #tpu.memory_space<vmem>>[vector<16xi32>, vector<16xi32>], vector<16xf32>,
        %mul3A_1790 = arith.mulf %gather3A_1789, %get3A_1754 : vector<16xf32>
        %add3A_1791 = arith.addf %add3A_1698, %mul3A_1790 : vector<16xf32>
        %mul3A_1792 = arith.mulf %mul3A_1790, %mul3A_1790 : vector<16xf32>
        %add3A_1793 = arith.addf %add3A_1773, %mul3A_1792 : vector<16xf32>
        %gather3A_1794 = tpu.vector_load_idx %arg11[%add3A_1763, %broadcast_in_dim3A_16] : memref<3328x16xf32, #tpu.memory_space<vmem>>[vector<16xi32>, vector<16xi32>], vector<16xf32>,
        %mul3A_1795 = arith.mulf %gather3A_1794, %get3A_1754 : vector<16xf32>
        %add3A_1796 = arith.addf %add3A_1703, %mul3A_1795 : vector<16xf32>
        %mul3A_1797 = arith.mulf %mul3A_1795, %mul3A_1795 : vector<16xf32>
        %add3A_1798 = arith.addf %add3A_1778, %mul3A_1797 : vector<16xf32>
        %gather3A_1799 = tpu.vector_load_idx %arg11[%add3A_1763, %broadcast_in_dim3A_18] : memref<3328x16xf32, #tpu.memory_space<vmem>>[vector<16xi32>, vector<16xi32>], vector<16xf32>,
        %mul3A_1800 = arith.mulf %gather3A_1799, %get3A_1754 : vector<16xf32>
        %add3A_1801 = arith.addf %add3A_1708, %mul3A_1800 : vector<16xf32>
        %mul3A_1802 = arith.mulf %mul3A_1800, %mul3A_1800 : vector<16xf32>
        %add3A_1803 = arith.addf %add3A_1783, %mul3A_1802 : vector<16xf32>
        %gather3A_1804 = tpu.vector_load_idx %arg11[%add3A_1763, %broadcast_in_dim3A_20] : memref<3328x16xf32, #tpu.memory_space<vmem>>[vector<16xi32>, vector<16xi32>], vector<16xf32>,
        %mul3A_1805 = arith.mulf %gather3A_1804, %get3A_1754 : vector<16xf32>
        %add3A_1806 = arith.addf %add3A_1713, %mul3A_1805 : vector<16xf32>
        %mul3A_1807 = arith.mulf %mul3A_1805, %mul3A_1805 : vector<16xf32>
        %add3A_1808 = arith.addf %add3A_1788, %mul3A_1807 : vector<16xf32>
        %gather3A_1809 = tpu.vector_load_idx %arg11[%add3A_1763, %broadcast_in_dim3A_22] : memref<3328x16xf32, #tpu.memory_space<vmem>>[vector<16xi32>, vector<16xi32>], vector<16xf32>,
        %mul3A_1810 = arith.mulf %gather3A_1809, %get3A_1754 : vector<16xf32>
        %add3A_1811 = arith.addf %add3A_1718, %mul3A_1810 : vector<16xf32>
        %mul3A_1812 = arith.mulf %mul3A_1810, %mul3A_1810 : vector<16xf32>
        %add3A_1813 = arith.addf %add3A_1793, %mul3A_1812 : vector<16xf32>
        %gather3A_1814 = tpu.vector_load_idx %arg11[%add3A_1763, %broadcast_in_dim3A_24] : memref<3328x16xf32, #tpu.memory_space<vmem>>[vector<16xi32>, vector<16xi32>], vector<16xf32>,
        %mul3A_1815 = arith.mulf %gather3A_1814, %get3A_1754 : vector<16xf32>
        %add3A_1816 = arith.addf %add3A_1723, %mul3A_1815 : vector<16xf32>
        %mul3A_1817 = arith.mulf %mul3A_1815, %mul3A_1815 : vector<16xf32>
        %add3A_1818 = arith.addf %add3A_1798, %mul3A_1817 : vector<16xf32>
        %gather3A_1819 = tpu.vector_load_idx %arg11[%add3A_1763, %broadcast_in_dim3A_26] : memref<3328x16xf32, #tpu.memory_space<vmem>>[vector<16xi32>, vector<16xi32>], vector<16xf32>,
        %mul3A_1820 = arith.mulf %gather3A_1819, %get3A_1754 : vector<16xf32>
        %add3A_1821 = arith.addf %add3A_1728, %mul3A_1820 : vector<16xf32>
        %mul3A_1822 = arith.mulf %mul3A_1820, %mul3A_1820 : vector<16xf32>
        %add3A_1823 = arith.addf %add3A_1803, %mul3A_1822 : vector<16xf32>
        %gather3A_1824 = tpu.vector_load_idx %arg11[%add3A_1763, %broadcast_in_dim3A_28] : memref<3328x16xf32, #tpu.memory_space<vmem>>[vector<16xi32>, vector<16xi32>], vector<16xf32>,
        %mul3A_1825 = arith.mulf %gather3A_1824, %get3A_1754 : vector<16xf32>
        %add3A_1826 = arith.addf %add3A_1733, %mul3A_1825 : vector<16xf32>
        %mul3A_1827 = arith.mulf %mul3A_1825, %mul3A_1825 : vector<16xf32>
        %add3A_1828 = arith.addf %add3A_1808, %mul3A_1827 : vector<16xf32>
        %gather3A_1829 = tpu.vector_load_idx %arg11[%add3A_1763, %broadcast_in_dim3A_30] : memref<3328x16xf32, #tpu.memory_space<vmem>>[vector<16xi32>, vector<16xi32>], vector<16xf32>,
        %mul3A_1830 = arith.mulf %gather3A_1829, %get3A_1754 : vector<16xf32>
        %add3A_1831 = arith.addf %add3A_1738, %mul3A_1830 : vector<16xf32>
        %mul3A_1832 = arith.mulf %mul3A_1830, %mul3A_1830 : vector<16xf32>
        %add3A_1833 = arith.addf %add3A_1813, %mul3A_1832 : vector<16xf32>
        %gather3A_1834 = tpu.vector_load_idx %arg11[%add3A_1763, %broadcast_in_dim3A_32] : memref<3328x16xf32, #tpu.memory_space<vmem>>[vector<16xi32>, vector<16xi32>], vector<16xf32>,
        %mul3A_1835 = arith.mulf %gather3A_1834, %get3A_1754 : vector<16xf32>
        %add3A_1836 = arith.addf %add3A_1743, %mul3A_1835 : vector<16xf32>
        %mul3A_1837 = arith.mulf %mul3A_1835, %mul3A_1835 : vector<16xf32>
        %add3A_1838 = arith.addf %add3A_1818, %mul3A_1837 : vector<16xf32>
        %gather3A_1839 = tpu.vector_load_idx %arg11[%add3A_1763, %broadcast_in_dim3A_34] : memref<3328x16xf32, #tpu.memory_space<vmem>>[vector<16xi32>, vector<16xi32>], vector<16xf32>,
        %mul3A_1840 = arith.mulf %gather3A_1839, %get3A_1754 : vector<16xf32>
        %add3A_1841 = arith.addf %add3A_1748, %mul3A_1840 : vector<16xf32>
        %mul3A_1842 = arith.mulf %mul3A_1840, %mul3A_1840 : vector<16xf32>
        %add3A_1843 = arith.addf %add3A_1823, %mul3A_1842 : vector<16xf32>
        %get3A_1844 = arith.constant 19 : i32
        %get3A_1845 = arith.index_cast %get3A_1844 : i32 to index
        %get3A_1846 = arith.index_cast %mul3A_73 : i32 to index
        %get3A_1847 = tpu.vector_load %arg10[%get3A_1845, %get3A_1846] {strides = array<i32>} : memref<26x128xf32, #tpu.memory_space<vmem>>, vector<16xf32>,
        %add3A_1848 = arith.constant 2432 : i32
        %add3A_1849 = arith.addi %add3A_1848, %mul3A_73 : i32
        %get3A_1850 = arith.index_cast %add3A_1849 : i32 to index
        %get3A_1851 = tpu.vector_load %arg12[%get3A_1850] {strides = array<i32>} : memref<3328xf32, #tpu.memory_space<vmem>>, vector<16xf32>,
        %mul3A_1852 = arith.mulf %get3A_1851, %get3A_1847 : vector<16xf32>
        %add3A_1853 = arith.addf %add3A_1760, %mul3A_1852 : vector<16xf32>
        %add3A_1854 = arith.constant 2432 : i32
        %add3A_1855 = vector.broadcast %add3A_1854 : i32 to vector<16xi32>
        %add3A_1856 = arith.addi %add3A_75, %add3A_1855 : vector<16xi32>
        %gather3A_1857 = tpu.vector_load_idx %arg11[%add3A_1856, %broadcast_in_dim3A_4] : memref<3328x16xf32, #tpu.memory_space<vmem>>[vector<16xi32>, vector<16xi32>], vector<16xf32>,
        %mul3A_1858 = arith.mulf %gather3A_1857, %get3A_1847 : vector<16xf32>
        %add3A_1859 = arith.addf %add3A_1766, %mul3A_1858 : vector<16xf32>
        %mul3A_1860 = arith.mulf %mul3A_1858, %mul3A_1858 : vector<16xf32>
        %add3A_1861 = arith.addf %add3A_1828, %mul3A_1860 : vector<16xf32>
        %gather3A_1862 = tpu.vector_load_idx %arg11[%add3A_1856, %broadcast_in_dim3A_6] : memref<3328x16xf32, #tpu.memory_space<vmem>>[vector<16xi32>, vector<16xi32>], vector<16xf32>,
        %mul3A_1863 = arith.mulf %gather3A_1862, %get3A_1847 : vector<16xf32>
        %add3A_1864 = arith.addf %add3A_1771, %mul3A_1863 : vector<16xf32>
        %mul3A_1865 = arith.mulf %mul3A_1863, %mul3A_1863 : vector<16xf32>
        %add3A_1866 = arith.addf %add3A_1833, %mul3A_1865 : vector<16xf32>
        %gather3A_1867 = tpu.vector_load_idx %arg11[%add3A_1856, %broadcast_in_dim3A_8] : memref<3328x16xf32, #tpu.memory_space<vmem>>[vector<16xi32>, vector<16xi32>], vector<16xf32>,
        %mul3A_1868 = arith.mulf %gather3A_1867, %get3A_1847 : vector<16xf32>
        %add3A_1869 = arith.addf %add3A_1776, %mul3A_1868 : vector<16xf32>
        %mul3A_1870 = arith.mulf %mul3A_1868, %mul3A_1868 : vector<16xf32>
        %add3A_1871 = arith.addf %add3A_1838, %mul3A_1870 : vector<16xf32>
        %gather3A_1872 = tpu.vector_load_idx %arg11[%add3A_1856, %broadcast_in_dim3A_10] : memref<3328x16xf32, #tpu.memory_space<vmem>>[vector<16xi32>, vector<16xi32>], vector<16xf32>,
        %mul3A_1873 = arith.mulf %gather3A_1872, %get3A_1847 : vector<16xf32>
        %add3A_1874 = arith.addf %add3A_1781, %mul3A_1873 : vector<16xf32>
        %mul3A_1875 = arith.mulf %mul3A_1873, %mul3A_1873 : vector<16xf32>
        %add3A_1876 = arith.addf %add3A_1843, %mul3A_1875 : vector<16xf32>
        %gather3A_1877 = tpu.vector_load_idx %arg11[%add3A_1856, %broadcast_in_dim3A_12] : memref<3328x16xf32, #tpu.memory_space<vmem>>[vector<16xi32>, vector<16xi32>], vector<16xf32>,
        %mul3A_1878 = arith.mulf %gather3A_1877, %get3A_1847 : vector<16xf32>
        %add3A_1879 = arith.addf %add3A_1786, %mul3A_1878 : vector<16xf32>
        %mul3A_1880 = arith.mulf %mul3A_1878, %mul3A_1878 : vector<16xf32>
        %add3A_1881 = arith.addf %add3A_1861, %mul3A_1880 : vector<16xf32>
        %gather3A_1882 = tpu.vector_load_idx %arg11[%add3A_1856, %broadcast_in_dim3A_14] : memref<3328x16xf32, #tpu.memory_space<vmem>>[vector<16xi32>, vector<16xi32>], vector<16xf32>,
        %mul3A_1883 = arith.mulf %gather3A_1882, %get3A_1847 : vector<16xf32>
        %add3A_1884 = arith.addf %add3A_1791, %mul3A_1883 : vector<16xf32>
        %mul3A_1885 = arith.mulf %mul3A_1883, %mul3A_1883 : vector<16xf32>
        %add3A_1886 = arith.addf %add3A_1866, %mul3A_1885 : vector<16xf32>
        %gather3A_1887 = tpu.vector_load_idx %arg11[%add3A_1856, %broadcast_in_dim3A_16] : memref<3328x16xf32, #tpu.memory_space<vmem>>[vector<16xi32>, vector<16xi32>], vector<16xf32>,
        %mul3A_1888 = arith.mulf %gather3A_1887, %get3A_1847 : vector<16xf32>
        %add3A_1889 = arith.addf %add3A_1796, %mul3A_1888 : vector<16xf32>
        %mul3A_1890 = arith.mulf %mul3A_1888, %mul3A_1888 : vector<16xf32>
        %add3A_1891 = arith.addf %add3A_1871, %mul3A_1890 : vector<16xf32>
        %gather3A_1892 = tpu.vector_load_idx %arg11[%add3A_1856, %broadcast_in_dim3A_18] : memref<3328x16xf32, #tpu.memory_space<vmem>>[vector<16xi32>, vector<16xi32>], vector<16xf32>,
        %mul3A_1893 = arith.mulf %gather3A_1892, %get3A_1847 : vector<16xf32>
        %add3A_1894 = arith.addf %add3A_1801, %mul3A_1893 : vector<16xf32>
        %mul3A_1895 = arith.mulf %mul3A_1893, %mul3A_1893 : vector<16xf32>
        %add3A_1896 = arith.addf %add3A_1876, %mul3A_1895 : vector<16xf32>
        %gather3A_1897 = tpu.vector_load_idx %arg11[%add3A_1856, %broadcast_in_dim3A_20] : memref<3328x16xf32, #tpu.memory_space<vmem>>[vector<16xi32>, vector<16xi32>], vector<16xf32>,
        %mul3A_1898 = arith.mulf %gather3A_1897, %get3A_1847 : vector<16xf32>
        %add3A_1899 = arith.addf %add3A_1806, %mul3A_1898 : vector<16xf32>
        %mul3A_1900 = arith.mulf %mul3A_1898, %mul3A_1898 : vector<16xf32>
        %add3A_1901 = arith.addf %add3A_1881, %mul3A_1900 : vector<16xf32>
        %gather3A_1902 = tpu.vector_load_idx %arg11[%add3A_1856, %broadcast_in_dim3A_22] : memref<3328x16xf32, #tpu.memory_space<vmem>>[vector<16xi32>, vector<16xi32>], vector<16xf32>,
        %mul3A_1903 = arith.mulf %gather3A_1902, %get3A_1847 : vector<16xf32>
        %add3A_1904 = arith.addf %add3A_1811, %mul3A_1903 : vector<16xf32>
        %mul3A_1905 = arith.mulf %mul3A_1903, %mul3A_1903 : vector<16xf32>
        %add3A_1906 = arith.addf %add3A_1886, %mul3A_1905 : vector<16xf32>
        %gather3A_1907 = tpu.vector_load_idx %arg11[%add3A_1856, %broadcast_in_dim3A_24] : memref<3328x16xf32, #tpu.memory_space<vmem>>[vector<16xi32>, vector<16xi32>], vector<16xf32>,
        %mul3A_1908 = arith.mulf %gather3A_1907, %get3A_1847 : vector<16xf32>
        %add3A_1909 = arith.addf %add3A_1816, %mul3A_1908 : vector<16xf32>
        %mul3A_1910 = arith.mulf %mul3A_1908, %mul3A_1908 : vector<16xf32>
        %add3A_1911 = arith.addf %add3A_1891, %mul3A_1910 : vector<16xf32>
        %gather3A_1912 = tpu.vector_load_idx %arg11[%add3A_1856, %broadcast_in_dim3A_26] : memref<3328x16xf32, #tpu.memory_space<vmem>>[vector<16xi32>, vector<16xi32>], vector<16xf32>,
        %mul3A_1913 = arith.mulf %gather3A_1912, %get3A_1847 : vector<16xf32>
        %add3A_1914 = arith.addf %add3A_1821, %mul3A_1913 : vector<16xf32>
        %mul3A_1915 = arith.mulf %mul3A_1913, %mul3A_1913 : vector<16xf32>
        %add3A_1916 = arith.addf %add3A_1896, %mul3A_1915 : vector<16xf32>
        %gather3A_1917 = tpu.vector_load_idx %arg11[%add3A_1856, %broadcast_in_dim3A_28] : memref<3328x16xf32, #tpu.memory_space<vmem>>[vector<16xi32>, vector<16xi32>], vector<16xf32>,
        %mul3A_1918 = arith.mulf %gather3A_1917, %get3A_1847 : vector<16xf32>
        %add3A_1919 = arith.addf %add3A_1826, %mul3A_1918 : vector<16xf32>
        %mul3A_1920 = arith.mulf %mul3A_1918, %mul3A_1918 : vector<16xf32>
        %add3A_1921 = arith.addf %add3A_1901, %mul3A_1920 : vector<16xf32>
        %gather3A_1922 = tpu.vector_load_idx %arg11[%add3A_1856, %broadcast_in_dim3A_30] : memref<3328x16xf32, #tpu.memory_space<vmem>>[vector<16xi32>, vector<16xi32>], vector<16xf32>,
        %mul3A_1923 = arith.mulf %gather3A_1922, %get3A_1847 : vector<16xf32>
        %add3A_1924 = arith.addf %add3A_1831, %mul3A_1923 : vector<16xf32>
        %mul3A_1925 = arith.mulf %mul3A_1923, %mul3A_1923 : vector<16xf32>
        %add3A_1926 = arith.addf %add3A_1906, %mul3A_1925 : vector<16xf32>
        %gather3A_1927 = tpu.vector_load_idx %arg11[%add3A_1856, %broadcast_in_dim3A_32] : memref<3328x16xf32, #tpu.memory_space<vmem>>[vector<16xi32>, vector<16xi32>], vector<16xf32>,
        %mul3A_1928 = arith.mulf %gather3A_1927, %get3A_1847 : vector<16xf32>
        %add3A_1929 = arith.addf %add3A_1836, %mul3A_1928 : vector<16xf32>
        %mul3A_1930 = arith.mulf %mul3A_1928, %mul3A_1928 : vector<16xf32>
        %add3A_1931 = arith.addf %add3A_1911, %mul3A_1930 : vector<16xf32>
        %gather3A_1932 = tpu.vector_load_idx %arg11[%add3A_1856, %broadcast_in_dim3A_34] : memref<3328x16xf32, #tpu.memory_space<vmem>>[vector<16xi32>, vector<16xi32>], vector<16xf32>,
        %mul3A_1933 = arith.mulf %gather3A_1932, %get3A_1847 : vector<16xf32>
        %add3A_1934 = arith.addf %add3A_1841, %mul3A_1933 : vector<16xf32>
        %mul3A_1935 = arith.mulf %mul3A_1933, %mul3A_1933 : vector<16xf32>
        %add3A_1936 = arith.addf %add3A_1916, %mul3A_1935 : vector<16xf32>
        %get3A_1937 = arith.constant 20 : i32
        %get3A_1938 = arith.index_cast %get3A_1937 : i32 to index
        %get3A_1939 = arith.index_cast %mul3A_73 : i32 to index
        %get3A_1940 = tpu.vector_load %arg10[%get3A_1938, %get3A_1939] {strides = array<i32>} : memref<26x128xf32, #tpu.memory_space<vmem>>, vector<16xf32>,
        %add3A_1941 = arith.constant 2560 : i32
        %add3A_1942 = arith.addi %add3A_1941, %mul3A_73 : i32
        %get3A_1943 = arith.index_cast %add3A_1942 : i32 to index
        %get3A_1944 = tpu.vector_load %arg12[%get3A_1943] {strides = array<i32>} : memref<3328xf32, #tpu.memory_space<vmem>>, vector<16xf32>,
        %mul3A_1945 = arith.mulf %get3A_1944, %get3A_1940 : vector<16xf32>
        %add3A_1946 = arith.addf %add3A_1853, %mul3A_1945 : vector<16xf32>
        %add3A_1947 = arith.constant 2560 : i32
        %add3A_1948 = vector.broadcast %add3A_1947 : i32 to vector<16xi32>
        %add3A_1949 = arith.addi %add3A_75, %add3A_1948 : vector<16xi32>
        %gather3A_1950 = tpu.vector_load_idx %arg11[%add3A_1949, %broadcast_in_dim3A_4] : memref<3328x16xf32, #tpu.memory_space<vmem>>[vector<16xi32>, vector<16xi32>], vector<16xf32>,
        %mul3A_1951 = arith.mulf %gather3A_1950, %get3A_1940 : vector<16xf32>
        %add3A_1952 = arith.addf %add3A_1859, %mul3A_1951 : vector<16xf32>
        %mul3A_1953 = arith.mulf %mul3A_1951, %mul3A_1951 : vector<16xf32>
        %add3A_1954 = arith.addf %add3A_1921, %mul3A_1953 : vector<16xf32>
        %gather3A_1955 = tpu.vector_load_idx %arg11[%add3A_1949, %broadcast_in_dim3A_6] : memref<3328x16xf32, #tpu.memory_space<vmem>>[vector<16xi32>, vector<16xi32>], vector<16xf32>,
        %mul3A_1956 = arith.mulf %gather3A_1955, %get3A_1940 : vector<16xf32>
        %add3A_1957 = arith.addf %add3A_1864, %mul3A_1956 : vector<16xf32>
        %mul3A_1958 = arith.mulf %mul3A_1956, %mul3A_1956 : vector<16xf32>
        %add3A_1959 = arith.addf %add3A_1926, %mul3A_1958 : vector<16xf32>
        %gather3A_1960 = tpu.vector_load_idx %arg11[%add3A_1949, %broadcast_in_dim3A_8] : memref<3328x16xf32, #tpu.memory_space<vmem>>[vector<16xi32>, vector<16xi32>], vector<16xf32>,
        %mul3A_1961 = arith.mulf %gather3A_1960, %get3A_1940 : vector<16xf32>
        %add3A_1962 = arith.addf %add3A_1869, %mul3A_1961 : vector<16xf32>
        %mul3A_1963 = arith.mulf %mul3A_1961, %mul3A_1961 : vector<16xf32>
        %add3A_1964 = arith.addf %add3A_1931, %mul3A_1963 : vector<16xf32>
        %gather3A_1965 = tpu.vector_load_idx %arg11[%add3A_1949, %broadcast_in_dim3A_10] : memref<3328x16xf32, #tpu.memory_space<vmem>>[vector<16xi32>, vector<16xi32>], vector<16xf32>,
        %mul3A_1966 = arith.mulf %gather3A_1965, %get3A_1940 : vector<16xf32>
        %add3A_1967 = arith.addf %add3A_1874, %mul3A_1966 : vector<16xf32>
        %mul3A_1968 = arith.mulf %mul3A_1966, %mul3A_1966 : vector<16xf32>
        %add3A_1969 = arith.addf %add3A_1936, %mul3A_1968 : vector<16xf32>
        %gather3A_1970 = tpu.vector_load_idx %arg11[%add3A_1949, %broadcast_in_dim3A_12] : memref<3328x16xf32, #tpu.memory_space<vmem>>[vector<16xi32>, vector<16xi32>], vector<16xf32>,
        %mul3A_1971 = arith.mulf %gather3A_1970, %get3A_1940 : vector<16xf32>
        %add3A_1972 = arith.addf %add3A_1879, %mul3A_1971 : vector<16xf32>
        %mul3A_1973 = arith.mulf %mul3A_1971, %mul3A_1971 : vector<16xf32>
        %add3A_1974 = arith.addf %add3A_1954, %mul3A_1973 : vector<16xf32>
        %gather3A_1975 = tpu.vector_load_idx %arg11[%add3A_1949, %broadcast_in_dim3A_14] : memref<3328x16xf32, #tpu.memory_space<vmem>>[vector<16xi32>, vector<16xi32>], vector<16xf32>,
        %mul3A_1976 = arith.mulf %gather3A_1975, %get3A_1940 : vector<16xf32>
        %add3A_1977 = arith.addf %add3A_1884, %mul3A_1976 : vector<16xf32>
        %mul3A_1978 = arith.mulf %mul3A_1976, %mul3A_1976 : vector<16xf32>
        %add3A_1979 = arith.addf %add3A_1959, %mul3A_1978 : vector<16xf32>
        %gather3A_1980 = tpu.vector_load_idx %arg11[%add3A_1949, %broadcast_in_dim3A_16] : memref<3328x16xf32, #tpu.memory_space<vmem>>[vector<16xi32>, vector<16xi32>], vector<16xf32>,
        %mul3A_1981 = arith.mulf %gather3A_1980, %get3A_1940 : vector<16xf32>
        %add3A_1982 = arith.addf %add3A_1889, %mul3A_1981 : vector<16xf32>
        %mul3A_1983 = arith.mulf %mul3A_1981, %mul3A_1981 : vector<16xf32>
        %add3A_1984 = arith.addf %add3A_1964, %mul3A_1983 : vector<16xf32>
        %gather3A_1985 = tpu.vector_load_idx %arg11[%add3A_1949, %broadcast_in_dim3A_18] : memref<3328x16xf32, #tpu.memory_space<vmem>>[vector<16xi32>, vector<16xi32>], vector<16xf32>,
        %mul3A_1986 = arith.mulf %gather3A_1985, %get3A_1940 : vector<16xf32>
        %add3A_1987 = arith.addf %add3A_1894, %mul3A_1986 : vector<16xf32>
        %mul3A_1988 = arith.mulf %mul3A_1986, %mul3A_1986 : vector<16xf32>
        %add3A_1989 = arith.addf %add3A_1969, %mul3A_1988 : vector<16xf32>
        %gather3A_1990 = tpu.vector_load_idx %arg11[%add3A_1949, %broadcast_in_dim3A_20] : memref<3328x16xf32, #tpu.memory_space<vmem>>[vector<16xi32>, vector<16xi32>], vector<16xf32>,
        %mul3A_1991 = arith.mulf %gather3A_1990, %get3A_1940 : vector<16xf32>
        %add3A_1992 = arith.addf %add3A_1899, %mul3A_1991 : vector<16xf32>
        %mul3A_1993 = arith.mulf %mul3A_1991, %mul3A_1991 : vector<16xf32>
        %add3A_1994 = arith.addf %add3A_1974, %mul3A_1993 : vector<16xf32>
        %gather3A_1995 = tpu.vector_load_idx %arg11[%add3A_1949, %broadcast_in_dim3A_22] : memref<3328x16xf32, #tpu.memory_space<vmem>>[vector<16xi32>, vector<16xi32>], vector<16xf32>,
        %mul3A_1996 = arith.mulf %gather3A_1995, %get3A_1940 : vector<16xf32>
        %add3A_1997 = arith.addf %add3A_1904, %mul3A_1996 : vector<16xf32>
        %mul3A_1998 = arith.mulf %mul3A_1996, %mul3A_1996 : vector<16xf32>
        %add3A_1999 = arith.addf %add3A_1979, %mul3A_1998 : vector<16xf32>
        %gather3A_2000 = tpu.vector_load_idx %arg11[%add3A_1949, %broadcast_in_dim3A_24] : memref<3328x16xf32, #tpu.memory_space<vmem>>[vector<16xi32>, vector<16xi32>], vector<16xf32>,
        %mul3A_2001 = arith.mulf %gather3A_2000, %get3A_1940 : vector<16xf32>
        %add3A_2002 = arith.addf %add3A_1909, %mul3A_2001 : vector<16xf32>
        %mul3A_2003 = arith.mulf %mul3A_2001, %mul3A_2001 : vector<16xf32>
        %add3A_2004 = arith.addf %add3A_1984, %mul3A_2003 : vector<16xf32>
        %gather3A_2005 = tpu.vector_load_idx %arg11[%add3A_1949, %broadcast_in_dim3A_26] : memref<3328x16xf32, #tpu.memory_space<vmem>>[vector<16xi32>, vector<16xi32>], vector<16xf32>,
        %mul3A_2006 = arith.mulf %gather3A_2005, %get3A_1940 : vector<16xf32>
        %add3A_2007 = arith.addf %add3A_1914, %mul3A_2006 : vector<16xf32>
        %mul3A_2008 = arith.mulf %mul3A_2006, %mul3A_2006 : vector<16xf32>
        %add3A_2009 = arith.addf %add3A_1989, %mul3A_2008 : vector<16xf32>
        %gather3A_2010 = tpu.vector_load_idx %arg11[%add3A_1949, %broadcast_in_dim3A_28] : memref<3328x16xf32, #tpu.memory_space<vmem>>[vector<16xi32>, vector<16xi32>], vector<16xf32>,
        %mul3A_2011 = arith.mulf %gather3A_2010, %get3A_1940 : vector<16xf32>
        %add3A_2012 = arith.addf %add3A_1919, %mul3A_2011 : vector<16xf32>
        %mul3A_2013 = arith.mulf %mul3A_2011, %mul3A_2011 : vector<16xf32>
        %add3A_2014 = arith.addf %add3A_1994, %mul3A_2013 : vector<16xf32>
        %gather3A_2015 = tpu.vector_load_idx %arg11[%add3A_1949, %broadcast_in_dim3A_30] : memref<3328x16xf32, #tpu.memory_space<vmem>>[vector<16xi32>, vector<16xi32>], vector<16xf32>,
        %mul3A_2016 = arith.mulf %gather3A_2015, %get3A_1940 : vector<16xf32>
        %add3A_2017 = arith.addf %add3A_1924, %mul3A_2016 : vector<16xf32>
        %mul3A_2018 = arith.mulf %mul3A_2016, %mul3A_2016 : vector<16xf32>
        %add3A_2019 = arith.addf %add3A_1999, %mul3A_2018 : vector<16xf32>
        %gather3A_2020 = tpu.vector_load_idx %arg11[%add3A_1949, %broadcast_in_dim3A_32] : memref<3328x16xf32, #tpu.memory_space<vmem>>[vector<16xi32>, vector<16xi32>], vector<16xf32>,
        %mul3A_2021 = arith.mulf %gather3A_2020, %get3A_1940 : vector<16xf32>
        %add3A_2022 = arith.addf %add3A_1929, %mul3A_2021 : vector<16xf32>
        %mul3A_2023 = arith.mulf %mul3A_2021, %mul3A_2021 : vector<16xf32>
        %add3A_2024 = arith.addf %add3A_2004, %mul3A_2023 : vector<16xf32>
        %gather3A_2025 = tpu.vector_load_idx %arg11[%add3A_1949, %broadcast_in_dim3A_34] : memref<3328x16xf32, #tpu.memory_space<vmem>>[vector<16xi32>, vector<16xi32>], vector<16xf32>,
        %mul3A_2026 = arith.mulf %gather3A_2025, %get3A_1940 : vector<16xf32>
        %add3A_2027 = arith.addf %add3A_1934, %mul3A_2026 : vector<16xf32>
        %mul3A_2028 = arith.mulf %mul3A_2026, %mul3A_2026 : vector<16xf32>
        %add3A_2029 = arith.addf %add3A_2009, %mul3A_2028 : vector<16xf32>
        %get3A_2030 = arith.constant 21 : i32
        %get3A_2031 = arith.index_cast %get3A_2030 : i32 to index
        %get3A_2032 = arith.index_cast %mul3A_73 : i32 to index
        %get3A_2033 = tpu.vector_load %arg10[%get3A_2031, %get3A_2032] {strides = array<i32>} : memref<26x128xf32, #tpu.memory_space<vmem>>, vector<16xf32>,
        %add3A_2034 = arith.constant 2688 : i32
        %add3A_2035 = arith.addi %add3A_2034, %mul3A_73 : i32
        %get3A_2036 = arith.index_cast %add3A_2035 : i32 to index
        %get3A_2037 = tpu.vector_load %arg12[%get3A_2036] {strides = array<i32>} : memref<3328xf32, #tpu.memory_space<vmem>>, vector<16xf32>,
        %mul3A_2038 = arith.mulf %get3A_2037, %get3A_2033 : vector<16xf32>
        %add3A_2039 = arith.addf %add3A_1946, %mul3A_2038 : vector<16xf32>
        %add3A_2040 = arith.constant 2688 : i32
        %add3A_2041 = vector.broadcast %add3A_2040 : i32 to vector<16xi32>
        %add3A_2042 = arith.addi %add3A_75, %add3A_2041 : vector<16xi32>
        %gather3A_2043 = tpu.vector_load_idx %arg11[%add3A_2042, %broadcast_in_dim3A_4] : memref<3328x16xf32, #tpu.memory_space<vmem>>[vector<16xi32>, vector<16xi32>], vector<16xf32>,
        %mul3A_2044 = arith.mulf %gather3A_2043, %get3A_2033 : vector<16xf32>
        %add3A_2045 = arith.addf %add3A_1952, %mul3A_2044 : vector<16xf32>
        %mul3A_2046 = arith.mulf %mul3A_2044, %mul3A_2044 : vector<16xf32>
        %add3A_2047 = arith.addf %add3A_2014, %mul3A_2046 : vector<16xf32>
        %gather3A_2048 = tpu.vector_load_idx %arg11[%add3A_2042, %broadcast_in_dim3A_6] : memref<3328x16xf32, #tpu.memory_space<vmem>>[vector<16xi32>, vector<16xi32>], vector<16xf32>,
        %mul3A_2049 = arith.mulf %gather3A_2048, %get3A_2033 : vector<16xf32>
        %add3A_2050 = arith.addf %add3A_1957, %mul3A_2049 : vector<16xf32>
        %mul3A_2051 = arith.mulf %mul3A_2049, %mul3A_2049 : vector<16xf32>
        %add3A_2052 = arith.addf %add3A_2019, %mul3A_2051 : vector<16xf32>
        %gather3A_2053 = tpu.vector_load_idx %arg11[%add3A_2042, %broadcast_in_dim3A_8] : memref<3328x16xf32, #tpu.memory_space<vmem>>[vector<16xi32>, vector<16xi32>], vector<16xf32>,
        %mul3A_2054 = arith.mulf %gather3A_2053, %get3A_2033 : vector<16xf32>
        %add3A_2055 = arith.addf %add3A_1962, %mul3A_2054 : vector<16xf32>
        %mul3A_2056 = arith.mulf %mul3A_2054, %mul3A_2054 : vector<16xf32>
        %add3A_2057 = arith.addf %add3A_2024, %mul3A_2056 : vector<16xf32>
        %gather3A_2058 = tpu.vector_load_idx %arg11[%add3A_2042, %broadcast_in_dim3A_10] : memref<3328x16xf32, #tpu.memory_space<vmem>>[vector<16xi32>, vector<16xi32>], vector<16xf32>,
        %mul3A_2059 = arith.mulf %gather3A_2058, %get3A_2033 : vector<16xf32>
        %add3A_2060 = arith.addf %add3A_1967, %mul3A_2059 : vector<16xf32>
        %mul3A_2061 = arith.mulf %mul3A_2059, %mul3A_2059 : vector<16xf32>
        %add3A_2062 = arith.addf %add3A_2029, %mul3A_2061 : vector<16xf32>
        %gather3A_2063 = tpu.vector_load_idx %arg11[%add3A_2042, %broadcast_in_dim3A_12] : memref<3328x16xf32, #tpu.memory_space<vmem>>[vector<16xi32>, vector<16xi32>], vector<16xf32>,
        %mul3A_2064 = arith.mulf %gather3A_2063, %get3A_2033 : vector<16xf32>
        %add3A_2065 = arith.addf %add3A_1972, %mul3A_2064 : vector<16xf32>
        %mul3A_2066 = arith.mulf %mul3A_2064, %mul3A_2064 : vector<16xf32>
        %add3A_2067 = arith.addf %add3A_2047, %mul3A_2066 : vector<16xf32>
        %gather3A_2068 = tpu.vector_load_idx %arg11[%add3A_2042, %broadcast_in_dim3A_14] : memref<3328x16xf32, #tpu.memory_space<vmem>>[vector<16xi32>, vector<16xi32>], vector<16xf32>,
        %mul3A_2069 = arith.mulf %gather3A_2068, %get3A_2033 : vector<16xf32>
        %add3A_2070 = arith.addf %add3A_1977, %mul3A_2069 : vector<16xf32>
        %mul3A_2071 = arith.mulf %mul3A_2069, %mul3A_2069 : vector<16xf32>
        %add3A_2072 = arith.addf %add3A_2052, %mul3A_2071 : vector<16xf32>
        %gather3A_2073 = tpu.vector_load_idx %arg11[%add3A_2042, %broadcast_in_dim3A_16] : memref<3328x16xf32, #tpu.memory_space<vmem>>[vector<16xi32>, vector<16xi32>], vector<16xf32>,
        %mul3A_2074 = arith.mulf %gather3A_2073, %get3A_2033 : vector<16xf32>
        %add3A_2075 = arith.addf %add3A_1982, %mul3A_2074 : vector<16xf32>
        %mul3A_2076 = arith.mulf %mul3A_2074, %mul3A_2074 : vector<16xf32>
        %add3A_2077 = arith.addf %add3A_2057, %mul3A_2076 : vector<16xf32>
        %gather3A_2078 = tpu.vector_load_idx %arg11[%add3A_2042, %broadcast_in_dim3A_18] : memref<3328x16xf32, #tpu.memory_space<vmem>>[vector<16xi32>, vector<16xi32>], vector<16xf32>,
        %mul3A_2079 = arith.mulf %gather3A_2078, %get3A_2033 : vector<16xf32>
        %add3A_2080 = arith.addf %add3A_1987, %mul3A_2079 : vector<16xf32>
        %mul3A_2081 = arith.mulf %mul3A_2079, %mul3A_2079 : vector<16xf32>
        %add3A_2082 = arith.addf %add3A_2062, %mul3A_2081 : vector<16xf32>
        %gather3A_2083 = tpu.vector_load_idx %arg11[%add3A_2042, %broadcast_in_dim3A_20] : memref<3328x16xf32, #tpu.memory_space<vmem>>[vector<16xi32>, vector<16xi32>], vector<16xf32>,
        %mul3A_2084 = arith.mulf %gather3A_2083, %get3A_2033 : vector<16xf32>
        %add3A_2085 = arith.addf %add3A_1992, %mul3A_2084 : vector<16xf32>
        %mul3A_2086 = arith.mulf %mul3A_2084, %mul3A_2084 : vector<16xf32>
        %add3A_2087 = arith.addf %add3A_2067, %mul3A_2086 : vector<16xf32>
        %gather3A_2088 = tpu.vector_load_idx %arg11[%add3A_2042, %broadcast_in_dim3A_22] : memref<3328x16xf32, #tpu.memory_space<vmem>>[vector<16xi32>, vector<16xi32>], vector<16xf32>,
        %mul3A_2089 = arith.mulf %gather3A_2088, %get3A_2033 : vector<16xf32>
        %add3A_2090 = arith.addf %add3A_1997, %mul3A_2089 : vector<16xf32>
        %mul3A_2091 = arith.mulf %mul3A_2089, %mul3A_2089 : vector<16xf32>
        %add3A_2092 = arith.addf %add3A_2072, %mul3A_2091 : vector<16xf32>
        %gather3A_2093 = tpu.vector_load_idx %arg11[%add3A_2042, %broadcast_in_dim3A_24] : memref<3328x16xf32, #tpu.memory_space<vmem>>[vector<16xi32>, vector<16xi32>], vector<16xf32>,
        %mul3A_2094 = arith.mulf %gather3A_2093, %get3A_2033 : vector<16xf32>
        %add3A_2095 = arith.addf %add3A_2002, %mul3A_2094 : vector<16xf32>
        %mul3A_2096 = arith.mulf %mul3A_2094, %mul3A_2094 : vector<16xf32>
        %add3A_2097 = arith.addf %add3A_2077, %mul3A_2096 : vector<16xf32>
        %gather3A_2098 = tpu.vector_load_idx %arg11[%add3A_2042, %broadcast_in_dim3A_26] : memref<3328x16xf32, #tpu.memory_space<vmem>>[vector<16xi32>, vector<16xi32>], vector<16xf32>,
        %mul3A_2099 = arith.mulf %gather3A_2098, %get3A_2033 : vector<16xf32>
        %add3A_2100 = arith.addf %add3A_2007, %mul3A_2099 : vector<16xf32>
        %mul3A_2101 = arith.mulf %mul3A_2099, %mul3A_2099 : vector<16xf32>
        %add3A_2102 = arith.addf %add3A_2082, %mul3A_2101 : vector<16xf32>
        %gather3A_2103 = tpu.vector_load_idx %arg11[%add3A_2042, %broadcast_in_dim3A_28] : memref<3328x16xf32, #tpu.memory_space<vmem>>[vector<16xi32>, vector<16xi32>], vector<16xf32>,
        %mul3A_2104 = arith.mulf %gather3A_2103, %get3A_2033 : vector<16xf32>
        %add3A_2105 = arith.addf %add3A_2012, %mul3A_2104 : vector<16xf32>
        %mul3A_2106 = arith.mulf %mul3A_2104, %mul3A_2104 : vector<16xf32>
        %add3A_2107 = arith.addf %add3A_2087, %mul3A_2106 : vector<16xf32>
        %gather3A_2108 = tpu.vector_load_idx %arg11[%add3A_2042, %broadcast_in_dim3A_30] : memref<3328x16xf32, #tpu.memory_space<vmem>>[vector<16xi32>, vector<16xi32>], vector<16xf32>,
        %mul3A_2109 = arith.mulf %gather3A_2108, %get3A_2033 : vector<16xf32>
        %add3A_2110 = arith.addf %add3A_2017, %mul3A_2109 : vector<16xf32>
        %mul3A_2111 = arith.mulf %mul3A_2109, %mul3A_2109 : vector<16xf32>
        %add3A_2112 = arith.addf %add3A_2092, %mul3A_2111 : vector<16xf32>
        %gather3A_2113 = tpu.vector_load_idx %arg11[%add3A_2042, %broadcast_in_dim3A_32] : memref<3328x16xf32, #tpu.memory_space<vmem>>[vector<16xi32>, vector<16xi32>], vector<16xf32>,
        %mul3A_2114 = arith.mulf %gather3A_2113, %get3A_2033 : vector<16xf32>
        %add3A_2115 = arith.addf %add3A_2022, %mul3A_2114 : vector<16xf32>
        %mul3A_2116 = arith.mulf %mul3A_2114, %mul3A_2114 : vector<16xf32>
        %add3A_2117 = arith.addf %add3A_2097, %mul3A_2116 : vector<16xf32>
        %gather3A_2118 = tpu.vector_load_idx %arg11[%add3A_2042, %broadcast_in_dim3A_34] : memref<3328x16xf32, #tpu.memory_space<vmem>>[vector<16xi32>, vector<16xi32>], vector<16xf32>,
        %mul3A_2119 = arith.mulf %gather3A_2118, %get3A_2033 : vector<16xf32>
        %add3A_2120 = arith.addf %add3A_2027, %mul3A_2119 : vector<16xf32>
        %mul3A_2121 = arith.mulf %mul3A_2119, %mul3A_2119 : vector<16xf32>
        %add3A_2122 = arith.addf %add3A_2102, %mul3A_2121 : vector<16xf32>
        %get3A_2123 = arith.constant 22 : i32
        %get3A_2124 = arith.index_cast %get3A_2123 : i32 to index
        %get3A_2125 = arith.index_cast %mul3A_73 : i32 to index
        %get3A_2126 = tpu.vector_load %arg10[%get3A_2124, %get3A_2125] {strides = array<i32>} : memref<26x128xf32, #tpu.memory_space<vmem>>, vector<16xf32>,
        %add3A_2127 = arith.constant 2816 : i32
        %add3A_2128 = arith.addi %add3A_2127, %mul3A_73 : i32
        %get3A_2129 = arith.index_cast %add3A_2128 : i32 to index
        %get3A_2130 = tpu.vector_load %arg12[%get3A_2129] {strides = array<i32>} : memref<3328xf32, #tpu.memory_space<vmem>>, vector<16xf32>,
        %mul3A_2131 = arith.mulf %get3A_2130, %get3A_2126 : vector<16xf32>
        %add3A_2132 = arith.addf %add3A_2039, %mul3A_2131 : vector<16xf32>
        %add3A_2133 = arith.constant 2816 : i32
        %add3A_2134 = vector.broadcast %add3A_2133 : i32 to vector<16xi32>
        %add3A_2135 = arith.addi %add3A_75, %add3A_2134 : vector<16xi32>
        %gather3A_2136 = tpu.vector_load_idx %arg11[%add3A_2135, %broadcast_in_dim3A_4] : memref<3328x16xf32, #tpu.memory_space<vmem>>[vector<16xi32>, vector<16xi32>], vector<16xf32>,
        %mul3A_2137 = arith.mulf %gather3A_2136, %get3A_2126 : vector<16xf32>
        %add3A_2138 = arith.addf %add3A_2045, %mul3A_2137 : vector<16xf32>
        %mul3A_2139 = arith.mulf %mul3A_2137, %mul3A_2137 : vector<16xf32>
        %add3A_2140 = arith.addf %add3A_2107, %mul3A_2139 : vector<16xf32>
        %gather3A_2141 = tpu.vector_load_idx %arg11[%add3A_2135, %broadcast_in_dim3A_6] : memref<3328x16xf32, #tpu.memory_space<vmem>>[vector<16xi32>, vector<16xi32>], vector<16xf32>,
        %mul3A_2142 = arith.mulf %gather3A_2141, %get3A_2126 : vector<16xf32>
        %add3A_2143 = arith.addf %add3A_2050, %mul3A_2142 : vector<16xf32>
        %mul3A_2144 = arith.mulf %mul3A_2142, %mul3A_2142 : vector<16xf32>
        %add3A_2145 = arith.addf %add3A_2112, %mul3A_2144 : vector<16xf32>
        %gather3A_2146 = tpu.vector_load_idx %arg11[%add3A_2135, %broadcast_in_dim3A_8] : memref<3328x16xf32, #tpu.memory_space<vmem>>[vector<16xi32>, vector<16xi32>], vector<16xf32>,
        %mul3A_2147 = arith.mulf %gather3A_2146, %get3A_2126 : vector<16xf32>
        %add3A_2148 = arith.addf %add3A_2055, %mul3A_2147 : vector<16xf32>
        %mul3A_2149 = arith.mulf %mul3A_2147, %mul3A_2147 : vector<16xf32>
        %add3A_2150 = arith.addf %add3A_2117, %mul3A_2149 : vector<16xf32>
        %gather3A_2151 = tpu.vector_load_idx %arg11[%add3A_2135, %broadcast_in_dim3A_10] : memref<3328x16xf32, #tpu.memory_space<vmem>>[vector<16xi32>, vector<16xi32>], vector<16xf32>,
        %mul3A_2152 = arith.mulf %gather3A_2151, %get3A_2126 : vector<16xf32>
        %add3A_2153 = arith.addf %add3A_2060, %mul3A_2152 : vector<16xf32>
        %mul3A_2154 = arith.mulf %mul3A_2152, %mul3A_2152 : vector<16xf32>
        %add3A_2155 = arith.addf %add3A_2122, %mul3A_2154 : vector<16xf32>
        %gather3A_2156 = tpu.vector_load_idx %arg11[%add3A_2135, %broadcast_in_dim3A_12] : memref<3328x16xf32, #tpu.memory_space<vmem>>[vector<16xi32>, vector<16xi32>], vector<16xf32>,
        %mul3A_2157 = arith.mulf %gather3A_2156, %get3A_2126 : vector<16xf32>
        %add3A_2158 = arith.addf %add3A_2065, %mul3A_2157 : vector<16xf32>
        %mul3A_2159 = arith.mulf %mul3A_2157, %mul3A_2157 : vector<16xf32>
        %add3A_2160 = arith.addf %add3A_2140, %mul3A_2159 : vector<16xf32>
        %gather3A_2161 = tpu.vector_load_idx %arg11[%add3A_2135, %broadcast_in_dim3A_14] : memref<3328x16xf32, #tpu.memory_space<vmem>>[vector<16xi32>, vector<16xi32>], vector<16xf32>,
        %mul3A_2162 = arith.mulf %gather3A_2161, %get3A_2126 : vector<16xf32>
        %add3A_2163 = arith.addf %add3A_2070, %mul3A_2162 : vector<16xf32>
        %mul3A_2164 = arith.mulf %mul3A_2162, %mul3A_2162 : vector<16xf32>
        %add3A_2165 = arith.addf %add3A_2145, %mul3A_2164 : vector<16xf32>
        %gather3A_2166 = tpu.vector_load_idx %arg11[%add3A_2135, %broadcast_in_dim3A_16] : memref<3328x16xf32, #tpu.memory_space<vmem>>[vector<16xi32>, vector<16xi32>], vector<16xf32>,
        %mul3A_2167 = arith.mulf %gather3A_2166, %get3A_2126 : vector<16xf32>
        %add3A_2168 = arith.addf %add3A_2075, %mul3A_2167 : vector<16xf32>
        %mul3A_2169 = arith.mulf %mul3A_2167, %mul3A_2167 : vector<16xf32>
        %add3A_2170 = arith.addf %add3A_2150, %mul3A_2169 : vector<16xf32>
        %gather3A_2171 = tpu.vector_load_idx %arg11[%add3A_2135, %broadcast_in_dim3A_18] : memref<3328x16xf32, #tpu.memory_space<vmem>>[vector<16xi32>, vector<16xi32>], vector<16xf32>,
        %mul3A_2172 = arith.mulf %gather3A_2171, %get3A_2126 : vector<16xf32>
        %add3A_2173 = arith.addf %add3A_2080, %mul3A_2172 : vector<16xf32>
        %mul3A_2174 = arith.mulf %mul3A_2172, %mul3A_2172 : vector<16xf32>
        %add3A_2175 = arith.addf %add3A_2155, %mul3A_2174 : vector<16xf32>
        %gather3A_2176 = tpu.vector_load_idx %arg11[%add3A_2135, %broadcast_in_dim3A_20] : memref<3328x16xf32, #tpu.memory_space<vmem>>[vector<16xi32>, vector<16xi32>], vector<16xf32>,
        %mul3A_2177 = arith.mulf %gather3A_2176, %get3A_2126 : vector<16xf32>
        %add3A_2178 = arith.addf %add3A_2085, %mul3A_2177 : vector<16xf32>
        %mul3A_2179 = arith.mulf %mul3A_2177, %mul3A_2177 : vector<16xf32>
        %add3A_2180 = arith.addf %add3A_2160, %mul3A_2179 : vector<16xf32>
        %gather3A_2181 = tpu.vector_load_idx %arg11[%add3A_2135, %broadcast_in_dim3A_22] : memref<3328x16xf32, #tpu.memory_space<vmem>>[vector<16xi32>, vector<16xi32>], vector<16xf32>,
        %mul3A_2182 = arith.mulf %gather3A_2181, %get3A_2126 : vector<16xf32>
        %add3A_2183 = arith.addf %add3A_2090, %mul3A_2182 : vector<16xf32>
        %mul3A_2184 = arith.mulf %mul3A_2182, %mul3A_2182 : vector<16xf32>
        %add3A_2185 = arith.addf %add3A_2165, %mul3A_2184 : vector<16xf32>
        %gather3A_2186 = tpu.vector_load_idx %arg11[%add3A_2135, %broadcast_in_dim3A_24] : memref<3328x16xf32, #tpu.memory_space<vmem>>[vector<16xi32>, vector<16xi32>], vector<16xf32>,
        %mul3A_2187 = arith.mulf %gather3A_2186, %get3A_2126 : vector<16xf32>
        %add3A_2188 = arith.addf %add3A_2095, %mul3A_2187 : vector<16xf32>
        %mul3A_2189 = arith.mulf %mul3A_2187, %mul3A_2187 : vector<16xf32>
        %add3A_2190 = arith.addf %add3A_2170, %mul3A_2189 : vector<16xf32>
        %gather3A_2191 = tpu.vector_load_idx %arg11[%add3A_2135, %broadcast_in_dim3A_26] : memref<3328x16xf32, #tpu.memory_space<vmem>>[vector<16xi32>, vector<16xi32>], vector<16xf32>,
        %mul3A_2192 = arith.mulf %gather3A_2191, %get3A_2126 : vector<16xf32>
        %add3A_2193 = arith.addf %add3A_2100, %mul3A_2192 : vector<16xf32>
        %mul3A_2194 = arith.mulf %mul3A_2192, %mul3A_2192 : vector<16xf32>
        %add3A_2195 = arith.addf %add3A_2175, %mul3A_2194 : vector<16xf32>
        %gather3A_2196 = tpu.vector_load_idx %arg11[%add3A_2135, %broadcast_in_dim3A_28] : memref<3328x16xf32, #tpu.memory_space<vmem>>[vector<16xi32>, vector<16xi32>], vector<16xf32>,
        %mul3A_2197 = arith.mulf %gather3A_2196, %get3A_2126 : vector<16xf32>
        %add3A_2198 = arith.addf %add3A_2105, %mul3A_2197 : vector<16xf32>
        %mul3A_2199 = arith.mulf %mul3A_2197, %mul3A_2197 : vector<16xf32>
        %add3A_2200 = arith.addf %add3A_2180, %mul3A_2199 : vector<16xf32>
        %gather3A_2201 = tpu.vector_load_idx %arg11[%add3A_2135, %broadcast_in_dim3A_30] : memref<3328x16xf32, #tpu.memory_space<vmem>>[vector<16xi32>, vector<16xi32>], vector<16xf32>,
        %mul3A_2202 = arith.mulf %gather3A_2201, %get3A_2126 : vector<16xf32>
        %add3A_2203 = arith.addf %add3A_2110, %mul3A_2202 : vector<16xf32>
        %mul3A_2204 = arith.mulf %mul3A_2202, %mul3A_2202 : vector<16xf32>
        %add3A_2205 = arith.addf %add3A_2185, %mul3A_2204 : vector<16xf32>
        %gather3A_2206 = tpu.vector_load_idx %arg11[%add3A_2135, %broadcast_in_dim3A_32] : memref<3328x16xf32, #tpu.memory_space<vmem>>[vector<16xi32>, vector<16xi32>], vector<16xf32>,
        %mul3A_2207 = arith.mulf %gather3A_2206, %get3A_2126 : vector<16xf32>
        %add3A_2208 = arith.addf %add3A_2115, %mul3A_2207 : vector<16xf32>
        %mul3A_2209 = arith.mulf %mul3A_2207, %mul3A_2207 : vector<16xf32>
        %add3A_2210 = arith.addf %add3A_2190, %mul3A_2209 : vector<16xf32>
        %gather3A_2211 = tpu.vector_load_idx %arg11[%add3A_2135, %broadcast_in_dim3A_34] : memref<3328x16xf32, #tpu.memory_space<vmem>>[vector<16xi32>, vector<16xi32>], vector<16xf32>,
        %mul3A_2212 = arith.mulf %gather3A_2211, %get3A_2126 : vector<16xf32>
        %add3A_2213 = arith.addf %add3A_2120, %mul3A_2212 : vector<16xf32>
        %mul3A_2214 = arith.mulf %mul3A_2212, %mul3A_2212 : vector<16xf32>
        %add3A_2215 = arith.addf %add3A_2195, %mul3A_2214 : vector<16xf32>
        %get3A_2216 = arith.constant 23 : i32
        %get3A_2217 = arith.index_cast %get3A_2216 : i32 to index
        %get3A_2218 = arith.index_cast %mul3A_73 : i32 to index
        %get3A_2219 = tpu.vector_load %arg10[%get3A_2217, %get3A_2218] {strides = array<i32>} : memref<26x128xf32, #tpu.memory_space<vmem>>, vector<16xf32>,
        %add3A_2220 = arith.constant 2944 : i32
        %add3A_2221 = arith.addi %add3A_2220, %mul3A_73 : i32
        %get3A_2222 = arith.index_cast %add3A_2221 : i32 to index
        %get3A_2223 = tpu.vector_load %arg12[%get3A_2222] {strides = array<i32>} : memref<3328xf32, #tpu.memory_space<vmem>>, vector<16xf32>,
        %mul3A_2224 = arith.mulf %get3A_2223, %get3A_2219 : vector<16xf32>
        %add3A_2225 = arith.addf %add3A_2132, %mul3A_2224 : vector<16xf32>
        %add3A_2226 = arith.constant 2944 : i32
        %add3A_2227 = vector.broadcast %add3A_2226 : i32 to vector<16xi32>
        %add3A_2228 = arith.addi %add3A_75, %add3A_2227 : vector<16xi32>
        %gather3A_2229 = tpu.vector_load_idx %arg11[%add3A_2228, %broadcast_in_dim3A_4] : memref<3328x16xf32, #tpu.memory_space<vmem>>[vector<16xi32>, vector<16xi32>], vector<16xf32>,
        %mul3A_2230 = arith.mulf %gather3A_2229, %get3A_2219 : vector<16xf32>
        %add3A_2231 = arith.addf %add3A_2138, %mul3A_2230 : vector<16xf32>
        %mul3A_2232 = arith.mulf %mul3A_2230, %mul3A_2230 : vector<16xf32>
        %add3A_2233 = arith.addf %add3A_2200, %mul3A_2232 : vector<16xf32>
        %gather3A_2234 = tpu.vector_load_idx %arg11[%add3A_2228, %broadcast_in_dim3A_6] : memref<3328x16xf32, #tpu.memory_space<vmem>>[vector<16xi32>, vector<16xi32>], vector<16xf32>,
        %mul3A_2235 = arith.mulf %gather3A_2234, %get3A_2219 : vector<16xf32>
        %add3A_2236 = arith.addf %add3A_2143, %mul3A_2235 : vector<16xf32>
        %mul3A_2237 = arith.mulf %mul3A_2235, %mul3A_2235 : vector<16xf32>
        %add3A_2238 = arith.addf %add3A_2205, %mul3A_2237 : vector<16xf32>
        %gather3A_2239 = tpu.vector_load_idx %arg11[%add3A_2228, %broadcast_in_dim3A_8] : memref<3328x16xf32, #tpu.memory_space<vmem>>[vector<16xi32>, vector<16xi32>], vector<16xf32>,
        %mul3A_2240 = arith.mulf %gather3A_2239, %get3A_2219 : vector<16xf32>
        %add3A_2241 = arith.addf %add3A_2148, %mul3A_2240 : vector<16xf32>
        %mul3A_2242 = arith.mulf %mul3A_2240, %mul3A_2240 : vector<16xf32>
        %add3A_2243 = arith.addf %add3A_2210, %mul3A_2242 : vector<16xf32>
        %gather3A_2244 = tpu.vector_load_idx %arg11[%add3A_2228, %broadcast_in_dim3A_10] : memref<3328x16xf32, #tpu.memory_space<vmem>>[vector<16xi32>, vector<16xi32>], vector<16xf32>,
        %mul3A_2245 = arith.mulf %gather3A_2244, %get3A_2219 : vector<16xf32>
        %add3A_2246 = arith.addf %add3A_2153, %mul3A_2245 : vector<16xf32>
        %mul3A_2247 = arith.mulf %mul3A_2245, %mul3A_2245 : vector<16xf32>
        %add3A_2248 = arith.addf %add3A_2215, %mul3A_2247 : vector<16xf32>
        %gather3A_2249 = tpu.vector_load_idx %arg11[%add3A_2228, %broadcast_in_dim3A_12] : memref<3328x16xf32, #tpu.memory_space<vmem>>[vector<16xi32>, vector<16xi32>], vector<16xf32>,
        %mul3A_2250 = arith.mulf %gather3A_2249, %get3A_2219 : vector<16xf32>
        %add3A_2251 = arith.addf %add3A_2158, %mul3A_2250 : vector<16xf32>
        %mul3A_2252 = arith.mulf %mul3A_2250, %mul3A_2250 : vector<16xf32>
        %add3A_2253 = arith.addf %add3A_2233, %mul3A_2252 : vector<16xf32>
        %gather3A_2254 = tpu.vector_load_idx %arg11[%add3A_2228, %broadcast_in_dim3A_14] : memref<3328x16xf32, #tpu.memory_space<vmem>>[vector<16xi32>, vector<16xi32>], vector<16xf32>,
        %mul3A_2255 = arith.mulf %gather3A_2254, %get3A_2219 : vector<16xf32>
        %add3A_2256 = arith.addf %add3A_2163, %mul3A_2255 : vector<16xf32>
        %mul3A_2257 = arith.mulf %mul3A_2255, %mul3A_2255 : vector<16xf32>
        %add3A_2258 = arith.addf %add3A_2238, %mul3A_2257 : vector<16xf32>
        %gather3A_2259 = tpu.vector_load_idx %arg11[%add3A_2228, %broadcast_in_dim3A_16] : memref<3328x16xf32, #tpu.memory_space<vmem>>[vector<16xi32>, vector<16xi32>], vector<16xf32>,
        %mul3A_2260 = arith.mulf %gather3A_2259, %get3A_2219 : vector<16xf32>
        %add3A_2261 = arith.addf %add3A_2168, %mul3A_2260 : vector<16xf32>
        %mul3A_2262 = arith.mulf %mul3A_2260, %mul3A_2260 : vector<16xf32>
        %add3A_2263 = arith.addf %add3A_2243, %mul3A_2262 : vector<16xf32>
        %gather3A_2264 = tpu.vector_load_idx %arg11[%add3A_2228, %broadcast_in_dim3A_18] : memref<3328x16xf32, #tpu.memory_space<vmem>>[vector<16xi32>, vector<16xi32>], vector<16xf32>,
        %mul3A_2265 = arith.mulf %gather3A_2264, %get3A_2219 : vector<16xf32>
        %add3A_2266 = arith.addf %add3A_2173, %mul3A_2265 : vector<16xf32>
        %mul3A_2267 = arith.mulf %mul3A_2265, %mul3A_2265 : vector<16xf32>
        %add3A_2268 = arith.addf %add3A_2248, %mul3A_2267 : vector<16xf32>
        %gather3A_2269 = tpu.vector_load_idx %arg11[%add3A_2228, %broadcast_in_dim3A_20] : memref<3328x16xf32, #tpu.memory_space<vmem>>[vector<16xi32>, vector<16xi32>], vector<16xf32>,
        %mul3A_2270 = arith.mulf %gather3A_2269, %get3A_2219 : vector<16xf32>
        %add3A_2271 = arith.addf %add3A_2178, %mul3A_2270 : vector<16xf32>
        %mul3A_2272 = arith.mulf %mul3A_2270, %mul3A_2270 : vector<16xf32>
        %add3A_2273 = arith.addf %add3A_2253, %mul3A_2272 : vector<16xf32>
        %gather3A_2274 = tpu.vector_load_idx %arg11[%add3A_2228, %broadcast_in_dim3A_22] : memref<3328x16xf32, #tpu.memory_space<vmem>>[vector<16xi32>, vector<16xi32>], vector<16xf32>,
        %mul3A_2275 = arith.mulf %gather3A_2274, %get3A_2219 : vector<16xf32>
        %add3A_2276 = arith.addf %add3A_2183, %mul3A_2275 : vector<16xf32>
        %mul3A_2277 = arith.mulf %mul3A_2275, %mul3A_2275 : vector<16xf32>
        %add3A_2278 = arith.addf %add3A_2258, %mul3A_2277 : vector<16xf32>
        %gather3A_2279 = tpu.vector_load_idx %arg11[%add3A_2228, %broadcast_in_dim3A_24] : memref<3328x16xf32, #tpu.memory_space<vmem>>[vector<16xi32>, vector<16xi32>], vector<16xf32>,
        %mul3A_2280 = arith.mulf %gather3A_2279, %get3A_2219 : vector<16xf32>
        %add3A_2281 = arith.addf %add3A_2188, %mul3A_2280 : vector<16xf32>
        %mul3A_2282 = arith.mulf %mul3A_2280, %mul3A_2280 : vector<16xf32>
        %add3A_2283 = arith.addf %add3A_2263, %mul3A_2282 : vector<16xf32>
        %gather3A_2284 = tpu.vector_load_idx %arg11[%add3A_2228, %broadcast_in_dim3A_26] : memref<3328x16xf32, #tpu.memory_space<vmem>>[vector<16xi32>, vector<16xi32>], vector<16xf32>,
        %mul3A_2285 = arith.mulf %gather3A_2284, %get3A_2219 : vector<16xf32>
        %add3A_2286 = arith.addf %add3A_2193, %mul3A_2285 : vector<16xf32>
        %mul3A_2287 = arith.mulf %mul3A_2285, %mul3A_2285 : vector<16xf32>
        %add3A_2288 = arith.addf %add3A_2268, %mul3A_2287 : vector<16xf32>
        %gather3A_2289 = tpu.vector_load_idx %arg11[%add3A_2228, %broadcast_in_dim3A_28] : memref<3328x16xf32, #tpu.memory_space<vmem>>[vector<16xi32>, vector<16xi32>], vector<16xf32>,
        %mul3A_2290 = arith.mulf %gather3A_2289, %get3A_2219 : vector<16xf32>
        %add3A_2291 = arith.addf %add3A_2198, %mul3A_2290 : vector<16xf32>
        %mul3A_2292 = arith.mulf %mul3A_2290, %mul3A_2290 : vector<16xf32>
        %add3A_2293 = arith.addf %add3A_2273, %mul3A_2292 : vector<16xf32>
        %gather3A_2294 = tpu.vector_load_idx %arg11[%add3A_2228, %broadcast_in_dim3A_30] : memref<3328x16xf32, #tpu.memory_space<vmem>>[vector<16xi32>, vector<16xi32>], vector<16xf32>,
        %mul3A_2295 = arith.mulf %gather3A_2294, %get3A_2219 : vector<16xf32>
        %add3A_2296 = arith.addf %add3A_2203, %mul3A_2295 : vector<16xf32>
        %mul3A_2297 = arith.mulf %mul3A_2295, %mul3A_2295 : vector<16xf32>
        %add3A_2298 = arith.addf %add3A_2278, %mul3A_2297 : vector<16xf32>
        %gather3A_2299 = tpu.vector_load_idx %arg11[%add3A_2228, %broadcast_in_dim3A_32] : memref<3328x16xf32, #tpu.memory_space<vmem>>[vector<16xi32>, vector<16xi32>], vector<16xf32>,
        %mul3A_2300 = arith.mulf %gather3A_2299, %get3A_2219 : vector<16xf32>
        %add3A_2301 = arith.addf %add3A_2208, %mul3A_2300 : vector<16xf32>
        %mul3A_2302 = arith.mulf %mul3A_2300, %mul3A_2300 : vector<16xf32>
        %add3A_2303 = arith.addf %add3A_2283, %mul3A_2302 : vector<16xf32>
        %gather3A_2304 = tpu.vector_load_idx %arg11[%add3A_2228, %broadcast_in_dim3A_34] : memref<3328x16xf32, #tpu.memory_space<vmem>>[vector<16xi32>, vector<16xi32>], vector<16xf32>,
        %mul3A_2305 = arith.mulf %gather3A_2304, %get3A_2219 : vector<16xf32>
        %add3A_2306 = arith.addf %add3A_2213, %mul3A_2305 : vector<16xf32>
        %mul3A_2307 = arith.mulf %mul3A_2305, %mul3A_2305 : vector<16xf32>
        %add3A_2308 = arith.addf %add3A_2288, %mul3A_2307 : vector<16xf32>
        %get3A_2309 = arith.constant 24 : i32
        %get3A_2310 = arith.index_cast %get3A_2309 : i32 to index
        %get3A_2311 = arith.index_cast %mul3A_73 : i32 to index
        %get3A_2312 = tpu.vector_load %arg10[%get3A_2310, %get3A_2311] {strides = array<i32>} : memref<26x128xf32, #tpu.memory_space<vmem>>, vector<16xf32>,
        %add3A_2313 = arith.constant 3072 : i32
        %add3A_2314 = arith.addi %add3A_2313, %mul3A_73 : i32
        %get3A_2315 = arith.index_cast %add3A_2314 : i32 to index
        %get3A_2316 = tpu.vector_load %arg12[%get3A_2315] {strides = array<i32>} : memref<3328xf32, #tpu.memory_space<vmem>>, vector<16xf32>,
        %mul3A_2317 = arith.mulf %get3A_2316, %get3A_2312 : vector<16xf32>
        %add3A_2318 = arith.addf %add3A_2225, %mul3A_2317 : vector<16xf32>
        %add3A_2319 = arith.constant 3072 : i32
        %add3A_2320 = vector.broadcast %add3A_2319 : i32 to vector<16xi32>
        %add3A_2321 = arith.addi %add3A_75, %add3A_2320 : vector<16xi32>
        %gather3A_2322 = tpu.vector_load_idx %arg11[%add3A_2321, %broadcast_in_dim3A_4] : memref<3328x16xf32, #tpu.memory_space<vmem>>[vector<16xi32>, vector<16xi32>], vector<16xf32>,
        %mul3A_2323 = arith.mulf %gather3A_2322, %get3A_2312 : vector<16xf32>
        %add3A_2324 = arith.addf %add3A_2231, %mul3A_2323 : vector<16xf32>
        %mul3A_2325 = arith.mulf %mul3A_2323, %mul3A_2323 : vector<16xf32>
        %add3A_2326 = arith.addf %add3A_2293, %mul3A_2325 : vector<16xf32>
        %gather3A_2327 = tpu.vector_load_idx %arg11[%add3A_2321, %broadcast_in_dim3A_6] : memref<3328x16xf32, #tpu.memory_space<vmem>>[vector<16xi32>, vector<16xi32>], vector<16xf32>,
        %mul3A_2328 = arith.mulf %gather3A_2327, %get3A_2312 : vector<16xf32>
        %add3A_2329 = arith.addf %add3A_2236, %mul3A_2328 : vector<16xf32>
        %mul3A_2330 = arith.mulf %mul3A_2328, %mul3A_2328 : vector<16xf32>
        %add3A_2331 = arith.addf %add3A_2298, %mul3A_2330 : vector<16xf32>
        %gather3A_2332 = tpu.vector_load_idx %arg11[%add3A_2321, %broadcast_in_dim3A_8] : memref<3328x16xf32, #tpu.memory_space<vmem>>[vector<16xi32>, vector<16xi32>], vector<16xf32>,
        %mul3A_2333 = arith.mulf %gather3A_2332, %get3A_2312 : vector<16xf32>
        %add3A_2334 = arith.addf %add3A_2241, %mul3A_2333 : vector<16xf32>
        %mul3A_2335 = arith.mulf %mul3A_2333, %mul3A_2333 : vector<16xf32>
        %add3A_2336 = arith.addf %add3A_2303, %mul3A_2335 : vector<16xf32>
        %gather3A_2337 = tpu.vector_load_idx %arg11[%add3A_2321, %broadcast_in_dim3A_10] : memref<3328x16xf32, #tpu.memory_space<vmem>>[vector<16xi32>, vector<16xi32>], vector<16xf32>,
        %mul3A_2338 = arith.mulf %gather3A_2337, %get3A_2312 : vector<16xf32>
        %add3A_2339 = arith.addf %add3A_2246, %mul3A_2338 : vector<16xf32>
        %mul3A_2340 = arith.mulf %mul3A_2338, %mul3A_2338 : vector<16xf32>
        %add3A_2341 = arith.addf %add3A_2308, %mul3A_2340 : vector<16xf32>
        %gather3A_2342 = tpu.vector_load_idx %arg11[%add3A_2321, %broadcast_in_dim3A_12] : memref<3328x16xf32, #tpu.memory_space<vmem>>[vector<16xi32>, vector<16xi32>], vector<16xf32>,
        %mul3A_2343 = arith.mulf %gather3A_2342, %get3A_2312 : vector<16xf32>
        %add3A_2344 = arith.addf %add3A_2251, %mul3A_2343 : vector<16xf32>
        %mul3A_2345 = arith.mulf %mul3A_2343, %mul3A_2343 : vector<16xf32>
        %add3A_2346 = arith.addf %add3A_2326, %mul3A_2345 : vector<16xf32>
        %gather3A_2347 = tpu.vector_load_idx %arg11[%add3A_2321, %broadcast_in_dim3A_14] : memref<3328x16xf32, #tpu.memory_space<vmem>>[vector<16xi32>, vector<16xi32>], vector<16xf32>,
        %mul3A_2348 = arith.mulf %gather3A_2347, %get3A_2312 : vector<16xf32>
        %add3A_2349 = arith.addf %add3A_2256, %mul3A_2348 : vector<16xf32>
        %mul3A_2350 = arith.mulf %mul3A_2348, %mul3A_2348 : vector<16xf32>
        %add3A_2351 = arith.addf %add3A_2331, %mul3A_2350 : vector<16xf32>
        %gather3A_2352 = tpu.vector_load_idx %arg11[%add3A_2321, %broadcast_in_dim3A_16] : memref<3328x16xf32, #tpu.memory_space<vmem>>[vector<16xi32>, vector<16xi32>], vector<16xf32>,
        %mul3A_2353 = arith.mulf %gather3A_2352, %get3A_2312 : vector<16xf32>
        %add3A_2354 = arith.addf %add3A_2261, %mul3A_2353 : vector<16xf32>
        %mul3A_2355 = arith.mulf %mul3A_2353, %mul3A_2353 : vector<16xf32>
        %add3A_2356 = arith.addf %add3A_2336, %mul3A_2355 : vector<16xf32>
        %gather3A_2357 = tpu.vector_load_idx %arg11[%add3A_2321, %broadcast_in_dim3A_18] : memref<3328x16xf32, #tpu.memory_space<vmem>>[vector<16xi32>, vector<16xi32>], vector<16xf32>,
        %mul3A_2358 = arith.mulf %gather3A_2357, %get3A_2312 : vector<16xf32>
        %add3A_2359 = arith.addf %add3A_2266, %mul3A_2358 : vector<16xf32>
        %mul3A_2360 = arith.mulf %mul3A_2358, %mul3A_2358 : vector<16xf32>
        %add3A_2361 = arith.addf %add3A_2341, %mul3A_2360 : vector<16xf32>
        %gather3A_2362 = tpu.vector_load_idx %arg11[%add3A_2321, %broadcast_in_dim3A_20] : memref<3328x16xf32, #tpu.memory_space<vmem>>[vector<16xi32>, vector<16xi32>], vector<16xf32>,
        %mul3A_2363 = arith.mulf %gather3A_2362, %get3A_2312 : vector<16xf32>
        %add3A_2364 = arith.addf %add3A_2271, %mul3A_2363 : vector<16xf32>
        %mul3A_2365 = arith.mulf %mul3A_2363, %mul3A_2363 : vector<16xf32>
        %add3A_2366 = arith.addf %add3A_2346, %mul3A_2365 : vector<16xf32>
        %gather3A_2367 = tpu.vector_load_idx %arg11[%add3A_2321, %broadcast_in_dim3A_22] : memref<3328x16xf32, #tpu.memory_space<vmem>>[vector<16xi32>, vector<16xi32>], vector<16xf32>,
        %mul3A_2368 = arith.mulf %gather3A_2367, %get3A_2312 : vector<16xf32>
        %add3A_2369 = arith.addf %add3A_2276, %mul3A_2368 : vector<16xf32>
        %mul3A_2370 = arith.mulf %mul3A_2368, %mul3A_2368 : vector<16xf32>
        %add3A_2371 = arith.addf %add3A_2351, %mul3A_2370 : vector<16xf32>
        %gather3A_2372 = tpu.vector_load_idx %arg11[%add3A_2321, %broadcast_in_dim3A_24] : memref<3328x16xf32, #tpu.memory_space<vmem>>[vector<16xi32>, vector<16xi32>], vector<16xf32>,
        %mul3A_2373 = arith.mulf %gather3A_2372, %get3A_2312 : vector<16xf32>
        %add3A_2374 = arith.addf %add3A_2281, %mul3A_2373 : vector<16xf32>
        %mul3A_2375 = arith.mulf %mul3A_2373, %mul3A_2373 : vector<16xf32>
        %add3A_2376 = arith.addf %add3A_2356, %mul3A_2375 : vector<16xf32>
        %gather3A_2377 = tpu.vector_load_idx %arg11[%add3A_2321, %broadcast_in_dim3A_26] : memref<3328x16xf32, #tpu.memory_space<vmem>>[vector<16xi32>, vector<16xi32>], vector<16xf32>,
        %mul3A_2378 = arith.mulf %gather3A_2377, %get3A_2312 : vector<16xf32>
        %add3A_2379 = arith.addf %add3A_2286, %mul3A_2378 : vector<16xf32>
        %mul3A_2380 = arith.mulf %mul3A_2378, %mul3A_2378 : vector<16xf32>
        %add3A_2381 = arith.addf %add3A_2361, %mul3A_2380 : vector<16xf32>
        %gather3A_2382 = tpu.vector_load_idx %arg11[%add3A_2321, %broadcast_in_dim3A_28] : memref<3328x16xf32, #tpu.memory_space<vmem>>[vector<16xi32>, vector<16xi32>], vector<16xf32>,
        %mul3A_2383 = arith.mulf %gather3A_2382, %get3A_2312 : vector<16xf32>
        %add3A_2384 = arith.addf %add3A_2291, %mul3A_2383 : vector<16xf32>
        %mul3A_2385 = arith.mulf %mul3A_2383, %mul3A_2383 : vector<16xf32>
        %add3A_2386 = arith.addf %add3A_2366, %mul3A_2385 : vector<16xf32>
        %gather3A_2387 = tpu.vector_load_idx %arg11[%add3A_2321, %broadcast_in_dim3A_30] : memref<3328x16xf32, #tpu.memory_space<vmem>>[vector<16xi32>, vector<16xi32>], vector<16xf32>,
        %mul3A_2388 = arith.mulf %gather3A_2387, %get3A_2312 : vector<16xf32>
        %add3A_2389 = arith.addf %add3A_2296, %mul3A_2388 : vector<16xf32>
        %mul3A_2390 = arith.mulf %mul3A_2388, %mul3A_2388 : vector<16xf32>
        %add3A_2391 = arith.addf %add3A_2371, %mul3A_2390 : vector<16xf32>
        %gather3A_2392 = tpu.vector_load_idx %arg11[%add3A_2321, %broadcast_in_dim3A_32] : memref<3328x16xf32, #tpu.memory_space<vmem>>[vector<16xi32>, vector<16xi32>], vector<16xf32>,
        %mul3A_2393 = arith.mulf %gather3A_2392, %get3A_2312 : vector<16xf32>
        %add3A_2394 = arith.addf %add3A_2301, %mul3A_2393 : vector<16xf32>
        %mul3A_2395 = arith.mulf %mul3A_2393, %mul3A_2393 : vector<16xf32>
        %add3A_2396 = arith.addf %add3A_2376, %mul3A_2395 : vector<16xf32>
        %gather3A_2397 = tpu.vector_load_idx %arg11[%add3A_2321, %broadcast_in_dim3A_34] : memref<3328x16xf32, #tpu.memory_space<vmem>>[vector<16xi32>, vector<16xi32>], vector<16xf32>,
        %mul3A_2398 = arith.mulf %gather3A_2397, %get3A_2312 : vector<16xf32>
        %add3A_2399 = arith.addf %add3A_2306, %mul3A_2398 : vector<16xf32>
        %mul3A_2400 = arith.mulf %mul3A_2398, %mul3A_2398 : vector<16xf32>
        %add3A_2401 = arith.addf %add3A_2381, %mul3A_2400 : vector<16xf32>
        %get3A_2402 = arith.constant 25 : i32
        %get3A_2403 = arith.index_cast %get3A_2402 : i32 to index
        %get3A_2404 = arith.index_cast %mul3A_73 : i32 to index
        %get3A_2405 = tpu.vector_load %arg10[%get3A_2403, %get3A_2404] {strides = array<i32>} : memref<26x128xf32, #tpu.memory_space<vmem>>, vector<16xf32>,
        %add3A_2406 = arith.constant 3200 : i32
        %add3A_2407 = arith.addi %add3A_2406, %mul3A_73 : i32
        %get3A_2408 = arith.index_cast %add3A_2407 : i32 to index
        %get3A_2409 = tpu.vector_load %arg12[%get3A_2408] {strides = array<i32>} : memref<3328xf32, #tpu.memory_space<vmem>>, vector<16xf32>,
        %mul3A_2410 = arith.mulf %get3A_2409, %get3A_2405 : vector<16xf32>
        %add3A_2411 = arith.addf %add3A_2318, %mul3A_2410 : vector<16xf32>
        %add3A_2412 = arith.constant 3200 : i32
        %add3A_2413 = vector.broadcast %add3A_2412 : i32 to vector<16xi32>
        %add3A_2414 = arith.addi %add3A_75, %add3A_2413 : vector<16xi32>
        %gather3A_2415 = tpu.vector_load_idx %arg11[%add3A_2414, %broadcast_in_dim3A_4] : memref<3328x16xf32, #tpu.memory_space<vmem>>[vector<16xi32>, vector<16xi32>], vector<16xf32>,
        %mul3A_2416 = arith.mulf %gather3A_2415, %get3A_2405 : vector<16xf32>
        %add3A_2417 = arith.addf %add3A_2324, %mul3A_2416 : vector<16xf32>
        %mul3A_2418 = arith.mulf %mul3A_2416, %mul3A_2416 : vector<16xf32>
        %add3A_2419 = arith.addf %add3A_2386, %mul3A_2418 : vector<16xf32>
        %gather3A_2420 = tpu.vector_load_idx %arg11[%add3A_2414, %broadcast_in_dim3A_6] : memref<3328x16xf32, #tpu.memory_space<vmem>>[vector<16xi32>, vector<16xi32>], vector<16xf32>,
        %mul3A_2421 = arith.mulf %gather3A_2420, %get3A_2405 : vector<16xf32>
        %add3A_2422 = arith.addf %add3A_2329, %mul3A_2421 : vector<16xf32>
        %mul3A_2423 = arith.mulf %mul3A_2421, %mul3A_2421 : vector<16xf32>
        %add3A_2424 = arith.addf %add3A_2391, %mul3A_2423 : vector<16xf32>
        %gather3A_2425 = tpu.vector_load_idx %arg11[%add3A_2414, %broadcast_in_dim3A_8] : memref<3328x16xf32, #tpu.memory_space<vmem>>[vector<16xi32>, vector<16xi32>], vector<16xf32>,
        %mul3A_2426 = arith.mulf %gather3A_2425, %get3A_2405 : vector<16xf32>
        %add3A_2427 = arith.addf %add3A_2334, %mul3A_2426 : vector<16xf32>
        %mul3A_2428 = arith.mulf %mul3A_2426, %mul3A_2426 : vector<16xf32>
        %add3A_2429 = arith.addf %add3A_2396, %mul3A_2428 : vector<16xf32>
        %gather3A_2430 = tpu.vector_load_idx %arg11[%add3A_2414, %broadcast_in_dim3A_10] : memref<3328x16xf32, #tpu.memory_space<vmem>>[vector<16xi32>, vector<16xi32>], vector<16xf32>,
        %mul3A_2431 = arith.mulf %gather3A_2430, %get3A_2405 : vector<16xf32>
        %add3A_2432 = arith.addf %add3A_2339, %mul3A_2431 : vector<16xf32>
        %mul3A_2433 = arith.mulf %mul3A_2431, %mul3A_2431 : vector<16xf32>
        %add3A_2434 = arith.addf %add3A_2401, %mul3A_2433 : vector<16xf32>
        %gather3A_2435 = tpu.vector_load_idx %arg11[%add3A_2414, %broadcast_in_dim3A_12] : memref<3328x16xf32, #tpu.memory_space<vmem>>[vector<16xi32>, vector<16xi32>], vector<16xf32>,
        %mul3A_2436 = arith.mulf %gather3A_2435, %get3A_2405 : vector<16xf32>
        %add3A_2437 = arith.addf %add3A_2344, %mul3A_2436 : vector<16xf32>
        %mul3A_2438 = arith.mulf %mul3A_2436, %mul3A_2436 : vector<16xf32>
        %add3A_2439 = arith.addf %add3A_2419, %mul3A_2438 : vector<16xf32>
        %gather3A_2440 = tpu.vector_load_idx %arg11[%add3A_2414, %broadcast_in_dim3A_14] : memref<3328x16xf32, #tpu.memory_space<vmem>>[vector<16xi32>, vector<16xi32>], vector<16xf32>,
        %mul3A_2441 = arith.mulf %gather3A_2440, %get3A_2405 : vector<16xf32>
        %add3A_2442 = arith.addf %add3A_2349, %mul3A_2441 : vector<16xf32>
        %mul3A_2443 = arith.mulf %mul3A_2441, %mul3A_2441 : vector<16xf32>
        %add3A_2444 = arith.addf %add3A_2424, %mul3A_2443 : vector<16xf32>
        %gather3A_2445 = tpu.vector_load_idx %arg11[%add3A_2414, %broadcast_in_dim3A_16] : memref<3328x16xf32, #tpu.memory_space<vmem>>[vector<16xi32>, vector<16xi32>], vector<16xf32>,
        %mul3A_2446 = arith.mulf %gather3A_2445, %get3A_2405 : vector<16xf32>
        %add3A_2447 = arith.addf %add3A_2354, %mul3A_2446 : vector<16xf32>
        %mul3A_2448 = arith.mulf %mul3A_2446, %mul3A_2446 : vector<16xf32>
        %add3A_2449 = arith.addf %add3A_2429, %mul3A_2448 : vector<16xf32>
        %gather3A_2450 = tpu.vector_load_idx %arg11[%add3A_2414, %broadcast_in_dim3A_18] : memref<3328x16xf32, #tpu.memory_space<vmem>>[vector<16xi32>, vector<16xi32>], vector<16xf32>,
        %mul3A_2451 = arith.mulf %gather3A_2450, %get3A_2405 : vector<16xf32>
        %add3A_2452 = arith.addf %add3A_2359, %mul3A_2451 : vector<16xf32>
        %mul3A_2453 = arith.mulf %mul3A_2451, %mul3A_2451 : vector<16xf32>
        %add3A_2454 = arith.addf %add3A_2434, %mul3A_2453 : vector<16xf32>
        %gather3A_2455 = tpu.vector_load_idx %arg11[%add3A_2414, %broadcast_in_dim3A_20] : memref<3328x16xf32, #tpu.memory_space<vmem>>[vector<16xi32>, vector<16xi32>], vector<16xf32>,
        %mul3A_2456 = arith.mulf %gather3A_2455, %get3A_2405 : vector<16xf32>
        %add3A_2457 = arith.addf %add3A_2364, %mul3A_2456 : vector<16xf32>
        %mul3A_2458 = arith.mulf %mul3A_2456, %mul3A_2456 : vector<16xf32>
        %add3A_2459 = arith.addf %add3A_2439, %mul3A_2458 : vector<16xf32>
        %gather3A_2460 = tpu.vector_load_idx %arg11[%add3A_2414, %broadcast_in_dim3A_22] : memref<3328x16xf32, #tpu.memory_space<vmem>>[vector<16xi32>, vector<16xi32>], vector<16xf32>,
        %mul3A_2461 = arith.mulf %gather3A_2460, %get3A_2405 : vector<16xf32>
        %add3A_2462 = arith.addf %add3A_2369, %mul3A_2461 : vector<16xf32>
        %mul3A_2463 = arith.mulf %mul3A_2461, %mul3A_2461 : vector<16xf32>
        %add3A_2464 = arith.addf %add3A_2444, %mul3A_2463 : vector<16xf32>
        %gather3A_2465 = tpu.vector_load_idx %arg11[%add3A_2414, %broadcast_in_dim3A_24] : memref<3328x16xf32, #tpu.memory_space<vmem>>[vector<16xi32>, vector<16xi32>], vector<16xf32>,
        %mul3A_2466 = arith.mulf %gather3A_2465, %get3A_2405 : vector<16xf32>
        %add3A_2467 = arith.addf %add3A_2374, %mul3A_2466 : vector<16xf32>
        %mul3A_2468 = arith.mulf %mul3A_2466, %mul3A_2466 : vector<16xf32>
        %add3A_2469 = arith.addf %add3A_2449, %mul3A_2468 : vector<16xf32>
        %gather3A_2470 = tpu.vector_load_idx %arg11[%add3A_2414, %broadcast_in_dim3A_26] : memref<3328x16xf32, #tpu.memory_space<vmem>>[vector<16xi32>, vector<16xi32>], vector<16xf32>,
        %mul3A_2471 = arith.mulf %gather3A_2470, %get3A_2405 : vector<16xf32>
        %add3A_2472 = arith.addf %add3A_2379, %mul3A_2471 : vector<16xf32>
        %mul3A_2473 = arith.mulf %mul3A_2471, %mul3A_2471 : vector<16xf32>
        %add3A_2474 = arith.addf %add3A_2454, %mul3A_2473 : vector<16xf32>
        %gather3A_2475 = tpu.vector_load_idx %arg11[%add3A_2414, %broadcast_in_dim3A_28] : memref<3328x16xf32, #tpu.memory_space<vmem>>[vector<16xi32>, vector<16xi32>], vector<16xf32>,
        %mul3A_2476 = arith.mulf %gather3A_2475, %get3A_2405 : vector<16xf32>
        %add3A_2477 = arith.addf %add3A_2384, %mul3A_2476 : vector<16xf32>
        %mul3A_2478 = arith.mulf %mul3A_2476, %mul3A_2476 : vector<16xf32>
        %add3A_2479 = arith.addf %add3A_2459, %mul3A_2478 : vector<16xf32>
        %gather3A_2480 = tpu.vector_load_idx %arg11[%add3A_2414, %broadcast_in_dim3A_30] : memref<3328x16xf32, #tpu.memory_space<vmem>>[vector<16xi32>, vector<16xi32>], vector<16xf32>,
        %mul3A_2481 = arith.mulf %gather3A_2480, %get3A_2405 : vector<16xf32>
        %add3A_2482 = arith.addf %add3A_2389, %mul3A_2481 : vector<16xf32>
        %mul3A_2483 = arith.mulf %mul3A_2481, %mul3A_2481 : vector<16xf32>
        %add3A_2484 = arith.addf %add3A_2464, %mul3A_2483 : vector<16xf32>
        %gather3A_2485 = tpu.vector_load_idx %arg11[%add3A_2414, %broadcast_in_dim3A_32] : memref<3328x16xf32, #tpu.memory_space<vmem>>[vector<16xi32>, vector<16xi32>], vector<16xf32>,
        %mul3A_2486 = arith.mulf %gather3A_2485, %get3A_2405 : vector<16xf32>
        %add3A_2487 = arith.addf %add3A_2394, %mul3A_2486 : vector<16xf32>
        %mul3A_2488 = arith.mulf %mul3A_2486, %mul3A_2486 : vector<16xf32>
        %add3A_2489 = arith.addf %add3A_2469, %mul3A_2488 : vector<16xf32>
        %gather3A_2490 = tpu.vector_load_idx %arg11[%add3A_2414, %broadcast_in_dim3A_34] : memref<3328x16xf32, #tpu.memory_space<vmem>>[vector<16xi32>, vector<16xi32>], vector<16xf32>,
        %mul3A_2491 = arith.mulf %gather3A_2490, %get3A_2405 : vector<16xf32>
        %add3A_2492 = arith.addf %add3A_2399, %mul3A_2491 : vector<16xf32>
        %mul3A_2493 = arith.mulf %mul3A_2491, %mul3A_2491 : vector<16xf32>
        %add3A_2494 = arith.addf %add3A_2474, %mul3A_2493 : vector<16xf32>
        %mul3A_2495 = arith.mulf %add3A_2417, %add3A_2417 : vector<16xf32>
        %mul3A_2496 = arith.mulf %add3A_2422, %add3A_2422 : vector<16xf32>
        %mul3A_2497 = arith.mulf %add3A_2427, %add3A_2427 : vector<16xf32>
        %mul3A_2498 = arith.mulf %add3A_2432, %add3A_2432 : vector<16xf32>
        %mul3A_2499 = arith.mulf %add3A_2437, %add3A_2437 : vector<16xf32>
        %mul3A_2500 = arith.mulf %add3A_2442, %add3A_2442 : vector<16xf32>
        %mul3A_2501 = arith.mulf %add3A_2447, %add3A_2447 : vector<16xf32>
        %mul3A_2502 = arith.mulf %add3A_2452, %add3A_2452 : vector<16xf32>
        %mul3A_2503 = arith.mulf %add3A_2457, %add3A_2457 : vector<16xf32>
        %mul3A_2504 = arith.mulf %add3A_2462, %add3A_2462 : vector<16xf32>
        %mul3A_2505 = arith.mulf %add3A_2467, %add3A_2467 : vector<16xf32>
        %mul3A_2506 = arith.mulf %add3A_2472, %add3A_2472 : vector<16xf32>
        %mul3A_2507 = arith.mulf %add3A_2477, %add3A_2477 : vector<16xf32>
        %mul3A_2508 = arith.mulf %add3A_2482, %add3A_2482 : vector<16xf32>
        %mul3A_2509 = arith.mulf %add3A_2487, %add3A_2487 : vector<16xf32>
        %mul3A_2510 = arith.mulf %add3A_2492, %add3A_2492 : vector<16xf32>
        %add3A_2511 = arith.addf %mul3A_2495, %mul3A_2496 : vector<16xf32>
        %add3A_2512 = arith.addf %mul3A_2497, %mul3A_2498 : vector<16xf32>
        %add3A_2513 = arith.addf %mul3A_2499, %mul3A_2500 : vector<16xf32>
        %add3A_2514 = arith.addf %mul3A_2501, %mul3A_2502 : vector<16xf32>
        %add3A_2515 = arith.addf %mul3A_2503, %mul3A_2504 : vector<16xf32>
        %add3A_2516 = arith.addf %mul3A_2505, %mul3A_2506 : vector<16xf32>
        %add3A_2517 = arith.addf %mul3A_2507, %mul3A_2508 : vector<16xf32>
        %add3A_2518 = arith.addf %mul3A_2509, %mul3A_2510 : vector<16xf32>
        %add3A_2519 = arith.addf %add3A_2511, %add3A_2512 : vector<16xf32>
        %add3A_2520 = arith.addf %add3A_2513, %add3A_2514 : vector<16xf32>
        %add3A_2521 = arith.addf %add3A_2515, %add3A_2516 : vector<16xf32>
        %add3A_2522 = arith.addf %add3A_2517, %add3A_2518 : vector<16xf32>
        %add3A_2523 = arith.addf %add3A_2519, %add3A_2520 : vector<16xf32>
        %add3A_2524 = arith.addf %add3A_2521, %add3A_2522 : vector<16xf32>
        %add3A_2525 = arith.addf %add3A_2523, %add3A_2524 : vector<16xf32>
        %add3A_2526 = arith.addf %add3A_2479, %add3A_2484 : vector<16xf32>
        %add3A_2527 = arith.addf %add3A_2526, %add3A_2489 : vector<16xf32>
        %add3A_2528 = arith.addf %add3A_2527, %add3A_2494 : vector<16xf32>
        %sub3A = arith.subf %add3A_2525, %add3A_2528 : vector<16xf32>
        %mul3A_2529 = arith.constant 5.000000e-01 : f32
        %mul3A_2530 = vector.broadcast %mul3A_2529 : f32 to vector<16xf32>
        %mul3A_2531 = arith.mulf %mul3A_2530, %sub3A : vector<16xf32>
        %add3A_2532 = arith.addf %mul3A_2531, %add3A_2411 : vector<16xf32>
        %add3A_2533 = arith.addf %add3A_2532, %get3A_3 : vector<16xf32>
        %neg3A = arith.constant 0.000000e+00 : f32
        %neg3A_2534 = vector.broadcast %neg3A : f32 to vector<16xf32>
        %neg3A_2535 = arith.subf %neg3A_2534, %add3A_2533 : vector<16xf32>
        %exp3A = math.exp %neg3A_2535 : vector<16xf32>
        %add3A_2536 = arith.constant 1.000000e+00 : f32
        %add3A_2537 = vector.broadcast %add3A_2536 : f32 to vector<16xf32>
        %add3A_2538 = arith.addf %add3A_2537, %exp3A : vector<16xf32>
        %div3A = arith.constant 1.000000e+00 : f32
        %div3A_2539 = vector.broadcast %div3A : f32 to vector<16xf32>
        %div3A_2540 = arith.divf %div3A_2539, %add3A_2538 : vector<16xf32>
        %swap3A = arith.index_cast %mul3A_73 : i32 to index
        %swap3A_2541 = tpu.vector_load %arg13[%swap3A] {strides = array<i32>} : memref<128xf32, #tpu.memory_space<vmem>>, vector<16xf32>,
        tpu.vector_store %arg13[%swap3A], %div3A_2540 {strides = array<i32>} : memref<128xf32, #tpu.memory_space<vmem>>, vector<16xf32>,
      }
      %scan3A_70 = arith.constant 8 : i32
      "tpu.region"() ({
        %run_scoped3A = tpu.sem_alloc : memref<!tpu.dma_semaphore, #tpu.memory_space<semaphore_mem>>
        %dma_start3A = tpu.memref_slice %arg7[%add3A_43] : memref<16384xf32, #tpu.memory_space<hbm>> -> memref<128xf32, #tpu.memory_space<hbm>>
        %dma_start3A_71 = tpu.memref_slice %arg7[%add3A_43] : memref<16384xf32, #tpu.memory_space<hbm>> -> memref<128xf32, #tpu.memory_space<hbm>>
        tpu.enqueue_dma source(%arg13 : memref<128xf32, #tpu.memory_space<vmem>>) target(%dma_start3A_71 : memref<128xf32, #tpu.memory_space<hbm>>) target_semaphore(%run_scoped3A : memref<!tpu.dma_semaphore, #tpu.memory_space<semaphore_mem>>)
        %dma_wait3A_72 = tpu.memref_slice %arg7[%add3A_43] : memref<16384xf32, #tpu.memory_space<hbm>> -> memref<128xf32, #tpu.memory_space<hbm>>
        %dma_wait3A_73 = tpu.memref_slice %arg7[%add3A_43] : memref<16384xf32, #tpu.memory_space<hbm>> -> memref<128xf32, #tpu.memory_space<hbm>>
        tpu.wait_dma2 semaphore(%run_scoped3A : memref<!tpu.dma_semaphore, #tpu.memory_space<semaphore_mem>>) src(%arg13 : memref<128xf32, #tpu.memory_space<vmem>>) dst(%dma_wait3A_73 : memref<128xf32, #tpu.memory_space<hbm>>)
        tpu.yield
      }) : () -> ()
    }
    %scan3A_39 = arith.constant 4 : i32
    return
  }
}

</mosaic_0001>

<sc_bundles>
// kernel: _fm_sc.3.cloned.1.call-start
scs
__scs_entry_jumppad:
0x0: {  	(pc) =	sbr.rel $0x88, $3  }
0x1: {  	(tag) =	ssettag $0x0;
	lr =	simm.s32 $0x1  }
0x2: {  	[smem:$0x3F9C] =	sst lr;
	_ =	strace $0xD0000000  }
0x3: {  	_ = 	snop  }
0x4: {  	_ = 	snop  }
0x5: {  	_ = 	snop  }
0x6: {  	_ = 	snop  }
0x7: {  	_ = 	snop  }
__scs_overlays_trampoline_lowered:
0x8: {  	[smem:$0x3FAB] =	sst s0  }
0x9: {  	[smem:$0x3FAC] =	sst s1  }
0xa: {  	[smem:$0x3FAD] =	sst s2  }
0xb: {  	[smem:$0x3FAE] =	sst s3  }
0xc: {  	[smem:$0x3FAF] =	sst s4  }
0xd: {  	[smem:$0x3FB0] =	sst s5  }
0xe: {  	[smem:$0x3FB1] =	sst s6  }
0xf: {  	[smem:$0x3FB2] =	sst s7  }
0x10: {  	[smem:$0x3FB3] =	sst s8  }
0x11: {  	[smem:$0x3FB4] =	sst s9;
	s0 =	simm.s32 @!p0 $0x0  }
0x12: {  	s1 =	sld [smem:$0x3F9A];
	s0 =	simm.s32 @p0 $0x1  }
0x13: {  	[smem:$0x3FB5] =	sst s0;
	s0 =	simm.s32 @!p1 $0x0  }
0x14: {  	s2 =	sld [smem:$0x3F99];
	s0 =	simm.s32 @p1 $0x1  }
0x15: {  	[smem:$0x3FB6] =	sst s0;
	s0 =	simm.s32 @!p2 $0x0  }
0x16: {  	s3 =	sld [smem:$0x3FDB];
	s0 =	simm.s32 @p2 $0x1  }
0x17: {  	s4 =	simm.s32 $0x1BF5;
	[smem:$0x3FB8] =	sst s0  }
0x18: {  	s0 =	sld [smem:$0x3F9B];
	_ =	swait.ge [sflag:s4], $0x0  }
0x19: {  	s7 =	sld [smem:$0x3F9C]  }
0x1a: {  	s8 =	sadd.s32 $0xFFFFE003, lr  }
0x1b: {  	s9 =	sadd.s32 $0xFFFFFEF7, lr;
	s5 =	simm.s32 $0xFFFFFFFF;
	p2 =	slt.u32 s8, $0xFFFFF086  }
0x1c: {  	p1 =	slt.u32 s9, $0xF7A;
	s5 =	simm.s32 @!p2 $0x0  }
0x1d: {  	s5 =	simm.s32 @p1 $0x1;
	p0 =	seq.s32 s7, s2  }
0x1e: {  	s7 =	smul.u32 @!p0 $0xF7A, s2;
	p2 =	seq.s32 @!p0 s5, $0x0  }
0x1f: {  	s9 =	smul.u32 $0xF7A, s1;
	s8 =	simm.s32 @!p0 $0x1BF5;
	p2 =	por !p2, p0  }
0x20: {  	[sflag:s8] =	ssyncset.s32 @!p0 $0xFFFFF086;
	s6 =	sadd.s32 @!p0 s3, s7;
	s7 =	simm.s32 @!p0 $0x108  }
0x21: {  	s3 =	sadd.s32 s3, s9;
	s6 =	sadd.s32 @!p0 $0x88, s6;
	s7 =	simm.s32 @p2 $0x1082  }
0x22: {  	[simem:s7], [sflag:s8] =	dma.local @!p0 [hbm:s6], $0xF7A  }
0x23: {  	s9 =	sor.u32 $0xD0000000, s2;
	s6 =	simm.s32 $0x108;
	_ =	swait.ge @!p0 [sflag:s8], $0x0  }
0x24: {  	s3 =	sadd.s32 $0x88, s3;
	s6 =	simm.s32 @!p1 $0x1082;
	[sflag:s4] =	ssyncset.s32 $0xFFFFF086  }
0x25: {  	[simem:s6], [sflag:s4] =	dma.local [hbm:s3], $0xF7A  }
0x26: {  	[smem:$0x3F9C] =	sst s1;
	(tag) =	ssettag s2;
	_ =	strace s9  }
0x27: {  	s1 =	sld [smem:$0x3FAC]  }
0x28: {  	s2 =	sld [smem:$0x3FAD]  }
0x29: {  	s4 =	sld [smem:$0x3FAF]  }
0x2a: {  	p0 =	seq.s32 s5, $0x0;
	s5 =	sld [smem:$0x3FB0]  }
0x2b: {  	s6 =	sld [smem:$0x3FB1]  }
0x2c: {  	s7 =	sld [smem:$0x3FB2]  }
0x2d: {  	s3 =	simm.s32 $0x108;
	s8 =	sld [smem:$0x3FB3]  }
0x2e: {  	s3 =	simm.s32 @!p0 $0x1082;
	s9 =	sld [smem:$0x3FB4]  }
0x2f: {  	lr =	sadd.s32 s0, s3;
	s0 =	sld [smem:$0x3FAB]  }
0x30: {  	s3 =	sld [smem:$0x3FAE]  }
0x31: {  	[smem:$0x3FB7] =	sst s10  }
0x32: {  	s10 =	sld [smem:$0x3FB5];
	_ =	sdelay $0x3  }
0x33: {  	p0 =	seq.s32 s10, $0x1;
	s10 =	sld [smem:$0x3FB7];
	_ =	sdelay $0x3  }
0x34: {  	[smem:$0x3FB7] =	sst s10  }
0x35: {  	s10 =	sld [smem:$0x3FB6];
	_ =	sdelay $0x3  }
0x36: {  	p1 =	seq.s32 s10, $0x1;
	s10 =	sld [smem:$0x3FB7];
	_ =	sdelay $0x3  }
0x37: {  	[smem:$0x3FB7] =	sst s10  }
0x38: {  	s10 =	sld [smem:$0x3FB8]  }
0x39: {  	_ = 	snop;
	(pc) =	sbr.ind lr, $3  }
0x3a: {  	_ = 	snop  }
0x3b: {  	_ = 	snop  }
0x3c: {  	p2 =	seq.s32 s10, $0x1;
	s10 =	sld [smem:$0x3FB7]  }
0x3d: {  	_ =	shalt  }
0x3e: {  	_ =	shalt  }
0x3f: {  	_ =	shalt  }
0x40: {  	_ =	shalt  }
0x41: {  	_ =	shalt  }
0x42: {  	_ =	shalt  }
0x43: {  	_ =	shalt  }
0x44: {  	_ =	shalt  }
0x45: {  	_ =	shalt  }
0x46: {  	_ =	shalt  }
0x47: {  	_ =	shalt  }
0x48: {  	_ =	shalt  }
0x49: {  	_ =	shalt  }
0x4a: {  	_ =	shalt  }
0x4b: {  	_ =	shalt  }
0x4c: {  	_ =	shalt  }
0x4d: {  	_ =	shalt  }
0x4e: {  	_ =	shalt  }
0x4f: {  	_ =	shalt  }
0x50: {  	_ =	shalt  }
0x51: {  	_ =	shalt  }
0x52: {  	_ =	shalt  }
0x53: {  	_ =	shalt  }
0x54: {  	_ =	shalt  }
0x55: {  	_ =	shalt  }
0x56: {  	_ =	shalt  }
0x57: {  	_ =	shalt  }
0x58: {  	_ =	shalt  }
0x59: {  	_ =	shalt  }
0x5a: {  	_ =	shalt  }
0x5b: {  	_ =	shalt  }
0x5c: {  	_ =	shalt  }
0x5d: {  	_ =	shalt  }
0x5e: {  	_ =	shalt  }
0x5f: {  	_ =	shalt  }
0x60: {  	_ =	shalt  }
0x61: {  	_ =	shalt  }
0x62: {  	_ =	shalt  }
0x63: {  	_ =	shalt  }
0x64: {  	_ =	shalt  }
0x65: {  	_ =	shalt  }
0x66: {  	_ =	shalt  }
0x67: {  	_ =	shalt  }
0x68: {  	_ =	shalt  }
0x69: {  	_ =	shalt  }
0x6a: {  	_ =	shalt  }
0x6b: {  	_ =	shalt  }
0x6c: {  	_ =	shalt  }
0x6d: {  	_ =	shalt  }
0x6e: {  	_ =	shalt  }
0x6f: {  	_ =	shalt  }
0x70: {  	_ =	shalt  }
0x71: {  	_ =	shalt  }
0x72: {  	_ =	shalt  }
0x73: {  	_ =	shalt  }
0x74: {  	_ =	shalt  }
0x75: {  	_ =	shalt  }
0x76: {  	_ =	shalt  }
0x77: {  	_ =	shalt  }
0x78: {  	_ =	shalt  }
0x79: {  	_ =	shalt  }
0x7a: {  	_ =	shalt  }
0x7b: {  	_ =	shalt  }
0x7c: {  	_ =	shalt  }
0x7d: {  	_ =	shalt  }
0x7e: {  	_ =	shalt  }
0x7f: {  	_ =	shalt  }
0x80: {  	_ =	shalt  }
0x81: {  	_ =	shalt  }
0x82: {  	_ =	shalt  }
0x83: {  	_ =	shalt  }
0x84: {  	_ =	shalt  }
0x85: {  	_ =	shalt  }
0x86: {  	_ =	shalt  }
0x87: {  	_ =	shalt  }
.Lfunc_end0:
.L_simem_size_0:
called_computation_lowered:
.L_overlay_start_0:
0x88: {  	s2 =	sld [smem:$0x3FD9]  }
0x89: {  	s3 =	sld [smem:$0x3FFE];
	_ =	sdelay $0x1  }
0x8a: {  	s1 =	srdreg.scid  }
0x8b: {  	s0 =	sand.u32 $0x1, s1  }
0x8c: {  	s17 =	sshll.u32 s0, $0xA;
	s2 =	sadd.s32 s3, s2  }
0x8d: {  	s2 =	sadd.s32 s2, s17  }
0x8e: {  	[smem:$0x3FC3] =	sst s2  }
0x8f: {  	_ = 	snop  }
0x90: {  	s2 =	sld [smem:$0x3FC7]  }
0x91: {  	s18 =	sld [smem:$0x3FC6]  }
0x92: {  	s4 =	sld [smem:$0x3FD0];
	(tm) =	ssettm $0x1  }
0x93: {  	s5 =	sld [smem:$0x3FFB];
	_ =	sdelay $0x3  }
0x94: {  	_ =	strace s5  }
0x95: {  	s5 =	sld [smem:$0x3FFC];
	_ =	sdelay $0x3  }
0x96: {  	_ =	strace s5  }
0x97: {  	s5 =	sld [smem:$0x3FFD];
	_ =	sdelay $0x3  }
0x98: {  	_ =	strace s5  }
0x99: {  	_ =	strace $0x8FFFFFFF  }
0x9a: {  	s19 =	sld [smem:$0x3FDB];
	_ =	sdelay $0x1  }
0x9b: {  	s6 =	simm.s32 $_scs_section_size  }
0x9c: {  	s7 =	simm.s32 $_size__tile_overlayer_lowered;
	s8 =	simm.s32 $_tile_overlayer_lowered  }
0x9d: {  	s22 =	simm.s32 $0x1BFF;
	s21 =	sshll.u32 s8, $0x1;
	s5 =	sadd.s32 s6, s19  }
0x9e: {  	s9 =	simm.s32 $0x0;
	s20 =	sshll.u32 s7, $0x1;
	s7 =	sadd.s32 s21, s5  }
0x9f: {  	[timem:s9], [sflag:s22] =	dma.local [hbm:s7], s20  }
0xa0: {  	_ =	swait.ge [sflag:s22], s20  }
0xa1: {  	s6 =	ssub.s32 $0x0, s20;
	[sflag:s22] =	ssyncset.done $0x0  }
0xa2: {  	[sflag:s22] =	ssyncadd.s32 s6;
	_ =	sdelay $0x1  }
0xa3: {  	s23 =	simm.s32 $0x1B8B  }
0xa4: {  	_ =	swait.ge [sflag:s23], $0x1  }
0xa5: {  	[sflag:s23] =	ssyncset.done $0x0  }
0xa6: {  	s25 =	simm.s32 $0x1B8E;
	s24 =	sld [smem:$0x3FFE];
	[sflag:s23] =	ssyncadd.s32 $0xFFFFFFFF  }
0xa7: {  	s26 =	simm.s32 $execute0_lowered;
	[smem:$0x3FD2] =	sst s25  }
0xa8: {  	s7 =	sshll.u32 s26, $0x1;
	_ =	strace $0x80000046;
	[dreg:$0x1] =	wrdreg $0xFFFFFFFF  }
0xa9: {  	s28 =	simm.s32 $_size_execute0_lowered;
	s5 =	sadd.s32 s5, s7;
	[dreg:$0x0] =	wrdreg $0x0  }
0xaa: {  	s7 =	sshll.u32 s28, $0x1;
	[dreg:$0x2] =	wrdreg s5  }
0xab: {  	[dreg:$0x3] =	wrdreg s7  }
0xac: {  	[dreg:$0x4] =	wrdreg $0xC0  }
0xad: {  	_ =	task [dreg:s9], $0x5FFFF  }
0xae: {  	[dreg:$0x1] =	wrdreg $0xFFFFFFFF  }
0xaf: {  	[dreg:$0x0] =	wrdreg $0x60  }
0xb0: {  	[dreg:$0x2] =	wrdreg s24  }
0xb1: {  	[dreg:$0x3] =	wrdreg s2  }
0xb2: {  	[dreg:$0x4] =	wrdreg s18  }
0xb3: {  	[dreg:$0x5] =	wrdreg s4  }
0xb4: {  	[dreg:$0x6] =	wrdreg $0x9  }
0xb5: {  	_ =	task.clear_ibuf [dreg:s9], $0x7FFFF;
	_ =	strace $0x90000046  }
0xb6: {  	s29 =	simm.s32 $0x9;
	_ =	strace $0x80000048  }
0xb7: {  	_ =	swait.ge [sflag:s29], $0x1  }
0xb8: {  	[sflag:s29] =	ssyncadd.s32 $0xFFFFFFFF  }
0xb9: {  	_ =	strace $0x90000048  }
0xba: {  	_ =	sfence  }
0xbb: {  	s30 =	sld [smem:$0x0];
	_ =	sdelay $0x2  }
0xbc: {  	s31 =	sshll.u32 s1, $0xD;
	s1 =	sshrl.u32 s1, $0x2  }
0xbd: {  	s3 =	sand.u32 $0x4000, s31;
	s1 =	sadd.s32 s1, s30  }
0xbe: {  	s0 =	sor.u32 s3, s0;
	s1 =	sshll.u32 s1, $0x11  }
0xbf: {  	s0 =	sor.u32 s1, s0  }
0xc0: {  	s0 =	sadd.s32 $0x8F2B, s0  }
0xc1: {  	[sflag:s0] =	ssyncadd.remote.s32 $0x1  }
0xc2: {  	_ =	sfence.sel $0xFFFF  }
0xc3: {  	[dreg:$0x0] =	wrdreg $0xFFFFFFFF;
	(pc) =	sbr.abs _section_cstart, $3  }
0xc4: {  	[dreg:$0x1] =	wrdreg $0xFFFFFFFF  }
0xc5: {  	_ =	task.clear_ibuf [dreg:s9], $0x2FFFF;
	_ =	strace $0x9FFFFFFF  }
0xc6: {  	(tm) =	ssettm $0x7FFFFFFF  }
0xc7: {  	_ =	shalt  }
tec
execute0_lowered:
.L_overlay_start_1:
0x0: {  	(tag) =	ssettag $0x1  }
0x1: {  	s7 =	rddreg [dreg:$0x0]  }
0x2: {  	s1 =	rddreg [dreg:$0x1];
	v0 =	vlaneseq.u32  }
0x3: {  	s2 =	rddreg [dreg:$0x2];
	v0 =	vmul.u32 $0x10, v0  }
0x4: {  	s3 =	rddreg [dreg:$0x3]  }
0x5: {  	s0 =	rddreg [dreg:$0x4];
	s4 =	simm.s32 $0x0;
	s5 =	srdreg.scid;
	v1 =	vor.u32 $0xC800, v0  }
0x6: {  	s12 =	simm.s32 $0x3;
	s13 =	simm.s32 $0x80;
	s14 =	simm.s32 $0x4000;
	v2 =	vor.u32 $0xC000, v0;
	v3 =	vor.u32 $0xB800, v0;
	v4 =	vor.u32 $0xB000, v0  }
0x7: {  	s15 =	simm.s32 $0x1A00;
	s16 =	simm.s32 $0x1;
	s17 =	simm.s32 $0x2;
	v5 =	vor.u32 $0xA800, v0;
	v6 =	vor.u32 $0xA000, v0;
	v7 =	vor.u32 $0x9800, v0  }
0x8: {  	s18 =	simm.s32 $0x2700;
	s19 =	simm.s32 $0x10400;
	s20 =	simm.s32 $0x0;
	v8 =	vor.u32 $0x9000, v0;
	v9 =	vor.u32 $0x8800, v0;
	v10 =	vor.u32 $0x8000, v0  }
0x9: {  	[smem:$0x7FF] =	sst s4;
	s9 =	sand.u32 $0x1, s5;
	s5 =	sadd.s32 $0xD800, s7;
	v11 =	vor.u32 $0x7800, v0;
	v12 =	vor.u32 $0x7000, v0;
	v13 =	vor.u32 $0x6800, v0  }
0xa: {  	s6 =	sadd.s32 $0x800, s7;
	s8 =	sadd.s32 $0xF60800, s7;
	s10 =	ssub.s32 $0x2, s9;
	v14 =	vor.u32 $0x6000, v0;
	v15 =	vor.u32 $0x5800, v0;
	v16 =	vor.u32 $0x5000, v0  }
0xb: {  	s7 =	stileid.u32;
	_ =	strace $0x80000047;
	s11 =	sshrl.u32 s10, $0x1;
	v17 =	vor.u32 $0x4800, v0;
	v18 =	vor.u32 $0x4000, v0;
	v19 =	vor.u32 $0x3800, v0  }
0xc: {  	s31 =	sshll.u32 s7, $0x7;
	s9 =	sshll.u32 s9, $0x6;
	v20 =	vor.u32 $0x3000, v0;
	v21 =	vor.u32 $0x2800, v0;
	v22 =	vor.u32 $0x2000, v0;
	s10 =	ssub.s32 s10, s11  }
0xd: {  	s9 =	sor.u32 s9, s31;
	v23 =	vor.u32 $0x1800, v0;
	v24 =	vor.u32 $0x1000, v0;
	v25 =	vor.u32 $0x800, v0;
	s11 =	simm.s32 $0x10480;
	s10 =	smax.u32 s10, $0x1  }
.LBB2_1:
0xe: {  	[tilespmem:s11], [sflag:$0x3] =	stream.linear.gather [hbm4b:s2+s4], $0x10, $0x38;
	[tilespmem:$0x10490] =	vst v63  }
0xf: {  	_ =	swait.ge [sflag:s12], $0x10  }
0x10: {  	[sflag:s12] =	ssyncset.done $0x0  }
0x11: {  	[sflag:s12] =	ssyncadd.s32 $0xFFFFFFF0  }
0x12: {  	s21 =	simm.s32 $0x0;
	v26 =	vld [tilespmem:$0x10480]  }
.LBB2_2:
0x13: {  	s22 =	sshll.u32 s21, $0x4  }
0x14: {  	s22 =	sadd.s32 s9, s22  }
0x15: {  	s24 =	simm.s32 $0x0;
	s23 =	sadd.s32 s5, s22  }
0x16: {  	[tilespmem:s24], [sflag:$0x3] =	stream.strided.gather [hbm4b:s23+s13], $0xD00, s14, s13, $0x38;
	[tilespmem:$0x10490] =	vst v63  }
0x17: {  	_ =	swait.ge [sflag:s12], $0xD00  }
0x18: {  	[sflag:s12] =	ssyncset.done $0x0  }
0x19: {  	s31 =	sadd.s32 s6, s22;
	[sflag:s12] =	ssyncadd.s32 $0xFFFFF300  }
0x1a: {  	[tilespmem:s15], [sflag:$0x3] =	stream.strided.gather [hbm4b:s31+s13], $0xD00, s14, s13, $0x38;
	[tilespmem:$0x10490] =	vst v63  }
0x1b: {  	_ =	swait.ge [sflag:s12], $0xD00  }
0x1c: {  	[sflag:s12] =	ssyncset.done $0x0  }
0x1d: {  	s23 =	simm.s32 $0x0;
	[sflag:s12] =	ssyncadd.s32 $0xFFFFF300  }
0x1e: {  	v27 =	vld [tilespmem:s23+$0x70]  }
0x1f: {  	v28 =	vld [tilespmem:s23+$0x0]  }
0x20: {  	v29 =	vld [tilespmem:s23+$0x10]  }
0x21: {  	v30 =	vld [tilespmem:s23+$0x20]  }
0x22: {  	v32 =	vld [tilespmem:s23+$0x30]  }
0x23: {  	v33 =	vld [tilespmem:s23+$0x40]  }
0x24: {  	v34 =	vld [tilespmem:s23+$0x50]  }
0x25: {  	v37 =	vld [tilespmem:s23+$0x60];
	v31 =	vshll.u32 v27, $0x3  }
0x26: {  	v35 =	vand.u32 $0xFFFFE000, v27;
	v27 =	vshrl.u32 v27, $0xA;
	v36 =	vshll.u32 v28, $0x3  }
0x27: {  	v62 =	vshll.u32 v29, $0x3;
	v38 =	vshll.u32 v30, $0x3;
	v63 =	vand.u32 $0xFFFFE000, v28  }
0x28: {  	v39 =	vand.u32 $0xFFFFE000, v29;
	v29 =	vshrl.u32 v29, $0xA;
	v46 =	vand.u32 $0xFFFFE000, v30  }
0x29: {  	v30 =	vshrl.u32 v30, $0xA;
	v47 =	vand.u32 $0xFFFFE000, v32;
	v48 =	vand.u32 $0xFFFFE000, v33  }
0x2a: {  	v41 =	vand.u32 $0xFFFFE000, v34;
	v42 =	vand.u32 $0xFFFFE000, v37;
	v31 =	vand.u32 $0x1FF8, v31  }
0x2b: {  	v27 =	vand.u32 $0x7, v27;
	v36 =	vand.u32 $0x1FF8, v36;
	v43 =	vand.u32 $0x1FF8, v38  }
0x2c: {  	v31 =	vor.u32 v35, v31;
	v35 =	vand.u32 $0x1FF8, v62;
	v38 =	vor.u32 v63, v36  }
0x2d: {  	v40 =	vor.u32 v27, v31;
	v27 =	vshll.u32 v32, $0x3;
	v31 =	vshll.u32 v34, $0x3  }
0x2e: {  	v32 =	vshrl.u32 v32, $0xA;
	v34 =	vshrl.u32 v34, $0xA;
	v35 =	vor.u32 v39, v35  }
0x2f: {  	v39 =	vshrl.u32 v37, $0xA;
	v44 =	vand.u32 $0x1FF8, v27;
	v27 =	vshll.u32 v33, $0x3  }
0x30: {  	v33 =	vshrl.u32 v33, $0xA;
	[tilespmem:s23+$0xD70] =	vst v40;
	v40 =	vor.u32 v46, v43;
	v45 =	vand.u32 $0x1FF8, v27  }
0x31: {  	s25 =	simm.s32 $0x80;
	v27 =	vshrl.u32 v28, $0xA;
	v28 =	vand.u32 $0x1FF8, v31;
	v31 =	vshll.u32 v37, $0x3  }
0x32: {  	s28 =	simm.s32 $0x400;
	s26 =	simm.s32 $0x0;
	s24 =	simm.s32 $0x200;
	v36 =	vor.u32 v47, v44;
	v31 =	vand.u32 $0x1FF8, v31;
	v37 =	vor.u32 v48, v45  }
.LBB2_3:
0x33: {  	p0 =	sne.s32 s28, $0x3200;
	v43 =	vld [tilespmem:s25+$0x70];
	v27 =	vand.u32 $0x7, v27;
	v28 =	vor.u32 v41, v28;
	v31 =	vor.u32 v42, v31  }
0x34: {  	v29 =	vand.u32 $0x7, v29;
	v30 =	vand.u32 $0x7, v30;
	v32 =	vand.u32 $0x7, v32;
	v41 =	vld [tilespmem:s25+$0x0]  }
0x35: {  	v33 =	vand.u32 $0x7, v33;
	v34 =	vand.u32 $0x7, v34;
	v39 =	vand.u32 $0x7, v39;
	v42 =	vld [tilespmem:s25+$0x10]  }
0x36: {  	v27 =	vor.u32 v27, v38;
	v29 =	vor.u32 v29, v35;
	v30 =	vor.u32 v30, v40;
	v44 =	vld [tilespmem:s25+$0x20]  }
0x37: {  	v28 =	vor.u32 v34, v28;
	v35 =	vld [tilespmem:s25+$0x30];
	[tilespmem:s26+$0xD00] =	vst v27;
	v27 =	vor.u32 v32, v36;
	v32 =	vor.u32 v33, v37  }
0x38: {  	v33 =	vld [tilespmem:s25+$0x40];
	v34 =	vshll.u32 v43, $0x3;
	[tilespmem:s26+$0xD10] =	vst v29;
	v29 =	vor.u32 v39, v31  }
0x39: {  	v31 =	vand.u32 $0xFFFFE000, v43;
	v37 =	vshrl.u32 v43, $0xA;
	v36 =	vld [tilespmem:s25+$0x50];
	v34 =	vand.u32 $0x1FF8, v34;
	[tilespmem:s26+$0xD20] =	vst v30  }
0x3a: {  	v30 =	vshll.u32 v41, $0x3;
	v39 =	vld [tilespmem:s25+$0x60];
	v31 =	vor.u32 v31, v34;
	v34 =	vand.u32 $0x7, v37;
	[tilespmem:s26+$0xD30] =	vst v27  }
0x3b: {  	v27 =	vshll.u32 v42, $0x3;
	v37 =	vshll.u32 v44, $0x3;
	v31 =	vor.u32 v34, v31;
	[tilespmem:s26+$0xD40] =	vst v32  }
0x3c: {  	v38 =	vand.u32 $0x1FF8, v30;
	v40 =	vand.u32 $0x1FF8, v27;
	v27 =	vshll.u32 v35, $0x3;
	[tilespmem:s25+$0xD70] =	vst v31  }
0x3d: {  	v37 =	vand.u32 $0x1FF8, v37;
	v43 =	vand.u32 $0x1FF8, v27;
	v27 =	vshll.u32 v33, $0x3;
	[tilespmem:s26+$0xD50] =	vst v28  }
0x3e: {  	v45 =	vand.u32 $0xFFFFE000, v41;
	v46 =	vand.u32 $0x1FF8, v27;
	v28 =	vshll.u32 v36, $0x3;
	[tilespmem:s26+$0xD60] =	vst v29;
	s26 =	smov.u32 s25  }
0x3f: {  	v27 =	vshrl.u32 v41, $0xA;
	v28 =	vand.u32 $0x1FF8, v28;
	v30 =	vshll.u32 v39, $0x3  }
0x40: {  	v47 =	vand.u32 $0xFFFFE000, v42;
	v29 =	vshrl.u32 v42, $0xA;
	v31 =	vand.u32 $0x1FF8, v30  }
.Ltmp0:
0x41: {  	v48 =	vand.u32 $0xFFFFE000, v44;
	v30 =	vshrl.u32 v44, $0xA;
	v44 =	vand.u32 $0xFFFFE000, v35;
	(pc) =	sbr.rel @p0 .LBB2_3-.Ltmp0, $4  }
0x42: {  	v32 =	vshrl.u32 v35, $0xA;
	v49 =	vand.u32 $0xFFFFE000, v33;
	v33 =	vshrl.u32 v33, $0xA  }
0x43: {  	v41 =	vand.u32 $0xFFFFE000, v36;
	v34 =	vshrl.u32 v36, $0xA;
	v42 =	vand.u32 $0xFFFFE000, v39  }
0x44: {  	v38 =	vor.u32 v45, v38;
	v39 =	vshrl.u32 v39, $0xA;
	v35 =	vor.u32 v47, v40  }
0x45: {  	s25 =	sshra.s32 s28, $0x2;
	s28 =	sadd.s32 $0x200, s28;
	v40 =	vor.u32 v48, v37;
	v37 =	vor.u32 v49, v46;
	v36 =	vor.u32 v44, v43  }
0x46: {  	v43 =	vld [tilespmem:s25+$0x70]  }
0x47: {  	v44 =	vld [tilespmem:s25+$0x0];
	v27 =	vand.u32 $0x7, v27;
	v28 =	vor.u32 v41, v28  }
0x48: {  	v45 =	vld [tilespmem:s25+$0x10];
	v31 =	vor.u32 v42, v31;
	v29 =	vand.u32 $0x7, v29;
	v30 =	vand.u32 $0x7, v30  }
0x49: {  	v49 =	vld [tilespmem:s25+$0x20];
	v32 =	vand.u32 $0x7, v32;
	v33 =	vand.u32 $0x7, v33;
	v50 =	vand.u32 $0x7, v39  }
0x4a: {  	v27 =	vor.u32 v27, v38;
	v29 =	vor.u32 v29, v35;
	v30 =	vor.u32 v30, v40  }
0x4b: {  	v38 =	vld [tilespmem:s25+$0x30];
	v32 =	vor.u32 v32, v36;
	v33 =	vor.u32 v33, v37;
	[tilespmem:s26+$0xD00] =	vst v27;
	v27 =	vand.u32 $0x7, v34  }
0x4c: {  	v35 =	vld [tilespmem:s25+$0x40];
	[tilespmem:s26+$0xD10] =	vst v29;
	v27 =	vor.u32 v27, v28;
	v29 =	vor.u32 v50, v31;
	v51 =	vshll.u32 v43, $0x3  }
0x4d: {  	v52 =	vand.u32 $0xFFFFE000, v43;
	v53 =	vshrl.u32 v43, $0xA;
	v54 =	vshll.u32 v44, $0x3  }
0x4e: {  	v56 =	vshll.u32 v45, $0x3;
	v57 =	vshll.u32 v49, $0x3;
	v61 =	vand.u32 $0xFFFFE000, v44  }
0x4f: {  	v44 =	vshrl.u32 v44, $0xA;
	v47 =	vand.u32 $0xFFFFE000, v45;
	v45 =	vshrl.u32 v45, $0xA  }
0x50: {  	v63 =	vand.u32 $0xFFFFE000, v49;
	v41 =	vshrl.u32 v49, $0xA;
	v28 =	vand.u32 $0x1FF8, v51  }
0x51: {  	v31 =	vld [tilespmem:s25+$0x50];
	[tilespmem:s26+$0xD20] =	vst v30;
	v55 =	vand.u32 $0x7, v53;
	v30 =	vand.u32 $0x1FF8, v54;
	v58 =	vand.u32 $0x1FF8, v56  }
0x52: {  	v59 =	vshll.u32 v38, $0x3;
	v39 =	vand.u32 $0x1FF8, v57;
	v48 =	vand.u32 $0xFFFFE000, v38  }
0x53: {  	v51 =	vshrl.u32 v38, $0xA;
	v57 =	vand.u32 $0x7, v45;
	v28 =	vor.u32 v52, v28  }
0x54: {  	v37 =	vld [tilespmem:s25+$0x60];
	[tilespmem:s26+$0xD30] =	vst v32;
	v36 =	vand.u32 $0x1FF8, v59;
	v53 =	vor.u32 v61, v30;
	v34 =	vor.u32 v47, v58  }
0x55: {  	[tilespmem:s26+$0xD40] =	vst v33;
	v32 =	vor.u32 v63, v39;
	v58 =	vand.u32 $0x7, v41;
	v33 =	vand.u32 $0x7, v51  }
0x56: {  	v28 =	vor.u32 v55, v28;
	v60 =	vshll.u32 v35, $0x3;
	v52 =	vand.u32 $0xFFFFE000, v35  }
0x57: {  	v35 =	vshrl.u32 v35, $0xA;
	v55 =	vand.u32 $0x7, v44;
	v34 =	vor.u32 v57, v34;
	[tilespmem:s25+$0xD70] =	vst v28  }
0x58: {  	v59 =	vor.u32 v48, v36;
	v32 =	vor.u32 v58, v32;
	v40 =	vand.u32 $0x1FF8, v60;
	[tilespmem:s26+$0xD50] =	vst v27  }
0x59: {  	v62 =	vshll.u32 v31, $0x3;
	v54 =	vand.u32 $0xFFFFE000, v31;
	v28 =	vor.u32 v55, v53;
	[tilespmem:s26+$0xD60] =	vst v29  }
0x5a: {  	v31 =	vshrl.u32 v31, $0xA;
	v35 =	vand.u32 $0x7, v35;
	v43 =	vand.u32 $0x1FF8, v62;
	[tilespmem:s25+$0xD00] =	vst v28  }
0x5b: {  	v46 =	vshll.u32 v37, $0x3;
	v27 =	vand.u32 $0xFFFFE000, v37;
	v56 =	vshrl.u32 v37, $0xA;
	[tilespmem:s25+$0xD10] =	vst v34  }
0x5c: {  	v60 =	vor.u32 v52, v40;
	v31 =	vand.u32 $0x7, v31;
	v28 =	vor.u32 v33, v59;
	[tilespmem:s25+$0xD20] =	vst v32  }
0x5d: {  	v46 =	vand.u32 $0x1FF8, v46;
	v30 =	vor.u32 v54, v43;
	v61 =	vor.u32 v35, v60;
	[tilespmem:s25+$0xD30] =	vst v28  }
0x5e: {  	v62 =	vand.u32 $0x7, v56;
	v27 =	vor.u32 v27, v46;
	v63 =	vor.u32 v31, v30;
	[tilespmem:s25+$0xD40] =	vst v61  }
0x5f: {  	v27 =	vor.u32 v62, v27;
	[tilespmem:s25+$0xD50] =	vst v63  }
0x60: {  	s30 =	simm.s32 $0xF700;
	[tilespmem:s25+$0xD60] =	vst v27  }
0x61: {  	[tilespmem:s30], [sflag:$0x2] =	stream.indirect.gather [hbm4b:s1+s13], $0x1, s23, s13, $0xb8;
	[tilespmem:$0x10490] =	vst v63  }
0x62: {  	s31 =	simm.s32 $0xD00;
	s23 =	simm.s32 $0x2700  }
0x63: {  	[tilespmem:s23], [sflag:$0x1] =	stream.indirect.gather [hbm4b:s8+s13], $0x10, s31, s13, $0xb8;
	[tilespmem:$0x10490] =	vst v63  }
.LBB2_5:
0x64: {  	p0 =	sne.s32 s24, $0x3200  }
.Ltmp1:
0x65: {  	s25 =	sshra.s32 s24, $0x2;
	s24 =	sadd.s32 $0x200, s24;
	(pc) =	sbr.rel @p0 .LBB2_5-.Ltmp1, $4  }
0x66: {  	s26 =	sadd.s32 $0xF700, s25  }
0x67: {  	[tilespmem:s26], [sflag:$0x2] =	stream.indirect.gather [hbm4b:s1+s13], $0x1, s25, s13, $0xb8;
	[tilespmem:$0x10490] =	vst v63  }
0x68: {  	s23 =	sadd.s32 $0x800, s23;
	s25 =	sadd.s32 $0xD00, s25  }
0x69: {  	[tilespmem:s23], [sflag:$0x1] =	stream.indirect.gather [hbm4b:s8+s13], $0x10, s25, s13, $0xb8;
	[tilespmem:$0x10490] =	vst v63  }
0x6a: {  	_ =	swait.ge [sflag:s16], $0xD000  }
0x6b: {  	[sflag:s16] =	ssyncset.done $0x0  }
0x6c: {  	[sflag:s16] =	ssyncadd.s32 $0xFFFF3000  }
0x6d: {  	_ =	swait.ge [sflag:s17], $0xD00  }
0x6e: {  	s23 =	simm.s32 $0x0;
	s24 =	simm.s32 $0x10400;
	[sflag:s17] =	ssyncset.done $0x0  }
0x6f: {  	s25 =	simm.s32 $0xFD80;
	s26 =	simm.s32 $0x2080;
	[sflag:s17] =	ssyncadd.s32 $0xFFFFF300  }
.LBB2_7:
0x70: {  	v27 =	vmov s23  }
0x71: {  	v27 =	vshll.u32 v27, $0x4  }
0x72: {  	v28 =	vor.u32 v0, v27  }
0x73: {  	v29 =	vor.u32 $0x1, v28  }
0x74: {  	v30 =	vor.u32 $0x2, v28  }
0x75: {  	v31 =	vld [tilespmem:s26+$0xFFFFF980];
	v32 =	vor.u32 $0x3, v28  }
0x76: {  	v33 =	vld [tilespmem:s25+$0xFFFFF980];
	v34 =	vor.u32 $0x4, v28  }
0x77: {  	v36 =	vor.u32 $0x5, v28;
	v35 =	vld.idx.msk [tilespmem:v28+s18+$0x0], $0xffff  }
0x78: {  	v37 =	vor.u32 $0x6, v28;
	v29 =	vld.idx.msk [tilespmem:v29+s18+$0x0], $0xffff  }
0x79: {  	v38 =	vor.u32 $0x7, v28;
	v30 =	vld.idx.msk [tilespmem:v30+s18+$0x0], $0xffff  }
0x7a: {  	v39 =	vor.u32 $0x8, v28;
	v32 =	vld.idx.msk [tilespmem:v32+s18+$0x0], $0xffff  }
0x7b: {  	v40 =	vor.u32 $0x9, v28;
	v34 =	vld.idx.msk [tilespmem:v34+s18+$0x0], $0xffff  }
0x7c: {  	v44 =	vor.u32 $0xA, v28;
	v36 =	vld.idx.msk [tilespmem:v36+s18+$0x0], $0xffff  }
0x7d: {  	v46 =	vor.u32 $0xB, v28;
	v37 =	vld.idx.msk [tilespmem:v37+s18+$0x0], $0xffff  }
0x7e: {  	v49 =	vor.u32 $0xC, v28;
	v38 =	vld.idx.msk [tilespmem:v38+s18+$0x0], $0xffff  }
0x7f: {  	v50 =	vor.u32 $0xE, v28;
	v39 =	vld.idx.msk [tilespmem:v39+s18+$0x0], $0xffff  }
0x80: {  	v40 =	vld.idx.msk [tilespmem:v40+s18+$0x0], $0xffff  }
0x81: {  	v44 =	vld.idx.msk [tilespmem:v44+s18+$0x0], $0xffff  }
0x82: {  	v33 =	vmul.f32 v33, v31;
	v46 =	vld.idx.msk [tilespmem:v46+s18+$0x0], $0xffff  }
0x83: {  	v49 =	vld.idx.msk [tilespmem:v49+s18+$0x0], $0xffff;
	v35 =	vmul.f32 v35, v31;
	v29 =	vmul.f32 v29, v31  }
0x84: {  	v55 =	vor.u32 $0xD, v28;
	v59 =	vld.idx.msk [tilespmem:v50+s18+$0x0], $0xffff;
	v30 =	vmul.f32 v30, v31;
	v34 =	vmul.f32 v34, v31  }
0x85: {  	v33 =	vadd.f32 $0.0e+00, v33;
	v32 =	vmul.f32 v32, v31;
	v36 =	vmul.f32 v36, v31  }
0x86: {  	v28 =	vor.u32 $0xF, v28;
	v37 =	vmul.f32 v37, v31;
	v38 =	vmul.f32 v38, v31  }
0x87: {  	v50 =	vor.u32 v25, v27;
	v39 =	vmul.f32 v39, v31;
	v40 =	vmul.f32 v40, v31  }
0x88: {  	v52 =	vor.u32 $0x1, v50;
	v44 =	vmul.f32 v44, v31;
	v58 =	vmul.f32 v46, v31  }
0x89: {  	v49 =	vmul.f32 v49, v31;
	v46 =	vmul.f32 v59, v31;
	v41 =	vadd.f32 $0.0e+00, v35  }
0x8a: {  	v35 =	vmul.f32 v35, v35;
	v42 =	vadd.f32 $0.0e+00, v29;
	v29 =	vmul.f32 v29, v29  }
0x8b: {  	v43 =	vadd.f32 $0.0e+00, v30;
	v30 =	vmul.f32 v30, v30;
	v45 =	vmul.f32 v34, v34  }
0x8c: {  	v47 =	vadd.f32 $0.0e+00, v32;
	v48 =	vmul.f32 v36, v36;
	v34 =	vadd.f32 $0.0e+00, v34  }
0x8d: {  	v32 =	vmul.f32 v32, v32;
	v36 =	vadd.f32 $0.0e+00, v36;
	v54 =	vmul.f32 v37, v37  }
0x8e: {  	v37 =	vadd.f32 $0.0e+00, v37;
	v56 =	vmul.f32 v38, v38;
	v38 =	vadd.f32 $0.0e+00, v38  }
0x8f: {  	v51 =	vmul.f32 v39, v39;
	v39 =	vadd.f32 $0.0e+00, v39;
	v57 =	vmul.f32 v40, v40  }
0x90: {  	v28 =	vld.idx.msk [tilespmem:v28+s18+$0x0], $0xffff;
	v40 =	vadd.f32 $0.0e+00, v40;
	v60 =	vmul.f32 v44, v44;
	v35 =	vadd.f32 v45, v35  }
0x91: {  	v29 =	vadd.f32 v48, v29;
	v30 =	vadd.f32 v54, v30;
	v48 =	vld.idx.msk [tilespmem:v55+s18+$0x0], $0xffff;
	v54 =	vor.u32 $0x2, v50  }
0x92: {  	v62 =	vld.idx.msk [tilespmem:v50+s18+$0x0], $0xffff;
	v53 =	vmul.f32 v58, v58;
	v61 =	vmul.f32 v49, v49;
	v32 =	vadd.f32 v56, v32  }
0x93: {  	v59 =	vmul.f32 v46, v46;
	v55 =	vld [tilespmem:s26+$0xFFFFFA00];
	v56 =	vor.u32 $0x3, v50;
	v35 =	vadd.f32 v51, v35  }
0x94: {  	v30 =	vadd.f32 v60, v30;
	v32 =	vadd.f32 v53, v32;
	v53 =	vld [tilespmem:s25+$0xFFFFFA00];
	v60 =	vor.u32 $0x5, v50  }
0x95: {  	v52 =	vld.idx.msk [tilespmem:v52+s18+$0x0], $0xffff;
	v45 =	vadd.f32 $0.0e+00, v58;
	v58 =	vor.u32 $0x4, v50;
	v28 =	vmul.f32 v28, v31  }
0x96: {  	v29 =	vadd.f32 v57, v29;
	v35 =	vadd.f32 v61, v35;
	v48 =	vmul.f32 v48, v31;
	v63 =	vld.idx.msk [tilespmem:v54+s18+$0x0], $0xffff  }
0x97: {  	v30 =	vadd.f32 v59, v30;
	v61 =	vmul.f32 v28, v28;
	v59 =	vor.u32 $0x6, v50  }
0x98: {  	v51 =	vmul.f32 v62, v55;
	v56 =	vld.idx.msk [tilespmem:v56+s18+$0x0], $0xffff;
	v57 =	vadd.f32 $0.0e+00, v48;
	v48 =	vmul.f32 v48, v48  }
0x99: {  	v32 =	vadd.f32 v61, v32;
	v53 =	vmul.f32 v53, v55;
	v54 =	vld.idx.msk [tilespmem:v60+s18+$0x0], $0xffff;
	v60 =	vor.u32 $0x8, v50  }
0x9a: {  	v29 =	vadd.f32 v48, v29;
	v48 =	vmul.f32 v52, v55;
	v52 =	vld.idx.msk [tilespmem:v58+s18+$0x0], $0xffff;
	v58 =	vor.u32 $0x7, v50  }
0x9b: {  	v33 =	vadd.f32 v53, v33;
	v53 =	vmul.f32 v51, v51;
	v31 =	vmul.f32 v63, v55  }
0x9c: {  	v61 =	vor.u32 $0x9, v50;
	v41 =	vadd.f32 v51, v41;
	v51 =	vmul.f32 v48, v48  }
0x9d: {  	v44 =	vadd.f32 $0.0e+00, v44;
	v35 =	vadd.f32 v53, v35;
	v53 =	vmul.f32 v31, v31  }
0x9e: {  	v49 =	vadd.f32 $0.0e+00, v49;
	v62 =	vmul.f32 v56, v55;
	v29 =	vadd.f32 v51, v29;
	v51 =	vld.idx.msk [tilespmem:v59+s18+$0x0], $0xffff  }
0x9f: {  	v56 =	vor.u32 $0xA, v50;
	v30 =	vadd.f32 v53, v30;
	v53 =	vmul.f32 v54, v55;
	v54 =	vld.idx.msk [tilespmem:v58+s18+$0x0], $0xffff  }
0xa0: {  	v42 =	vadd.f32 v48, v42;
	v63 =	vmul.f32 v62, v62;
	v59 =	vor.u32 $0xB, v50;
	v58 =	vld.idx.msk [tilespmem:v60+s18+$0x0], $0xffff  }
0xa1: {  	v31 =	vadd.f32 v31, v43;
	v43 =	vmul.f32 v52, v55;
	v60 =	vld.idx.msk [tilespmem:v61+s18+$0x0], $0xffff;
	v61 =	vor.u32 $0xC, v50  }
0xa2: {  	v47 =	vadd.f32 v62, v47;
	v32 =	vadd.f32 v63, v32;
	v52 =	vmul.f32 v53, v53  }
0xa3: {  	v48 =	vmul.f32 v43, v43;
	v34 =	vadd.f32 v43, v34;
	v36 =	vadd.f32 v53, v36  }
0xa4: {  	v53 =	vor.u32 $0xD, v50;
	v62 =	vmul.f32 v51, v55;
	v29 =	vadd.f32 v52, v29;
	v52 =	vld.idx.msk [tilespmem:v56+s18+$0x0], $0xffff  }
0xa5: {  	v35 =	vadd.f32 v48, v35;
	v56 =	vor.u32 $0xE, v50;
	v51 =	vmul.f32 v54, v55;
	v54 =	vld.idx.msk [tilespmem:v59+s18+$0x0], $0xffff  }
0xa6: {  	v59 =	vld.idx.msk [tilespmem:v61+s18+$0x0], $0xffff;
	v63 =	vmul.f32 v62, v62;
	v37 =	vadd.f32 v62, v37;
	v62 =	vmul.f32 v58, v55  }
0xa7: {  	v50 =	vor.u32 $0xF, v50;
	v60 =	vmul.f32 v60, v55;
	v38 =	vadd.f32 v51, v38  }
0xa8: {  	v30 =	vadd.f32 v63, v30;
	v63 =	vmul.f32 v51, v51;
	v61 =	vmul.f32 v62, v62  }
0xa9: {  	v39 =	vadd.f32 v62, v39;
	v62 =	vmul.f32 v60, v60;
	v51 =	vld.idx.msk [tilespmem:v53+s18+$0x0], $0xffff;
	v53 =	vor.u32 v24, v27  }
0xaa: {  	v32 =	vadd.f32 v63, v32;
	v35 =	vadd.f32 v61, v35;
	v63 =	vmul.f32 v52, v55;
	v52 =	vld.idx.msk [tilespmem:v56+s18+$0x0], $0xffff  }
0xab: {  	v29 =	vadd.f32 v62, v29;
	v61 =	vmul.f32 v59, v55;
	v62 =	vor.u32 $0x1, v53  }
0xac: {  	v40 =	vadd.f32 v60, v40;
	v50 =	vld.idx.msk [tilespmem:v50+s18+$0x0], $0xffff;
	v59 =	vor.u32 $0x2, v53;
	v60 =	vmul.f32 v63, v63  }
0xad: {  	v43 =	vmul.f32 v54, v55;
	v54 =	vld [tilespmem:s26+$0xFFFFFA80];
	v44 =	vadd.f32 v63, v44;
	v48 =	vadd.f32 v61, v49  }
0xae: {  	v30 =	vadd.f32 v60, v30;
	v60 =	vmul.f32 v61, v61;
	v61 =	vmul.f32 v51, v55;
	v51 =	vld [tilespmem:s25+$0xFFFFFA80]  }
0xaf: {  	v63 =	vmul.f32 v43, v43;
	v43 =	vadd.f32 v43, v45;
	v45 =	vmul.f32 v52, v55;
	v52 =	vld.idx.msk [tilespmem:v53+s18+$0x0], $0xffff  }
0xb0: {  	v46 =	vadd.f32 $0.0e+00, v46;
	v56 =	vor.u32 $0x3, v53;
	v58 =	vld.idx.msk [tilespmem:v62+s18+$0x0], $0xffff  }
0xb1: {  	v28 =	vadd.f32 $0.0e+00, v28;
	v50 =	vmul.f32 v50, v55;
	v55 =	vld.idx.msk [tilespmem:v59+s18+$0x0], $0xffff;
	v59 =	vor.u32 $0x5, v53  }
0xb2: {  	v32 =	vadd.f32 v63, v32;
	v35 =	vadd.f32 v60, v35;
	v60 =	vor.u32 $0x4, v53  }
0xb3: {  	v57 =	vadd.f32 v61, v57;
	v49 =	vmul.f32 v61, v61;
	v61 =	vmul.f32 v45, v45  }
0xb4: {  	v62 =	vmul.f32 v50, v50;
	v28 =	vadd.f32 v50, v28;
	v45 =	vadd.f32 v45, v46  }
0xb5: {  	v29 =	vadd.f32 v49, v29;
	v30 =	vadd.f32 v61, v30;
	v63 =	vmul.f32 v51, v54;
	v51 =	vld.idx.msk [tilespmem:v56+s18+$0x0], $0xffff  }
0xb6: {  	v61 =	vmul.f32 v52, v54;
	v52 =	vor.u32 $0x6, v53;
	v46 =	vmul.f32 v58, v54;
	v58 =	vld.idx.msk [tilespmem:v59+s18+$0x0], $0xffff  }
0xb7: {  	v32 =	vadd.f32 v62, v32;
	v55 =	vmul.f32 v55, v54;
	v59 =	vor.u32 $0x7, v53;
	v49 =	vld.idx.msk [tilespmem:v60+s18+$0x0], $0xffff  }
0xb8: {  	v60 =	vor.u32 $0x8, v53;
	v56 =	vmul.f32 v61, v61;
	v41 =	vadd.f32 v61, v41  }
0xb9: {  	v50 =	vmul.f32 v46, v46;
	v61 =	vor.u32 $0x9, v53;
	v42 =	vadd.f32 v46, v42  }
0xba: {  	v31 =	vadd.f32 v55, v31;
	v35 =	vadd.f32 v56, v35;
	v56 =	vmul.f32 v55, v55  }
0xbb: {  	v29 =	vadd.f32 v50, v29;
	v62 =	vmul.f32 v51, v54;
	v50 =	vld.idx.msk [tilespmem:v52+s18+$0x0], $0xffff;
	v52 =	vmul.f32 v58, v54  }
0xbc: {  	v55 =	vld.idx.msk [tilespmem:v59+s18+$0x0], $0xffff;
	v59 =	vor.u32 $0xB, v53;
	v30 =	vadd.f32 v56, v30;
	v49 =	vmul.f32 v49, v54  }
0xbd: {  	v51 =	vmul.f32 v62, v62;
	v56 =	vor.u32 $0xA, v53;
	v46 =	vadd.f32 v62, v47;
	v58 =	vld.idx.msk [tilespmem:v60+s18+$0x0], $0xffff  }
0xbe: {  	v60 =	vld.idx.msk [tilespmem:v61+s18+$0x0], $0xffff;
	v61 =	vor.u32 $0xC, v53;
	v36 =	vadd.f32 v52, v36;
	v47 =	vmul.f32 v49, v49  }
0xbf: {  	v32 =	vadd.f32 v51, v32;
	v51 =	vmul.f32 v52, v52;
	v52 =	vor.u32 $0xD, v53  }
0xc0: {  	v33 =	vadd.f32 v63, v33  }
0xc1: {  	v35 =	vadd.f32 v47, v35;
	v47 =	vmul.f32 v50, v54;
	v62 =	vmul.f32 v55, v54;
	v55 =	vld.idx.msk [tilespmem:v59+s18+$0x0], $0xffff  }
0xc2: {  	v29 =	vadd.f32 v51, v29;
	v51 =	vld.idx.msk [tilespmem:v56+s18+$0x0], $0xffff;
	v56 =	vor.u32 $0xE, v53;
	v53 =	vor.u32 $0xF, v53  }
0xc3: {  	v63 =	vmul.f32 v47, v47;
	v37 =	vadd.f32 v47, v37;
	v47 =	vmul.f32 v58, v54;
	v59 =	vld.idx.msk [tilespmem:v61+s18+$0x0], $0xffff  }
0xc4: {  	v60 =	vmul.f32 v60, v54;
	v38 =	vadd.f32 v62, v38;
	v50 =	vld.idx.msk [tilespmem:v52+s18+$0x0], $0xffff;
	v52 =	vor.u32 v23, v27  }
0xc5: {  	v30 =	vadd.f32 v63, v30;
	v63 =	vmul.f32 v62, v62;
	v62 =	vmul.f32 v47, v47  }
0xc6: {  	v39 =	vadd.f32 v47, v39;
	v40 =	vadd.f32 v60, v40;
	v47 =	vmul.f32 v55, v54  }
0xc7: {  	v32 =	vadd.f32 v63, v32;
	v63 =	vmul.f32 v60, v60;
	v60 =	vmul.f32 v51, v54;
	v51 =	vld.idx.msk [tilespmem:v56+s18+$0x0], $0xffff  }
0xc8: {  	v35 =	vadd.f32 v62, v35;
	v53 =	vld.idx.msk [tilespmem:v53+s18+$0x0], $0xffff;
	v62 =	vmul.f32 v59, v54;
	v59 =	vor.u32 $0x2, v52  }
0xc9: {  	v29 =	vadd.f32 v63, v29;
	v61 =	vmul.f32 v60, v60;
	v63 =	vor.u32 $0x1, v52  }
0xca: {  	v55 =	vld [tilespmem:s26+$0xFFFFFB00];
	v43 =	vadd.f32 v47, v43;
	v48 =	vadd.f32 v62, v48  }
0xcb: {  	v30 =	vadd.f32 v61, v30;
	v61 =	vmul.f32 v62, v62;
	v62 =	vmul.f32 v50, v54;
	v50 =	vld [tilespmem:s25+$0xFFFFFB00]  }
0xcc: {  	v44 =	vadd.f32 v60, v44;
	v60 =	vmul.f32 v47, v47;
	v47 =	vmul.f32 v51, v54;
	v51 =	vld.idx.msk [tilespmem:v52+s18+$0x0], $0xffff  }
0xcd: {  	v56 =	vor.u32 $0x3, v52;
	v53 =	vmul.f32 v53, v54;
	v54 =	vld.idx.msk [tilespmem:v59+s18+$0x0], $0xffff  }
0xce: {  	v34 =	vadd.f32 v49, v34;
	v32 =	vadd.f32 v60, v32;
	v59 =	vor.u32 $0x5, v52;
	v58 =	vld.idx.msk [tilespmem:v63+s18+$0x0], $0xffff  }
0xcf: {  	v60 =	vor.u32 $0x4, v52;
	v35 =	vadd.f32 v61, v35;
	v57 =	vadd.f32 v62, v57  }
0xd0: {  	v49 =	vmul.f32 v62, v62;
	v61 =	vmul.f32 v47, v47;
	v45 =	vadd.f32 v47, v45  }
0xd1: {  	v63 =	vmul.f32 v53, v53;
	v28 =	vadd.f32 v53, v28;
	v53 =	vor.u32 $0x6, v52  }
0xd2: {  	v29 =	vadd.f32 v49, v29;
	v30 =	vadd.f32 v61, v30;
	v62 =	vmul.f32 v51, v55;
	v51 =	vld.idx.msk [tilespmem:v56+s18+$0x0], $0xffff  }
0xd3: {  	v61 =	vmul.f32 v50, v55;
	v47 =	vmul.f32 v58, v55;
	v58 =	vld.idx.msk [tilespmem:v59+s18+$0x0], $0xffff;
	v59 =	vor.u32 $0x7, v52  }
0xd4: {  	v49 =	vld.idx.msk [tilespmem:v60+s18+$0x0], $0xffff;
	v60 =	vor.u32 $0x8, v52;
	v54 =	vmul.f32 v54, v55;
	v56 =	vmul.f32 v62, v62  }
0xd5: {  	v33 =	vadd.f32 v61, v33;
	v61 =	vor.u32 $0x9, v52;
	v50 =	vmul.f32 v47, v47  }
0xd6: {  	v35 =	vadd.f32 v56, v35;
	v56 =	vmul.f32 v54, v54  }
0xd7: {  	v32 =	vadd.f32 v63, v32;
	v63 =	vmul.f32 v51, v55;
	v29 =	vadd.f32 v50, v29;
	v50 =	vld.idx.msk [tilespmem:v53+s18+$0x0], $0xffff  }
0xd8: {  	v31 =	vadd.f32 v54, v31;
	v30 =	vadd.f32 v56, v30;
	v56 =	vor.u32 $0xA, v52;
	v54 =	vld.idx.msk [tilespmem:v59+s18+$0x0], $0xffff  }
0xd9: {  	v51 =	vmul.f32 v63, v63;
	v53 =	vmul.f32 v58, v55;
	v58 =	vld.idx.msk [tilespmem:v60+s18+$0x0], $0xffff;
	v59 =	vor.u32 $0xB, v52  }
0xda: {  	v41 =	vadd.f32 v62, v41;
	v49 =	vmul.f32 v49, v55;
	v60 =	vld.idx.msk [tilespmem:v61+s18+$0x0], $0xffff;
	v61 =	vor.u32 $0xC, v52  }
0xdb: {  	v42 =	vadd.f32 v47, v42;
	v32 =	vadd.f32 v51, v32;
	v51 =	vmul.f32 v53, v53  }
0xdc: {  	v47 =	vmul.f32 v49, v49;
	v46 =	vadd.f32 v63, v46;
	v36 =	vadd.f32 v53, v36  }
0xdd: {  	v53 =	vor.u32 $0xD, v52;
	v62 =	vmul.f32 v50, v55;
	v29 =	vadd.f32 v51, v29;
	v51 =	vld.idx.msk [tilespmem:v56+s18+$0x0], $0xffff  }
0xde: {  	v35 =	vadd.f32 v47, v35;
	v56 =	vor.u32 $0xE, v52;
	v50 =	vmul.f32 v54, v55;
	v54 =	vld.idx.msk [tilespmem:v59+s18+$0x0], $0xffff  }
0xdf: {  	v59 =	vld.idx.msk [tilespmem:v61+s18+$0x0], $0xffff;
	v63 =	vmul.f32 v62, v62;
	v37 =	vadd.f32 v62, v37;
	v62 =	vmul.f32 v58, v55  }
0xe0: {  	v52 =	vor.u32 $0xF, v52;
	v60 =	vmul.f32 v60, v55;
	v38 =	vadd.f32 v50, v38  }
0xe1: {  	v30 =	vadd.f32 v63, v30;
	v63 =	vmul.f32 v50, v50;
	v61 =	vmul.f32 v62, v62  }
0xe2: {  	v39 =	vadd.f32 v62, v39;
	v62 =	vmul.f32 v60, v60;
	v50 =	vld.idx.msk [tilespmem:v53+s18+$0x0], $0xffff;
	v53 =	vor.u32 v22, v27  }
0xe3: {  	v32 =	vadd.f32 v63, v32;
	v35 =	vadd.f32 v61, v35;
	v63 =	vmul.f32 v51, v55;
	v51 =	vld.idx.msk [tilespmem:v56+s18+$0x0], $0xffff  }
0xe4: {  	v29 =	vadd.f32 v62, v29;
	v61 =	vmul.f32 v59, v55;
	v62 =	vor.u32 $0x1, v53  }
0xe5: {  	v40 =	vadd.f32 v60, v40;
	v52 =	vld.idx.msk [tilespmem:v52+s18+$0x0], $0xffff;
	v59 =	vor.u32 $0x2, v53;
	v60 =	vmul.f32 v63, v63  }
0xe6: {  	v47 =	vmul.f32 v54, v55;
	v54 =	vld [tilespmem:s26+$0xFFFFFB80];
	v44 =	vadd.f32 v63, v44;
	v48 =	vadd.f32 v61, v48  }
0xe7: {  	v30 =	vadd.f32 v60, v30;
	v60 =	vmul.f32 v61, v61;
	v61 =	vmul.f32 v50, v55;
	v50 =	vld [tilespmem:s25+$0xFFFFFB80]  }
0xe8: {  	v63 =	vmul.f32 v47, v47;
	v43 =	vadd.f32 v47, v43;
	v47 =	vmul.f32 v51, v55;
	v51 =	vld.idx.msk [tilespmem:v53+s18+$0x0], $0xffff  }
0xe9: {  	v56 =	vor.u32 $0x3, v53;
	v58 =	vld.idx.msk [tilespmem:v62+s18+$0x0], $0xffff  }
0xea: {  	v34 =	vadd.f32 v49, v34;
	v52 =	vmul.f32 v52, v55;
	v55 =	vld.idx.msk [tilespmem:v59+s18+$0x0], $0xffff;
	v59 =	vor.u32 $0x5, v53  }
0xeb: {  	v32 =	vadd.f32 v63, v32;
	v35 =	vadd.f32 v60, v35;
	v60 =	vor.u32 $0x4, v53  }
0xec: {  	v57 =	vadd.f32 v61, v57;
	v49 =	vmul.f32 v61, v61;
	v61 =	vmul.f32 v47, v47  }
0xed: {  	v62 =	vmul.f32 v52, v52;
	v28 =	vadd.f32 v52, v28;
	v52 =	vor.u32 $0x6, v53  }
0xee: {  	v45 =	vadd.f32 v47, v45;
	v30 =	vadd.f32 v61, v30;
	v61 =	vmul.f32 v51, v54;
	v51 =	vld.idx.msk [tilespmem:v56+s18+$0x0], $0xffff  }
0xef: {  	v29 =	vadd.f32 v49, v29;
	v63 =	vmul.f32 v50, v54;
	v47 =	vmul.f32 v58, v54;
	v58 =	vld.idx.msk [tilespmem:v59+s18+$0x0], $0xffff  }
0xf0: {  	v32 =	vadd.f32 v62, v32;
	v55 =	vmul.f32 v55, v54;
	v59 =	vor.u32 $0x7, v53;
	v49 =	vld.idx.msk [tilespmem:v60+s18+$0x0], $0xffff  }
0xf1: {  	v33 =	vadd.f32 v63, v33;
	v60 =	vor.u32 $0x8, v53;
	v56 =	vmul.f32 v61, v61  }
0xf2: {  	v41 =	vadd.f32 v61, v41;
	v50 =	vmul.f32 v47, v47;
	v61 =	vor.u32 $0x9, v53  }
0xf3: {  	v31 =	vadd.f32 v55, v31;
	v35 =	vadd.f32 v56, v35  }
0xf4: {  	v56 =	vmul.f32 v55, v55;
	v29 =	vadd.f32 v50, v29;
	v50 =	vld.idx.msk [tilespmem:v52+s18+$0x0], $0xffff;
	v62 =	vmul.f32 v51, v54  }
0xf5: {  	v52 =	vmul.f32 v58, v54;
	v55 =	vld.idx.msk [tilespmem:v59+s18+$0x0], $0xffff;
	v59 =	vor.u32 $0xB, v53;
	v49 =	vmul.f32 v49, v54  }
0xf6: {  	v30 =	vadd.f32 v56, v30;
	v56 =	vor.u32 $0xA, v53;
	v58 =	vld.idx.msk [tilespmem:v60+s18+$0x0], $0xffff;
	v51 =	vmul.f32 v62, v62  }
0xf7: {  	v42 =	vadd.f32 v47, v42;
	v60 =	vld.idx.msk [tilespmem:v61+s18+$0x0], $0xffff;
	v61 =	vor.u32 $0xC, v53;
	v47 =	vmul.f32 v49, v49  }
0xf8: {  	v46 =	vadd.f32 v62, v46;
	v32 =	vadd.f32 v51, v32  }
0xf9: {  	v51 =	vmul.f32 v52, v52;
	v35 =	vadd.f32 v47, v35;
	v47 =	vmul.f32 v50, v54  }
0xfa: {  	v36 =	vadd.f32 v52, v36;
	v52 =	vor.u32 $0xD, v53;
	v62 =	vmul.f32 v55, v54;
	v55 =	vld.idx.msk [tilespmem:v59+s18+$0x0], $0xffff  }
0xfb: {  	v29 =	vadd.f32 v51, v29;
	v51 =	vld.idx.msk [tilespmem:v56+s18+$0x0], $0xffff;
	v56 =	vor.u32 $0xE, v53;
	v63 =	vmul.f32 v47, v47  }
0xfc: {  	v53 =	vor.u32 $0xF, v53;
	v37 =	vadd.f32 v47, v37;
	v47 =	vmul.f32 v58, v54;
	v59 =	vld.idx.msk [tilespmem:v61+s18+$0x0], $0xffff  }
0xfd: {  	v60 =	vmul.f32 v60, v54;
	v38 =	vadd.f32 v62, v38;
	v30 =	vadd.f32 v63, v30  }
0xfe: {  	v63 =	vmul.f32 v62, v62;
	v62 =	vmul.f32 v47, v47;
	v39 =	vadd.f32 v47, v39  }
0xff: {  	v40 =	vadd.f32 v60, v40;
	v50 =	vld.idx.msk [tilespmem:v52+s18+$0x0], $0xffff;
	v52 =	vor.u32 v21, v27;
	v47 =	vmul.f32 v55, v54  }
0x100: {  	v32 =	vadd.f32 v63, v32;
	v63 =	vmul.f32 v60, v60;
	v60 =	vmul.f32 v51, v54;
	v51 =	vld.idx.msk [tilespmem:v56+s18+$0x0], $0xffff  }
0x101: {  	v35 =	vadd.f32 v62, v35;
	v53 =	vld.idx.msk [tilespmem:v53+s18+$0x0], $0xffff;
	v62 =	vmul.f32 v59, v54;
	v59 =	vor.u32 $0x2, v52  }
0x102: {  	v29 =	vadd.f32 v63, v29;
	v61 =	vmul.f32 v60, v60;
	v63 =	vor.u32 $0x1, v52  }
0x103: {  	v55 =	vld [tilespmem:s26+$0xFFFFFC00];
	v43 =	vadd.f32 v47, v43;
	v48 =	vadd.f32 v62, v48  }
0x104: {  	v30 =	vadd.f32 v61, v30;
	v61 =	vmul.f32 v62, v62;
	v62 =	vmul.f32 v50, v54;
	v50 =	vld [tilespmem:s25+$0xFFFFFC00]  }
0x105: {  	v44 =	vadd.f32 v60, v44;
	v60 =	vmul.f32 v47, v47;
	v47 =	vmul.f32 v51, v54;
	v51 =	vld.idx.msk [tilespmem:v52+s18+$0x0], $0xffff  }
0x106: {  	v56 =	vor.u32 $0x3, v52;
	v53 =	vmul.f32 v53, v54;
	v54 =	vld.idx.msk [tilespmem:v59+s18+$0x0], $0xffff  }
0x107: {  	v34 =	vadd.f32 v49, v34;
	v32 =	vadd.f32 v60, v32;
	v59 =	vor.u32 $0x5, v52;
	v58 =	vld.idx.msk [tilespmem:v63+s18+$0x0], $0xffff  }
0x108: {  	v60 =	vor.u32 $0x4, v52;
	v35 =	vadd.f32 v61, v35;
	v57 =	vadd.f32 v62, v57  }
0x109: {  	v49 =	vmul.f32 v62, v62;
	v61 =	vmul.f32 v47, v47;
	v45 =	vadd.f32 v47, v45  }
0x10a: {  	v63 =	vmul.f32 v53, v53;
	v28 =	vadd.f32 v53, v28;
	v53 =	vor.u32 $0x6, v52  }
0x10b: {  	v29 =	vadd.f32 v49, v29;
	v30 =	vadd.f32 v61, v30;
	v62 =	vmul.f32 v51, v55;
	v51 =	vld.idx.msk [tilespmem:v56+s18+$0x0], $0xffff  }
0x10c: {  	v61 =	vmul.f32 v50, v55;
	v47 =	vmul.f32 v58, v55;
	v58 =	vld.idx.msk [tilespmem:v59+s18+$0x0], $0xffff;
	v59 =	vor.u32 $0x7, v52  }
0x10d: {  	v49 =	vld.idx.msk [tilespmem:v60+s18+$0x0], $0xffff;
	v60 =	vor.u32 $0x8, v52;
	v54 =	vmul.f32 v54, v55;
	v56 =	vmul.f32 v62, v62  }
0x10e: {  	v33 =	vadd.f32 v61, v33;
	v61 =	vor.u32 $0x9, v52;
	v50 =	vmul.f32 v47, v47  }
0x10f: {  	v35 =	vadd.f32 v56, v35;
	v56 =	vmul.f32 v54, v54  }
0x110: {  	v32 =	vadd.f32 v63, v32;
	v63 =	vmul.f32 v51, v55;
	v29 =	vadd.f32 v50, v29;
	v50 =	vld.idx.msk [tilespmem:v53+s18+$0x0], $0xffff  }
0x111: {  	v31 =	vadd.f32 v54, v31;
	v30 =	vadd.f32 v56, v30;
	v56 =	vor.u32 $0xA, v52;
	v54 =	vld.idx.msk [tilespmem:v59+s18+$0x0], $0xffff  }
0x112: {  	v51 =	vmul.f32 v63, v63;
	v53 =	vmul.f32 v58, v55;
	v58 =	vld.idx.msk [tilespmem:v60+s18+$0x0], $0xffff;
	v59 =	vor.u32 $0xB, v52  }
0x113: {  	v41 =	vadd.f32 v62, v41;
	v49 =	vmul.f32 v49, v55;
	v60 =	vld.idx.msk [tilespmem:v61+s18+$0x0], $0xffff;
	v61 =	vor.u32 $0xC, v52  }
0x114: {  	v42 =	vadd.f32 v47, v42;
	v32 =	vadd.f32 v51, v32;
	v51 =	vmul.f32 v53, v53  }
0x115: {  	v47 =	vmul.f32 v49, v49;
	v46 =	vadd.f32 v63, v46;
	v36 =	vadd.f32 v53, v36  }
0x116: {  	v53 =	vor.u32 $0xD, v52;
	v62 =	vmul.f32 v50, v55;
	v29 =	vadd.f32 v51, v29;
	v51 =	vld.idx.msk [tilespmem:v56+s18+$0x0], $0xffff  }
0x117: {  	v35 =	vadd.f32 v47, v35;
	v56 =	vor.u32 $0xE, v52;
	v50 =	vmul.f32 v54, v55;
	v54 =	vld.idx.msk [tilespmem:v59+s18+$0x0], $0xffff  }
0x118: {  	v59 =	vld.idx.msk [tilespmem:v61+s18+$0x0], $0xffff;
	v63 =	vmul.f32 v62, v62;
	v37 =	vadd.f32 v62, v37;
	v62 =	vmul.f32 v58, v55  }
0x119: {  	v52 =	vor.u32 $0xF, v52;
	v60 =	vmul.f32 v60, v55;
	v38 =	vadd.f32 v50, v38  }
0x11a: {  	v30 =	vadd.f32 v63, v30;
	v63 =	vmul.f32 v50, v50;
	v61 =	vmul.f32 v62, v62  }
0x11b: {  	v39 =	vadd.f32 v62, v39;
	v62 =	vmul.f32 v60, v60;
	v50 =	vld.idx.msk [tilespmem:v53+s18+$0x0], $0xffff;
	v53 =	vor.u32 v20, v27  }
0x11c: {  	v32 =	vadd.f32 v63, v32;
	v35 =	vadd.f32 v61, v35;
	v63 =	vmul.f32 v51, v55;
	v51 =	vld.idx.msk [tilespmem:v56+s18+$0x0], $0xffff  }
0x11d: {  	v29 =	vadd.f32 v62, v29;
	v61 =	vmul.f32 v59, v55;
	v62 =	vor.u32 $0x1, v53  }
0x11e: {  	v40 =	vadd.f32 v60, v40;
	v52 =	vld.idx.msk [tilespmem:v52+s18+$0x0], $0xffff;
	v59 =	vor.u32 $0x2, v53;
	v60 =	vmul.f32 v63, v63  }
0x11f: {  	v47 =	vmul.f32 v54, v55;
	v54 =	vld [tilespmem:s26+$0xFFFFFC80];
	v44 =	vadd.f32 v63, v44;
	v48 =	vadd.f32 v61, v48  }
0x120: {  	v30 =	vadd.f32 v60, v30;
	v60 =	vmul.f32 v61, v61;
	v61 =	vmul.f32 v50, v55;
	v50 =	vld [tilespmem:s25+$0xFFFFFC80]  }
0x121: {  	v63 =	vmul.f32 v47, v47;
	v43 =	vadd.f32 v47, v43;
	v47 =	vmul.f32 v51, v55;
	v51 =	vld.idx.msk [tilespmem:v53+s18+$0x0], $0xffff  }
0x122: {  	v56 =	vor.u32 $0x3, v53;
	v58 =	vld.idx.msk [tilespmem:v62+s18+$0x0], $0xffff  }
0x123: {  	v34 =	vadd.f32 v49, v34;
	v52 =	vmul.f32 v52, v55;
	v55 =	vld.idx.msk [tilespmem:v59+s18+$0x0], $0xffff;
	v59 =	vor.u32 $0x5, v53  }
0x124: {  	v32 =	vadd.f32 v63, v32;
	v35 =	vadd.f32 v60, v35;
	v60 =	vor.u32 $0x4, v53  }
0x125: {  	v57 =	vadd.f32 v61, v57;
	v49 =	vmul.f32 v61, v61;
	v61 =	vmul.f32 v47, v47  }
0x126: {  	v62 =	vmul.f32 v52, v52;
	v28 =	vadd.f32 v52, v28;
	v52 =	vor.u32 $0x6, v53  }
0x127: {  	v45 =	vadd.f32 v47, v45;
	v30 =	vadd.f32 v61, v30;
	v61 =	vmul.f32 v51, v54;
	v51 =	vld.idx.msk [tilespmem:v56+s18+$0x0], $0xffff  }
0x128: {  	v29 =	vadd.f32 v49, v29;
	v63 =	vmul.f32 v50, v54;
	v47 =	vmul.f32 v58, v54;
	v58 =	vld.idx.msk [tilespmem:v59+s18+$0x0], $0xffff  }
0x129: {  	v32 =	vadd.f32 v62, v32;
	v55 =	vmul.f32 v55, v54;
	v59 =	vor.u32 $0x7, v53;
	v49 =	vld.idx.msk [tilespmem:v60+s18+$0x0], $0xffff  }
0x12a: {  	v33 =	vadd.f32 v63, v33;
	v60 =	vor.u32 $0x8, v53;
	v56 =	vmul.f32 v61, v61  }
0x12b: {  	v41 =	vadd.f32 v61, v41;
	v50 =	vmul.f32 v47, v47;
	v61 =	vor.u32 $0x9, v53  }
0x12c: {  	v31 =	vadd.f32 v55, v31;
	v35 =	vadd.f32 v56, v35  }
0x12d: {  	v56 =	vmul.f32 v55, v55;
	v29 =	vadd.f32 v50, v29;
	v50 =	vld.idx.msk [tilespmem:v52+s18+$0x0], $0xffff;
	v62 =	vmul.f32 v51, v54  }
0x12e: {  	v52 =	vmul.f32 v58, v54;
	v55 =	vld.idx.msk [tilespmem:v59+s18+$0x0], $0xffff;
	v59 =	vor.u32 $0xB, v53;
	v49 =	vmul.f32 v49, v54  }
0x12f: {  	v30 =	vadd.f32 v56, v30;
	v56 =	vor.u32 $0xA, v53;
	v58 =	vld.idx.msk [tilespmem:v60+s18+$0x0], $0xffff;
	v51 =	vmul.f32 v62, v62  }
0x130: {  	v42 =	vadd.f32 v47, v42;
	v60 =	vld.idx.msk [tilespmem:v61+s18+$0x0], $0xffff;
	v61 =	vor.u32 $0xC, v53;
	v47 =	vmul.f32 v49, v49  }
0x131: {  	v46 =	vadd.f32 v62, v46;
	v32 =	vadd.f32 v51, v32  }
0x132: {  	v51 =	vmul.f32 v52, v52;
	v35 =	vadd.f32 v47, v35;
	v47 =	vmul.f32 v50, v54  }
0x133: {  	v36 =	vadd.f32 v52, v36;
	v52 =	vor.u32 $0xD, v53;
	v62 =	vmul.f32 v55, v54;
	v55 =	vld.idx.msk [tilespmem:v59+s18+$0x0], $0xffff  }
0x134: {  	v29 =	vadd.f32 v51, v29;
	v51 =	vld.idx.msk [tilespmem:v56+s18+$0x0], $0xffff;
	v56 =	vor.u32 $0xE, v53;
	v63 =	vmul.f32 v47, v47  }
0x135: {  	v53 =	vor.u32 $0xF, v53;
	v37 =	vadd.f32 v47, v37;
	v47 =	vmul.f32 v58, v54;
	v59 =	vld.idx.msk [tilespmem:v61+s18+$0x0], $0xffff  }
0x136: {  	v60 =	vmul.f32 v60, v54;
	v38 =	vadd.f32 v62, v38;
	v30 =	vadd.f32 v63, v30  }
0x137: {  	v63 =	vmul.f32 v62, v62;
	v62 =	vmul.f32 v47, v47;
	v39 =	vadd.f32 v47, v39  }
0x138: {  	v40 =	vadd.f32 v60, v40;
	v50 =	vld.idx.msk [tilespmem:v52+s18+$0x0], $0xffff;
	v52 =	vor.u32 v19, v27;
	v47 =	vmul.f32 v55, v54  }
0x139: {  	v32 =	vadd.f32 v63, v32;
	v63 =	vmul.f32 v60, v60;
	v60 =	vmul.f32 v51, v54;
	v51 =	vld.idx.msk [tilespmem:v56+s18+$0x0], $0xffff  }
0x13a: {  	v35 =	vadd.f32 v62, v35;
	v53 =	vld.idx.msk [tilespmem:v53+s18+$0x0], $0xffff;
	v62 =	vmul.f32 v59, v54;
	v59 =	vor.u32 $0x2, v52  }
0x13b: {  	v29 =	vadd.f32 v63, v29;
	v61 =	vmul.f32 v60, v60;
	v63 =	vor.u32 $0x1, v52  }
0x13c: {  	v55 =	vld [tilespmem:s26+$0xFFFFFD00];
	v43 =	vadd.f32 v47, v43;
	v48 =	vadd.f32 v62, v48  }
0x13d: {  	v30 =	vadd.f32 v61, v30;
	v61 =	vmul.f32 v62, v62;
	v62 =	vmul.f32 v50, v54;
	v50 =	vld [tilespmem:s25+$0xFFFFFD00]  }
0x13e: {  	v44 =	vadd.f32 v60, v44;
	v60 =	vmul.f32 v47, v47;
	v47 =	vmul.f32 v51, v54;
	v51 =	vld.idx.msk [tilespmem:v52+s18+$0x0], $0xffff  }
0x13f: {  	v56 =	vor.u32 $0x3, v52;
	v53 =	vmul.f32 v53, v54;
	v54 =	vld.idx.msk [tilespmem:v59+s18+$0x0], $0xffff  }
0x140: {  	v34 =	vadd.f32 v49, v34;
	v32 =	vadd.f32 v60, v32;
	v59 =	vor.u32 $0x5, v52;
	v58 =	vld.idx.msk [tilespmem:v63+s18+$0x0], $0xffff  }
0x141: {  	v60 =	vor.u32 $0x4, v52;
	v35 =	vadd.f32 v61, v35;
	v57 =	vadd.f32 v62, v57  }
0x142: {  	v49 =	vmul.f32 v62, v62;
	v61 =	vmul.f32 v47, v47;
	v45 =	vadd.f32 v47, v45  }
0x143: {  	v63 =	vmul.f32 v53, v53;
	v28 =	vadd.f32 v53, v28;
	v53 =	vor.u32 $0x6, v52  }
0x144: {  	v29 =	vadd.f32 v49, v29;
	v30 =	vadd.f32 v61, v30;
	v62 =	vmul.f32 v51, v55;
	v51 =	vld.idx.msk [tilespmem:v56+s18+$0x0], $0xffff  }
0x145: {  	v61 =	vmul.f32 v50, v55;
	v47 =	vmul.f32 v58, v55;
	v58 =	vld.idx.msk [tilespmem:v59+s18+$0x0], $0xffff;
	v59 =	vor.u32 $0x7, v52  }
0x146: {  	v49 =	vld.idx.msk [tilespmem:v60+s18+$0x0], $0xffff;
	v60 =	vor.u32 $0x8, v52;
	v54 =	vmul.f32 v54, v55;
	v56 =	vmul.f32 v62, v62  }
0x147: {  	v33 =	vadd.f32 v61, v33;
	v61 =	vor.u32 $0x9, v52;
	v50 =	vmul.f32 v47, v47  }
0x148: {  	v35 =	vadd.f32 v56, v35;
	v56 =	vmul.f32 v54, v54  }
0x149: {  	v32 =	vadd.f32 v63, v32;
	v63 =	vmul.f32 v51, v55;
	v29 =	vadd.f32 v50, v29;
	v50 =	vld.idx.msk [tilespmem:v53+s18+$0x0], $0xffff  }
0x14a: {  	v31 =	vadd.f32 v54, v31;
	v30 =	vadd.f32 v56, v30;
	v56 =	vor.u32 $0xA, v52;
	v54 =	vld.idx.msk [tilespmem:v59+s18+$0x0], $0xffff  }
0x14b: {  	v51 =	vmul.f32 v63, v63;
	v53 =	vmul.f32 v58, v55;
	v58 =	vld.idx.msk [tilespmem:v60+s18+$0x0], $0xffff;
	v59 =	vor.u32 $0xB, v52  }
0x14c: {  	v41 =	vadd.f32 v62, v41;
	v49 =	vmul.f32 v49, v55;
	v60 =	vld.idx.msk [tilespmem:v61+s18+$0x0], $0xffff;
	v61 =	vor.u32 $0xC, v52  }
0x14d: {  	v42 =	vadd.f32 v47, v42;
	v32 =	vadd.f32 v51, v32;
	v51 =	vmul.f32 v53, v53  }
0x14e: {  	v47 =	vmul.f32 v49, v49;
	v46 =	vadd.f32 v63, v46;
	v36 =	vadd.f32 v53, v36  }
0x14f: {  	v53 =	vor.u32 $0xD, v52;
	v62 =	vmul.f32 v50, v55;
	v29 =	vadd.f32 v51, v29;
	v51 =	vld.idx.msk [tilespmem:v56+s18+$0x0], $0xffff  }
0x150: {  	v35 =	vadd.f32 v47, v35;
	v56 =	vor.u32 $0xE, v52;
	v50 =	vmul.f32 v54, v55;
	v54 =	vld.idx.msk [tilespmem:v59+s18+$0x0], $0xffff  }
0x151: {  	v59 =	vld.idx.msk [tilespmem:v61+s18+$0x0], $0xffff;
	v63 =	vmul.f32 v62, v62;
	v37 =	vadd.f32 v62, v37;
	v62 =	vmul.f32 v58, v55  }
0x152: {  	v52 =	vor.u32 $0xF, v52;
	v60 =	vmul.f32 v60, v55;
	v38 =	vadd.f32 v50, v38  }
0x153: {  	v30 =	vadd.f32 v63, v30;
	v63 =	vmul.f32 v50, v50;
	v61 =	vmul.f32 v62, v62  }
0x154: {  	v39 =	vadd.f32 v62, v39;
	v62 =	vmul.f32 v60, v60;
	v50 =	vld.idx.msk [tilespmem:v53+s18+$0x0], $0xffff;
	v53 =	vor.u32 v18, v27  }
0x155: {  	v32 =	vadd.f32 v63, v32;
	v35 =	vadd.f32 v61, v35;
	v63 =	vmul.f32 v51, v55;
	v51 =	vld.idx.msk [tilespmem:v56+s18+$0x0], $0xffff  }
0x156: {  	v29 =	vadd.f32 v62, v29;
	v61 =	vmul.f32 v59, v55;
	v62 =	vor.u32 $0x1, v53  }
0x157: {  	v40 =	vadd.f32 v60, v40;
	v52 =	vld.idx.msk [tilespmem:v52+s18+$0x0], $0xffff;
	v59 =	vor.u32 $0x2, v53;
	v60 =	vmul.f32 v63, v63  }
0x158: {  	v47 =	vmul.f32 v54, v55;
	v54 =	vld [tilespmem:s26+$0xFFFFFD80];
	v44 =	vadd.f32 v63, v44;
	v48 =	vadd.f32 v61, v48  }
0x159: {  	v30 =	vadd.f32 v60, v30;
	v60 =	vmul.f32 v61, v61;
	v61 =	vmul.f32 v50, v55;
	v50 =	vld [tilespmem:s25+$0xFFFFFD80]  }
0x15a: {  	v63 =	vmul.f32 v47, v47;
	v43 =	vadd.f32 v47, v43;
	v47 =	vmul.f32 v51, v55;
	v51 =	vld.idx.msk [tilespmem:v53+s18+$0x0], $0xffff  }
0x15b: {  	v56 =	vor.u32 $0x3, v53;
	v58 =	vld.idx.msk [tilespmem:v62+s18+$0x0], $0xffff  }
0x15c: {  	v34 =	vadd.f32 v49, v34;
	v52 =	vmul.f32 v52, v55;
	v55 =	vld.idx.msk [tilespmem:v59+s18+$0x0], $0xffff;
	v59 =	vor.u32 $0x5, v53  }
0x15d: {  	v32 =	vadd.f32 v63, v32;
	v35 =	vadd.f32 v60, v35;
	v60 =	vor.u32 $0x4, v53  }
0x15e: {  	v57 =	vadd.f32 v61, v57;
	v49 =	vmul.f32 v61, v61;
	v61 =	vmul.f32 v47, v47  }
0x15f: {  	v62 =	vmul.f32 v52, v52;
	v28 =	vadd.f32 v52, v28;
	v52 =	vor.u32 $0x6, v53  }
0x160: {  	v45 =	vadd.f32 v47, v45;
	v30 =	vadd.f32 v61, v30;
	v61 =	vmul.f32 v51, v54;
	v51 =	vld.idx.msk [tilespmem:v56+s18+$0x0], $0xffff  }
0x161: {  	v29 =	vadd.f32 v49, v29;
	v63 =	vmul.f32 v50, v54;
	v47 =	vmul.f32 v58, v54;
	v58 =	vld.idx.msk [tilespmem:v59+s18+$0x0], $0xffff  }
0x162: {  	v32 =	vadd.f32 v62, v32;
	v55 =	vmul.f32 v55, v54;
	v59 =	vor.u32 $0x7, v53;
	v49 =	vld.idx.msk [tilespmem:v60+s18+$0x0], $0xffff  }
0x163: {  	v33 =	vadd.f32 v63, v33;
	v60 =	vor.u32 $0x8, v53;
	v56 =	vmul.f32 v61, v61  }
0x164: {  	v41 =	vadd.f32 v61, v41;
	v50 =	vmul.f32 v47, v47;
	v61 =	vor.u32 $0x9, v53  }
0x165: {  	v31 =	vadd.f32 v55, v31;
	v35 =	vadd.f32 v56, v35  }
0x166: {  	v56 =	vmul.f32 v55, v55;
	v29 =	vadd.f32 v50, v29;
	v50 =	vld.idx.msk [tilespmem:v52+s18+$0x0], $0xffff;
	v62 =	vmul.f32 v51, v54  }
0x167: {  	v52 =	vmul.f32 v58, v54;
	v55 =	vld.idx.msk [tilespmem:v59+s18+$0x0], $0xffff;
	v59 =	vor.u32 $0xB, v53;
	v49 =	vmul.f32 v49, v54  }
0x168: {  	v30 =	vadd.f32 v56, v30;
	v56 =	vor.u32 $0xA, v53;
	v58 =	vld.idx.msk [tilespmem:v60+s18+$0x0], $0xffff;
	v51 =	vmul.f32 v62, v62  }
0x169: {  	v42 =	vadd.f32 v47, v42;
	v60 =	vld.idx.msk [tilespmem:v61+s18+$0x0], $0xffff;
	v61 =	vor.u32 $0xC, v53;
	v47 =	vmul.f32 v49, v49  }
0x16a: {  	v46 =	vadd.f32 v62, v46;
	v32 =	vadd.f32 v51, v32  }
0x16b: {  	v51 =	vmul.f32 v52, v52;
	v35 =	vadd.f32 v47, v35;
	v47 =	vmul.f32 v50, v54  }
0x16c: {  	v36 =	vadd.f32 v52, v36;
	v52 =	vor.u32 $0xD, v53;
	v62 =	vmul.f32 v55, v54;
	v55 =	vld.idx.msk [tilespmem:v59+s18+$0x0], $0xffff  }
0x16d: {  	v29 =	vadd.f32 v51, v29;
	v51 =	vld.idx.msk [tilespmem:v56+s18+$0x0], $0xffff;
	v56 =	vor.u32 $0xE, v53;
	v63 =	vmul.f32 v47, v47  }
0x16e: {  	v53 =	vor.u32 $0xF, v53;
	v37 =	vadd.f32 v47, v37;
	v47 =	vmul.f32 v58, v54;
	v59 =	vld.idx.msk [tilespmem:v61+s18+$0x0], $0xffff  }
0x16f: {  	v60 =	vmul.f32 v60, v54;
	v38 =	vadd.f32 v62, v38;
	v30 =	vadd.f32 v63, v30  }
0x170: {  	v63 =	vmul.f32 v62, v62;
	v62 =	vmul.f32 v47, v47;
	v39 =	vadd.f32 v47, v39  }
0x171: {  	v40 =	vadd.f32 v60, v40;
	v50 =	vld.idx.msk [tilespmem:v52+s18+$0x0], $0xffff;
	v52 =	vor.u32 v17, v27;
	v47 =	vmul.f32 v55, v54  }
0x172: {  	v32 =	vadd.f32 v63, v32;
	v63 =	vmul.f32 v60, v60;
	v60 =	vmul.f32 v51, v54;
	v51 =	vld.idx.msk [tilespmem:v56+s18+$0x0], $0xffff  }
0x173: {  	v35 =	vadd.f32 v62, v35;
	v53 =	vld.idx.msk [tilespmem:v53+s18+$0x0], $0xffff;
	v62 =	vmul.f32 v59, v54;
	v59 =	vor.u32 $0x2, v52  }
0x174: {  	v29 =	vadd.f32 v63, v29;
	v61 =	vmul.f32 v60, v60;
	v63 =	vor.u32 $0x1, v52  }
0x175: {  	v55 =	vld [tilespmem:s26+$0xFFFFFE00];
	v43 =	vadd.f32 v47, v43;
	v48 =	vadd.f32 v62, v48  }
0x176: {  	v30 =	vadd.f32 v61, v30;
	v61 =	vmul.f32 v62, v62;
	v62 =	vmul.f32 v50, v54;
	v50 =	vld [tilespmem:s25+$0xFFFFFE00]  }
0x177: {  	v44 =	vadd.f32 v60, v44;
	v60 =	vmul.f32 v47, v47;
	v47 =	vmul.f32 v51, v54;
	v51 =	vld.idx.msk [tilespmem:v52+s18+$0x0], $0xffff  }
0x178: {  	v56 =	vor.u32 $0x3, v52;
	v53 =	vmul.f32 v53, v54;
	v54 =	vld.idx.msk [tilespmem:v59+s18+$0x0], $0xffff  }
0x179: {  	v34 =	vadd.f32 v49, v34;
	v32 =	vadd.f32 v60, v32;
	v59 =	vor.u32 $0x5, v52;
	v58 =	vld.idx.msk [tilespmem:v63+s18+$0x0], $0xffff  }
0x17a: {  	v60 =	vor.u32 $0x4, v52;
	v35 =	vadd.f32 v61, v35;
	v57 =	vadd.f32 v62, v57  }
0x17b: {  	v49 =	vmul.f32 v62, v62;
	v61 =	vmul.f32 v47, v47;
	v45 =	vadd.f32 v47, v45  }
0x17c: {  	v63 =	vmul.f32 v53, v53;
	v28 =	vadd.f32 v53, v28;
	v53 =	vor.u32 $0x6, v52  }
0x17d: {  	v29 =	vadd.f32 v49, v29;
	v30 =	vadd.f32 v61, v30;
	v62 =	vmul.f32 v51, v55;
	v51 =	vld.idx.msk [tilespmem:v56+s18+$0x0], $0xffff  }
0x17e: {  	v61 =	vmul.f32 v50, v55;
	v47 =	vmul.f32 v58, v55;
	v58 =	vld.idx.msk [tilespmem:v59+s18+$0x0], $0xffff;
	v59 =	vor.u32 $0x7, v52  }
0x17f: {  	v49 =	vld.idx.msk [tilespmem:v60+s18+$0x0], $0xffff;
	v60 =	vor.u32 $0x8, v52;
	v54 =	vmul.f32 v54, v55;
	v56 =	vmul.f32 v62, v62  }
0x180: {  	v33 =	vadd.f32 v61, v33;
	v61 =	vor.u32 $0x9, v52;
	v50 =	vmul.f32 v47, v47  }
0x181: {  	v35 =	vadd.f32 v56, v35;
	v56 =	vmul.f32 v54, v54  }
0x182: {  	v32 =	vadd.f32 v63, v32;
	v63 =	vmul.f32 v51, v55;
	v29 =	vadd.f32 v50, v29;
	v50 =	vld.idx.msk [tilespmem:v53+s18+$0x0], $0xffff  }
0x183: {  	v31 =	vadd.f32 v54, v31;
	v30 =	vadd.f32 v56, v30;
	v56 =	vor.u32 $0xA, v52;
	v54 =	vld.idx.msk [tilespmem:v59+s18+$0x0], $0xffff  }
0x184: {  	v51 =	vmul.f32 v63, v63;
	v53 =	vmul.f32 v58, v55;
	v58 =	vld.idx.msk [tilespmem:v60+s18+$0x0], $0xffff;
	v59 =	vor.u32 $0xB, v52  }
0x185: {  	v41 =	vadd.f32 v62, v41;
	v49 =	vmul.f32 v49, v55;
	v60 =	vld.idx.msk [tilespmem:v61+s18+$0x0], $0xffff;
	v61 =	vor.u32 $0xC, v52  }
0x186: {  	v42 =	vadd.f32 v47, v42;
	v32 =	vadd.f32 v51, v32;
	v51 =	vmul.f32 v53, v53  }
0x187: {  	v47 =	vmul.f32 v49, v49;
	v46 =	vadd.f32 v63, v46;
	v36 =	vadd.f32 v53, v36  }
0x188: {  	v53 =	vor.u32 $0xD, v52;
	v62 =	vmul.f32 v50, v55;
	v29 =	vadd.f32 v51, v29;
	v51 =	vld.idx.msk [tilespmem:v56+s18+$0x0], $0xffff  }
0x189: {  	v35 =	vadd.f32 v47, v35;
	v56 =	vor.u32 $0xE, v52;
	v50 =	vmul.f32 v54, v55;
	v54 =	vld.idx.msk [tilespmem:v59+s18+$0x0], $0xffff  }
0x18a: {  	v59 =	vld.idx.msk [tilespmem:v61+s18+$0x0], $0xffff;
	v63 =	vmul.f32 v62, v62;
	v37 =	vadd.f32 v62, v37;
	v62 =	vmul.f32 v58, v55  }
0x18b: {  	v52 =	vor.u32 $0xF, v52;
	v60 =	vmul.f32 v60, v55;
	v38 =	vadd.f32 v50, v38  }
0x18c: {  	v30 =	vadd.f32 v63, v30;
	v63 =	vmul.f32 v50, v50;
	v61 =	vmul.f32 v62, v62  }
0x18d: {  	v39 =	vadd.f32 v62, v39;
	v62 =	vmul.f32 v60, v60;
	v50 =	vld.idx.msk [tilespmem:v53+s18+$0x0], $0xffff;
	v53 =	vor.u32 v16, v27  }
0x18e: {  	v32 =	vadd.f32 v63, v32;
	v35 =	vadd.f32 v61, v35;
	v63 =	vmul.f32 v51, v55;
	v51 =	vld.idx.msk [tilespmem:v56+s18+$0x0], $0xffff  }
0x18f: {  	v29 =	vadd.f32 v62, v29;
	v61 =	vmul.f32 v59, v55;
	v62 =	vor.u32 $0x1, v53  }
0x190: {  	v40 =	vadd.f32 v60, v40;
	v52 =	vld.idx.msk [tilespmem:v52+s18+$0x0], $0xffff;
	v59 =	vor.u32 $0x2, v53;
	v60 =	vmul.f32 v63, v63  }
0x191: {  	v47 =	vmul.f32 v54, v55;
	v54 =	vld [tilespmem:s26+$0xFFFFFE80];
	v44 =	vadd.f32 v63, v44;
	v48 =	vadd.f32 v61, v48  }
0x192: {  	v30 =	vadd.f32 v60, v30;
	v60 =	vmul.f32 v61, v61;
	v61 =	vmul.f32 v50, v55;
	v50 =	vld [tilespmem:s25+$0xFFFFFE80]  }
0x193: {  	v63 =	vmul.f32 v47, v47;
	v43 =	vadd.f32 v47, v43;
	v47 =	vmul.f32 v51, v55;
	v51 =	vld.idx.msk [tilespmem:v53+s18+$0x0], $0xffff  }
0x194: {  	v56 =	vor.u32 $0x3, v53;
	v58 =	vld.idx.msk [tilespmem:v62+s18+$0x0], $0xffff  }
0x195: {  	v34 =	vadd.f32 v49, v34;
	v52 =	vmul.f32 v52, v55;
	v55 =	vld.idx.msk [tilespmem:v59+s18+$0x0], $0xffff;
	v59 =	vor.u32 $0x5, v53  }
0x196: {  	v32 =	vadd.f32 v63, v32;
	v35 =	vadd.f32 v60, v35;
	v60 =	vor.u32 $0x4, v53  }
0x197: {  	v57 =	vadd.f32 v61, v57;
	v49 =	vmul.f32 v61, v61;
	v61 =	vmul.f32 v47, v47  }
0x198: {  	v62 =	vmul.f32 v52, v52;
	v28 =	vadd.f32 v52, v28;
	v52 =	vor.u32 $0x6, v53  }
0x199: {  	v45 =	vadd.f32 v47, v45;
	v30 =	vadd.f32 v61, v30;
	v61 =	vmul.f32 v51, v54;
	v51 =	vld.idx.msk [tilespmem:v56+s18+$0x0], $0xffff  }
0x19a: {  	v29 =	vadd.f32 v49, v29;
	v63 =	vmul.f32 v50, v54;
	v47 =	vmul.f32 v58, v54;
	v58 =	vld.idx.msk [tilespmem:v59+s18+$0x0], $0xffff  }
0x19b: {  	v32 =	vadd.f32 v62, v32;
	v55 =	vmul.f32 v55, v54;
	v59 =	vor.u32 $0x7, v53;
	v49 =	vld.idx.msk [tilespmem:v60+s18+$0x0], $0xffff  }
0x19c: {  	v33 =	vadd.f32 v63, v33;
	v60 =	vor.u32 $0x8, v53;
	v56 =	vmul.f32 v61, v61  }
0x19d: {  	v41 =	vadd.f32 v61, v41;
	v50 =	vmul.f32 v47, v47;
	v61 =	vor.u32 $0x9, v53  }
0x19e: {  	v31 =	vadd.f32 v55, v31;
	v35 =	vadd.f32 v56, v35  }
0x19f: {  	v56 =	vmul.f32 v55, v55;
	v29 =	vadd.f32 v50, v29;
	v50 =	vld.idx.msk [tilespmem:v52+s18+$0x0], $0xffff;
	v62 =	vmul.f32 v51, v54  }
0x1a0: {  	v52 =	vmul.f32 v58, v54;
	v55 =	vld.idx.msk [tilespmem:v59+s18+$0x0], $0xffff;
	v59 =	vor.u32 $0xB, v53;
	v49 =	vmul.f32 v49, v54  }
0x1a1: {  	v30 =	vadd.f32 v56, v30;
	v56 =	vor.u32 $0xA, v53;
	v58 =	vld.idx.msk [tilespmem:v60+s18+$0x0], $0xffff;
	v51 =	vmul.f32 v62, v62  }
0x1a2: {  	v42 =	vadd.f32 v47, v42;
	v60 =	vld.idx.msk [tilespmem:v61+s18+$0x0], $0xffff;
	v61 =	vor.u32 $0xC, v53;
	v47 =	vmul.f32 v49, v49  }
0x1a3: {  	v46 =	vadd.f32 v62, v46;
	v32 =	vadd.f32 v51, v32  }
0x1a4: {  	v51 =	vmul.f32 v52, v52;
	v35 =	vadd.f32 v47, v35;
	v47 =	vmul.f32 v50, v54  }
0x1a5: {  	v36 =	vadd.f32 v52, v36;
	v52 =	vor.u32 $0xD, v53;
	v62 =	vmul.f32 v55, v54;
	v55 =	vld.idx.msk [tilespmem:v59+s18+$0x0], $0xffff  }
0x1a6: {  	v29 =	vadd.f32 v51, v29;
	v51 =	vld.idx.msk [tilespmem:v56+s18+$0x0], $0xffff;
	v56 =	vor.u32 $0xE, v53;
	v63 =	vmul.f32 v47, v47  }
0x1a7: {  	v53 =	vor.u32 $0xF, v53;
	v37 =	vadd.f32 v47, v37;
	v47 =	vmul.f32 v58, v54;
	v59 =	vld.idx.msk [tilespmem:v61+s18+$0x0], $0xffff  }
0x1a8: {  	v60 =	vmul.f32 v60, v54;
	v38 =	vadd.f32 v62, v38;
	v30 =	vadd.f32 v63, v30  }
0x1a9: {  	v63 =	vmul.f32 v62, v62;
	v62 =	vmul.f32 v47, v47;
	v39 =	vadd.f32 v47, v39  }
0x1aa: {  	v40 =	vadd.f32 v60, v40;
	v50 =	vld.idx.msk [tilespmem:v52+s18+$0x0], $0xffff;
	v52 =	vor.u32 v15, v27;
	v47 =	vmul.f32 v55, v54  }
0x1ab: {  	v32 =	vadd.f32 v63, v32;
	v63 =	vmul.f32 v60, v60;
	v60 =	vmul.f32 v51, v54;
	v51 =	vld.idx.msk [tilespmem:v56+s18+$0x0], $0xffff  }
0x1ac: {  	v35 =	vadd.f32 v62, v35;
	v53 =	vld.idx.msk [tilespmem:v53+s18+$0x0], $0xffff;
	v62 =	vmul.f32 v59, v54;
	v59 =	vor.u32 $0x2, v52  }
0x1ad: {  	v29 =	vadd.f32 v63, v29;
	v61 =	vmul.f32 v60, v60;
	v63 =	vor.u32 $0x1, v52  }
0x1ae: {  	v55 =	vld [tilespmem:s26+$0xFFFFFF00];
	v43 =	vadd.f32 v47, v43;
	v48 =	vadd.f32 v62, v48  }
0x1af: {  	v30 =	vadd.f32 v61, v30;
	v61 =	vmul.f32 v62, v62;
	v62 =	vmul.f32 v50, v54;
	v50 =	vld [tilespmem:s25+$0xFFFFFF00]  }
0x1b0: {  	v44 =	vadd.f32 v60, v44;
	v60 =	vmul.f32 v47, v47;
	v47 =	vmul.f32 v51, v54;
	v51 =	vld.idx.msk [tilespmem:v52+s18+$0x0], $0xffff  }
0x1b1: {  	v56 =	vor.u32 $0x3, v52;
	v53 =	vmul.f32 v53, v54;
	v54 =	vld.idx.msk [tilespmem:v59+s18+$0x0], $0xffff  }
0x1b2: {  	v34 =	vadd.f32 v49, v34;
	v32 =	vadd.f32 v60, v32;
	v59 =	vor.u32 $0x5, v52;
	v58 =	vld.idx.msk [tilespmem:v63+s18+$0x0], $0xffff  }
0x1b3: {  	v60 =	vor.u32 $0x4, v52;
	v35 =	vadd.f32 v61, v35;
	v57 =	vadd.f32 v62, v57  }
0x1b4: {  	v49 =	vmul.f32 v62, v62;
	v61 =	vmul.f32 v47, v47;
	v45 =	vadd.f32 v47, v45  }
0x1b5: {  	v63 =	vmul.f32 v53, v53;
	v28 =	vadd.f32 v53, v28;
	v53 =	vor.u32 $0x6, v52  }
0x1b6: {  	v29 =	vadd.f32 v49, v29;
	v30 =	vadd.f32 v61, v30;
	v62 =	vmul.f32 v51, v55;
	v51 =	vld.idx.msk [tilespmem:v56+s18+$0x0], $0xffff  }
0x1b7: {  	v61 =	vmul.f32 v50, v55;
	v47 =	vmul.f32 v58, v55;
	v58 =	vld.idx.msk [tilespmem:v59+s18+$0x0], $0xffff;
	v59 =	vor.u32 $0x7, v52  }
0x1b8: {  	v49 =	vld.idx.msk [tilespmem:v60+s18+$0x0], $0xffff;
	v60 =	vor.u32 $0x8, v52;
	v54 =	vmul.f32 v54, v55;
	v56 =	vmul.f32 v62, v62  }
0x1b9: {  	v33 =	vadd.f32 v61, v33;
	v61 =	vor.u32 $0x9, v52;
	v50 =	vmul.f32 v47, v47  }
0x1ba: {  	v35 =	vadd.f32 v56, v35;
	v56 =	vmul.f32 v54, v54  }
0x1bb: {  	v32 =	vadd.f32 v63, v32;
	v63 =	vmul.f32 v51, v55;
	v29 =	vadd.f32 v50, v29;
	v50 =	vld.idx.msk [tilespmem:v53+s18+$0x0], $0xffff  }
0x1bc: {  	v31 =	vadd.f32 v54, v31;
	v30 =	vadd.f32 v56, v30;
	v56 =	vor.u32 $0xA, v52;
	v54 =	vld.idx.msk [tilespmem:v59+s18+$0x0], $0xffff  }
0x1bd: {  	v51 =	vmul.f32 v63, v63;
	v53 =	vmul.f32 v58, v55;
	v58 =	vld.idx.msk [tilespmem:v60+s18+$0x0], $0xffff;
	v59 =	vor.u32 $0xB, v52  }
0x1be: {  	v41 =	vadd.f32 v62, v41;
	v49 =	vmul.f32 v49, v55;
	v60 =	vld.idx.msk [tilespmem:v61+s18+$0x0], $0xffff;
	v61 =	vor.u32 $0xC, v52  }
0x1bf: {  	v42 =	vadd.f32 v47, v42;
	v32 =	vadd.f32 v51, v32;
	v51 =	vmul.f32 v53, v53  }
0x1c0: {  	v47 =	vmul.f32 v49, v49;
	v46 =	vadd.f32 v63, v46;
	v36 =	vadd.f32 v53, v36  }
0x1c1: {  	v53 =	vor.u32 $0xD, v52;
	v62 =	vmul.f32 v50, v55;
	v29 =	vadd.f32 v51, v29;
	v51 =	vld.idx.msk [tilespmem:v56+s18+$0x0], $0xffff  }
0x1c2: {  	v35 =	vadd.f32 v47, v35;
	v56 =	vor.u32 $0xE, v52;
	v50 =	vmul.f32 v54, v55;
	v54 =	vld.idx.msk [tilespmem:v59+s18+$0x0], $0xffff  }
0x1c3: {  	v59 =	vld.idx.msk [tilespmem:v61+s18+$0x0], $0xffff;
	v63 =	vmul.f32 v62, v62;
	v37 =	vadd.f32 v62, v37;
	v62 =	vmul.f32 v58, v55  }
0x1c4: {  	v52 =	vor.u32 $0xF, v52;
	v60 =	vmul.f32 v60, v55;
	v38 =	vadd.f32 v50, v38  }
0x1c5: {  	v30 =	vadd.f32 v63, v30;
	v63 =	vmul.f32 v50, v50;
	v61 =	vmul.f32 v62, v62  }
0x1c6: {  	v39 =	vadd.f32 v62, v39;
	v62 =	vmul.f32 v60, v60;
	v50 =	vld.idx.msk [tilespmem:v53+s18+$0x0], $0xffff;
	v53 =	vor.u32 v14, v27  }
0x1c7: {  	v32 =	vadd.f32 v63, v32;
	v35 =	vadd.f32 v61, v35;
	v63 =	vmul.f32 v51, v55;
	v51 =	vld.idx.msk [tilespmem:v56+s18+$0x0], $0xffff  }
0x1c8: {  	v29 =	vadd.f32 v62, v29;
	v61 =	vmul.f32 v59, v55;
	v62 =	vor.u32 $0x1, v53  }
0x1c9: {  	v40 =	vadd.f32 v60, v40;
	v52 =	vld.idx.msk [tilespmem:v52+s18+$0x0], $0xffff;
	v59 =	vor.u32 $0x2, v53;
	v60 =	vmul.f32 v63, v63  }
0x1ca: {  	v47 =	vmul.f32 v54, v55;
	v54 =	vld [tilespmem:s26+$0xFFFFFF80];
	v44 =	vadd.f32 v63, v44;
	v48 =	vadd.f32 v61, v48  }
0x1cb: {  	v30 =	vadd.f32 v60, v30;
	v60 =	vmul.f32 v61, v61;
	v61 =	vmul.f32 v50, v55;
	v50 =	vld [tilespmem:s25+$0xFFFFFF80]  }
0x1cc: {  	v63 =	vmul.f32 v47, v47;
	v43 =	vadd.f32 v47, v43;
	v47 =	vmul.f32 v51, v55;
	v51 =	vld.idx.msk [tilespmem:v53+s18+$0x0], $0xffff  }
0x1cd: {  	v56 =	vor.u32 $0x3, v53;
	v58 =	vld.idx.msk [tilespmem:v62+s18+$0x0], $0xffff  }
0x1ce: {  	v34 =	vadd.f32 v49, v34;
	v52 =	vmul.f32 v52, v55;
	v55 =	vld.idx.msk [tilespmem:v59+s18+$0x0], $0xffff;
	v59 =	vor.u32 $0x5, v53  }
0x1cf: {  	v32 =	vadd.f32 v63, v32;
	v35 =	vadd.f32 v60, v35;
	v60 =	vor.u32 $0x4, v53  }
0x1d0: {  	v57 =	vadd.f32 v61, v57;
	v49 =	vmul.f32 v61, v61;
	v61 =	vmul.f32 v47, v47  }
0x1d1: {  	v62 =	vmul.f32 v52, v52;
	v28 =	vadd.f32 v52, v28;
	v52 =	vor.u32 $0x6, v53  }
0x1d2: {  	v45 =	vadd.f32 v47, v45;
	v30 =	vadd.f32 v61, v30;
	v61 =	vmul.f32 v51, v54;
	v51 =	vld.idx.msk [tilespmem:v56+s18+$0x0], $0xffff  }
0x1d3: {  	v29 =	vadd.f32 v49, v29;
	v63 =	vmul.f32 v50, v54;
	v47 =	vmul.f32 v58, v54;
	v58 =	vld.idx.msk [tilespmem:v59+s18+$0x0], $0xffff  }
0x1d4: {  	v32 =	vadd.f32 v62, v32;
	v55 =	vmul.f32 v55, v54;
	v59 =	vor.u32 $0x7, v53;
	v49 =	vld.idx.msk [tilespmem:v60+s18+$0x0], $0xffff  }
0x1d5: {  	v33 =	vadd.f32 v63, v33;
	v60 =	vor.u32 $0x8, v53;
	v56 =	vmul.f32 v61, v61  }
0x1d6: {  	v41 =	vadd.f32 v61, v41;
	v50 =	vmul.f32 v47, v47;
	v61 =	vor.u32 $0x9, v53  }
0x1d7: {  	v31 =	vadd.f32 v55, v31;
	v35 =	vadd.f32 v56, v35  }
0x1d8: {  	v56 =	vmul.f32 v55, v55;
	v29 =	vadd.f32 v50, v29;
	v50 =	vld.idx.msk [tilespmem:v52+s18+$0x0], $0xffff;
	v62 =	vmul.f32 v51, v54  }
0x1d9: {  	v52 =	vmul.f32 v58, v54;
	v55 =	vld.idx.msk [tilespmem:v59+s18+$0x0], $0xffff;
	v59 =	vor.u32 $0xB, v53;
	v49 =	vmul.f32 v49, v54  }
0x1da: {  	v30 =	vadd.f32 v56, v30;
	v56 =	vor.u32 $0xA, v53;
	v58 =	vld.idx.msk [tilespmem:v60+s18+$0x0], $0xffff;
	v51 =	vmul.f32 v62, v62  }
0x1db: {  	v42 =	vadd.f32 v47, v42;
	v60 =	vld.idx.msk [tilespmem:v61+s18+$0x0], $0xffff;
	v61 =	vor.u32 $0xC, v53;
	v47 =	vmul.f32 v49, v49  }
0x1dc: {  	v46 =	vadd.f32 v62, v46;
	v32 =	vadd.f32 v51, v32  }
0x1dd: {  	v51 =	vmul.f32 v52, v52;
	v35 =	vadd.f32 v47, v35;
	v47 =	vmul.f32 v50, v54  }
0x1de: {  	v36 =	vadd.f32 v52, v36;
	v52 =	vor.u32 $0xD, v53;
	v62 =	vmul.f32 v55, v54;
	v55 =	vld.idx.msk [tilespmem:v59+s18+$0x0], $0xffff  }
0x1df: {  	v29 =	vadd.f32 v51, v29;
	v51 =	vld.idx.msk [tilespmem:v56+s18+$0x0], $0xffff;
	v56 =	vor.u32 $0xE, v53;
	v63 =	vmul.f32 v47, v47  }
0x1e0: {  	v53 =	vor.u32 $0xF, v53;
	v37 =	vadd.f32 v47, v37;
	v47 =	vmul.f32 v58, v54;
	v59 =	vld.idx.msk [tilespmem:v61+s18+$0x0], $0xffff  }
0x1e1: {  	v60 =	vmul.f32 v60, v54;
	v38 =	vadd.f32 v62, v38;
	v30 =	vadd.f32 v63, v30  }
0x1e2: {  	v63 =	vmul.f32 v62, v62;
	v62 =	vmul.f32 v47, v47;
	v39 =	vadd.f32 v47, v39  }
0x1e3: {  	v40 =	vadd.f32 v60, v40;
	v50 =	vld.idx.msk [tilespmem:v52+s18+$0x0], $0xffff;
	v52 =	vor.u32 v13, v27;
	v47 =	vmul.f32 v55, v54  }
0x1e4: {  	v32 =	vadd.f32 v63, v32;
	v63 =	vmul.f32 v60, v60;
	v60 =	vmul.f32 v51, v54;
	v51 =	vld.idx.msk [tilespmem:v56+s18+$0x0], $0xffff  }
0x1e5: {  	v35 =	vadd.f32 v62, v35;
	v53 =	vld.idx.msk [tilespmem:v53+s18+$0x0], $0xffff;
	v62 =	vmul.f32 v59, v54;
	v59 =	vor.u32 $0x2, v52  }
0x1e6: {  	v29 =	vadd.f32 v63, v29;
	v61 =	vmul.f32 v60, v60;
	v63 =	vor.u32 $0x1, v52  }
0x1e7: {  	v55 =	vld [tilespmem:s26+$0x0];
	v43 =	vadd.f32 v47, v43;
	v48 =	vadd.f32 v62, v48  }
0x1e8: {  	v30 =	vadd.f32 v61, v30;
	v61 =	vmul.f32 v62, v62;
	v62 =	vmul.f32 v50, v54;
	v50 =	vld [tilespmem:s25+$0x0]  }
0x1e9: {  	v44 =	vadd.f32 v60, v44;
	v60 =	vmul.f32 v47, v47;
	v47 =	vmul.f32 v51, v54;
	v51 =	vld.idx.msk [tilespmem:v52+s18+$0x0], $0xffff  }
0x1ea: {  	v56 =	vor.u32 $0x3, v52;
	v53 =	vmul.f32 v53, v54;
	v54 =	vld.idx.msk [tilespmem:v59+s18+$0x0], $0xffff  }
0x1eb: {  	v34 =	vadd.f32 v49, v34;
	v32 =	vadd.f32 v60, v32;
	v59 =	vor.u32 $0x5, v52;
	v58 =	vld.idx.msk [tilespmem:v63+s18+$0x0], $0xffff  }
0x1ec: {  	v60 =	vor.u32 $0x4, v52;
	v35 =	vadd.f32 v61, v35;
	v57 =	vadd.f32 v62, v57  }
0x1ed: {  	v49 =	vmul.f32 v62, v62;
	v61 =	vmul.f32 v47, v47;
	v45 =	vadd.f32 v47, v45  }
0x1ee: {  	v63 =	vmul.f32 v53, v53;
	v28 =	vadd.f32 v53, v28;
	v53 =	vor.u32 $0x6, v52  }
0x1ef: {  	v29 =	vadd.f32 v49, v29;
	v30 =	vadd.f32 v61, v30;
	v62 =	vmul.f32 v51, v55;
	v51 =	vld.idx.msk [tilespmem:v56+s18+$0x0], $0xffff  }
0x1f0: {  	v61 =	vmul.f32 v50, v55;
	v47 =	vmul.f32 v58, v55;
	v58 =	vld.idx.msk [tilespmem:v59+s18+$0x0], $0xffff;
	v59 =	vor.u32 $0x7, v52  }
0x1f1: {  	v49 =	vld.idx.msk [tilespmem:v60+s18+$0x0], $0xffff;
	v60 =	vor.u32 $0x8, v52;
	v54 =	vmul.f32 v54, v55;
	v56 =	vmul.f32 v62, v62  }
0x1f2: {  	v33 =	vadd.f32 v61, v33;
	v61 =	vor.u32 $0x9, v52;
	v50 =	vmul.f32 v47, v47  }
0x1f3: {  	v35 =	vadd.f32 v56, v35;
	v56 =	vmul.f32 v54, v54  }
0x1f4: {  	v32 =	vadd.f32 v63, v32;
	v63 =	vmul.f32 v51, v55;
	v29 =	vadd.f32 v50, v29;
	v50 =	vld.idx.msk [tilespmem:v53+s18+$0x0], $0xffff  }
0x1f5: {  	v31 =	vadd.f32 v54, v31;
	v30 =	vadd.f32 v56, v30;
	v56 =	vor.u32 $0xA, v52;
	v54 =	vld.idx.msk [tilespmem:v59+s18+$0x0], $0xffff  }
0x1f6: {  	v51 =	vmul.f32 v63, v63;
	v53 =	vmul.f32 v58, v55;
	v58 =	vld.idx.msk [tilespmem:v60+s18+$0x0], $0xffff;
	v59 =	vor.u32 $0xB, v52  }
0x1f7: {  	v41 =	vadd.f32 v62, v41;
	v49 =	vmul.f32 v49, v55;
	v60 =	vld.idx.msk [tilespmem:v61+s18+$0x0], $0xffff;
	v61 =	vor.u32 $0xC, v52  }
0x1f8: {  	v42 =	vadd.f32 v47, v42;
	v32 =	vadd.f32 v51, v32;
	v51 =	vmul.f32 v53, v53  }
0x1f9: {  	v47 =	vmul.f32 v49, v49;
	v46 =	vadd.f32 v63, v46;
	v36 =	vadd.f32 v53, v36  }
0x1fa: {  	v53 =	vor.u32 $0xD, v52;
	v62 =	vmul.f32 v50, v55;
	v29 =	vadd.f32 v51, v29;
	v51 =	vld.idx.msk [tilespmem:v56+s18+$0x0], $0xffff  }
0x1fb: {  	v35 =	vadd.f32 v47, v35;
	v56 =	vor.u32 $0xE, v52;
	v50 =	vmul.f32 v54, v55;
	v54 =	vld.idx.msk [tilespmem:v59+s18+$0x0], $0xffff  }
0x1fc: {  	v59 =	vld.idx.msk [tilespmem:v61+s18+$0x0], $0xffff;
	v63 =	vmul.f32 v62, v62;
	v37 =	vadd.f32 v62, v37;
	v62 =	vmul.f32 v58, v55  }
0x1fd: {  	v52 =	vor.u32 $0xF, v52;
	v60 =	vmul.f32 v60, v55;
	v38 =	vadd.f32 v50, v38  }
0x1fe: {  	v30 =	vadd.f32 v63, v30;
	v63 =	vmul.f32 v50, v50;
	v61 =	vmul.f32 v62, v62  }
0x1ff: {  	v39 =	vadd.f32 v62, v39;
	v62 =	vmul.f32 v60, v60;
	v50 =	vld.idx.msk [tilespmem:v53+s18+$0x0], $0xffff;
	v53 =	vor.u32 v12, v27  }
0x200: {  	v32 =	vadd.f32 v63, v32;
	v35 =	vadd.f32 v61, v35;
	v63 =	vmul.f32 v51, v55;
	v51 =	vld.idx.msk [tilespmem:v56+s18+$0x0], $0xffff  }
0x201: {  	v29 =	vadd.f32 v62, v29;
	v61 =	vmul.f32 v59, v55;
	v62 =	vor.u32 $0x1, v53  }
0x202: {  	v40 =	vadd.f32 v60, v40;
	v52 =	vld.idx.msk [tilespmem:v52+s18+$0x0], $0xffff;
	v59 =	vor.u32 $0x2, v53;
	v60 =	vmul.f32 v63, v63  }
0x203: {  	v47 =	vmul.f32 v54, v55;
	v54 =	vld [tilespmem:s26+$0x80];
	v44 =	vadd.f32 v63, v44;
	v48 =	vadd.f32 v61, v48  }
0x204: {  	v30 =	vadd.f32 v60, v30;
	v60 =	vmul.f32 v61, v61;
	v61 =	vmul.f32 v50, v55;
	v50 =	vld [tilespmem:s25+$0x80]  }
0x205: {  	v63 =	vmul.f32 v47, v47;
	v43 =	vadd.f32 v47, v43;
	v47 =	vmul.f32 v51, v55;
	v51 =	vld.idx.msk [tilespmem:v53+s18+$0x0], $0xffff  }
0x206: {  	v56 =	vor.u32 $0x3, v53;
	v58 =	vld.idx.msk [tilespmem:v62+s18+$0x0], $0xffff  }
0x207: {  	v34 =	vadd.f32 v49, v34;
	v52 =	vmul.f32 v52, v55;
	v55 =	vld.idx.msk [tilespmem:v59+s18+$0x0], $0xffff;
	v59 =	vor.u32 $0x5, v53  }
0x208: {  	v32 =	vadd.f32 v63, v32;
	v35 =	vadd.f32 v60, v35;
	v60 =	vor.u32 $0x4, v53  }
0x209: {  	v57 =	vadd.f32 v61, v57;
	v49 =	vmul.f32 v61, v61;
	v61 =	vmul.f32 v47, v47  }
0x20a: {  	v62 =	vmul.f32 v52, v52;
	v28 =	vadd.f32 v52, v28;
	v52 =	vor.u32 $0x6, v53  }
0x20b: {  	v45 =	vadd.f32 v47, v45;
	v30 =	vadd.f32 v61, v30;
	v61 =	vmul.f32 v51, v54;
	v51 =	vld.idx.msk [tilespmem:v56+s18+$0x0], $0xffff  }
0x20c: {  	v29 =	vadd.f32 v49, v29;
	v63 =	vmul.f32 v50, v54;
	v47 =	vmul.f32 v58, v54;
	v58 =	vld.idx.msk [tilespmem:v59+s18+$0x0], $0xffff  }
0x20d: {  	v32 =	vadd.f32 v62, v32;
	v55 =	vmul.f32 v55, v54;
	v59 =	vor.u32 $0x7, v53;
	v49 =	vld.idx.msk [tilespmem:v60+s18+$0x0], $0xffff  }
0x20e: {  	v33 =	vadd.f32 v63, v33;
	v60 =	vor.u32 $0x8, v53;
	v56 =	vmul.f32 v61, v61  }
0x20f: {  	v41 =	vadd.f32 v61, v41;
	v50 =	vmul.f32 v47, v47;
	v61 =	vor.u32 $0x9, v53  }
0x210: {  	v31 =	vadd.f32 v55, v31;
	v35 =	vadd.f32 v56, v35  }
0x211: {  	v56 =	vmul.f32 v55, v55;
	v29 =	vadd.f32 v50, v29;
	v50 =	vld.idx.msk [tilespmem:v52+s18+$0x0], $0xffff;
	v62 =	vmul.f32 v51, v54  }
0x212: {  	v52 =	vmul.f32 v58, v54;
	v55 =	vld.idx.msk [tilespmem:v59+s18+$0x0], $0xffff;
	v59 =	vor.u32 $0xB, v53;
	v49 =	vmul.f32 v49, v54  }
0x213: {  	v30 =	vadd.f32 v56, v30;
	v56 =	vor.u32 $0xA, v53;
	v58 =	vld.idx.msk [tilespmem:v60+s18+$0x0], $0xffff;
	v51 =	vmul.f32 v62, v62  }
0x214: {  	v42 =	vadd.f32 v47, v42;
	v60 =	vld.idx.msk [tilespmem:v61+s18+$0x0], $0xffff;
	v61 =	vor.u32 $0xC, v53;
	v47 =	vmul.f32 v49, v49  }
0x215: {  	v46 =	vadd.f32 v62, v46;
	v32 =	vadd.f32 v51, v32  }
0x216: {  	v51 =	vmul.f32 v52, v52;
	v35 =	vadd.f32 v47, v35;
	v47 =	vmul.f32 v50, v54  }
0x217: {  	v36 =	vadd.f32 v52, v36;
	v52 =	vor.u32 $0xD, v53;
	v62 =	vmul.f32 v55, v54;
	v55 =	vld.idx.msk [tilespmem:v59+s18+$0x0], $0xffff  }
0x218: {  	v29 =	vadd.f32 v51, v29;
	v51 =	vld.idx.msk [tilespmem:v56+s18+$0x0], $0xffff;
	v56 =	vor.u32 $0xE, v53;
	v63 =	vmul.f32 v47, v47  }
0x219: {  	v53 =	vor.u32 $0xF, v53;
	v37 =	vadd.f32 v47, v37;
	v47 =	vmul.f32 v58, v54;
	v59 =	vld.idx.msk [tilespmem:v61+s18+$0x0], $0xffff  }
0x21a: {  	v60 =	vmul.f32 v60, v54;
	v38 =	vadd.f32 v62, v38;
	v30 =	vadd.f32 v63, v30  }
0x21b: {  	v63 =	vmul.f32 v62, v62;
	v62 =	vmul.f32 v47, v47;
	v39 =	vadd.f32 v47, v39  }
0x21c: {  	v40 =	vadd.f32 v60, v40;
	v50 =	vld.idx.msk [tilespmem:v52+s18+$0x0], $0xffff;
	v52 =	vor.u32 v11, v27;
	v47 =	vmul.f32 v55, v54  }
0x21d: {  	v32 =	vadd.f32 v63, v32;
	v63 =	vmul.f32 v60, v60;
	v60 =	vmul.f32 v51, v54;
	v51 =	vld.idx.msk [tilespmem:v56+s18+$0x0], $0xffff  }
0x21e: {  	v35 =	vadd.f32 v62, v35;
	v53 =	vld.idx.msk [tilespmem:v53+s18+$0x0], $0xffff;
	v62 =	vmul.f32 v59, v54;
	v59 =	vor.u32 $0x2, v52  }
0x21f: {  	v29 =	vadd.f32 v63, v29;
	v61 =	vmul.f32 v60, v60;
	v63 =	vor.u32 $0x1, v52  }
0x220: {  	v55 =	vld [tilespmem:s26+$0x100];
	v43 =	vadd.f32 v47, v43;
	v48 =	vadd.f32 v62, v48  }
0x221: {  	v30 =	vadd.f32 v61, v30;
	v61 =	vmul.f32 v62, v62;
	v62 =	vmul.f32 v50, v54;
	v50 =	vld [tilespmem:s25+$0x100]  }
0x222: {  	v44 =	vadd.f32 v60, v44;
	v60 =	vmul.f32 v47, v47;
	v47 =	vmul.f32 v51, v54;
	v51 =	vld.idx.msk [tilespmem:v52+s18+$0x0], $0xffff  }
0x223: {  	v56 =	vor.u32 $0x3, v52;
	v53 =	vmul.f32 v53, v54;
	v54 =	vld.idx.msk [tilespmem:v59+s18+$0x0], $0xffff  }
0x224: {  	v34 =	vadd.f32 v49, v34;
	v32 =	vadd.f32 v60, v32;
	v59 =	vor.u32 $0x5, v52;
	v58 =	vld.idx.msk [tilespmem:v63+s18+$0x0], $0xffff  }
0x225: {  	v60 =	vor.u32 $0x4, v52;
	v35 =	vadd.f32 v61, v35;
	v57 =	vadd.f32 v62, v57  }
0x226: {  	v49 =	vmul.f32 v62, v62;
	v61 =	vmul.f32 v47, v47;
	v45 =	vadd.f32 v47, v45  }
0x227: {  	v63 =	vmul.f32 v53, v53;
	v28 =	vadd.f32 v53, v28;
	v53 =	vor.u32 $0x6, v52  }
0x228: {  	v29 =	vadd.f32 v49, v29;
	v30 =	vadd.f32 v61, v30;
	v62 =	vmul.f32 v51, v55;
	v51 =	vld.idx.msk [tilespmem:v56+s18+$0x0], $0xffff  }
0x229: {  	v61 =	vmul.f32 v50, v55;
	v47 =	vmul.f32 v58, v55;
	v58 =	vld.idx.msk [tilespmem:v59+s18+$0x0], $0xffff;
	v59 =	vor.u32 $0x7, v52  }
0x22a: {  	v49 =	vld.idx.msk [tilespmem:v60+s18+$0x0], $0xffff;
	v60 =	vor.u32 $0x8, v52;
	v54 =	vmul.f32 v54, v55;
	v56 =	vmul.f32 v62, v62  }
0x22b: {  	v33 =	vadd.f32 v61, v33;
	v61 =	vor.u32 $0x9, v52;
	v50 =	vmul.f32 v47, v47  }
0x22c: {  	v35 =	vadd.f32 v56, v35;
	v56 =	vmul.f32 v54, v54  }
0x22d: {  	v32 =	vadd.f32 v63, v32;
	v63 =	vmul.f32 v51, v55;
	v29 =	vadd.f32 v50, v29;
	v50 =	vld.idx.msk [tilespmem:v53+s18+$0x0], $0xffff  }
0x22e: {  	v31 =	vadd.f32 v54, v31;
	v30 =	vadd.f32 v56, v30;
	v56 =	vor.u32 $0xA, v52;
	v54 =	vld.idx.msk [tilespmem:v59+s18+$0x0], $0xffff  }
0x22f: {  	v51 =	vmul.f32 v63, v63;
	v53 =	vmul.f32 v58, v55;
	v58 =	vld.idx.msk [tilespmem:v60+s18+$0x0], $0xffff;
	v59 =	vor.u32 $0xB, v52  }
0x230: {  	v41 =	vadd.f32 v62, v41;
	v49 =	vmul.f32 v49, v55;
	v60 =	vld.idx.msk [tilespmem:v61+s18+$0x0], $0xffff;
	v61 =	vor.u32 $0xC, v52  }
0x231: {  	v42 =	vadd.f32 v47, v42;
	v32 =	vadd.f32 v51, v32;
	v51 =	vmul.f32 v53, v53  }
0x232: {  	v47 =	vmul.f32 v49, v49;
	v46 =	vadd.f32 v63, v46;
	v36 =	vadd.f32 v53, v36  }
0x233: {  	v53 =	vor.u32 $0xD, v52;
	v62 =	vmul.f32 v50, v55;
	v29 =	vadd.f32 v51, v29;
	v51 =	vld.idx.msk [tilespmem:v56+s18+$0x0], $0xffff  }
0x234: {  	v35 =	vadd.f32 v47, v35;
	v56 =	vor.u32 $0xE, v52;
	v50 =	vmul.f32 v54, v55;
	v54 =	vld.idx.msk [tilespmem:v59+s18+$0x0], $0xffff  }
0x235: {  	v59 =	vld.idx.msk [tilespmem:v61+s18+$0x0], $0xffff;
	v63 =	vmul.f32 v62, v62;
	v37 =	vadd.f32 v62, v37;
	v62 =	vmul.f32 v58, v55  }
0x236: {  	v52 =	vor.u32 $0xF, v52;
	v60 =	vmul.f32 v60, v55;
	v38 =	vadd.f32 v50, v38  }
0x237: {  	v30 =	vadd.f32 v63, v30;
	v63 =	vmul.f32 v50, v50;
	v61 =	vmul.f32 v62, v62  }
0x238: {  	v39 =	vadd.f32 v62, v39;
	v62 =	vmul.f32 v60, v60;
	v50 =	vld.idx.msk [tilespmem:v53+s18+$0x0], $0xffff;
	v53 =	vor.u32 v10, v27  }
0x239: {  	v32 =	vadd.f32 v63, v32;
	v35 =	vadd.f32 v61, v35;
	v63 =	vmul.f32 v51, v55;
	v51 =	vld.idx.msk [tilespmem:v56+s18+$0x0], $0xffff  }
0x23a: {  	v29 =	vadd.f32 v62, v29;
	v61 =	vmul.f32 v59, v55;
	v62 =	vor.u32 $0x1, v53  }
0x23b: {  	v40 =	vadd.f32 v60, v40;
	v52 =	vld.idx.msk [tilespmem:v52+s18+$0x0], $0xffff;
	v59 =	vor.u32 $0x2, v53;
	v60 =	vmul.f32 v63, v63  }
0x23c: {  	v47 =	vmul.f32 v54, v55;
	v54 =	vld [tilespmem:s26+$0x180];
	v44 =	vadd.f32 v63, v44;
	v48 =	vadd.f32 v61, v48  }
0x23d: {  	v30 =	vadd.f32 v60, v30;
	v60 =	vmul.f32 v61, v61;
	v61 =	vmul.f32 v50, v55;
	v50 =	vld [tilespmem:s25+$0x180]  }
0x23e: {  	v63 =	vmul.f32 v47, v47;
	v43 =	vadd.f32 v47, v43;
	v47 =	vmul.f32 v51, v55;
	v51 =	vld.idx.msk [tilespmem:v53+s18+$0x0], $0xffff  }
0x23f: {  	v56 =	vor.u32 $0x3, v53;
	v58 =	vld.idx.msk [tilespmem:v62+s18+$0x0], $0xffff  }
0x240: {  	v34 =	vadd.f32 v49, v34;
	v52 =	vmul.f32 v52, v55;
	v55 =	vld.idx.msk [tilespmem:v59+s18+$0x0], $0xffff;
	v59 =	vor.u32 $0x5, v53  }
0x241: {  	v32 =	vadd.f32 v63, v32;
	v35 =	vadd.f32 v60, v35;
	v60 =	vor.u32 $0x4, v53  }
0x242: {  	v57 =	vadd.f32 v61, v57;
	v49 =	vmul.f32 v61, v61;
	v61 =	vmul.f32 v47, v47  }
0x243: {  	v62 =	vmul.f32 v52, v52;
	v28 =	vadd.f32 v52, v28;
	v52 =	vor.u32 $0x6, v53  }
0x244: {  	v45 =	vadd.f32 v47, v45;
	v30 =	vadd.f32 v61, v30;
	v61 =	vmul.f32 v51, v54;
	v51 =	vld.idx.msk [tilespmem:v56+s18+$0x0], $0xffff  }
0x245: {  	v29 =	vadd.f32 v49, v29;
	v63 =	vmul.f32 v50, v54;
	v47 =	vmul.f32 v58, v54;
	v58 =	vld.idx.msk [tilespmem:v59+s18+$0x0], $0xffff  }
0x246: {  	v32 =	vadd.f32 v62, v32;
	v55 =	vmul.f32 v55, v54;
	v59 =	vor.u32 $0x7, v53;
	v49 =	vld.idx.msk [tilespmem:v60+s18+$0x0], $0xffff  }
0x247: {  	v33 =	vadd.f32 v63, v33;
	v60 =	vor.u32 $0x8, v53;
	v56 =	vmul.f32 v61, v61  }
0x248: {  	v41 =	vadd.f32 v61, v41;
	v50 =	vmul.f32 v47, v47;
	v61 =	vor.u32 $0x9, v53  }
0x249: {  	v31 =	vadd.f32 v55, v31;
	v35 =	vadd.f32 v56, v35  }
0x24a: {  	v56 =	vmul.f32 v55, v55;
	v29 =	vadd.f32 v50, v29;
	v50 =	vld.idx.msk [tilespmem:v52+s18+$0x0], $0xffff;
	v62 =	vmul.f32 v51, v54  }
0x24b: {  	v52 =	vmul.f32 v58, v54;
	v55 =	vld.idx.msk [tilespmem:v59+s18+$0x0], $0xffff;
	v59 =	vor.u32 $0xB, v53;
	v49 =	vmul.f32 v49, v54  }
0x24c: {  	v30 =	vadd.f32 v56, v30;
	v56 =	vor.u32 $0xA, v53;
	v58 =	vld.idx.msk [tilespmem:v60+s18+$0x0], $0xffff;
	v51 =	vmul.f32 v62, v62  }
0x24d: {  	v42 =	vadd.f32 v47, v42;
	v60 =	vld.idx.msk [tilespmem:v61+s18+$0x0], $0xffff;
	v61 =	vor.u32 $0xC, v53;
	v47 =	vmul.f32 v49, v49  }
0x24e: {  	v46 =	vadd.f32 v62, v46;
	v32 =	vadd.f32 v51, v32  }
0x24f: {  	v51 =	vmul.f32 v52, v52;
	v35 =	vadd.f32 v47, v35;
	v47 =	vmul.f32 v50, v54  }
0x250: {  	v36 =	vadd.f32 v52, v36;
	v52 =	vor.u32 $0xD, v53;
	v62 =	vmul.f32 v55, v54;
	v55 =	vld.idx.msk [tilespmem:v59+s18+$0x0], $0xffff  }
0x251: {  	v29 =	vadd.f32 v51, v29;
	v51 =	vld.idx.msk [tilespmem:v56+s18+$0x0], $0xffff;
	v56 =	vor.u32 $0xE, v53;
	v63 =	vmul.f32 v47, v47  }
0x252: {  	v53 =	vor.u32 $0xF, v53;
	v37 =	vadd.f32 v47, v37;
	v47 =	vmul.f32 v58, v54;
	v59 =	vld.idx.msk [tilespmem:v61+s18+$0x0], $0xffff  }
0x253: {  	v60 =	vmul.f32 v60, v54;
	v38 =	vadd.f32 v62, v38;
	v30 =	vadd.f32 v63, v30  }
0x254: {  	v63 =	vmul.f32 v62, v62;
	v62 =	vmul.f32 v47, v47;
	v39 =	vadd.f32 v47, v39  }
0x255: {  	v40 =	vadd.f32 v60, v40;
	v50 =	vld.idx.msk [tilespmem:v52+s18+$0x0], $0xffff;
	v52 =	vor.u32 v9, v27;
	v47 =	vmul.f32 v55, v54  }
0x256: {  	v32 =	vadd.f32 v63, v32;
	v63 =	vmul.f32 v60, v60;
	v60 =	vmul.f32 v51, v54;
	v51 =	vld.idx.msk [tilespmem:v56+s18+$0x0], $0xffff  }
0x257: {  	v35 =	vadd.f32 v62, v35;
	v53 =	vld.idx.msk [tilespmem:v53+s18+$0x0], $0xffff;
	v62 =	vmul.f32 v59, v54;
	v59 =	vor.u32 $0x2, v52  }
0x258: {  	v29 =	vadd.f32 v63, v29;
	v61 =	vmul.f32 v60, v60;
	v63 =	vor.u32 $0x1, v52  }
0x259: {  	v55 =	vld [tilespmem:s26+$0x200];
	v43 =	vadd.f32 v47, v43;
	v48 =	vadd.f32 v62, v48  }
0x25a: {  	v30 =	vadd.f32 v61, v30;
	v61 =	vmul.f32 v62, v62;
	v62 =	vmul.f32 v50, v54;
	v50 =	vld [tilespmem:s25+$0x200]  }
0x25b: {  	v44 =	vadd.f32 v60, v44;
	v60 =	vmul.f32 v47, v47;
	v47 =	vmul.f32 v51, v54;
	v51 =	vld.idx.msk [tilespmem:v52+s18+$0x0], $0xffff  }
0x25c: {  	v56 =	vor.u32 $0x3, v52;
	v53 =	vmul.f32 v53, v54;
	v54 =	vld.idx.msk [tilespmem:v59+s18+$0x0], $0xffff  }
0x25d: {  	v34 =	vadd.f32 v49, v34;
	v32 =	vadd.f32 v60, v32;
	v59 =	vor.u32 $0x5, v52;
	v58 =	vld.idx.msk [tilespmem:v63+s18+$0x0], $0xffff  }
0x25e: {  	v60 =	vor.u32 $0x4, v52;
	v35 =	vadd.f32 v61, v35;
	v57 =	vadd.f32 v62, v57  }
0x25f: {  	v49 =	vmul.f32 v62, v62;
	v61 =	vmul.f32 v47, v47;
	v45 =	vadd.f32 v47, v45  }
0x260: {  	v63 =	vmul.f32 v53, v53;
	v28 =	vadd.f32 v53, v28;
	v53 =	vor.u32 $0x6, v52  }
0x261: {  	v29 =	vadd.f32 v49, v29;
	v30 =	vadd.f32 v61, v30;
	v62 =	vmul.f32 v51, v55;
	v51 =	vld.idx.msk [tilespmem:v56+s18+$0x0], $0xffff  }
0x262: {  	v61 =	vmul.f32 v50, v55;
	v47 =	vmul.f32 v58, v55;
	v58 =	vld.idx.msk [tilespmem:v59+s18+$0x0], $0xffff;
	v59 =	vor.u32 $0x7, v52  }
0x263: {  	v49 =	vld.idx.msk [tilespmem:v60+s18+$0x0], $0xffff;
	v60 =	vor.u32 $0x8, v52;
	v54 =	vmul.f32 v54, v55;
	v56 =	vmul.f32 v62, v62  }
0x264: {  	v33 =	vadd.f32 v61, v33;
	v61 =	vor.u32 $0x9, v52;
	v50 =	vmul.f32 v47, v47  }
0x265: {  	v35 =	vadd.f32 v56, v35;
	v56 =	vmul.f32 v54, v54  }
0x266: {  	v32 =	vadd.f32 v63, v32;
	v63 =	vmul.f32 v51, v55;
	v29 =	vadd.f32 v50, v29;
	v50 =	vld.idx.msk [tilespmem:v53+s18+$0x0], $0xffff  }
0x267: {  	v31 =	vadd.f32 v54, v31;
	v30 =	vadd.f32 v56, v30;
	v56 =	vor.u32 $0xA, v52;
	v54 =	vld.idx.msk [tilespmem:v59+s18+$0x0], $0xffff  }
0x268: {  	v51 =	vmul.f32 v63, v63;
	v53 =	vmul.f32 v58, v55;
	v58 =	vld.idx.msk [tilespmem:v60+s18+$0x0], $0xffff;
	v59 =	vor.u32 $0xB, v52  }
0x269: {  	v41 =	vadd.f32 v62, v41;
	v49 =	vmul.f32 v49, v55;
	v60 =	vld.idx.msk [tilespmem:v61+s18+$0x0], $0xffff;
	v61 =	vor.u32 $0xC, v52  }
0x26a: {  	v42 =	vadd.f32 v47, v42;
	v32 =	vadd.f32 v51, v32;
	v51 =	vmul.f32 v53, v53  }
0x26b: {  	v47 =	vmul.f32 v49, v49;
	v46 =	vadd.f32 v63, v46;
	v36 =	vadd.f32 v53, v36  }
0x26c: {  	v53 =	vor.u32 $0xD, v52;
	v62 =	vmul.f32 v50, v55;
	v29 =	vadd.f32 v51, v29;
	v51 =	vld.idx.msk [tilespmem:v56+s18+$0x0], $0xffff  }
0x26d: {  	v35 =	vadd.f32 v47, v35;
	v56 =	vor.u32 $0xE, v52;
	v50 =	vmul.f32 v54, v55;
	v54 =	vld.idx.msk [tilespmem:v59+s18+$0x0], $0xffff  }
0x26e: {  	v59 =	vld.idx.msk [tilespmem:v61+s18+$0x0], $0xffff;
	v63 =	vmul.f32 v62, v62;
	v37 =	vadd.f32 v62, v37;
	v62 =	vmul.f32 v58, v55  }
0x26f: {  	v52 =	vor.u32 $0xF, v52;
	v60 =	vmul.f32 v60, v55;
	v38 =	vadd.f32 v50, v38  }
0x270: {  	v30 =	vadd.f32 v63, v30;
	v63 =	vmul.f32 v50, v50;
	v61 =	vmul.f32 v62, v62  }
0x271: {  	v39 =	vadd.f32 v62, v39;
	v62 =	vmul.f32 v60, v60;
	v50 =	vld.idx.msk [tilespmem:v53+s18+$0x0], $0xffff;
	v53 =	vor.u32 v8, v27  }
0x272: {  	v32 =	vadd.f32 v63, v32;
	v35 =	vadd.f32 v61, v35;
	v63 =	vmul.f32 v51, v55;
	v51 =	vld.idx.msk [tilespmem:v56+s18+$0x0], $0xffff  }
0x273: {  	v29 =	vadd.f32 v62, v29;
	v61 =	vmul.f32 v59, v55;
	v62 =	vor.u32 $0x1, v53  }
0x274: {  	v40 =	vadd.f32 v60, v40;
	v52 =	vld.idx.msk [tilespmem:v52+s18+$0x0], $0xffff;
	v59 =	vor.u32 $0x2, v53;
	v60 =	vmul.f32 v63, v63  }
0x275: {  	v47 =	vmul.f32 v54, v55;
	v54 =	vld [tilespmem:s26+$0x280];
	v44 =	vadd.f32 v63, v44;
	v48 =	vadd.f32 v61, v48  }
0x276: {  	v30 =	vadd.f32 v60, v30;
	v60 =	vmul.f32 v61, v61;
	v61 =	vmul.f32 v50, v55;
	v50 =	vld [tilespmem:s25+$0x280]  }
0x277: {  	v63 =	vmul.f32 v47, v47;
	v43 =	vadd.f32 v47, v43;
	v47 =	vmul.f32 v51, v55;
	v51 =	vld.idx.msk [tilespmem:v53+s18+$0x0], $0xffff  }
0x278: {  	v56 =	vor.u32 $0x3, v53;
	v58 =	vld.idx.msk [tilespmem:v62+s18+$0x0], $0xffff  }
0x279: {  	v34 =	vadd.f32 v49, v34;
	v52 =	vmul.f32 v52, v55;
	v55 =	vld.idx.msk [tilespmem:v59+s18+$0x0], $0xffff;
	v59 =	vor.u32 $0x5, v53  }
0x27a: {  	v32 =	vadd.f32 v63, v32;
	v35 =	vadd.f32 v60, v35;
	v60 =	vor.u32 $0x4, v53  }
0x27b: {  	v57 =	vadd.f32 v61, v57;
	v49 =	vmul.f32 v61, v61;
	v61 =	vmul.f32 v47, v47  }
0x27c: {  	v62 =	vmul.f32 v52, v52;
	v28 =	vadd.f32 v52, v28;
	v52 =	vor.u32 $0x6, v53  }
0x27d: {  	v45 =	vadd.f32 v47, v45;
	v30 =	vadd.f32 v61, v30;
	v61 =	vmul.f32 v51, v54;
	v51 =	vld.idx.msk [tilespmem:v56+s18+$0x0], $0xffff  }
0x27e: {  	v29 =	vadd.f32 v49, v29;
	v63 =	vmul.f32 v50, v54;
	v47 =	vmul.f32 v58, v54;
	v58 =	vld.idx.msk [tilespmem:v59+s18+$0x0], $0xffff  }
0x27f: {  	v32 =	vadd.f32 v62, v32;
	v55 =	vmul.f32 v55, v54;
	v59 =	vor.u32 $0x7, v53;
	v49 =	vld.idx.msk [tilespmem:v60+s18+$0x0], $0xffff  }
0x280: {  	v33 =	vadd.f32 v63, v33;
	v60 =	vor.u32 $0x8, v53;
	v56 =	vmul.f32 v61, v61  }
0x281: {  	v41 =	vadd.f32 v61, v41;
	v50 =	vmul.f32 v47, v47;
	v61 =	vor.u32 $0x9, v53  }
0x282: {  	v31 =	vadd.f32 v55, v31;
	v35 =	vadd.f32 v56, v35  }
0x283: {  	v56 =	vmul.f32 v55, v55;
	v29 =	vadd.f32 v50, v29;
	v50 =	vld.idx.msk [tilespmem:v52+s18+$0x0], $0xffff;
	v62 =	vmul.f32 v51, v54  }
0x284: {  	v52 =	vmul.f32 v58, v54;
	v55 =	vld.idx.msk [tilespmem:v59+s18+$0x0], $0xffff;
	v59 =	vor.u32 $0xB, v53;
	v49 =	vmul.f32 v49, v54  }
0x285: {  	v30 =	vadd.f32 v56, v30;
	v56 =	vor.u32 $0xA, v53;
	v58 =	vld.idx.msk [tilespmem:v60+s18+$0x0], $0xffff;
	v51 =	vmul.f32 v62, v62  }
0x286: {  	v42 =	vadd.f32 v47, v42;
	v60 =	vld.idx.msk [tilespmem:v61+s18+$0x0], $0xffff;
	v61 =	vor.u32 $0xC, v53;
	v47 =	vmul.f32 v49, v49  }
0x287: {  	v46 =	vadd.f32 v62, v46;
	v32 =	vadd.f32 v51, v32  }
0x288: {  	v51 =	vmul.f32 v52, v52;
	v35 =	vadd.f32 v47, v35;
	v47 =	vmul.f32 v50, v54  }
0x289: {  	v36 =	vadd.f32 v52, v36;
	v52 =	vor.u32 $0xD, v53;
	v62 =	vmul.f32 v55, v54;
	v55 =	vld.idx.msk [tilespmem:v59+s18+$0x0], $0xffff  }
0x28a: {  	v29 =	vadd.f32 v51, v29;
	v51 =	vld.idx.msk [tilespmem:v56+s18+$0x0], $0xffff;
	v56 =	vor.u32 $0xE, v53;
	v63 =	vmul.f32 v47, v47  }
0x28b: {  	v53 =	vor.u32 $0xF, v53;
	v37 =	vadd.f32 v47, v37;
	v47 =	vmul.f32 v58, v54;
	v59 =	vld.idx.msk [tilespmem:v61+s18+$0x0], $0xffff  }
0x28c: {  	v60 =	vmul.f32 v60, v54;
	v38 =	vadd.f32 v62, v38;
	v30 =	vadd.f32 v63, v30  }
0x28d: {  	v63 =	vmul.f32 v62, v62;
	v62 =	vmul.f32 v47, v47;
	v39 =	vadd.f32 v47, v39  }
0x28e: {  	v40 =	vadd.f32 v60, v40;
	v50 =	vld.idx.msk [tilespmem:v52+s18+$0x0], $0xffff;
	v52 =	vor.u32 v7, v27;
	v47 =	vmul.f32 v55, v54  }
0x28f: {  	v32 =	vadd.f32 v63, v32;
	v63 =	vmul.f32 v60, v60;
	v60 =	vmul.f32 v51, v54;
	v51 =	vld.idx.msk [tilespmem:v56+s18+$0x0], $0xffff  }
0x290: {  	v35 =	vadd.f32 v62, v35;
	v53 =	vld.idx.msk [tilespmem:v53+s18+$0x0], $0xffff;
	v62 =	vmul.f32 v59, v54;
	v59 =	vor.u32 $0x2, v52  }
0x291: {  	v29 =	vadd.f32 v63, v29;
	v61 =	vmul.f32 v60, v60;
	v63 =	vor.u32 $0x1, v52  }
0x292: {  	v55 =	vld [tilespmem:s26+$0x300];
	v44 =	vadd.f32 v60, v44;
	v60 =	vmul.f32 v47, v47;
	v48 =	vadd.f32 v62, v48  }
0x293: {  	v30 =	vadd.f32 v61, v30;
	v61 =	vmul.f32 v62, v62;
	v62 =	vmul.f32 v50, v54;
	v50 =	vld [tilespmem:s25+$0x300]  }
0x294: {  	v56 =	vor.u32 $0x3, v52;
	v43 =	vadd.f32 v47, v43;
	v47 =	vmul.f32 v51, v54;
	v51 =	vld.idx.msk [tilespmem:v52+s18+$0x0], $0xffff  }
0x295: {  	v32 =	vadd.f32 v60, v32;
	v60 =	vor.u32 $0x4, v52;
	v53 =	vmul.f32 v53, v54;
	v54 =	vld.idx.msk [tilespmem:v59+s18+$0x0], $0xffff  }
0x296: {  	v34 =	vadd.f32 v49, v34;
	v35 =	vadd.f32 v61, v35;
	v59 =	vor.u32 $0x5, v52;
	v58 =	vld.idx.msk [tilespmem:v63+s18+$0x0], $0xffff  }
0x297: {  	v57 =	vadd.f32 v62, v57;
	v49 =	vmul.f32 v62, v62;
	v61 =	vmul.f32 v47, v47  }
0x298: {  	v45 =	vadd.f32 v47, v45;
	v63 =	vmul.f32 v53, v53;
	v28 =	vadd.f32 v53, v28  }
0x299: {  	v53 =	vor.u32 $0x6, v52;
	v29 =	vadd.f32 v49, v29;
	v62 =	vmul.f32 v51, v55;
	v51 =	vld.idx.msk [tilespmem:v56+s18+$0x0], $0xffff  }
0x29a: {  	v30 =	vadd.f32 v61, v30;
	v61 =	vmul.f32 v50, v55;
	v32 =	vadd.f32 v63, v32;
	v49 =	vld.idx.msk [tilespmem:v60+s18+$0x0], $0xffff  }
0x29b: {  	v60 =	vor.u32 $0x8, v52;
	v47 =	vmul.f32 v58, v55;
	v58 =	vld.idx.msk [tilespmem:v59+s18+$0x0], $0xffff;
	v59 =	vor.u32 $0x7, v52  }
0x29c: {  	v33 =	vadd.f32 v61, v33;
	v54 =	vmul.f32 v54, v55;
	v56 =	vmul.f32 v62, v62  }
0x29d: {  	v61 =	vor.u32 $0x9, v52;
	v41 =	vadd.f32 v62, v41;
	v50 =	vmul.f32 v47, v47  }
0x29e: {  	v35 =	vadd.f32 v56, v35;
	v56 =	vmul.f32 v54, v54;
	v63 =	vmul.f32 v51, v55  }
0x29f: {  	v31 =	vadd.f32 v54, v31;
	v49 =	vmul.f32 v49, v55;
	v29 =	vadd.f32 v50, v29;
	v50 =	vld.idx.msk [tilespmem:v53+s18+$0x0], $0xffff  }
0x2a0: {  	v30 =	vadd.f32 v56, v30;
	v56 =	vor.u32 $0xA, v52;
	v51 =	vmul.f32 v63, v63;
	v54 =	vld.idx.msk [tilespmem:v59+s18+$0x0], $0xffff  }
0x2a1: {  	v42 =	vadd.f32 v47, v42;
	v53 =	vmul.f32 v58, v55;
	v58 =	vld.idx.msk [tilespmem:v60+s18+$0x0], $0xffff;
	v59 =	vor.u32 $0xB, v52  }
0x2a2: {  	v47 =	vmul.f32 v49, v49;
	v60 =	vld.idx.msk [tilespmem:v61+s18+$0x0], $0xffff;
	v61 =	vor.u32 $0xC, v52;
	v32 =	vadd.f32 v51, v32  }
0x2a3: {  	v51 =	vmul.f32 v53, v53;
	v36 =	vadd.f32 v53, v36;
	v53 =	vor.u32 $0xD, v52  }
0x2a4: {  	v34 =	vadd.f32 v49, v34;
	v46 =	vadd.f32 v63, v46;
	v62 =	vmul.f32 v50, v55  }
0x2a5: {  	v29 =	vadd.f32 v51, v29;
	v51 =	vld.idx.msk [tilespmem:v56+s18+$0x0], $0xffff;
	v56 =	vor.u32 $0xE, v52;
	v50 =	vmul.f32 v54, v55  }
0x2a6: {  	v35 =	vadd.f32 v47, v35;
	v52 =	vor.u32 $0xF, v52;
	v47 =	vmul.f32 v58, v55;
	v54 =	vld.idx.msk [tilespmem:v59+s18+$0x0], $0xffff  }
0x2a7: {  	v59 =	vld.idx.msk [tilespmem:v61+s18+$0x0], $0xffff;
	v63 =	vmul.f32 v62, v62;
	v37 =	vadd.f32 v62, v37;
	v62 =	vmul.f32 v50, v50  }
0x2a8: {  	v38 =	vadd.f32 v50, v38;
	v39 =	vadd.f32 v47, v39;
	v50 =	vld.idx.msk [tilespmem:v53+s18+$0x0], $0xffff;
	v53 =	vor.u32 v6, v27  }
0x2a9: {  	v30 =	vadd.f32 v63, v30;
	v63 =	vmul.f32 v60, v55;
	v60 =	vmul.f32 v47, v47  }
0x2aa: {  	v32 =	vadd.f32 v62, v32;
	v62 =	vmul.f32 v51, v55;
	v51 =	vld.idx.msk [tilespmem:v56+s18+$0x0], $0xffff;
	v56 =	vor.u32 $0x3, v53  }
0x2ab: {  	v52 =	vld.idx.msk [tilespmem:v52+s18+$0x0], $0xffff;
	v61 =	vmul.f32 v63, v63;
	v35 =	vadd.f32 v60, v35;
	v40 =	vadd.f32 v63, v40  }
0x2ac: {  	v47 =	vmul.f32 v54, v55;
	v60 =	vmul.f32 v59, v55;
	v59 =	vor.u32 $0x2, v53  }
0x2ad: {  	v63 =	vmul.f32 v62, v62;
	v29 =	vadd.f32 v61, v29;
	v61 =	vor.u32 $0x1, v53  }
0x2ae: {  	v54 =	vld [tilespmem:s26+$0x380];
	v44 =	vadd.f32 v62, v44;
	v62 =	vmul.f32 v47, v47;
	v48 =	vadd.f32 v60, v48  }
0x2af: {  	v30 =	vadd.f32 v63, v30;
	v63 =	vmul.f32 v60, v60;
	v60 =	vmul.f32 v50, v55;
	v50 =	vld [tilespmem:s25+$0x380]  }
0x2b0: {  	v43 =	vadd.f32 v47, v43;
	v47 =	vmul.f32 v51, v55;
	v51 =	vld.idx.msk [tilespmem:v53+s18+$0x0], $0xffff;
	v52 =	vmul.f32 v52, v55  }
0x2b1: {  	v57 =	vadd.f32 v60, v57;
	v49 =	vmul.f32 v60, v60;
	v60 =	vor.u32 $0x4, v53;
	v55 =	vld.idx.msk [tilespmem:v59+s18+$0x0], $0xffff  }
0x2b2: {  	v32 =	vadd.f32 v62, v32;
	v59 =	vor.u32 $0x5, v53;
	v58 =	vld.idx.msk [tilespmem:v61+s18+$0x0], $0xffff;
	v61 =	vmul.f32 v47, v47  }
0x2b3: {  	v35 =	vadd.f32 v63, v35;
	v45 =	vadd.f32 v47, v45  }
0x2b4: {  	v28 =	vadd.f32 v52, v28;
	v62 =	vmul.f32 v50, v54;
	v30 =	vadd.f32 v61, v30  }
0x2b5: {  	v61 =	vmul.f32 v52, v52;
	v63 =	vmul.f32 v51, v54;
	v51 =	vld.idx.msk [tilespmem:v56+s18+$0x0], $0xffff;
	v52 =	vor.u32 $0x6, v53  }
0x2b6: {  	v29 =	vadd.f32 v49, v29;
	v33 =	vadd.f32 v62, v33;
	v49 =	vld.idx.msk [tilespmem:v60+s18+$0x0], $0xffff;
	v55 =	vmul.f32 v55, v54  }
0x2b7: {  	v56 =	vmul.f32 v63, v63;
	v47 =	vmul.f32 v58, v54;
	v58 =	vld.idx.msk [tilespmem:v59+s18+$0x0], $0xffff;
	v59 =	vor.u32 $0x7, v53  }
0x2b8: {  	v60 =	vor.u32 $0x8, v53;
	v32 =	vadd.f32 v61, v32;
	v41 =	vadd.f32 v63, v41  }
0x2b9: {  	v31 =	vadd.f32 v55, v31;
	v35 =	vadd.f32 v56, v35;
	v56 =	vmul.f32 v55, v55  }
0x2ba: {  	v50 =	vmul.f32 v47, v47;
	v61 =	vmul.f32 v51, v54;
	v51 =	vld.idx.msk [tilespmem:v52+s18+$0x0], $0xffff;
	v52 =	vor.u32 $0x9, v53  }
0x2bb: {  	v42 =	vadd.f32 v47, v42;
	v30 =	vadd.f32 v56, v30;
	v47 =	vmul.f32 v49, v54  }
0x2bc: {  	v29 =	vadd.f32 v50, v29;
	v55 =	vmul.f32 v58, v54;
	v56 =	vld.idx.msk [tilespmem:v59+s18+$0x0], $0xffff;
	v58 =	vor.u32 $0xA, v53  }
0x2bd: {  	v49 =	vmul.f32 v61, v61;
	v50 =	vmul.f32 v47, v47;
	v59 =	vld.idx.msk [tilespmem:v60+s18+$0x0], $0xffff;
	v60 =	vor.u32 $0xB, v53  }
0x2be: {  	v46 =	vadd.f32 v61, v46;
	v34 =	vadd.f32 v47, v34;
	v62 =	vmul.f32 v55, v55  }
0x2bf: {  	v32 =	vadd.f32 v49, v32;
	v35 =	vadd.f32 v50, v35;
	v63 =	vmul.f32 v51, v54;
	v50 =	vld.idx.msk [tilespmem:v52+s18+$0x0], $0xffff  }
0x2c0: {  	v51 =	vor.u32 $0xC, v53;
	v36 =	vadd.f32 v55, v36;
	v29 =	vadd.f32 v62, v29  }
0x2c1: {  	v61 =	vmul.f32 v63, v63;
	v62 =	vmul.f32 v56, v54;
	v55 =	vld.idx.msk [tilespmem:v58+s18+$0x0], $0xffff;
	v56 =	vor.u32 $0xD, v53  }
0x2c2: {  	v37 =	vadd.f32 v63, v37;
	v63 =	vmul.f32 v59, v54;
	v58 =	vld.idx.msk [tilespmem:v60+s18+$0x0], $0xffff;
	v59 =	vor.u32 $0xE, v53  }
0x2c3: {  	v53 =	vor.u32 $0xF, v53;
	v30 =	vadd.f32 v61, v30;
	v61 =	vmul.f32 v62, v62  }
0x2c4: {  	v47 =	vld [tilespmem:s26+$0x400];
	v38 =	vadd.f32 v62, v38;
	v62 =	vmul.f32 v63, v63;
	v50 =	vmul.f32 v50, v54  }
0x2c5: {  	v51 =	vld.idx.msk [tilespmem:v51+s18+$0x0], $0xffff;
	v39 =	vadd.f32 v63, v39  }
0x2c6: {  	v32 =	vadd.f32 v61, v32;
	v35 =	vadd.f32 v62, v35;
	v63 =	vmul.f32 v50, v50;
	v52 =	vld.idx.msk [tilespmem:v56+s18+$0x0], $0xffff  }
0x2c7: {  	v60 =	vmul.f32 v55, v54;
	v61 =	vmul.f32 v58, v54;
	v62 =	vld.idx.msk [tilespmem:v59+s18+$0x0], $0xffff;
	v56 =	vor.u32 v5, v27  }
0x2c8: {  	v40 =	vadd.f32 v50, v40;
	v53 =	vld.idx.msk [tilespmem:v53+s18+$0x0], $0xffff;
	v29 =	vadd.f32 v63, v29;
	v58 =	vor.u32 $0x1, v56  }
0x2c9: {  	v59 =	vld [tilespmem:s25+$0x400];
	v44 =	vadd.f32 v60, v44;
	v63 =	vmul.f32 v60, v60;
	v60 =	vmul.f32 v61, v61  }
0x2ca: {  	v50 =	vor.u32 $0x2, v56;
	v51 =	vmul.f32 v51, v54;
	v43 =	vadd.f32 v61, v43  }
0x2cb: {  	v30 =	vadd.f32 v63, v30;
	v32 =	vadd.f32 v60, v32  }
0x2cc: {  	v49 =	vmul.f32 v51, v51;
	v48 =	vadd.f32 v51, v48;
	v52 =	vmul.f32 v52, v54  }
0x2cd: {  	v60 =	vor.u32 $0x3, v56;
	v51 =	vmul.f32 v62, v54;
	v55 =	vld.idx.msk [tilespmem:v56+s18+$0x0], $0xffff;
	v53 =	vmul.f32 v53, v54  }
0x2ce: {  	v62 =	vmul.f32 v59, v47;
	v35 =	vadd.f32 v49, v35;
	v54 =	vld.idx.msk [tilespmem:v58+s18+$0x0], $0xffff;
	v58 =	vor.u32 $0x4, v56  }
0x2cf: {  	v50 =	vld.idx.msk [tilespmem:v50+s18+$0x0], $0xffff;
	v49 =	vadd.f32 v52, v57;
	v52 =	vmul.f32 v52, v52;
	v61 =	vmul.f32 v51, v51  }
0x2d0: {  	v45 =	vadd.f32 v51, v45;
	v51 =	vor.u32 $0x5, v56;
	v28 =	vadd.f32 v53, v28  }
0x2d1: {  	v33 =	vadd.f32 v62, v33;
	v29 =	vadd.f32 v52, v29  }
0x2d2: {  	v30 =	vadd.f32 v61, v30;
	v52 =	vmul.f32 v53, v53;
	v60 =	vld.idx.msk [tilespmem:v60+s18+$0x0], $0xffff;
	v61 =	vor.u32 $0x6, v56  }
0x2d3: {  	v53 =	vor.u32 $0x8, v56;
	v63 =	vmul.f32 v55, v47;
	v54 =	vmul.f32 v54, v47  }
0x2d4: {  	v32 =	vadd.f32 v52, v32;
	v57 =	vld.idx.msk [tilespmem:v58+s18+$0x0], $0xffff;
	v58 =	vor.u32 $0x7, v56;
	v50 =	vmul.f32 v50, v47  }
0x2d5: {  	v62 =	vmul.f32 v63, v63;
	v41 =	vadd.f32 v63, v41;
	v51 =	vld.idx.msk [tilespmem:v51+s18+$0x0], $0xffff;
	v42 =	vadd.f32 v54, v42  }
0x2d6: {  	v52 =	vmul.f32 v54, v54;
	v54 =	vmul.f32 v50, v50;
	v31 =	vadd.f32 v50, v31  }
0x2d7: {  	v50 =	vor.u32 $0xA, v56;
	v35 =	vadd.f32 v62, v35;
	v55 =	vmul.f32 v60, v47;
	v59 =	vld.idx.msk [tilespmem:v61+s18+$0x0], $0xffff  }
0x2d8: {  	v60 =	vor.u32 $0x9, v56;
	v53 =	vld.idx.msk [tilespmem:v53+s18+$0x0], $0xffff;
	v29 =	vadd.f32 v52, v29;
	v30 =	vadd.f32 v54, v30  }
0x2d9: {  	v63 =	vmul.f32 v55, v55;
	v61 =	vmul.f32 v57, v47;
	v57 =	vld.idx.msk [tilespmem:v58+s18+$0x0], $0xffff;
	v46 =	vadd.f32 v55, v46  }
0x2da: {  	v55 =	vor.u32 $0xB, v56;
	v58 =	vor.u32 $0xC, v56;
	v51 =	vmul.f32 v51, v47  }
0x2db: {  	v32 =	vadd.f32 v63, v32;
	v52 =	vmul.f32 v61, v61;
	v34 =	vadd.f32 v61, v34  }
0x2dc: {  	v50 =	vld.idx.msk [tilespmem:v50+s18+$0x0], $0xffff;
	v54 =	vmul.f32 v51, v51;
	v59 =	vmul.f32 v59, v47;
	v36 =	vadd.f32 v51, v36  }
0x2dd: {  	v60 =	vld.idx.msk [tilespmem:v60+s18+$0x0], $0xffff;
	v51 =	vor.u32 $0xD, v56;
	v53 =	vmul.f32 v53, v47;
	v35 =	vadd.f32 v52, v35  }
0x2de: {  	v52 =	vor.u32 v4, v27;
	v29 =	vadd.f32 v54, v29;
	v63 =	vmul.f32 v57, v47  }
0x2df: {  	v62 =	vmul.f32 v59, v59;
	v37 =	vadd.f32 v59, v37;
	v55 =	vld.idx.msk [tilespmem:v55+s18+$0x0], $0xffff;
	v57 =	vor.u32 $0xE, v56  }
0x2e0: {  	v58 =	vld.idx.msk [tilespmem:v58+s18+$0x0], $0xffff;
	v56 =	vor.u32 $0xF, v56;
	v39 =	vadd.f32 v53, v39;
	v61 =	vmul.f32 v63, v63  }
0x2e1: {  	v30 =	vadd.f32 v62, v30;
	v62 =	vmul.f32 v53, v53;
	v50 =	vmul.f32 v50, v47  }
0x2e2: {  	v38 =	vadd.f32 v63, v38;
	v63 =	vmul.f32 v60, v47;
	v32 =	vadd.f32 v61, v32  }
0x2e3: {  	v51 =	vld.idx.msk [tilespmem:v51+s18+$0x0], $0xffff;
	v35 =	vadd.f32 v62, v35;
	v61 =	vmul.f32 v50, v50;
	v44 =	vadd.f32 v50, v44  }
0x2e4: {  	v60 =	vmul.f32 v63, v63;
	v40 =	vadd.f32 v63, v40;
	v55 =	vmul.f32 v55, v47;
	v57 =	vld.idx.msk [tilespmem:v57+s18+$0x0], $0xffff  }
0x2e5: {  	v53 =	vmul.f32 v58, v47;
	v56 =	vld.idx.msk [tilespmem:v56+s18+$0x0], $0xffff;
	v58 =	vor.u32 $0x1, v52;
	v30 =	vadd.f32 v61, v30  }
0x2e6: {  	v54 =	vld [tilespmem:s26+$0x480];
	v61 =	vor.u32 $0x2, v52;
	v29 =	vadd.f32 v60, v29;
	v50 =	vmul.f32 v55, v55  }
0x2e7: {  	v59 =	vmul.f32 v53, v53;
	v60 =	vld.idx.msk [tilespmem:v52+s18+$0x0], $0xffff;
	v43 =	vadd.f32 v55, v43;
	v55 =	vor.u32 $0x3, v52  }
0x2e8: {  	v48 =	vadd.f32 v53, v48;
	v51 =	vmul.f32 v51, v47;
	v32 =	vadd.f32 v50, v32;
	v50 =	vld [tilespmem:s25+$0x480]  }
0x2e9: {  	v53 =	vor.u32 $0x5, v52;
	v35 =	vadd.f32 v59, v35;
	v63 =	vmul.f32 v57, v47  }
0x2ea: {  	v62 =	vmul.f32 v51, v51;
	v49 =	vadd.f32 v51, v49;
	v57 =	vld.idx.msk [tilespmem:v58+s18+$0x0], $0xffff;
	v47 =	vmul.f32 v56, v47  }
0x2eb: {  	v58 =	vor.u32 $0x4, v52;
	v59 =	vld.idx.msk [tilespmem:v61+s18+$0x0], $0xffff;
	v61 =	vor.u32 $0x6, v52;
	v51 =	vmul.f32 v63, v63  }
0x2ec: {  	v29 =	vadd.f32 v62, v29;
	v56 =	vmul.f32 v60, v54;
	v60 =	vmul.f32 v47, v47  }
0x2ed: {  	v45 =	vadd.f32 v63, v45;
	v55 =	vld.idx.msk [tilespmem:v55+s18+$0x0], $0xffff;
	v47 =	vadd.f32 v47, v28;
	v50 =	vmul.f32 v50, v54  }
0x2ee: {  	v30 =	vadd.f32 v51, v30;
	v62 =	vmul.f32 v56, v56;
	v32 =	vadd.f32 v60, v32  }
0x2ef: {  	v41 =	vadd.f32 v56, v41;
	v51 =	vld.idx.msk [tilespmem:v53+s18+$0x0], $0xffff;
	v53 =	vor.u32 $0x7, v52;
	v63 =	vmul.f32 v57, v54  }
0x2f0: {  	v28 =	vadd.f32 v50, v33;
	v35 =	vadd.f32 v62, v35;
	v57 =	vmul.f32 v59, v54  }
0x2f1: {  	v50 =	vld.idx.msk [tilespmem:v58+s18+$0x0], $0xffff;
	v58 =	vor.u32 $0x8, v52;
	v59 =	vor.u32 $0x9, v52;
	v60 =	vmul.f32 v63, v63  }
0x2f2: {  	v33 =	vadd.f32 v63, v42;
	v42 =	vmul.f32 v55, v54;
	v55 =	vld.idx.msk [tilespmem:v61+s18+$0x0], $0xffff;
	v63 =	vor.u32 $0xD, v52  }
0x2f3: {  	v56 =	vmul.f32 v57, v57;
	v29 =	vadd.f32 v60, v29;
	v60 =	vor.u32 $0xA, v52  }
0x2f4: {  	v61 =	vmul.f32 v42, v42;
	v42 =	vadd.f32 v42, v46;
	v46 =	vmul.f32 v51, v54;
	v51 =	vld.idx.msk [tilespmem:v53+s18+$0x0], $0xffff  }
0x2f5: {  	v31 =	vadd.f32 v57, v31;
	v57 =	vor.u32 $0xB, v52;
	v30 =	vadd.f32 v56, v30  }
0x2f6: {  	v50 =	vmul.f32 v50, v54;
	v32 =	vadd.f32 v61, v32;
	v56 =	vld.idx.msk [tilespmem:v58+s18+$0x0], $0xffff;
	v58 =	vmul.f32 v46, v46  }
0x2f7: {  	v59 =	vld.idx.msk [tilespmem:v59+s18+$0x0], $0xffff;
	v61 =	vor.u32 $0xC, v52;
	v36 =	vadd.f32 v46, v36;
	v55 =	vmul.f32 v55, v54  }
0x2f8: {  	v53 =	vmul.f32 v50, v50;
	v34 =	vadd.f32 v50, v34;
	v29 =	vadd.f32 v58, v29  }
0x2f9: {  	v62 =	vld.idx.msk [tilespmem:v60+s18+$0x0], $0xffff;
	v60 =	vmul.f32 v55, v55;
	v37 =	vadd.f32 v55, v37;
	v51 =	vmul.f32 v51, v54  }
0x2fa: {  	v55 =	vor.u32 $0xE, v52;
	v52 =	vor.u32 $0xF, v52;
	v35 =	vadd.f32 v53, v35;
	v53 =	vld.idx.msk [tilespmem:v63+s18+$0x0], $0xffff  }
0x2fb: {  	v46 =	vmul.f32 v56, v54;
	v56 =	vld.idx.msk [tilespmem:v57+s18+$0x0], $0xffff;
	v38 =	vadd.f32 v51, v38;
	v51 =	vmul.f32 v51, v51  }
0x2fc: {  	v30 =	vadd.f32 v60, v30;
	v57 =	vmul.f32 v59, v54;
	v58 =	vld.idx.msk [tilespmem:v61+s18+$0x0], $0xffff;
	v60 =	vor.u32 v3, v27  }
0x2fd: {  	v59 =	vmul.f32 v46, v46;
	v32 =	vadd.f32 v51, v32;
	v39 =	vadd.f32 v46, v39  }
0x2fe: {  	v61 =	vmul.f32 v57, v57;
	v40 =	vadd.f32 v57, v40;
	v50 =	vmul.f32 v62, v54  }
0x2ff: {  	v57 =	vor.u32 $0x1, v60;
	v55 =	vld.idx.msk [tilespmem:v55+s18+$0x0], $0xffff;
	v35 =	vadd.f32 v59, v35;
	v53 =	vmul.f32 v53, v54  }
0x300: {  	v46 =	vadd.f32 v61, v29;
	v29 =	vld [tilespmem:s26+$0x500];
	v62 =	vmul.f32 v50, v50;
	v56 =	vmul.f32 v56, v54  }
0x301: {  	v61 =	vor.u32 $0x3, v60;
	v44 =	vadd.f32 v50, v44;
	v50 =	vmul.f32 v58, v54;
	v58 =	vld.idx.msk [tilespmem:v60+s18+$0x0], $0xffff  }
0x302: {  	v52 =	vld.idx.msk [tilespmem:v52+s18+$0x0], $0xffff;
	v59 =	vor.u32 $0x2, v60;
	v30 =	vadd.f32 v62, v30;
	v51 =	vmul.f32 v56, v56  }
0x303: {  	v43 =	vadd.f32 v56, v43;
	v56 =	vmul.f32 v50, v50;
	v62 =	vor.u32 $0x4, v60  }
0x304: {  	v49 =	vadd.f32 v53, v49;
	v48 =	vadd.f32 v50, v48;
	v63 =	vmul.f32 v55, v54;
	v55 =	vld.idx.msk [tilespmem:v57+s18+$0x0], $0xffff  }
0x305: {  	v32 =	vadd.f32 v51, v32;
	v51 =	vmul.f32 v53, v53;
	v35 =	vadd.f32 v56, v35  }
0x306: {  	v56 =	vor.u32 $0x5, v60;
	v57 =	vld.idx.msk [tilespmem:v61+s18+$0x0], $0xffff;
	v53 =	vmul.f32 v58, v29;
	v45 =	vadd.f32 v63, v45  }
0x307: {  	v46 =	vadd.f32 v51, v46;
	v51 =	vmul.f32 v52, v54;
	v52 =	vmul.f32 v63, v63;
	v54 =	vld.idx.msk [tilespmem:v59+s18+$0x0], $0xffff  }
0x308: {  	v63 =	vor.u32 $0x6, v60;
	v59 =	vmul.f32 v53, v53;
	v61 =	vld.idx.msk [tilespmem:v62+s18+$0x0], $0xffff;
	v41 =	vadd.f32 v53, v41  }
0x309: {  	v50 =	vmul.f32 v51, v51;
	v62 =	vmul.f32 v55, v29;
	v55 =	vor.u32 $0x7, v60  }
0x30a: {  	v58 =	vor.u32 $0x9, v60;
	v30 =	vadd.f32 v52, v30;
	v47 =	vadd.f32 v51, v47  }
0x30b: {  	v35 =	vadd.f32 v59, v35;
	v53 =	vld.idx.msk [tilespmem:v56+s18+$0x0], $0xffff;
	v56 =	vmul.f32 v57, v29;
	v32 =	vadd.f32 v50, v32  }
0x30c: {  	v50 =	vmul.f32 v62, v62;
	v51 =	vmul.f32 v54, v29;
	v54 =	vor.u32 $0x8, v60  }
0x30d: {  	v33 =	vadd.f32 v62, v33;
	v57 =	vld.idx.msk [tilespmem:v63+s18+$0x0], $0xffff;
	v63 =	vmul.f32 v56, v56;
	v52 =	vmul.f32 v61, v29  }
0x30e: {  	v61 =	vor.u32 $0xA, v60;
	v59 =	vmul.f32 v51, v51;
	v31 =	vadd.f32 v51, v31;
	v51 =	vld.idx.msk [tilespmem:v55+s18+$0x0], $0xffff  }
0x30f: {  	v42 =	vadd.f32 v56, v42;
	v46 =	vadd.f32 v50, v46  }
0x310: {  	v32 =	vadd.f32 v63, v32;
	v55 =	vld.idx.msk [tilespmem:v58+s18+$0x0], $0xffff;
	v62 =	vmul.f32 v53, v29;
	v34 =	vadd.f32 v52, v34  }
0x311: {  	v30 =	vadd.f32 v59, v30;
	v59 =	vmul.f32 v52, v52;
	v53 =	vld.idx.msk [tilespmem:v54+s18+$0x0], $0xffff;
	v54 =	vor.u32 $0xB, v60  }
0x312: {  	v63 =	vmul.f32 v57, v29;
	v36 =	vadd.f32 v62, v36;
	v57 =	vor.u32 $0xC, v60  }
0x313: {  	v50 =	vmul.f32 v62, v62;
	v62 =	vor.u32 $0xD, v60;
	v56 =	vld.idx.msk [tilespmem:v61+s18+$0x0], $0xffff;
	v51 =	vmul.f32 v51, v29  }
0x314: {  	v61 =	vmul.f32 v63, v63;
	v37 =	vadd.f32 v63, v37;
	v63 =	vor.u32 $0xE, v60  }
0x315: {  	v35 =	vadd.f32 v59, v35;
	v59 =	vor.u32 v2, v27;
	v58 =	vmul.f32 v51, v51  }
0x316: {  	v38 =	vadd.f32 v51, v38;
	v51 =	vmul.f32 v55, v29;
	v55 =	vor.u32 $0xF, v60;
	v54 =	vld.idx.msk [tilespmem:v54+s18+$0x0], $0xffff  }
0x317: {  	v46 =	vadd.f32 v50, v46;
	v30 =	vadd.f32 v61, v30;
	v53 =	vmul.f32 v53, v29;
	v57 =	vld.idx.msk [tilespmem:v57+s18+$0x0], $0xffff  }
0x318: {  	v60 =	vor.u32 $0x1, v59;
	v32 =	vadd.f32 v58, v32;
	v56 =	vmul.f32 v56, v29;
	v58 =	vld.idx.msk [tilespmem:v62+s18+$0x0], $0xffff  }
0x319: {  	v61 =	vmul.f32 v53, v53;
	v39 =	vadd.f32 v53, v39;
	v53 =	vmul.f32 v51, v51;
	v50 =	vld.idx.msk [tilespmem:v63+s18+$0x0], $0xffff  }
0x31a: {  	v40 =	vadd.f32 v51, v40;
	v52 =	vmul.f32 v56, v56;
	v44 =	vadd.f32 v56, v44  }
0x31b: {  	v35 =	vadd.f32 v61, v35;
	v46 =	vadd.f32 v53, v46;
	v53 =	vld.idx.msk [tilespmem:v55+s18+$0x0], $0xffff;
	v62 =	vmul.f32 v54, v29  }
0x31c: {  	v55 =	vor.u32 $0x2, v59;
	v52 =	vadd.f32 v52, v30;
	v54 =	vmul.f32 v57, v29;
	v30 =	vld [tilespmem:s26+$0x580]  }
0x31d: {  	v57 =	vld.idx.msk [tilespmem:v59+s18+$0x0], $0xffff;
	v56 =	vmul.f32 v58, v29;
	v58 =	vor.u32 $0x3, v59;
	v51 =	vmul.f32 v62, v62  }
0x31e: {  	v60 =	vld.idx.msk [tilespmem:v60+s18+$0x0], $0xffff;
	v43 =	vadd.f32 v62, v43;
	v61 =	vmul.f32 v54, v54;
	v50 =	vmul.f32 v50, v29  }
0x31f: {  	v62 =	vor.u32 $0x4, v59;
	v48 =	vadd.f32 v54, v48;
	v63 =	vmul.f32 v56, v56  }
0x320: {  	v49 =	vadd.f32 v56, v49;
	v35 =	vadd.f32 v61, v35;
	v61 =	vmul.f32 v50, v50  }
0x321: {  	v32 =	vadd.f32 v51, v32;
	v51 =	vmul.f32 v53, v29;
	v53 =	vld.idx.msk [tilespmem:v55+s18+$0x0], $0xffff;
	v55 =	vor.u32 $0x5, v59  }
0x322: {  	v45 =	vadd.f32 v50, v45;
	v50 =	vadd.f32 v61, v52;
	v52 =	vmul.f32 v57, v30  }
0x323: {  	v54 =	vld.idx.msk [tilespmem:v58+s18+$0x0], $0xffff;
	v56 =	vmul.f32 v51, v51;
	v57 =	vmul.f32 v60, v30;
	v60 =	vor.u32 $0x6, v59  }
0x324: {  	v46 =	vadd.f32 v63, v46;
	v47 =	vadd.f32 v51, v47;
	v61 =	vor.u32 $0x7, v59;
	v58 =	vld.idx.msk [tilespmem:v62+s18+$0x0], $0xffff  }
0x325: {  	v62 =	vor.u32 $0x8, v59;
	v51 =	vmul.f32 v52, v52;
	v32 =	vadd.f32 v56, v32  }
0x326: {  	v56 =	vmul.f32 v57, v57;
	v41 =	vadd.f32 v52, v41;
	v63 =	vmul.f32 v53, v30;
	v52 =	vld.idx.msk [tilespmem:v55+s18+$0x0], $0xffff  }
0x327: {  	v33 =	vadd.f32 v57, v33;
	v57 =	vor.u32 $0x9, v59;
	v35 =	vadd.f32 v51, v35  }
0x328: {  	v46 =	vadd.f32 v56, v46;
	v53 =	vmul.f32 v54, v30;
	v54 =	vmul.f32 v63, v63;
	v56 =	vld.idx.msk [tilespmem:v60+s18+$0x0], $0xffff  }
0x329: {  	v31 =	vadd.f32 v63, v31;
	v60 =	vor.u32 $0xA, v59;
	v55 =	vmul.f32 v58, v30;
	v58 =	vld.idx.msk [tilespmem:v61+s18+$0x0], $0xffff  }
0x32a: {  	v61 =	vld.idx.msk [tilespmem:v62+s18+$0x0], $0xffff;
	v62 =	vor.u32 $0xB, v59;
	v51 =	vmul.f32 v53, v53;
	v50 =	vadd.f32 v54, v50  }
0x32b: {  	v42 =	vadd.f32 v53, v42;
	v54 =	vmul.f32 v55, v55;
	v63 =	vmul.f32 v52, v30  }
0x32c: {  	v53 =	vld.idx.msk [tilespmem:v57+s18+$0x0], $0xffff;
	v34 =	vadd.f32 v55, v34;
	v32 =	vadd.f32 v51, v32  }
0x32d: {  	v57 =	vor.u32 $0xD, v59;
	v35 =	vadd.f32 v54, v35;
	v36 =	vadd.f32 v63, v36  }
0x32e: {  	v52 =	vmul.f32 v56, v30;
	v54 =	vor.u32 $0xC, v59;
	v51 =	vmul.f32 v63, v63;
	v56 =	vld.idx.msk [tilespmem:v60+s18+$0x0], $0xffff  }
0x32f: {  	v55 =	vmul.f32 v58, v30;
	v60 =	vmul.f32 v61, v30;
	v61 =	vld.idx.msk [tilespmem:v62+s18+$0x0], $0xffff;
	v62 =	vor.u32 $0xE, v59  }
0x330: {  	v58 =	vmul.f32 v52, v52;
	v46 =	vadd.f32 v51, v46;
	v37 =	vadd.f32 v52, v37  }
0x331: {  	v51 =	vmul.f32 v53, v30;
	v63 =	vmul.f32 v55, v55;
	v38 =	vadd.f32 v55, v38  }
0x332: {  	v39 =	vadd.f32 v60, v39;
	v55 =	vld.idx.msk [tilespmem:v57+s18+$0x0], $0xffff;
	v50 =	vadd.f32 v58, v50;
	v58 =	vmul.f32 v60, v60  }
0x333: {  	v40 =	vadd.f32 v51, v40;
	v53 =	vld.idx.msk [tilespmem:v54+s18+$0x0], $0xffff;
	v54 =	vor.u32 $0xF, v59;
	v52 =	vmul.f32 v56, v30  }
0x334: {  	v32 =	vadd.f32 v63, v32;
	v59 =	vor.u32 v1, v27;
	v60 =	vmul.f32 v61, v30;
	v61 =	vld.idx.msk [tilespmem:v62+s18+$0x0], $0xffff  }
0x335: {  	v63 =	vmul.f32 v51, v51;
	v51 =	vor.u32 $0x1, v59;
	v27 =	vmul.f32 v52, v52  }
0x336: {  	v35 =	vadd.f32 v58, v35;
	v56 =	vor.u32 $0x2, v59;
	v62 =	vmul.f32 v60, v60  }
0x337: {  	v43 =	vadd.f32 v60, v43;
	v60 =	vor.u32 $0x3, v59;
	v50 =	vadd.f32 v27, v50;
	v27 =	vld [tilespmem:s26+$0x600]  }
0x338: {  	v44 =	vadd.f32 v52, v44;
	v52 =	vmul.f32 v55, v30;
	v53 =	vmul.f32 v53, v30;
	v54 =	vld.idx.msk [tilespmem:v54+s18+$0x0], $0xffff  }
0x339: {  	v46 =	vadd.f32 v63, v46;
	v32 =	vadd.f32 v62, v32;
	v58 =	vld.idx.msk [tilespmem:v59+s18+$0x0], $0xffff;
	v57 =	vmul.f32 v61, v30  }
0x33a: {  	v49 =	vadd.f32 v52, v49;
	v51 =	vld.idx.msk [tilespmem:v51+s18+$0x0], $0xffff;
	v61 =	vor.u32 $0x4, v59;
	v55 =	vmul.f32 v53, v53  }
0x33b: {  	v48 =	vadd.f32 v53, v48;
	v53 =	vmul.f32 v52, v52;
	v63 =	vmul.f32 v57, v57  }
0x33c: {  	v45 =	vadd.f32 v57, v45;
	v57 =	vld.idx.msk [tilespmem:v60+s18+$0x0], $0xffff;
	v60 =	vor.u32 $0x7, v59;
	v35 =	vadd.f32 v55, v35  }
0x33d: {  	v46 =	vadd.f32 v53, v46;
	v55 =	vor.u32 $0x5, v59;
	v62 =	vmul.f32 v54, v30  }
0x33e: {  	v54 =	vld.idx.msk [tilespmem:v56+s18+$0x0], $0xffff;
	v50 =	vadd.f32 v63, v50;
	v56 =	vmul.f32 v58, v27;
	v58 =	vor.u32 $0x6, v59  }
0x33f: {  	v51 =	vmul.f32 v51, v27;
	v53 =	vld.idx.msk [tilespmem:v61+s18+$0x0], $0xffff;
	v61 =	vor.u32 $0x8, v59;
	v52 =	vmul.f32 v62, v62  }
0x340: {  	v47 =	vadd.f32 v62, v47;
	v41 =	vadd.f32 v56, v41;
	v62 =	vor.u32 $0xE, v59  }
0x341: {  	v33 =	vadd.f32 v51, v33;
	v32 =	vadd.f32 v52, v32;
	v52 =	vmul.f32 v56, v56  }
0x342: {  	v56 =	vmul.f32 v51, v51;
	v51 =	vor.u32 $0x9, v59;
	v41 =	vmul.f32 v41, v41  }
0x343: {  	v55 =	vld.idx.msk [tilespmem:v55+s18+$0x0], $0xffff;
	v54 =	vmul.f32 v54, v27;
	v33 =	vmul.f32 v33, v33;
	v35 =	vadd.f32 v52, v35  }
0x344: {  	v46 =	vadd.f32 v56, v46;
	v56 =	vmul.f32 v57, v27;
	v53 =	vmul.f32 v53, v27  }
0x345: {  	v57 =	vld.idx.msk [tilespmem:v58+s18+$0x0], $0xffff;
	v58 =	vor.u32 $0xA, v59;
	v63 =	vmul.f32 v54, v54;
	v31 =	vadd.f32 v54, v31  }
0x346: {  	v54 =	vld.idx.msk [tilespmem:v60+s18+$0x0], $0xffff;
	v60 =	vor.u32 $0xB, v59;
	v33 =	vadd.f32 v33, v41;
	v52 =	vmul.f32 v56, v56  }
0x347: {  	v42 =	vadd.f32 v56, v42;
	v56 =	vmul.f32 v53, v53;
	v34 =	vadd.f32 v53, v34  }
0x348: {  	v61 =	vld.idx.msk [tilespmem:v61+s18+$0x0], $0xffff;
	v50 =	vadd.f32 v63, v50;
	v55 =	vmul.f32 v55, v27;
	v31 =	vmul.f32 v31, v31  }
0x349: {  	v32 =	vadd.f32 v52, v32;
	v52 =	vor.u32 $0xC, v59;
	v35 =	vadd.f32 v56, v35  }
0x34a: {  	v51 =	vld.idx.msk [tilespmem:v51+s18+$0x0], $0xffff;
	v56 =	vor.u32 $0xD, v59;
	v42 =	vmul.f32 v42, v42;
	v34 =	vmul.f32 v34, v34  }
0x34b: {  	v59 =	vor.u32 $0xF, v59;
	v53 =	vmul.f32 v55, v55;
	v57 =	vmul.f32 v57, v27  }
0x34c: {  	v36 =	vadd.f32 v55, v36;
	v54 =	vmul.f32 v54, v27;
	v31 =	vadd.f32 v42, v31  }
0x34d: {  	v58 =	vld.idx.msk [tilespmem:v58+s18+$0x0], $0xffff;
	v55 =	vmul.f32 v57, v57;
	v37 =	vadd.f32 v57, v37;
	v57 =	vmul.f32 v61, v27  }
0x34e: {  	v46 =	vadd.f32 v53, v46;
	v53 =	vld.idx.msk [tilespmem:v60+s18+$0x0], $0xffff;
	v36 =	vmul.f32 v36, v36;
	v60 =	vmul.f32 v54, v54  }
0x34f: {  	v51 =	vmul.f32 v51, v27;
	v38 =	vadd.f32 v54, v38;
	v31 =	vadd.f32 v31, v33  }
0x350: {  	v52 =	vld.idx.msk [tilespmem:v52+s18+$0x0], $0xffff;
	v50 =	vadd.f32 v55, v50;
	v55 =	vmul.f32 v57, v57;
	v39 =	vadd.f32 v57, v39  }
0x351: {  	v54 =	vld.idx.msk [tilespmem:v56+s18+$0x0], $0xffff;
	v37 =	vmul.f32 v37, v37;
	v34 =	vadd.f32 v36, v34;
	v32 =	vadd.f32 v60, v32  }
0x352: {  	v56 =	vmul.f32 v51, v51;
	v60 =	vld.idx.msk [tilespmem:v62+s18+$0x0], $0xffff;
	v61 =	vmul.f32 v58, v27;
	v40 =	vadd.f32 v51, v40  }
0x353: {  	v51 =	vld.idx.msk [tilespmem:v59+s18+$0x0], $0xffff;
	v38 =	vmul.f32 v38, v38;
	v35 =	vadd.f32 v55, v35;
	v53 =	vmul.f32 v53, v27  }
0x354: {  	v39 =	vmul.f32 v39, v39;
	v46 =	vadd.f32 v56, v46;
	v62 =	vmul.f32 v61, v61  }
0x355: {  	v44 =	vadd.f32 v61, v44;
	v40 =	vmul.f32 v40, v40;
	v63 =	vmul.f32 v53, v53  }
0x356: {  	v37 =	vadd.f32 v38, v37;
	v52 =	vmul.f32 v52, v27;
	v54 =	vmul.f32 v54, v27  }
0x357: {  	v50 =	vadd.f32 v62, v50;
	v43 =	vadd.f32 v53, v43;
	v44 =	vmul.f32 v44, v44  }
0x358: {  	v34 =	vadd.f32 v37, v34;
	v61 =	vmul.f32 v60, v27;
	v51 =	vmul.f32 v51, v27  }
0x359: {  	v32 =	vadd.f32 v63, v32;
	v62 =	vmul.f32 v52, v52;
	v63 =	vmul.f32 v54, v54  }
0x35a: {  	v48 =	vadd.f32 v52, v48;
	v49 =	vadd.f32 v54, v49;
	v43 =	vmul.f32 v43, v43  }
0x35b: {  	v60 =	vmul.f32 v61, v61;
	v45 =	vadd.f32 v61, v45;
	v47 =	vadd.f32 v51, v47  }
0x35c: {  	v35 =	vadd.f32 v62, v35;
	v48 =	vmul.f32 v48, v48;
	v49 =	vmul.f32 v49, v49  }
0x35d: {  	v46 =	vadd.f32 v63, v46;
	v61 =	vmul.f32 v45, v45;
	v63 =	vmul.f32 v47, v47  }
0x35e: {  	v62 =	vld [tilespmem:s25+$0x500];
	v45 =	vadd.f32 v40, v39;
	v47 =	vadd.f32 v43, v44  }
0x35f: {  	v52 =	vadd.f32 v49, v48;
	v41 =	vadd.f32 v63, v61  }
0x360: {  	v53 =	vld [tilespmem:s25+$0x580];
	v54 =	vmul.f32 v51, v51;
	v50 =	vadd.f32 v60, v50;
	v35 =	vadd.f32 v46, v35  }
0x361: {  	v55 =	vadd.f32 v47, v45;
	v56 =	vadd.f32 v41, v52  }
0x362: {  	v57 =	vld [tilespmem:s25+$0x600];
	v32 =	vadd.f32 v54, v32;
	v35 =	vadd.f32 v50, v35  }
0x363: {  	v31 =	vadd.f32 v34, v31;
	v29 =	vmul.f32 v62, v29;
	v58 =	vadd.f32 v56, v55  }
0x364: {  	v61 =	vadd.f32 v32, v35  }
0x365: {  	v59 =	vmul.f32 v53, v30;
	v28 =	vadd.f32 v29, v28;
	v60 =	vadd.f32 v58, v31;
	_ =	sdelay $0x1  }
0x366: {  	v27 =	vmul.f32 v57, v27;
	v28 =	vadd.f32 v59, v28;
	v62 =	vsub.f32 v60, v61;
	_ =	sdelay $0x1  }
0x367: {  	v27 =	vadd.f32 v27, v28;
	v63 =	vmul.f32 $5.000000000e-01, v62;
	_ =	sdelay $0x1  }
0x368: {  	v27 =	vadd.f32 v63, v27;
	_ =	sdelay $0x1  }
0x369: {  	v27 =	vadd.f32 v27, v26;
	_ =	sdelay $0x1  }
0x36a: {  	v27 =	vsub.f32 $0.0e+00, v27;
	_ =	sdelay $0x1  }
0x36b: {  	v27 =	vmul.f32 $1.442695020e+00, v27;
	_ =	sdelay $0x1  }
0x36c: {  	(erf) = vpow2.f32 v27;
	_ =	sdelay $0x8  }
0x36d: {  	v27 =	vpop (erf)  }
0x36e: {  	v27 =	vadd.f32 $1.000000000e+00, v27;
	_ =	sdelay $0x1  }
0x36f: {  	(erf) = vrcp.f32 v27;
	_ =	sdelay $0x4  }
0x370: {  	p0 =	sne.s32 s23, $0x70  }
.Ltmp2:
0x371: {  	_ = 	snop;
	(pc) =	sbr.rel @p0 .LBB2_7-.Ltmp2, $3  }
0x372: {  	_ =	sdelay $0x1  }
0x373: {  	s23 =	sadd.s32 $0x10, s23;
	v27 =	vpop (erf)  }
0x374: {  	s26 =	sadd.s32 $0x10, s26;
	s25 =	sadd.s32 $0x10, s25;
	[tilespmem:s24+$0x0] =	vst v27;
	s24 =	sadd.s32 $0x10, s24  }
0x375: {  	s21 =	sadd.s32 $0x1, s21  }
0x376: {  	p0 =	sne.s32 s21, $0x4  }
.Ltmp3:
0x377: {  	s22 =	sadd.s32 s3, s22;
	(pc) =	sbr.rel @p0 .LBB2_2-.Ltmp3, $4  }
0x378: {  	[hbm4b:s22+s4] =	stream.linear.scatter [tilespmem:s19], [sflag:$0x3], $0x80, $0x38;
	[tilespmem:$0x10490] =	vst v63  }
0x379: {  	_ =	swait.ge [sflag:s12], $0x80  }
0x37a: {  	[sflag:s12] =	ssyncset.done $0x0  }
0x37b: {  	[sflag:s12] =	ssyncadd.s32 $0xFFFFFF80  }
0x37c: {  	s20 =	sadd.s32 $0x1, s20  }
0x37d: {  	p0 =	sne.s32 s20, s10  }
.Ltmp4:
0x37e: {  	_ = 	snop;
	(pc) =	sbr.rel @p0 .LBB2_1-.Ltmp4, $1  }
0x37f: {  	_ =	sdelay $0x3  }
0x380: {  	_ =	sfence.sel $0x180000  }
0x381: {  	[bflag:$0x0] =	sbarrier.arrive $0xFFFF  }
0x382: {  	p0 =	sne.s32 s7, $0x0;
	_ =	strace $0x90000047  }
0x383: {  	s0 =	sadd.s32 @!p0 $0x100000, s0;
	[bflag:$0x2] =	sbarrier.arrive $0xFFFF  }
0x384: {  	[sflag:s0] =	ssyncadd.tile.s32 @!p0 $0x1;
	_ =	shalt  }
.Lfunc_end2:
_tile_overlayer_lowered:
.L_overlay_start_2:
0x385: {  	(tag) =	ssettag $0x2  }
0x386: {  	s0 =	rddreg [dreg:$0x0];
	s2 =	stileid.u32  }
0x387: {  	s1 =	rddreg [dreg:$0x1];
	p0 =	sne.s32 s2, $0x0  }
0x388: {  	s3 =	rddreg [dreg:$0x2];
	[bflag:$0x3] =	sbarrier.arrive $0xFFFF;
	s2 =	simm.s32 @!p0 $0x1C03  }
0x389: {  	[timem:s3], [sflag:s2] =	dma.local @!p0 [hbm:s0], s1  }
0x38a: {  	s0 =	simm.s32 @!p0 $0x3  }
0x38b: {  	_ =	swait.ge @!p0 [sflag:s0], s1  }
0x38c: {  	s1 =	ssub.s32 @!p0 $0x0, s1;
	[sflag:s0] =	ssyncset.done @!p0 $0x0  }
0x38d: {  	[sflag:s0] =	ssyncadd.s32 @!p0 s1  }
0x38e: {  	[bflag:$0x3] =	sbarrier.arrive $0xFFFF  }
0x38f: {  	_ =	shalt  }

</sc_bundles>
